<compile_context>
chip_gen: v7x
topology: tpu7x:2x2x1
jax: 0.10.2.dev20260603
libtpu: 0.0.44.dev20260713+nightly
codegen_flags: <defaults>
</compile_context>

<pallas_src>
import functools

import jax
import jax.numpy as jnp
from jax import lax
from jax.experimental import pallas as pl
from jax.experimental.pallas import tpu as pltpu
from jax.experimental.pallas import tpu_sc as plsc

_N_TILES = 16
_CHUNK = 128
_GROUP = 32
_NBUF = 2


def _sc_segment_sum(table, src, dst, n_pad, width):
    n_edges = src.shape[0]
    total_chunks = n_edges // _CHUNK
    assert n_edges % _CHUNK == 0
    chunks_lo = total_chunks // _N_TILES
    extra = total_chunks % _N_TILES
    first_hi = _N_TILES - extra
    rows_per_tile = n_pad // _N_TILES
    n_zcopies = rows_per_tile // _CHUNK
    assert rows_per_tile % _CHUNK == 0 and width % 16 == 0

    mesh = plsc.VectorSubcoreMesh(core_axis_name="c", subcore_axis_name="s")

    @functools.partial(
        pl.kernel,
        mesh=mesh,
        compiler_params=pltpu.CompilerParams(use_tc_tiling_on_sc=False),
        out_type=jax.ShapeDtypeStruct((2 * n_pad, width), jnp.float32),
        scratch_types=(
            [pltpu.VMEM((_GROUP * _CHUNK,), jnp.int32)] * 2
            + [pltpu.VMEM((_CHUNK,), jnp.int32)] * (2 * _NBUF)
            + [pltpu.VMEM((_CHUNK, width), jnp.float32)] * _NBUF
            + [pltpu.VMEM_SHARED((n_pad, width), jnp.float32)]
            + [pltpu.SemaphoreType.DMA] * (2 * _NBUF)
        ),
    )
    def k(table_h, src_h, dst_h, out_h, srcg, dstg, *bufs):
        gidx = bufs[0:_NBUF]
        didx = bufs[_NBUF:2 * _NBUF]
        rows = bufs[2 * _NBUF:3 * _NBUF]
        acc = bufs[3 * _NBUF]
        gsems = bufs[3 * _NBUF + 1:3 * _NBUF + 1 + _NBUF]
        ssems = bufs[3 * _NBUF + 1 + _NBUF:]
        c = lax.axis_index("c")
        s = lax.axis_index("s")
        rows0 = rows[0]

        def zrow(i, carry):
            for j in range(width // 16):
                rows0[i, pl.ds(j * 16, 16)] = jnp.zeros((16,), jnp.float32)
            return carry

        lax.fori_loop(0, _CHUNK, zrow, None)
        row0 = s * rows_per_tile

        def zcopy(i, carry):
            pltpu.sync_copy(rows0, acc.at[pl.ds(row0 + i * _CHUNK, _CHUNK)])
            return carry

        lax.fori_loop(0, n_zcopies, zcopy, None)

        is_hi = s >= first_hi
        nch = jnp.where(is_hi, chunks_lo + (1 if extra else 0), chunks_lo)
        base_chunk = s * chunks_lo + jnp.maximum(s - first_hi, 0)
        ebase = base_chunk * _CHUNK

        clamp_at = n_edges - _GROUP * _CHUNK

        def refill(chunk_i):
            off = jnp.minimum(ebase + chunk_i * _CHUNK, clamp_at)
            pltpu.sync_copy(src_h.at[pl.ds(off, _GROUP * _CHUNK)], srcg)
            pltpu.sync_copy(dst_h.at[pl.ds(off, _GROUP * _CHUNK)], dstg)

        def build_idx(chunk_i, local_i, b):
            gstart = ebase + (chunk_i - local_i) * _CHUNK
            delta = gstart - jnp.minimum(gstart, clamp_at)
            off = local_i * _CHUNK + delta
            for j in range(_CHUNK // 16):
                v = srcg[pl.ds(off + j * 16, 16)]
                gidx[b][pl.ds(j * 16, 16)] = v * 2 + c
                didx[b][pl.ds(j * 16, 16)] = dstg[pl.ds(off + j * 16, 16)]

        refill(0)
        plsc.subcore_barrier()

        build_idx(0, 0, 0)
        pltpu.async_copy(table_h.at[gidx[0]], rows[0], gsems[0])

        def chunk(i, carry):
            par = lax.rem(i, 2)
            nxt = i + 1
            nxt_loc = lax.rem(nxt, _GROUP)

            @pl.when((nxt_loc == 0) & (nxt < nch))
            def _():
                refill(nxt)

            for b in (0, 1):
                @pl.when((par == b) & (nxt < nch))
                def _(b=b):
                    @pl.when(i >= 1)
                    def _():
                        pltpu.make_async_copy(rows[1 - b],
                                              acc.at[didx[1 - b]],
                                              ssems[1 - b]).wait()

                    build_idx(nxt, nxt_loc, 1 - b)
                    pltpu.async_copy(table_h.at[gidx[1 - b]], rows[1 - b],
                                     gsems[1 - b])
            for b in (0, 1):
                @pl.when(par == b)
                def _(b=b):
                    pltpu.make_async_copy(table_h.at[gidx[b]], rows[b],
                                          gsems[b]).wait()
                    pltpu.async_copy(rows[b], acc.at[didx[b]], ssems[b],
                                     add=True)
            return carry

        lax.fori_loop(0, nch, chunk, None)
        for b in (0, 1):
            pltpu.make_async_copy(rows[b], acc.at[didx[b]], ssems[b]).wait()
        plsc.subcore_barrier()

        pltpu.sync_copy(
            acc.at[pl.ds(row0, rows_per_tile)],
            out_h.at[pl.ds(c * n_pad + row0, rows_per_tile)],
        )

    return k(table, src, dst)


def _tc_layer(s, s1, h, wla, wlb, wr, bl, n, deg_col, with_stats):
    n_pad2, wh = s.shape
    n_pad = n_pad2 // 2
    dh = h.shape[1]
    do = wla.shape[1]
    br = 1024
    nb = n_pad // br
    grid = (nb,)

    def body(sa_ref, sb_ref, deg_ref, h_ref, wla_ref, wlb_ref, wr_ref, bl_ref,
             *outs):
        invd = 1.0 / jnp.maximum(deg_ref[:, deg_col:deg_col + 1], 1.0)
        z = (
            jnp.dot(sa_ref[...] * invd, wla_ref[...],
                    preferred_element_type=jnp.float32)
            + jnp.dot(sb_ref[...] * invd, wlb_ref[...],
                      preferred_element_type=jnp.float32)
            + jnp.dot(h_ref[...], wr_ref[...],
                      preferred_element_type=jnp.float32)
            + bl_ref[...]
        )
        row = pl.program_id(0) * br + lax.broadcasted_iota(jnp.int32, (br, 1), 0)
        z = jnp.where(row < n, z, 0.0)
        outs[0][...] = z
        if with_stats:
            @pl.when(pl.program_id(0) == 0)
            def _():
                outs[1][...] = jnp.zeros_like(outs[1])
                outs[2][...] = jnp.zeros_like(outs[2])

            outs[1][...] += jnp.sum(z, axis=0, keepdims=True)
            outs[2][...] += jnp.sum(z * z, axis=0, keepdims=True)

    out_shape = [jax.ShapeDtypeStruct((n_pad, do), jnp.float32)]
    out_specs = [pl.BlockSpec((br, do), lambda i: (i, 0))]
    if with_stats:
        out_shape += [jax.ShapeDtypeStruct((1, do), jnp.float32)] * 2
        out_specs += [pl.BlockSpec((1, do), lambda i: (0, 0))] * 2

    return pl.pallas_call(
        body,
        grid=grid,
        in_specs=[
            pl.BlockSpec((br, wh), lambda i: (i, 0)),
            pl.BlockSpec((br, wh), lambda i: (i + nb, 0)),
            pl.BlockSpec((br, s1.shape[1]), lambda i: (i, 0)),
            pl.BlockSpec((br, dh), lambda i: (i, 0)),
            pl.BlockSpec((wh, do), lambda i: (0, 0)),
            pl.BlockSpec((wh, do), lambda i: (0, 0)),
            pl.BlockSpec((dh, do), lambda i: (0, 0)),
            pl.BlockSpec((1, do), lambda i: (0, 0)),
        ],
        out_specs=out_specs,
        out_shape=out_shape,
    )(s, s, s1, h, wla, wlb, wr, bl)


def _tc_bn_relu(z, ssum, ssq, g, b, n):
    n_pad, do = z.shape
    br = 1024

    def body(z_ref, sum_ref, ssq_ref, g_ref, b_ref, y_ref):
        mu = sum_ref[...] / n
        var = ssq_ref[...] / n - mu * mu
        y = (z_ref[...] - mu) * lax.rsqrt(var + 1e-5) * g_ref[...] + b_ref[...]
        y_ref[...] = jnp.maximum(y, 0.0)

    return pl.pallas_call(
        body,
        grid=(n_pad // br,),
        in_specs=[
            pl.BlockSpec((br, do), lambda i: (i, 0)),
            pl.BlockSpec((1, do), lambda i: (0, 0)),
            pl.BlockSpec((1, do), lambda i: (0, 0)),
            pl.BlockSpec((1, do), lambda i: (0, 0)),
            pl.BlockSpec((1, do), lambda i: (0, 0)),
        ],
        out_specs=pl.BlockSpec((br, do), lambda i: (i, 0)),
        out_shape=jax.ShapeDtypeStruct((n_pad, do), jnp.float32),
    )(z, ssum, ssq, g, b)


def kernel(x, edge_index, Wl1, bl1, Wr1, Wl2, bl2, Wr2, Wl3, bl3, Wr3,
           g1, b1, g2, b2):
    n, d_in = x.shape
    n_pad = ((n + _N_TILES * _CHUNK - 1) // (_N_TILES * _CHUNK)) * _N_TILES * _CHUNK
    src = edge_index[0]
    dst = edge_index[1]
    hw = d_in // 2

    xp = jnp.pad(x, ((0, n_pad - n), (0, 0)))

    xh = xp.reshape(2 * n_pad, hw)
    ones_col = (jnp.arange(2 * n_pad).reshape(-1, 1) < 2 * n).astype(jnp.float32)
    table1 = jnp.concatenate(
        [xh, ones_col, jnp.zeros((2 * n_pad, 15), jnp.float32)], axis=1)
    s1 = _sc_segment_sum(table1, src, dst, n_pad, hw + 16)

    wla1 = jnp.pad(Wl1[:hw], ((0, 16), (0, 0)))
    wlb1 = jnp.pad(Wl1[hw:], ((0, 16), (0, 0)))
    z1, sum1, ssq1 = _tc_layer(s1, s1, xp, wla1, wlb1, Wr1,
                               bl1.reshape(1, -1), n, hw, with_stats=True)
    h1 = _tc_bn_relu(z1, sum1, ssq1, g1.reshape(1, -1), b1.reshape(1, -1), n)

    d_hid = h1.shape[1]
    hh = d_hid // 2
    s2 = _sc_segment_sum(h1.reshape(2 * n_pad, hh), src, dst, n_pad, hh)
    z2, sum2, ssq2 = _tc_layer(s2, s1, h1, Wl2[:hh], Wl2[hh:], Wr2,
                               bl2.reshape(1, -1), n, hw, with_stats=True)
    h2 = _tc_bn_relu(z2, sum2, ssq2, g2.reshape(1, -1), b2.reshape(1, -1), n)

    s3 = _sc_segment_sum(h2.reshape(2 * n_pad, hh), src, dst, n_pad, hh)
    (z3,) = _tc_layer(s3, s1, h2, Wl3[:hh], Wl3[hh:], Wr3,
                      bl3.reshape(1, -1), n, hw, with_stats=False)
    return z3[:n]

# --- scband reference (transcript-rebuilt; emitter-appended) ---
"""Pipeline reference for scband-graph-sageattack-predictor-64570538328559 (READ-ONLY COPY).

The authoritative reference and input builder live on the scoring server;
editing this copy changes nothing except your own understanding.
"""

import jax, jax.numpy as jnp
import numpy as np

N = 10000
E = 320000
D_IN = 128
D_HID = 256
D_OUT = 64


def _lin(k, fi, fo):
    return jax.random.normal(k, (fi, fo), dtype=jnp.float32) * (1.0 / np.sqrt(fi))


def setup_inputs(seed: int = 0) -> dict:
    key = jax.random.key(seed)
    ks = jax.random.split(key, 20)
    x = jax.random.normal(ks[0], (N, D_IN), dtype=jnp.float32)
    edge_index = jax.random.randint(ks[1], (2, E), 0, N, dtype=jnp.int32)
    inp = {
        'x': x,
        'edge_index': edge_index,
        'Wl1': _lin(ks[2], D_IN, D_HID),  'bl1': jnp.zeros((D_HID,), jnp.float32), 'Wr1': _lin(ks[3], D_IN, D_HID),
        'Wl2': _lin(ks[4], D_HID, D_HID), 'bl2': jnp.zeros((D_HID,), jnp.float32), 'Wr2': _lin(ks[5], D_HID, D_HID),
        'Wl3': _lin(ks[6], D_HID, D_OUT), 'bl3': jnp.zeros((D_OUT,), jnp.float32), 'Wr3': _lin(ks[7], D_HID, D_OUT),
        'g1': jnp.ones((D_HID,), jnp.float32), 'b1': jnp.zeros((D_HID,), jnp.float32),
        'g2': jnp.ones((D_HID,), jnp.float32), 'b2': jnp.zeros((D_HID,), jnp.float32),
    }
    return inp


def reference(x, edge_index, Wl1, bl1, Wr1, Wl2, bl2, Wr2, Wl3, bl3, Wr3, g1, b1, g2, b2):
    src = edge_index[0]
    dst = edge_index[1]

    def sage_conv(h, Wl, bl, Wr):
        # mean aggregation of source-node messages onto destination nodes (PyG SAGEConv, aggr='mean')
        msgs = jnp.take(h, src, axis=0)
        summed = jax.ops.segment_sum(msgs, dst, num_segments=N)
        deg = jax.ops.segment_sum(jnp.ones((E,), h.dtype), dst, num_segments=N)
        aggr = summed / jnp.maximum(deg, 1.0)[:, None]
        return aggr @ Wl + bl + h @ Wr

    def batch_norm(h, g, b):
        mu = h.mean(axis=0)
        var = h.var(axis=0)
        return (h - mu) * jax.lax.rsqrt(var + 1e-5) * g + b

    h = sage_conv(x, Wl1, bl1, Wr1)
    h = jax.nn.relu(batch_norm(h, g1, b1))
    h = sage_conv(h, Wl2, bl2, Wr2)
    h = jax.nn.relu(batch_norm(h, g2, b2))
    h = sage_conv(h, Wl3, bl3, Wr3)
    return h

if __name__ == "__main__":
    import jax
    _d = setup_inputs()
    print(jax.jit(kernel)(*tuple(_d.values())))

</pallas_src>

<mosaic_0001>
#map = affine_map<(d0, d1) -> (0, 0)>
#map1 = affine_map<(d0, d1) -> (0)>
module attributes {stable_mosaic.version = 14 : i64} {
  func.func @k(%arg0: i32, %arg1: i32, %arg2: memref<20480x80xf32, #tpu.memory_space<hbm>>, %arg3: memref<320000xi32, #tpu.memory_space<hbm>>, %arg4: memref<320000xi32, #tpu.memory_space<hbm>>, %arg5: memref<20480x80xf32, #tpu.memory_space<hbm>>, %arg6: memref<4096xi32, #tpu.memory_space<vmem>>, %arg7: memref<4096xi32, #tpu.memory_space<vmem>>, %arg8: memref<128xi32, #tpu.memory_space<vmem>>, %arg9: memref<128xi32, #tpu.memory_space<vmem>>, %arg10: memref<128xi32, #tpu.memory_space<vmem>>, %arg11: memref<128xi32, #tpu.memory_space<vmem>>, %arg12: memref<128x80xf32, #tpu.memory_space<vmem>>, %arg13: memref<128x80xf32, #tpu.memory_space<vmem>>, %arg14: memref<10240x80xf32, #tpu.memory_space<vmem_shared>>, %arg15: memref<!tpu.dma_semaphore, #tpu.memory_space<semaphore_mem>>, %arg16: memref<!tpu.dma_semaphore, #tpu.memory_space<semaphore_mem>>, %arg17: memref<!tpu.dma_semaphore, #tpu.memory_space<semaphore_mem>>, %arg18: memref<!tpu.dma_semaphore, #tpu.memory_space<semaphore_mem>>) attributes {dimension_semantics = [#tpu.dimension_semantics<core_parallel>, #tpu.dimension_semantics<subcore_parallel>], iteration_bounds = array<i64: 2, 16>, scalar_prefetch = 0 : i64, scratch_operands = 13 : i64, tpu.core_type = #tpu.core_type<sc_vector_subcore>, window_params = [{transform_indices = #map}, {transform_indices = #map1}, {transform_indices = #map1}, {transform_indices = #map}]} {
    %scan3A = arith.constant 0 : i32
    %scan3A_0 = arith.constant 128 : i32
    %scan3A_1 = arith.addi %scan3A, %scan3A_0 : i32
    %scan3A_2 = arith.constant 1 : i32
    scf.for %scan3A_229 = %scan3A to %scan3A_1 step %scan3A_2  : i32 {
      %broadcast_in_dim3A = arith.constant 0.000000e+00 : f32
      %broadcast_in_dim3A_230 = vector.broadcast %broadcast_in_dim3A : f32 to vector<16xf32>
      %swap3A_231 = arith.index_cast %scan3A_229 : i32 to index
      %swap3A_232 = arith.constant 0 : index
      %swap3A_233 = tpu.vector_load %arg12[%swap3A_231, %swap3A_232] {strides = array<i32>} : memref<128x80xf32, #tpu.memory_space<vmem>>, vector<1x16xf32>,
      %swap3A_234 = vector.shape_cast %swap3A_233 : vector<1x16xf32> to vector<16xf32>
      %swap3A_235 = vector.shape_cast %broadcast_in_dim3A_230 : vector<16xf32> to vector<1x16xf32>
      tpu.vector_store %arg12[%swap3A_231, %swap3A_232], %swap3A_235 {strides = array<i32>} : memref<128x80xf32, #tpu.memory_space<vmem>>, vector<1x16xf32>,
      %broadcast_in_dim3A_236 = arith.constant 0.000000e+00 : f32
      %broadcast_in_dim3A_237 = vector.broadcast %broadcast_in_dim3A_236 : f32 to vector<16xf32>
      %swap3A_238 = arith.index_cast %scan3A_229 : i32 to index
      %swap3A_239 = arith.constant 16 : index
      %swap3A_240 = tpu.vector_load %arg12[%swap3A_238, %swap3A_239] {strides = array<i32>} : memref<128x80xf32, #tpu.memory_space<vmem>>, vector<1x16xf32>,
      %swap3A_241 = vector.shape_cast %swap3A_240 : vector<1x16xf32> to vector<16xf32>
      %swap3A_242 = vector.shape_cast %broadcast_in_dim3A_237 : vector<16xf32> to vector<1x16xf32>
      tpu.vector_store %arg12[%swap3A_238, %swap3A_239], %swap3A_242 {strides = array<i32>} : memref<128x80xf32, #tpu.memory_space<vmem>>, vector<1x16xf32>,
      %broadcast_in_dim3A_243 = arith.constant 0.000000e+00 : f32
      %broadcast_in_dim3A_244 = vector.broadcast %broadcast_in_dim3A_243 : f32 to vector<16xf32>
      %swap3A_245 = arith.index_cast %scan3A_229 : i32 to index
      %swap3A_246 = arith.constant 32 : index
      %swap3A_247 = tpu.vector_load %arg12[%swap3A_245, %swap3A_246] {strides = array<i32>} : memref<128x80xf32, #tpu.memory_space<vmem>>, vector<1x16xf32>,
      %swap3A_248 = vector.shape_cast %swap3A_247 : vector<1x16xf32> to vector<16xf32>
      %swap3A_249 = vector.shape_cast %broadcast_in_dim3A_244 : vector<16xf32> to vector<1x16xf32>
      tpu.vector_store %arg12[%swap3A_245, %swap3A_246], %swap3A_249 {strides = array<i32>} : memref<128x80xf32, #tpu.memory_space<vmem>>, vector<1x16xf32>,
      %broadcast_in_dim3A_250 = arith.constant 0.000000e+00 : f32
      %broadcast_in_dim3A_251 = vector.broadcast %broadcast_in_dim3A_250 : f32 to vector<16xf32>
      %swap3A_252 = arith.index_cast %scan3A_229 : i32 to index
      %swap3A_253 = arith.constant 48 : index
      %swap3A_254 = tpu.vector_load %arg12[%swap3A_252, %swap3A_253] {strides = array<i32>} : memref<128x80xf32, #tpu.memory_space<vmem>>, vector<1x16xf32>,
      %swap3A_255 = vector.shape_cast %swap3A_254 : vector<1x16xf32> to vector<16xf32>
      %swap3A_256 = vector.shape_cast %broadcast_in_dim3A_251 : vector<16xf32> to vector<1x16xf32>
      tpu.vector_store %arg12[%swap3A_252, %swap3A_253], %swap3A_256 {strides = array<i32>} : memref<128x80xf32, #tpu.memory_space<vmem>>, vector<1x16xf32>,
      %broadcast_in_dim3A_257 = arith.constant 0.000000e+00 : f32
      %broadcast_in_dim3A_258 = vector.broadcast %broadcast_in_dim3A_257 : f32 to vector<16xf32>
      %swap3A_259 = arith.index_cast %scan3A_229 : i32 to index
      %swap3A_260 = arith.constant 64 : index
      %swap3A_261 = tpu.vector_load %arg12[%swap3A_259, %swap3A_260] {strides = array<i32>} : memref<128x80xf32, #tpu.memory_space<vmem>>, vector<1x16xf32>,
      %swap3A_262 = vector.shape_cast %swap3A_261 : vector<1x16xf32> to vector<16xf32>
      %swap3A_263 = vector.shape_cast %broadcast_in_dim3A_258 : vector<16xf32> to vector<1x16xf32>
      tpu.vector_store %arg12[%swap3A_259, %swap3A_260], %swap3A_263 {strides = array<i32>} : memref<128x80xf32, #tpu.memory_space<vmem>>, vector<1x16xf32>,
    }
    %scan3A_3 = arith.constant 128 : i32
    %mul3A = arith.constant 640 : i32
    %mul3A_4 = arith.muli %arg1, %mul3A : i32
    %scan3A_5 = arith.constant 0 : i32
    %scan3A_6 = arith.constant 5 : i32
    %scan3A_7 = arith.addi %scan3A_5, %scan3A_6 : i32
    %scan3A_8 = arith.constant 1 : i32
    scf.for %scan3A_229 = %scan3A_5 to %scan3A_7 step %scan3A_8  : i32 {
      %mul3A_230 = arith.constant 128 : i32
      %mul3A_231 = arith.muli %scan3A_229, %mul3A_230 : i32
      %add3A_232 = arith.addi %mul3A_4, %mul3A_231 : i32
      "tpu.region"() ({
        %run_scoped3A = tpu.sem_alloc : memref<!tpu.dma_semaphore, #tpu.memory_space<semaphore_mem>>
        %dma_start3A_233 = arith.constant 0 : i32
        %dma_start3A_234 = tpu.memref_slice %arg14[%add3A_232, %dma_start3A_233] : memref<10240x80xf32, #tpu.memory_space<vmem_shared>> -> memref<128x80xf32, #tpu.memory_space<vmem_shared>>
        %dma_start3A_235 = arith.constant 0 : i32
        %dma_start3A_236 = tpu.memref_slice %arg14[%add3A_232, %dma_start3A_235] : memref<10240x80xf32, #tpu.memory_space<vmem_shared>> -> memref<128x80xf32, #tpu.memory_space<vmem_shared>>
        tpu.enqueue_dma source(%arg12 : memref<128x80xf32, #tpu.memory_space<vmem>>) target(%dma_start3A_236 : memref<128x80xf32, #tpu.memory_space<vmem_shared>>) target_semaphore(%run_scoped3A : memref<!tpu.dma_semaphore, #tpu.memory_space<semaphore_mem>>)
        %dma_wait3A_237 = arith.constant 0 : i32
        %dma_wait3A_238 = tpu.memref_slice %arg14[%add3A_232, %dma_wait3A_237] : memref<10240x80xf32, #tpu.memory_space<vmem_shared>> -> memref<128x80xf32, #tpu.memory_space<vmem_shared>>
        %dma_wait3A_239 = arith.constant 0 : i32
        %dma_wait3A_240 = tpu.memref_slice %arg14[%add3A_232, %dma_wait3A_239] : memref<10240x80xf32, #tpu.memory_space<vmem_shared>> -> memref<128x80xf32, #tpu.memory_space<vmem_shared>>
        tpu.wait_dma2 semaphore(%run_scoped3A : memref<!tpu.dma_semaphore, #tpu.memory_space<semaphore_mem>>) src(%arg12 : memref<128x80xf32, #tpu.memory_space<vmem>>) dst(%dma_wait3A_240 : memref<128x80xf32, #tpu.memory_space<vmem_shared>>)
        tpu.yield
      }) : () -> ()
    }
    %scan3A_9 = arith.constant 5 : i32
    %ge3A = arith.constant 12 : i32
    %ge3A_10 = arith.cmpi sge, %arg1, %ge3A : i32
    %jit3A = arith.constant 157 : i32
    %jit3A_11 = arith.constant 156 : i32
    %select_n3A = arith.select %ge3A_10, %jit3A, %jit3A_11 : i32
    %mul3A_12 = arith.constant 156 : i32
    %mul3A_13 = arith.muli %arg1, %mul3A_12 : i32
    %sub3A = arith.constant 12 : i32
    %sub3A_14 = arith.subi %arg1, %sub3A : i32
    %max3A = arith.constant 0 : i32
    %max3A_15 = arith.maxsi %sub3A_14, %max3A : i32
    %add3A = arith.addi %mul3A_13, %max3A_15 : i32
    %mul3A_16 = arith.constant 128 : i32
    %mul3A_17 = arith.muli %add3A, %mul3A_16 : i32
    %add3A_18 = arith.constant 0 : i32
    %add3A_19 = arith.addi %mul3A_17, %add3A_18 : i32
    %min3A = arith.constant 315904 : i32
    %min3A_20 = arith.minsi %add3A_19, %min3A : i32
    "tpu.region"() ({
      %run_scoped3A = tpu.sem_alloc : memref<!tpu.dma_semaphore, #tpu.memory_space<semaphore_mem>>
      %dma_start3A_229 = tpu.memref_slice %arg3[%min3A_20] : memref<320000xi32, #tpu.memory_space<hbm>> -> memref<4096xi32, #tpu.memory_space<hbm>>
      %dma_start3A_230 = tpu.memref_slice %arg3[%min3A_20] : memref<320000xi32, #tpu.memory_space<hbm>> -> memref<4096xi32, #tpu.memory_space<hbm>>
      tpu.enqueue_dma source(%dma_start3A_230 : memref<4096xi32, #tpu.memory_space<hbm>>) target(%arg6 : memref<4096xi32, #tpu.memory_space<vmem>>) target_semaphore(%run_scoped3A : memref<!tpu.dma_semaphore, #tpu.memory_space<semaphore_mem>>)
      %dma_wait3A_231 = tpu.memref_slice %arg3[%min3A_20] : memref<320000xi32, #tpu.memory_space<hbm>> -> memref<4096xi32, #tpu.memory_space<hbm>>
      %dma_wait3A_232 = tpu.memref_slice %arg3[%min3A_20] : memref<320000xi32, #tpu.memory_space<hbm>> -> memref<4096xi32, #tpu.memory_space<hbm>>
      tpu.wait_dma2 semaphore(%run_scoped3A : memref<!tpu.dma_semaphore, #tpu.memory_space<semaphore_mem>>) src(%dma_wait3A_232 : memref<4096xi32, #tpu.memory_space<hbm>>) dst(%arg6 : memref<4096xi32, #tpu.memory_space<vmem>>)
      tpu.yield
    }) : () -> ()
    "tpu.region"() ({
      %run_scoped3A = tpu.sem_alloc : memref<!tpu.dma_semaphore, #tpu.memory_space<semaphore_mem>>
      %dma_start3A_229 = tpu.memref_slice %arg4[%min3A_20] : memref<320000xi32, #tpu.memory_space<hbm>> -> memref<4096xi32, #tpu.memory_space<hbm>>
      %dma_start3A_230 = tpu.memref_slice %arg4[%min3A_20] : memref<320000xi32, #tpu.memory_space<hbm>> -> memref<4096xi32, #tpu.memory_space<hbm>>
      tpu.enqueue_dma source(%dma_start3A_230 : memref<4096xi32, #tpu.memory_space<hbm>>) target(%arg7 : memref<4096xi32, #tpu.memory_space<vmem>>) target_semaphore(%run_scoped3A : memref<!tpu.dma_semaphore, #tpu.memory_space<semaphore_mem>>)
      %dma_wait3A_231 = tpu.memref_slice %arg4[%min3A_20] : memref<320000xi32, #tpu.memory_space<hbm>> -> memref<4096xi32, #tpu.memory_space<hbm>>
      %dma_wait3A_232 = tpu.memref_slice %arg4[%min3A_20] : memref<320000xi32, #tpu.memory_space<hbm>> -> memref<4096xi32, #tpu.memory_space<hbm>>
      tpu.wait_dma2 semaphore(%run_scoped3A : memref<!tpu.dma_semaphore, #tpu.memory_space<semaphore_mem>>) src(%dma_wait3A_232 : memref<4096xi32, #tpu.memory_space<hbm>>) dst(%arg7 : memref<4096xi32, #tpu.memory_space<vmem>>)
      tpu.yield
    }) : () -> ()
    %barrier3A = arith.constant 0 : index
    tpu.barrier barrier_id(%barrier3A)
    %add3A_21 = arith.constant 0 : i32
    %add3A_22 = arith.addi %mul3A_17, %add3A_21 : i32
    %min3A_23 = arith.constant 315904 : i32
    %min3A_24 = arith.minsi %add3A_22, %min3A_23 : i32
    %sub3A_25 = arith.subi %add3A_22, %min3A_24 : i32
    %add3A_26 = arith.constant 0 : i32
    %add3A_27 = arith.addi %add3A_26, %sub3A_25 : i32
    %add3A_28 = arith.constant 0 : i32
    %add3A_29 = arith.addi %add3A_27, %add3A_28 : i32
    %get3A = arith.index_cast %add3A_29 : i32 to index
    %get3A_30 = tpu.vector_load %arg6[%get3A] {strides = array<i32>} : memref<4096xi32, #tpu.memory_space<vmem>>, vector<16xi32>,
    %get3A_31 = vector.shape_cast %get3A_30 : vector<16xi32> to vector<16xi32>
    %mul3A_32 = arith.constant 2 : i32
    %mul3A_33 = vector.broadcast %mul3A_32 : i32 to vector<16xi32>
    %mul3A_34 = arith.muli %get3A_31, %mul3A_33 : vector<16xi32>
    %add3A_35 = vector.broadcast %arg0 : i32 to vector<16xi32>
    %add3A_36 = arith.addi %mul3A_34, %add3A_35 : vector<16xi32>
    %swap3A = arith.constant 0 : index
    %swap3A_37 = tpu.vector_load %arg8[%swap3A] {strides = array<i32>} : memref<128xi32, #tpu.memory_space<vmem>>, vector<16xi32>,
    %swap3A_38 = vector.shape_cast %swap3A_37 : vector<16xi32> to vector<16xi32>
    %swap3A_39 = vector.shape_cast %add3A_36 : vector<16xi32> to vector<16xi32>
    tpu.vector_store %arg8[%swap3A], %swap3A_39 {strides = array<i32>} : memref<128xi32, #tpu.memory_space<vmem>>, vector<16xi32>,
    %add3A_40 = arith.constant 0 : i32
    %add3A_41 = arith.addi %add3A_27, %add3A_40 : i32
    %get3A_42 = arith.index_cast %add3A_41 : i32 to index
    %get3A_43 = tpu.vector_load %arg7[%get3A_42] {strides = array<i32>} : memref<4096xi32, #tpu.memory_space<vmem>>, vector<16xi32>,
    %get3A_44 = vector.shape_cast %get3A_43 : vector<16xi32> to vector<16xi32>
    %swap3A_45 = arith.constant 0 : index
    %swap3A_46 = tpu.vector_load %arg10[%swap3A_45] {strides = array<i32>} : memref<128xi32, #tpu.memory_space<vmem>>, vector<16xi32>,
    %swap3A_47 = vector.shape_cast %swap3A_46 : vector<16xi32> to vector<16xi32>
    %swap3A_48 = vector.shape_cast %get3A_44 : vector<16xi32> to vector<16xi32>
    tpu.vector_store %arg10[%swap3A_45], %swap3A_48 {strides = array<i32>} : memref<128xi32, #tpu.memory_space<vmem>>, vector<16xi32>,
    %add3A_49 = arith.constant 16 : i32
    %add3A_50 = arith.addi %add3A_27, %add3A_49 : i32
    %get3A_51 = arith.index_cast %add3A_50 : i32 to index
    %get3A_52 = tpu.vector_load %arg6[%get3A_51] {strides = array<i32>} : memref<4096xi32, #tpu.memory_space<vmem>>, vector<16xi32>,
    %get3A_53 = vector.shape_cast %get3A_52 : vector<16xi32> to vector<16xi32>
    %mul3A_54 = arith.constant 2 : i32
    %mul3A_55 = vector.broadcast %mul3A_54 : i32 to vector<16xi32>
    %mul3A_56 = arith.muli %get3A_53, %mul3A_55 : vector<16xi32>
    %add3A_57 = vector.broadcast %arg0 : i32 to vector<16xi32>
    %add3A_58 = arith.addi %mul3A_56, %add3A_57 : vector<16xi32>
    %swap3A_59 = arith.constant 16 : index
    %swap3A_60 = tpu.vector_load %arg8[%swap3A_59] {strides = array<i32>} : memref<128xi32, #tpu.memory_space<vmem>>, vector<16xi32>,
    %swap3A_61 = vector.shape_cast %swap3A_60 : vector<16xi32> to vector<16xi32>
    %swap3A_62 = vector.shape_cast %add3A_58 : vector<16xi32> to vector<16xi32>
    tpu.vector_store %arg8[%swap3A_59], %swap3A_62 {strides = array<i32>} : memref<128xi32, #tpu.memory_space<vmem>>, vector<16xi32>,
    %add3A_63 = arith.constant 16 : i32
    %add3A_64 = arith.addi %add3A_27, %add3A_63 : i32
    %get3A_65 = arith.index_cast %add3A_64 : i32 to index
    %get3A_66 = tpu.vector_load %arg7[%get3A_65] {strides = array<i32>} : memref<4096xi32, #tpu.memory_space<vmem>>, vector<16xi32>,
    %get3A_67 = vector.shape_cast %get3A_66 : vector<16xi32> to vector<16xi32>
    %swap3A_68 = arith.constant 16 : index
    %swap3A_69 = tpu.vector_load %arg10[%swap3A_68] {strides = array<i32>} : memref<128xi32, #tpu.memory_space<vmem>>, vector<16xi32>,
    %swap3A_70 = vector.shape_cast %swap3A_69 : vector<16xi32> to vector<16xi32>
    %swap3A_71 = vector.shape_cast %get3A_67 : vector<16xi32> to vector<16xi32>
    tpu.vector_store %arg10[%swap3A_68], %swap3A_71 {strides = array<i32>} : memref<128xi32, #tpu.memory_space<vmem>>, vector<16xi32>,
    %add3A_72 = arith.constant 32 : i32
    %add3A_73 = arith.addi %add3A_27, %add3A_72 : i32
    %get3A_74 = arith.index_cast %add3A_73 : i32 to index
    %get3A_75 = tpu.vector_load %arg6[%get3A_74] {strides = array<i32>} : memref<4096xi32, #tpu.memory_space<vmem>>, vector<16xi32>,
    %get3A_76 = vector.shape_cast %get3A_75 : vector<16xi32> to vector<16xi32>
    %mul3A_77 = arith.constant 2 : i32
    %mul3A_78 = vector.broadcast %mul3A_77 : i32 to vector<16xi32>
    %mul3A_79 = arith.muli %get3A_76, %mul3A_78 : vector<16xi32>
    %add3A_80 = vector.broadcast %arg0 : i32 to vector<16xi32>
    %add3A_81 = arith.addi %mul3A_79, %add3A_80 : vector<16xi32>
    %swap3A_82 = arith.constant 32 : index
    %swap3A_83 = tpu.vector_load %arg8[%swap3A_82] {strides = array<i32>} : memref<128xi32, #tpu.memory_space<vmem>>, vector<16xi32>,
    %swap3A_84 = vector.shape_cast %swap3A_83 : vector<16xi32> to vector<16xi32>
    %swap3A_85 = vector.shape_cast %add3A_81 : vector<16xi32> to vector<16xi32>
    tpu.vector_store %arg8[%swap3A_82], %swap3A_85 {strides = array<i32>} : memref<128xi32, #tpu.memory_space<vmem>>, vector<16xi32>,
    %add3A_86 = arith.constant 32 : i32
    %add3A_87 = arith.addi %add3A_27, %add3A_86 : i32
    %get3A_88 = arith.index_cast %add3A_87 : i32 to index
    %get3A_89 = tpu.vector_load %arg7[%get3A_88] {strides = array<i32>} : memref<4096xi32, #tpu.memory_space<vmem>>, vector<16xi32>,
    %get3A_90 = vector.shape_cast %get3A_89 : vector<16xi32> to vector<16xi32>
    %swap3A_91 = arith.constant 32 : index
    %swap3A_92 = tpu.vector_load %arg10[%swap3A_91] {strides = array<i32>} : memref<128xi32, #tpu.memory_space<vmem>>, vector<16xi32>,
    %swap3A_93 = vector.shape_cast %swap3A_92 : vector<16xi32> to vector<16xi32>
    %swap3A_94 = vector.shape_cast %get3A_90 : vector<16xi32> to vector<16xi32>
    tpu.vector_store %arg10[%swap3A_91], %swap3A_94 {strides = array<i32>} : memref<128xi32, #tpu.memory_space<vmem>>, vector<16xi32>,
    %add3A_95 = arith.constant 48 : i32
    %add3A_96 = arith.addi %add3A_27, %add3A_95 : i32
    %get3A_97 = arith.index_cast %add3A_96 : i32 to index
    %get3A_98 = tpu.vector_load %arg6[%get3A_97] {strides = array<i32>} : memref<4096xi32, #tpu.memory_space<vmem>>, vector<16xi32>,
    %get3A_99 = vector.shape_cast %get3A_98 : vector<16xi32> to vector<16xi32>
    %mul3A_100 = arith.constant 2 : i32
    %mul3A_101 = vector.broadcast %mul3A_100 : i32 to vector<16xi32>
    %mul3A_102 = arith.muli %get3A_99, %mul3A_101 : vector<16xi32>
    %add3A_103 = vector.broadcast %arg0 : i32 to vector<16xi32>
    %add3A_104 = arith.addi %mul3A_102, %add3A_103 : vector<16xi32>
    %swap3A_105 = arith.constant 48 : index
    %swap3A_106 = tpu.vector_load %arg8[%swap3A_105] {strides = array<i32>} : memref<128xi32, #tpu.memory_space<vmem>>, vector<16xi32>,
    %swap3A_107 = vector.shape_cast %swap3A_106 : vector<16xi32> to vector<16xi32>
    %swap3A_108 = vector.shape_cast %add3A_104 : vector<16xi32> to vector<16xi32>
    tpu.vector_store %arg8[%swap3A_105], %swap3A_108 {strides = array<i32>} : memref<128xi32, #tpu.memory_space<vmem>>, vector<16xi32>,
    %add3A_109 = arith.constant 48 : i32
    %add3A_110 = arith.addi %add3A_27, %add3A_109 : i32
    %get3A_111 = arith.index_cast %add3A_110 : i32 to index
    %get3A_112 = tpu.vector_load %arg7[%get3A_111] {strides = array<i32>} : memref<4096xi32, #tpu.memory_space<vmem>>, vector<16xi32>,
    %get3A_113 = vector.shape_cast %get3A_112 : vector<16xi32> to vector<16xi32>
    %swap3A_114 = arith.constant 48 : index
    %swap3A_115 = tpu.vector_load %arg10[%swap3A_114] {strides = array<i32>} : memref<128xi32, #tpu.memory_space<vmem>>, vector<16xi32>,
    %swap3A_116 = vector.shape_cast %swap3A_115 : vector<16xi32> to vector<16xi32>
    %swap3A_117 = vector.shape_cast %get3A_113 : vector<16xi32> to vector<16xi32>
    tpu.vector_store %arg10[%swap3A_114], %swap3A_117 {strides = array<i32>} : memref<128xi32, #tpu.memory_space<vmem>>, vector<16xi32>,
    %add3A_118 = arith.constant 64 : i32
    %add3A_119 = arith.addi %add3A_27, %add3A_118 : i32
    %get3A_120 = arith.index_cast %add3A_119 : i32 to index
    %get3A_121 = tpu.vector_load %arg6[%get3A_120] {strides = array<i32>} : memref<4096xi32, #tpu.memory_space<vmem>>, vector<16xi32>,
    %get3A_122 = vector.shape_cast %get3A_121 : vector<16xi32> to vector<16xi32>
    %mul3A_123 = arith.constant 2 : i32
    %mul3A_124 = vector.broadcast %mul3A_123 : i32 to vector<16xi32>
    %mul3A_125 = arith.muli %get3A_122, %mul3A_124 : vector<16xi32>
    %add3A_126 = vector.broadcast %arg0 : i32 to vector<16xi32>
    %add3A_127 = arith.addi %mul3A_125, %add3A_126 : vector<16xi32>
    %swap3A_128 = arith.constant 64 : index
    %swap3A_129 = tpu.vector_load %arg8[%swap3A_128] {strides = array<i32>} : memref<128xi32, #tpu.memory_space<vmem>>, vector<16xi32>,
    %swap3A_130 = vector.shape_cast %swap3A_129 : vector<16xi32> to vector<16xi32>
    %swap3A_131 = vector.shape_cast %add3A_127 : vector<16xi32> to vector<16xi32>
    tpu.vector_store %arg8[%swap3A_128], %swap3A_131 {strides = array<i32>} : memref<128xi32, #tpu.memory_space<vmem>>, vector<16xi32>,
    %add3A_132 = arith.constant 64 : i32
    %add3A_133 = arith.addi %add3A_27, %add3A_132 : i32
    %get3A_134 = arith.index_cast %add3A_133 : i32 to index
    %get3A_135 = tpu.vector_load %arg7[%get3A_134] {strides = array<i32>} : memref<4096xi32, #tpu.memory_space<vmem>>, vector<16xi32>,
    %get3A_136 = vector.shape_cast %get3A_135 : vector<16xi32> to vector<16xi32>
    %swap3A_137 = arith.constant 64 : index
    %swap3A_138 = tpu.vector_load %arg10[%swap3A_137] {strides = array<i32>} : memref<128xi32, #tpu.memory_space<vmem>>, vector<16xi32>,
    %swap3A_139 = vector.shape_cast %swap3A_138 : vector<16xi32> to vector<16xi32>
    %swap3A_140 = vector.shape_cast %get3A_136 : vector<16xi32> to vector<16xi32>
    tpu.vector_store %arg10[%swap3A_137], %swap3A_140 {strides = array<i32>} : memref<128xi32, #tpu.memory_space<vmem>>, vector<16xi32>,
    %add3A_141 = arith.constant 80 : i32
    %add3A_142 = arith.addi %add3A_27, %add3A_141 : i32
    %get3A_143 = arith.index_cast %add3A_142 : i32 to index
    %get3A_144 = tpu.vector_load %arg6[%get3A_143] {strides = array<i32>} : memref<4096xi32, #tpu.memory_space<vmem>>, vector<16xi32>,
    %get3A_145 = vector.shape_cast %get3A_144 : vector<16xi32> to vector<16xi32>
    %mul3A_146 = arith.constant 2 : i32
    %mul3A_147 = vector.broadcast %mul3A_146 : i32 to vector<16xi32>
    %mul3A_148 = arith.muli %get3A_145, %mul3A_147 : vector<16xi32>
    %add3A_149 = vector.broadcast %arg0 : i32 to vector<16xi32>
    %add3A_150 = arith.addi %mul3A_148, %add3A_149 : vector<16xi32>
    %swap3A_151 = arith.constant 80 : index
    %swap3A_152 = tpu.vector_load %arg8[%swap3A_151] {strides = array<i32>} : memref<128xi32, #tpu.memory_space<vmem>>, vector<16xi32>,
    %swap3A_153 = vector.shape_cast %swap3A_152 : vector<16xi32> to vector<16xi32>
    %swap3A_154 = vector.shape_cast %add3A_150 : vector<16xi32> to vector<16xi32>
    tpu.vector_store %arg8[%swap3A_151], %swap3A_154 {strides = array<i32>} : memref<128xi32, #tpu.memory_space<vmem>>, vector<16xi32>,
    %add3A_155 = arith.constant 80 : i32
    %add3A_156 = arith.addi %add3A_27, %add3A_155 : i32
    %get3A_157 = arith.index_cast %add3A_156 : i32 to index
    %get3A_158 = tpu.vector_load %arg7[%get3A_157] {strides = array<i32>} : memref<4096xi32, #tpu.memory_space<vmem>>, vector<16xi32>,
    %get3A_159 = vector.shape_cast %get3A_158 : vector<16xi32> to vector<16xi32>
    %swap3A_160 = arith.constant 80 : index
    %swap3A_161 = tpu.vector_load %arg10[%swap3A_160] {strides = array<i32>} : memref<128xi32, #tpu.memory_space<vmem>>, vector<16xi32>,
    %swap3A_162 = vector.shape_cast %swap3A_161 : vector<16xi32> to vector<16xi32>
    %swap3A_163 = vector.shape_cast %get3A_159 : vector<16xi32> to vector<16xi32>
    tpu.vector_store %arg10[%swap3A_160], %swap3A_163 {strides = array<i32>} : memref<128xi32, #tpu.memory_space<vmem>>, vector<16xi32>,
    %add3A_164 = arith.constant 96 : i32
    %add3A_165 = arith.addi %add3A_27, %add3A_164 : i32
    %get3A_166 = arith.index_cast %add3A_165 : i32 to index
    %get3A_167 = tpu.vector_load %arg6[%get3A_166] {strides = array<i32>} : memref<4096xi32, #tpu.memory_space<vmem>>, vector<16xi32>,
    %get3A_168 = vector.shape_cast %get3A_167 : vector<16xi32> to vector<16xi32>
    %mul3A_169 = arith.constant 2 : i32
    %mul3A_170 = vector.broadcast %mul3A_169 : i32 to vector<16xi32>
    %mul3A_171 = arith.muli %get3A_168, %mul3A_170 : vector<16xi32>
    %add3A_172 = vector.broadcast %arg0 : i32 to vector<16xi32>
    %add3A_173 = arith.addi %mul3A_171, %add3A_172 : vector<16xi32>
    %swap3A_174 = arith.constant 96 : index
    %swap3A_175 = tpu.vector_load %arg8[%swap3A_174] {strides = array<i32>} : memref<128xi32, #tpu.memory_space<vmem>>, vector<16xi32>,
    %swap3A_176 = vector.shape_cast %swap3A_175 : vector<16xi32> to vector<16xi32>
    %swap3A_177 = vector.shape_cast %add3A_173 : vector<16xi32> to vector<16xi32>
    tpu.vector_store %arg8[%swap3A_174], %swap3A_177 {strides = array<i32>} : memref<128xi32, #tpu.memory_space<vmem>>, vector<16xi32>,
    %add3A_178 = arith.constant 96 : i32
    %add3A_179 = arith.addi %add3A_27, %add3A_178 : i32
    %get3A_180 = arith.index_cast %add3A_179 : i32 to index
    %get3A_181 = tpu.vector_load %arg7[%get3A_180] {strides = array<i32>} : memref<4096xi32, #tpu.memory_space<vmem>>, vector<16xi32>,
    %get3A_182 = vector.shape_cast %get3A_181 : vector<16xi32> to vector<16xi32>
    %swap3A_183 = arith.constant 96 : index
    %swap3A_184 = tpu.vector_load %arg10[%swap3A_183] {strides = array<i32>} : memref<128xi32, #tpu.memory_space<vmem>>, vector<16xi32>,
    %swap3A_185 = vector.shape_cast %swap3A_184 : vector<16xi32> to vector<16xi32>
    %swap3A_186 = vector.shape_cast %get3A_182 : vector<16xi32> to vector<16xi32>
    tpu.vector_store %arg10[%swap3A_183], %swap3A_186 {strides = array<i32>} : memref<128xi32, #tpu.memory_space<vmem>>, vector<16xi32>,
    %add3A_187 = arith.constant 112 : i32
    %add3A_188 = arith.addi %add3A_27, %add3A_187 : i32
    %get3A_189 = arith.index_cast %add3A_188 : i32 to index
    %get3A_190 = tpu.vector_load %arg6[%get3A_189] {strides = array<i32>} : memref<4096xi32, #tpu.memory_space<vmem>>, vector<16xi32>,
    %get3A_191 = vector.shape_cast %get3A_190 : vector<16xi32> to vector<16xi32>
    %mul3A_192 = arith.constant 2 : i32
    %mul3A_193 = vector.broadcast %mul3A_192 : i32 to vector<16xi32>
    %mul3A_194 = arith.muli %get3A_191, %mul3A_193 : vector<16xi32>
    %add3A_195 = vector.broadcast %arg0 : i32 to vector<16xi32>
    %add3A_196 = arith.addi %mul3A_194, %add3A_195 : vector<16xi32>
    %swap3A_197 = arith.constant 112 : index
    %swap3A_198 = tpu.vector_load %arg8[%swap3A_197] {strides = array<i32>} : memref<128xi32, #tpu.memory_space<vmem>>, vector<16xi32>,
    %swap3A_199 = vector.shape_cast %swap3A_198 : vector<16xi32> to vector<16xi32>
    %swap3A_200 = vector.shape_cast %add3A_196 : vector<16xi32> to vector<16xi32>
    tpu.vector_store %arg8[%swap3A_197], %swap3A_200 {strides = array<i32>} : memref<128xi32, #tpu.memory_space<vmem>>, vector<16xi32>,
    %add3A_201 = arith.constant 112 : i32
    %add3A_202 = arith.addi %add3A_27, %add3A_201 : i32
    %get3A_203 = arith.index_cast %add3A_202 : i32 to index
    %get3A_204 = tpu.vector_load %arg7[%get3A_203] {strides = array<i32>} : memref<4096xi32, #tpu.memory_space<vmem>>, vector<16xi32>,
    %get3A_205 = vector.shape_cast %get3A_204 : vector<16xi32> to vector<16xi32>
    %swap3A_206 = arith.constant 112 : index
    %swap3A_207 = tpu.vector_load %arg10[%swap3A_206] {strides = array<i32>} : memref<128xi32, #tpu.memory_space<vmem>>, vector<16xi32>,
    %swap3A_208 = vector.shape_cast %swap3A_207 : vector<16xi32> to vector<16xi32>
    %swap3A_209 = vector.shape_cast %get3A_205 : vector<16xi32> to vector<16xi32>
    tpu.vector_store %arg10[%swap3A_206], %swap3A_209 {strides = array<i32>} : memref<128xi32, #tpu.memory_space<vmem>>, vector<16xi32>,
    %dma_start3A = arith.constant 0 : i32
    %dma_start3A_210 = arith.constant 0 : i32
    %dma_start3A_211 = tpu.memref_slice %arg2[%dma_start3A, %dma_start3A_210] : memref<20480x80xf32, #tpu.memory_space<hbm>> -> memref<20480x80xf32, #tpu.memory_space<hbm>>
    tpu.enqueue_indirect_dma source(%dma_start3A_211 : memref<20480x80xf32, #tpu.memory_space<hbm>>) target(%arg12 : memref<128x80xf32, #tpu.memory_space<vmem>>) offsets(%arg8 : memref<128xi32, #tpu.memory_space<vmem>>) semaphore(%arg15 : memref<!tpu.dma_semaphore, #tpu.memory_space<semaphore_mem>>)
    %while3A = arith.constant 0 : i32
    %while3A_212 = arith.subi %select_n3A, %while3A : i32
    %while3A_213 = arith.addi %while3A, %while3A_212 : i32
    %while3A_214 = arith.constant 1 : i32
    %while3A_215 = arith.divsi %while3A_212, %while3A_214 : i32
    %while3A_216 = arith.muli %while3A_215, %while3A_214 : i32
    %while3A_217 = arith.addi %while3A, %while3A_216 : i32
    %while3A_218 = arith.constant 1 : i32
    scf.for %while3A_229 = %while3A to %while3A_217 step %while3A_218  : i32 {
      %rem3A = arith.constant 2 : i32
      %rem3A_230 = arith.remsi %while3A_229, %rem3A : i32
      %add3A_231 = arith.constant 1 : i32
      %add3A_232 = arith.addi %while3A_229, %add3A_231 : i32
      %rem3A_233 = arith.constant 32 : i32
      %rem3A_234 = arith.remsi %add3A_232, %rem3A_233 : i32
      %eq3A = arith.constant 0 : i32
      %eq3A_235 = arith.cmpi eq, %rem3A_234, %eq3A : i32
      %lt3A = arith.cmpi slt, %add3A_232, %select_n3A : i32
      %and3A = arith.andi %eq3A_235, %lt3A : i1
      %convert_element_type3A = arith.extui %and3A : i1 to i32
      %cond3A = arith.constant 0 : i32
      %cond3A_236 = arith.cmpi ne, %convert_element_type3A, %cond3A : i32
      scf.if %cond3A_236 {
        %mul3A_261 = arith.constant 128 : i32
        %mul3A_262 = arith.muli %add3A_232, %mul3A_261 : i32
        %add3A_263 = arith.addi %mul3A_17, %mul3A_262 : i32
        %min3A_264 = arith.constant 315904 : i32
        %min3A_265 = arith.minsi %add3A_263, %min3A_264 : i32
        "tpu.region"() ({
          %run_scoped3A = tpu.sem_alloc : memref<!tpu.dma_semaphore, #tpu.memory_space<semaphore_mem>>
          %dma_start3A_266 = tpu.memref_slice %arg3[%min3A_265] : memref<320000xi32, #tpu.memory_space<hbm>> -> memref<4096xi32, #tpu.memory_space<hbm>>
          %dma_start3A_267 = tpu.memref_slice %arg3[%min3A_265] : memref<320000xi32, #tpu.memory_space<hbm>> -> memref<4096xi32, #tpu.memory_space<hbm>>
          tpu.enqueue_dma source(%dma_start3A_267 : memref<4096xi32, #tpu.memory_space<hbm>>) target(%arg6 : memref<4096xi32, #tpu.memory_space<vmem>>) target_semaphore(%run_scoped3A : memref<!tpu.dma_semaphore, #tpu.memory_space<semaphore_mem>>)
          %dma_wait3A_268 = tpu.memref_slice %arg3[%min3A_265] : memref<320000xi32, #tpu.memory_space<hbm>> -> memref<4096xi32, #tpu.memory_space<hbm>>
          %dma_wait3A_269 = tpu.memref_slice %arg3[%min3A_265] : memref<320000xi32, #tpu.memory_space<hbm>> -> memref<4096xi32, #tpu.memory_space<hbm>>
          tpu.wait_dma2 semaphore(%run_scoped3A : memref<!tpu.dma_semaphore, #tpu.memory_space<semaphore_mem>>) src(%dma_wait3A_269 : memref<4096xi32, #tpu.memory_space<hbm>>) dst(%arg6 : memref<4096xi32, #tpu.memory_space<vmem>>)
          tpu.yield
        }) : () -> ()
        "tpu.region"() ({
          %run_scoped3A = tpu.sem_alloc : memref<!tpu.dma_semaphore, #tpu.memory_space<semaphore_mem>>
          %dma_start3A_266 = tpu.memref_slice %arg4[%min3A_265] : memref<320000xi32, #tpu.memory_space<hbm>> -> memref<4096xi32, #tpu.memory_space<hbm>>
          %dma_start3A_267 = tpu.memref_slice %arg4[%min3A_265] : memref<320000xi32, #tpu.memory_space<hbm>> -> memref<4096xi32, #tpu.memory_space<hbm>>
          tpu.enqueue_dma source(%dma_start3A_267 : memref<4096xi32, #tpu.memory_space<hbm>>) target(%arg7 : memref<4096xi32, #tpu.memory_space<vmem>>) target_semaphore(%run_scoped3A : memref<!tpu.dma_semaphore, #tpu.memory_space<semaphore_mem>>)
          %dma_wait3A_268 = tpu.memref_slice %arg4[%min3A_265] : memref<320000xi32, #tpu.memory_space<hbm>> -> memref<4096xi32, #tpu.memory_space<hbm>>
          %dma_wait3A_269 = tpu.memref_slice %arg4[%min3A_265] : memref<320000xi32, #tpu.memory_space<hbm>> -> memref<4096xi32, #tpu.memory_space<hbm>>
          tpu.wait_dma2 semaphore(%run_scoped3A : memref<!tpu.dma_semaphore, #tpu.memory_space<semaphore_mem>>) src(%dma_wait3A_269 : memref<4096xi32, #tpu.memory_space<hbm>>) dst(%arg7 : memref<4096xi32, #tpu.memory_space<vmem>>)
          tpu.yield
        }) : () -> ()
      } else {
      }
      %eq3A_237 = arith.constant 0 : i32
      %eq3A_238 = arith.cmpi eq, %rem3A_230, %eq3A_237 : i32
      %lt3A_239 = arith.cmpi slt, %add3A_232, %select_n3A : i32
      %and3A_240 = arith.andi %eq3A_238, %lt3A_239 : i1
      %convert_element_type3A_241 = arith.extui %and3A_240 : i1 to i32
      %cond3A_242 = arith.constant 0 : i32
      %cond3A_243 = arith.cmpi ne, %convert_element_type3A_241, %cond3A_242 : i32
      scf.if %cond3A_243 {
        %ge3A_261 = arith.constant 1 : i32
        %ge3A_262 = arith.cmpi sge, %while3A_229, %ge3A_261 : i32
        %convert_element_type3A_263 = arith.extui %ge3A_262 : i1 to i32
        %cond3A_264 = arith.constant 0 : i32
        %cond3A_265 = arith.cmpi ne, %convert_element_type3A_263, %cond3A_264 : i32
        scf.if %cond3A_265 {
          %dma_wait3A_463 = arith.constant 0 : i32
          %dma_wait3A_464 = arith.constant 0 : i32
          %dma_wait3A_465 = tpu.memref_slice %arg14[%dma_wait3A_463, %dma_wait3A_464] : memref<10240x80xf32, #tpu.memory_space<vmem_shared>> -> memref<10240x80xf32, #tpu.memory_space<vmem_shared>>
          tpu.wait_indirect_dma semaphore(%arg18 : memref<!tpu.dma_semaphore, #tpu.memory_space<semaphore_mem>>) src(%arg13 : memref<128x80xf32, #tpu.memory_space<vmem>>) dst(%dma_wait3A_465 : memref<10240x80xf32, #tpu.memory_space<vmem_shared>>)
        } else {
        }
        %sub3A_266 = arith.subi %add3A_232, %rem3A_234 : i32
        %mul3A_267 = arith.constant 128 : i32
        %mul3A_268 = arith.muli %sub3A_266, %mul3A_267 : i32
        %add3A_269 = arith.addi %mul3A_17, %mul3A_268 : i32
        %min3A_270 = arith.constant 315904 : i32
        %min3A_271 = arith.minsi %add3A_269, %min3A_270 : i32
        %sub3A_272 = arith.subi %add3A_269, %min3A_271 : i32
        %mul3A_273 = arith.constant 128 : i32
        %mul3A_274 = arith.muli %rem3A_234, %mul3A_273 : i32
        %add3A_275 = arith.addi %mul3A_274, %sub3A_272 : i32
        %add3A_276 = arith.constant 0 : i32
        %add3A_277 = arith.addi %add3A_275, %add3A_276 : i32
        %get3A_278 = arith.index_cast %add3A_277 : i32 to index
        %get3A_279 = tpu.vector_load %arg6[%get3A_278] {strides = array<i32>} : memref<4096xi32, #tpu.memory_space<vmem>>, vector<16xi32>,
        %get3A_280 = vector.shape_cast %get3A_279 : vector<16xi32> to vector<16xi32>
        %mul3A_281 = arith.constant 2 : i32
        %mul3A_282 = vector.broadcast %mul3A_281 : i32 to vector<16xi32>
        %mul3A_283 = arith.muli %get3A_280, %mul3A_282 : vector<16xi32>
        %add3A_284 = vector.broadcast %arg0 : i32 to vector<16xi32>
        %add3A_285 = arith.addi %mul3A_283, %add3A_284 : vector<16xi32>
        %swap3A_286 = arith.constant 0 : index
        %swap3A_287 = tpu.vector_load %arg9[%swap3A_286] {strides = array<i32>} : memref<128xi32, #tpu.memory_space<vmem>>, vector<16xi32>,
        %swap3A_288 = vector.shape_cast %swap3A_287 : vector<16xi32> to vector<16xi32>
        %swap3A_289 = vector.shape_cast %add3A_285 : vector<16xi32> to vector<16xi32>
        tpu.vector_store %arg9[%swap3A_286], %swap3A_289 {strides = array<i32>} : memref<128xi32, #tpu.memory_space<vmem>>, vector<16xi32>,
        %add3A_290 = arith.constant 0 : i32
        %add3A_291 = arith.addi %add3A_275, %add3A_290 : i32
        %get3A_292 = arith.index_cast %add3A_291 : i32 to index
        %get3A_293 = tpu.vector_load %arg7[%get3A_292] {strides = array<i32>} : memref<4096xi32, #tpu.memory_space<vmem>>, vector<16xi32>,
        %get3A_294 = vector.shape_cast %get3A_293 : vector<16xi32> to vector<16xi32>
        %swap3A_295 = arith.constant 0 : index
        %swap3A_296 = tpu.vector_load %arg11[%swap3A_295] {strides = array<i32>} : memref<128xi32, #tpu.memory_space<vmem>>, vector<16xi32>,
        %swap3A_297 = vector.shape_cast %swap3A_296 : vector<16xi32> to vector<16xi32>
        %swap3A_298 = vector.shape_cast %get3A_294 : vector<16xi32> to vector<16xi32>
        tpu.vector_store %arg11[%swap3A_295], %swap3A_298 {strides = array<i32>} : memref<128xi32, #tpu.memory_space<vmem>>, vector<16xi32>,
        %add3A_299 = arith.constant 16 : i32
        %add3A_300 = arith.addi %add3A_275, %add3A_299 : i32
        %get3A_301 = arith.index_cast %add3A_300 : i32 to index
        %get3A_302 = tpu.vector_load %arg6[%get3A_301] {strides = array<i32>} : memref<4096xi32, #tpu.memory_space<vmem>>, vector<16xi32>,
        %get3A_303 = vector.shape_cast %get3A_302 : vector<16xi32> to vector<16xi32>
        %mul3A_304 = arith.constant 2 : i32
        %mul3A_305 = vector.broadcast %mul3A_304 : i32 to vector<16xi32>
        %mul3A_306 = arith.muli %get3A_303, %mul3A_305 : vector<16xi32>
        %add3A_307 = vector.broadcast %arg0 : i32 to vector<16xi32>
        %add3A_308 = arith.addi %mul3A_306, %add3A_307 : vector<16xi32>
        %swap3A_309 = arith.constant 16 : index
        %swap3A_310 = tpu.vector_load %arg9[%swap3A_309] {strides = array<i32>} : memref<128xi32, #tpu.memory_space<vmem>>, vector<16xi32>,
        %swap3A_311 = vector.shape_cast %swap3A_310 : vector<16xi32> to vector<16xi32>
        %swap3A_312 = vector.shape_cast %add3A_308 : vector<16xi32> to vector<16xi32>
        tpu.vector_store %arg9[%swap3A_309], %swap3A_312 {strides = array<i32>} : memref<128xi32, #tpu.memory_space<vmem>>, vector<16xi32>,
        %add3A_313 = arith.constant 16 : i32
        %add3A_314 = arith.addi %add3A_275, %add3A_313 : i32
        %get3A_315 = arith.index_cast %add3A_314 : i32 to index
        %get3A_316 = tpu.vector_load %arg7[%get3A_315] {strides = array<i32>} : memref<4096xi32, #tpu.memory_space<vmem>>, vector<16xi32>,
        %get3A_317 = vector.shape_cast %get3A_316 : vector<16xi32> to vector<16xi32>
        %swap3A_318 = arith.constant 16 : index
        %swap3A_319 = tpu.vector_load %arg11[%swap3A_318] {strides = array<i32>} : memref<128xi32, #tpu.memory_space<vmem>>, vector<16xi32>,
        %swap3A_320 = vector.shape_cast %swap3A_319 : vector<16xi32> to vector<16xi32>
        %swap3A_321 = vector.shape_cast %get3A_317 : vector<16xi32> to vector<16xi32>
        tpu.vector_store %arg11[%swap3A_318], %swap3A_321 {strides = array<i32>} : memref<128xi32, #tpu.memory_space<vmem>>, vector<16xi32>,
        %add3A_322 = arith.constant 32 : i32
        %add3A_323 = arith.addi %add3A_275, %add3A_322 : i32
        %get3A_324 = arith.index_cast %add3A_323 : i32 to index
        %get3A_325 = tpu.vector_load %arg6[%get3A_324] {strides = array<i32>} : memref<4096xi32, #tpu.memory_space<vmem>>, vector<16xi32>,
        %get3A_326 = vector.shape_cast %get3A_325 : vector<16xi32> to vector<16xi32>
        %mul3A_327 = arith.constant 2 : i32
        %mul3A_328 = vector.broadcast %mul3A_327 : i32 to vector<16xi32>
        %mul3A_329 = arith.muli %get3A_326, %mul3A_328 : vector<16xi32>
        %add3A_330 = vector.broadcast %arg0 : i32 to vector<16xi32>
        %add3A_331 = arith.addi %mul3A_329, %add3A_330 : vector<16xi32>
        %swap3A_332 = arith.constant 32 : index
        %swap3A_333 = tpu.vector_load %arg9[%swap3A_332] {strides = array<i32>} : memref<128xi32, #tpu.memory_space<vmem>>, vector<16xi32>,
        %swap3A_334 = vector.shape_cast %swap3A_333 : vector<16xi32> to vector<16xi32>
        %swap3A_335 = vector.shape_cast %add3A_331 : vector<16xi32> to vector<16xi32>
        tpu.vector_store %arg9[%swap3A_332], %swap3A_335 {strides = array<i32>} : memref<128xi32, #tpu.memory_space<vmem>>, vector<16xi32>,
        %add3A_336 = arith.constant 32 : i32
        %add3A_337 = arith.addi %add3A_275, %add3A_336 : i32
        %get3A_338 = arith.index_cast %add3A_337 : i32 to index
        %get3A_339 = tpu.vector_load %arg7[%get3A_338] {strides = array<i32>} : memref<4096xi32, #tpu.memory_space<vmem>>, vector<16xi32>,
        %get3A_340 = vector.shape_cast %get3A_339 : vector<16xi32> to vector<16xi32>
        %swap3A_341 = arith.constant 32 : index
        %swap3A_342 = tpu.vector_load %arg11[%swap3A_341] {strides = array<i32>} : memref<128xi32, #tpu.memory_space<vmem>>, vector<16xi32>,
        %swap3A_343 = vector.shape_cast %swap3A_342 : vector<16xi32> to vector<16xi32>
        %swap3A_344 = vector.shape_cast %get3A_340 : vector<16xi32> to vector<16xi32>
        tpu.vector_store %arg11[%swap3A_341], %swap3A_344 {strides = array<i32>} : memref<128xi32, #tpu.memory_space<vmem>>, vector<16xi32>,
        %add3A_345 = arith.constant 48 : i32
        %add3A_346 = arith.addi %add3A_275, %add3A_345 : i32
        %get3A_347 = arith.index_cast %add3A_346 : i32 to index
        %get3A_348 = tpu.vector_load %arg6[%get3A_347] {strides = array<i32>} : memref<4096xi32, #tpu.memory_space<vmem>>, vector<16xi32>,
        %get3A_349 = vector.shape_cast %get3A_348 : vector<16xi32> to vector<16xi32>
        %mul3A_350 = arith.constant 2 : i32
        %mul3A_351 = vector.broadcast %mul3A_350 : i32 to vector<16xi32>
        %mul3A_352 = arith.muli %get3A_349, %mul3A_351 : vector<16xi32>
        %add3A_353 = vector.broadcast %arg0 : i32 to vector<16xi32>
        %add3A_354 = arith.addi %mul3A_352, %add3A_353 : vector<16xi32>
        %swap3A_355 = arith.constant 48 : index
        %swap3A_356 = tpu.vector_load %arg9[%swap3A_355] {strides = array<i32>} : memref<128xi32, #tpu.memory_space<vmem>>, vector<16xi32>,
        %swap3A_357 = vector.shape_cast %swap3A_356 : vector<16xi32> to vector<16xi32>
        %swap3A_358 = vector.shape_cast %add3A_354 : vector<16xi32> to vector<16xi32>
        tpu.vector_store %arg9[%swap3A_355], %swap3A_358 {strides = array<i32>} : memref<128xi32, #tpu.memory_space<vmem>>, vector<16xi32>,
        %add3A_359 = arith.constant 48 : i32
        %add3A_360 = arith.addi %add3A_275, %add3A_359 : i32
        %get3A_361 = arith.index_cast %add3A_360 : i32 to index
        %get3A_362 = tpu.vector_load %arg7[%get3A_361] {strides = array<i32>} : memref<4096xi32, #tpu.memory_space<vmem>>, vector<16xi32>,
        %get3A_363 = vector.shape_cast %get3A_362 : vector<16xi32> to vector<16xi32>
        %swap3A_364 = arith.constant 48 : index
        %swap3A_365 = tpu.vector_load %arg11[%swap3A_364] {strides = array<i32>} : memref<128xi32, #tpu.memory_space<vmem>>, vector<16xi32>,
        %swap3A_366 = vector.shape_cast %swap3A_365 : vector<16xi32> to vector<16xi32>
        %swap3A_367 = vector.shape_cast %get3A_363 : vector<16xi32> to vector<16xi32>
        tpu.vector_store %arg11[%swap3A_364], %swap3A_367 {strides = array<i32>} : memref<128xi32, #tpu.memory_space<vmem>>, vector<16xi32>,
        %add3A_368 = arith.constant 64 : i32
        %add3A_369 = arith.addi %add3A_275, %add3A_368 : i32
        %get3A_370 = arith.index_cast %add3A_369 : i32 to index
        %get3A_371 = tpu.vector_load %arg6[%get3A_370] {strides = array<i32>} : memref<4096xi32, #tpu.memory_space<vmem>>, vector<16xi32>,
        %get3A_372 = vector.shape_cast %get3A_371 : vector<16xi32> to vector<16xi32>
        %mul3A_373 = arith.constant 2 : i32
        %mul3A_374 = vector.broadcast %mul3A_373 : i32 to vector<16xi32>
        %mul3A_375 = arith.muli %get3A_372, %mul3A_374 : vector<16xi32>
        %add3A_376 = vector.broadcast %arg0 : i32 to vector<16xi32>
        %add3A_377 = arith.addi %mul3A_375, %add3A_376 : vector<16xi32>
        %swap3A_378 = arith.constant 64 : index
        %swap3A_379 = tpu.vector_load %arg9[%swap3A_378] {strides = array<i32>} : memref<128xi32, #tpu.memory_space<vmem>>, vector<16xi32>,
        %swap3A_380 = vector.shape_cast %swap3A_379 : vector<16xi32> to vector<16xi32>
        %swap3A_381 = vector.shape_cast %add3A_377 : vector<16xi32> to vector<16xi32>
        tpu.vector_store %arg9[%swap3A_378], %swap3A_381 {strides = array<i32>} : memref<128xi32, #tpu.memory_space<vmem>>, vector<16xi32>,
        %add3A_382 = arith.constant 64 : i32
        %add3A_383 = arith.addi %add3A_275, %add3A_382 : i32
        %get3A_384 = arith.index_cast %add3A_383 : i32 to index
        %get3A_385 = tpu.vector_load %arg7[%get3A_384] {strides = array<i32>} : memref<4096xi32, #tpu.memory_space<vmem>>, vector<16xi32>,
        %get3A_386 = vector.shape_cast %get3A_385 : vector<16xi32> to vector<16xi32>
        %swap3A_387 = arith.constant 64 : index
        %swap3A_388 = tpu.vector_load %arg11[%swap3A_387] {strides = array<i32>} : memref<128xi32, #tpu.memory_space<vmem>>, vector<16xi32>,
        %swap3A_389 = vector.shape_cast %swap3A_388 : vector<16xi32> to vector<16xi32>
        %swap3A_390 = vector.shape_cast %get3A_386 : vector<16xi32> to vector<16xi32>
        tpu.vector_store %arg11[%swap3A_387], %swap3A_390 {strides = array<i32>} : memref<128xi32, #tpu.memory_space<vmem>>, vector<16xi32>,
        %add3A_391 = arith.constant 80 : i32
        %add3A_392 = arith.addi %add3A_275, %add3A_391 : i32
        %get3A_393 = arith.index_cast %add3A_392 : i32 to index
        %get3A_394 = tpu.vector_load %arg6[%get3A_393] {strides = array<i32>} : memref<4096xi32, #tpu.memory_space<vmem>>, vector<16xi32>,
        %get3A_395 = vector.shape_cast %get3A_394 : vector<16xi32> to vector<16xi32>
        %mul3A_396 = arith.constant 2 : i32
        %mul3A_397 = vector.broadcast %mul3A_396 : i32 to vector<16xi32>
        %mul3A_398 = arith.muli %get3A_395, %mul3A_397 : vector<16xi32>
        %add3A_399 = vector.broadcast %arg0 : i32 to vector<16xi32>
        %add3A_400 = arith.addi %mul3A_398, %add3A_399 : vector<16xi32>
        %swap3A_401 = arith.constant 80 : index
        %swap3A_402 = tpu.vector_load %arg9[%swap3A_401] {strides = array<i32>} : memref<128xi32, #tpu.memory_space<vmem>>, vector<16xi32>,
        %swap3A_403 = vector.shape_cast %swap3A_402 : vector<16xi32> to vector<16xi32>
        %swap3A_404 = vector.shape_cast %add3A_400 : vector<16xi32> to vector<16xi32>
        tpu.vector_store %arg9[%swap3A_401], %swap3A_404 {strides = array<i32>} : memref<128xi32, #tpu.memory_space<vmem>>, vector<16xi32>,
        %add3A_405 = arith.constant 80 : i32
        %add3A_406 = arith.addi %add3A_275, %add3A_405 : i32
        %get3A_407 = arith.index_cast %add3A_406 : i32 to index
        %get3A_408 = tpu.vector_load %arg7[%get3A_407] {strides = array<i32>} : memref<4096xi32, #tpu.memory_space<vmem>>, vector<16xi32>,
        %get3A_409 = vector.shape_cast %get3A_408 : vector<16xi32> to vector<16xi32>
        %swap3A_410 = arith.constant 80 : index
        %swap3A_411 = tpu.vector_load %arg11[%swap3A_410] {strides = array<i32>} : memref<128xi32, #tpu.memory_space<vmem>>, vector<16xi32>,
        %swap3A_412 = vector.shape_cast %swap3A_411 : vector<16xi32> to vector<16xi32>
        %swap3A_413 = vector.shape_cast %get3A_409 : vector<16xi32> to vector<16xi32>
        tpu.vector_store %arg11[%swap3A_410], %swap3A_413 {strides = array<i32>} : memref<128xi32, #tpu.memory_space<vmem>>, vector<16xi32>,
        %add3A_414 = arith.constant 96 : i32
        %add3A_415 = arith.addi %add3A_275, %add3A_414 : i32
        %get3A_416 = arith.index_cast %add3A_415 : i32 to index
        %get3A_417 = tpu.vector_load %arg6[%get3A_416] {strides = array<i32>} : memref<4096xi32, #tpu.memory_space<vmem>>, vector<16xi32>,
        %get3A_418 = vector.shape_cast %get3A_417 : vector<16xi32> to vector<16xi32>
        %mul3A_419 = arith.constant 2 : i32
        %mul3A_420 = vector.broadcast %mul3A_419 : i32 to vector<16xi32>
        %mul3A_421 = arith.muli %get3A_418, %mul3A_420 : vector<16xi32>
        %add3A_422 = vector.broadcast %arg0 : i32 to vector<16xi32>
        %add3A_423 = arith.addi %mul3A_421, %add3A_422 : vector<16xi32>
        %swap3A_424 = arith.constant 96 : index
        %swap3A_425 = tpu.vector_load %arg9[%swap3A_424] {strides = array<i32>} : memref<128xi32, #tpu.memory_space<vmem>>, vector<16xi32>,
        %swap3A_426 = vector.shape_cast %swap3A_425 : vector<16xi32> to vector<16xi32>
        %swap3A_427 = vector.shape_cast %add3A_423 : vector<16xi32> to vector<16xi32>
        tpu.vector_store %arg9[%swap3A_424], %swap3A_427 {strides = array<i32>} : memref<128xi32, #tpu.memory_space<vmem>>, vector<16xi32>,
        %add3A_428 = arith.constant 96 : i32
        %add3A_429 = arith.addi %add3A_275, %add3A_428 : i32
        %get3A_430 = arith.index_cast %add3A_429 : i32 to index
        %get3A_431 = tpu.vector_load %arg7[%get3A_430] {strides = array<i32>} : memref<4096xi32, #tpu.memory_space<vmem>>, vector<16xi32>,
        %get3A_432 = vector.shape_cast %get3A_431 : vector<16xi32> to vector<16xi32>
        %swap3A_433 = arith.constant 96 : index
        %swap3A_434 = tpu.vector_load %arg11[%swap3A_433] {strides = array<i32>} : memref<128xi32, #tpu.memory_space<vmem>>, vector<16xi32>,
        %swap3A_435 = vector.shape_cast %swap3A_434 : vector<16xi32> to vector<16xi32>
        %swap3A_436 = vector.shape_cast %get3A_432 : vector<16xi32> to vector<16xi32>
        tpu.vector_store %arg11[%swap3A_433], %swap3A_436 {strides = array<i32>} : memref<128xi32, #tpu.memory_space<vmem>>, vector<16xi32>,
        %add3A_437 = arith.constant 112 : i32
        %add3A_438 = arith.addi %add3A_275, %add3A_437 : i32
        %get3A_439 = arith.index_cast %add3A_438 : i32 to index
        %get3A_440 = tpu.vector_load %arg6[%get3A_439] {strides = array<i32>} : memref<4096xi32, #tpu.memory_space<vmem>>, vector<16xi32>,
        %get3A_441 = vector.shape_cast %get3A_440 : vector<16xi32> to vector<16xi32>
        %mul3A_442 = arith.constant 2 : i32
        %mul3A_443 = vector.broadcast %mul3A_442 : i32 to vector<16xi32>
        %mul3A_444 = arith.muli %get3A_441, %mul3A_443 : vector<16xi32>
        %add3A_445 = vector.broadcast %arg0 : i32 to vector<16xi32>
        %add3A_446 = arith.addi %mul3A_444, %add3A_445 : vector<16xi32>
        %swap3A_447 = arith.constant 112 : index
        %swap3A_448 = tpu.vector_load %arg9[%swap3A_447] {strides = array<i32>} : memref<128xi32, #tpu.memory_space<vmem>>, vector<16xi32>,
        %swap3A_449 = vector.shape_cast %swap3A_448 : vector<16xi32> to vector<16xi32>
        %swap3A_450 = vector.shape_cast %add3A_446 : vector<16xi32> to vector<16xi32>
        tpu.vector_store %arg9[%swap3A_447], %swap3A_450 {strides = array<i32>} : memref<128xi32, #tpu.memory_space<vmem>>, vector<16xi32>,
        %add3A_451 = arith.constant 112 : i32
        %add3A_452 = arith.addi %add3A_275, %add3A_451 : i32
        %get3A_453 = arith.index_cast %add3A_452 : i32 to index
        %get3A_454 = tpu.vector_load %arg7[%get3A_453] {strides = array<i32>} : memref<4096xi32, #tpu.memory_space<vmem>>, vector<16xi32>,
        %get3A_455 = vector.shape_cast %get3A_454 : vector<16xi32> to vector<16xi32>
        %swap3A_456 = arith.constant 112 : index
        %swap3A_457 = tpu.vector_load %arg11[%swap3A_456] {strides = array<i32>} : memref<128xi32, #tpu.memory_space<vmem>>, vector<16xi32>,
        %swap3A_458 = vector.shape_cast %swap3A_457 : vector<16xi32> to vector<16xi32>
        %swap3A_459 = vector.shape_cast %get3A_455 : vector<16xi32> to vector<16xi32>
        tpu.vector_store %arg11[%swap3A_456], %swap3A_459 {strides = array<i32>} : memref<128xi32, #tpu.memory_space<vmem>>, vector<16xi32>,
        %dma_start3A_460 = arith.constant 0 : i32
        %dma_start3A_461 = arith.constant 0 : i32
        %dma_start3A_462 = tpu.memref_slice %arg2[%dma_start3A_460, %dma_start3A_461] : memref<20480x80xf32, #tpu.memory_space<hbm>> -> memref<20480x80xf32, #tpu.memory_space<hbm>>
        tpu.enqueue_indirect_dma source(%dma_start3A_462 : memref<20480x80xf32, #tpu.memory_space<hbm>>) target(%arg13 : memref<128x80xf32, #tpu.memory_space<vmem>>) offsets(%arg9 : memref<128xi32, #tpu.memory_space<vmem>>) semaphore(%arg16 : memref<!tpu.dma_semaphore, #tpu.memory_space<semaphore_mem>>)
      } else {
      }
      %eq3A_244 = arith.constant 1 : i32
      %eq3A_245 = arith.cmpi eq, %rem3A_230, %eq3A_244 : i32
      %lt3A_246 = arith.cmpi slt, %add3A_232, %select_n3A : i32
      %and3A_247 = arith.andi %eq3A_245, %lt3A_246 : i1
      %convert_element_type3A_248 = arith.extui %and3A_247 : i1 to i32
      %cond3A_249 = arith.constant 0 : i32
      %cond3A_250 = arith.cmpi ne, %convert_element_type3A_248, %cond3A_249 : i32
      scf.if %cond3A_250 {
        %ge3A_261 = arith.constant 1 : i32
        %ge3A_262 = arith.cmpi sge, %while3A_229, %ge3A_261 : i32
        %convert_element_type3A_263 = arith.extui %ge3A_262 : i1 to i32
        %cond3A_264 = arith.constant 0 : i32
        %cond3A_265 = arith.cmpi ne, %convert_element_type3A_263, %cond3A_264 : i32
        scf.if %cond3A_265 {
          %dma_wait3A_463 = arith.constant 0 : i32
          %dma_wait3A_464 = arith.constant 0 : i32
          %dma_wait3A_465 = tpu.memref_slice %arg14[%dma_wait3A_463, %dma_wait3A_464] : memref<10240x80xf32, #tpu.memory_space<vmem_shared>> -> memref<10240x80xf32, #tpu.memory_space<vmem_shared>>
          tpu.wait_indirect_dma semaphore(%arg17 : memref<!tpu.dma_semaphore, #tpu.memory_space<semaphore_mem>>) src(%arg12 : memref<128x80xf32, #tpu.memory_space<vmem>>) dst(%dma_wait3A_465 : memref<10240x80xf32, #tpu.memory_space<vmem_shared>>)
        } else {
        }
        %sub3A_266 = arith.subi %add3A_232, %rem3A_234 : i32
        %mul3A_267 = arith.constant 128 : i32
        %mul3A_268 = arith.muli %sub3A_266, %mul3A_267 : i32
        %add3A_269 = arith.addi %mul3A_17, %mul3A_268 : i32
        %min3A_270 = arith.constant 315904 : i32
        %min3A_271 = arith.minsi %add3A_269, %min3A_270 : i32
        %sub3A_272 = arith.subi %add3A_269, %min3A_271 : i32
        %mul3A_273 = arith.constant 128 : i32
        %mul3A_274 = arith.muli %rem3A_234, %mul3A_273 : i32
        %add3A_275 = arith.addi %mul3A_274, %sub3A_272 : i32
        %add3A_276 = arith.constant 0 : i32
        %add3A_277 = arith.addi %add3A_275, %add3A_276 : i32
        %get3A_278 = arith.index_cast %add3A_277 : i32 to index
        %get3A_279 = tpu.vector_load %arg6[%get3A_278] {strides = array<i32>} : memref<4096xi32, #tpu.memory_space<vmem>>, vector<16xi32>,
        %get3A_280 = vector.shape_cast %get3A_279 : vector<16xi32> to vector<16xi32>
        %mul3A_281 = arith.constant 2 : i32
        %mul3A_282 = vector.broadcast %mul3A_281 : i32 to vector<16xi32>
        %mul3A_283 = arith.muli %get3A_280, %mul3A_282 : vector<16xi32>
        %add3A_284 = vector.broadcast %arg0 : i32 to vector<16xi32>
        %add3A_285 = arith.addi %mul3A_283, %add3A_284 : vector<16xi32>
        %swap3A_286 = arith.constant 0 : index
        %swap3A_287 = tpu.vector_load %arg8[%swap3A_286] {strides = array<i32>} : memref<128xi32, #tpu.memory_space<vmem>>, vector<16xi32>,
        %swap3A_288 = vector.shape_cast %swap3A_287 : vector<16xi32> to vector<16xi32>
        %swap3A_289 = vector.shape_cast %add3A_285 : vector<16xi32> to vector<16xi32>
        tpu.vector_store %arg8[%swap3A_286], %swap3A_289 {strides = array<i32>} : memref<128xi32, #tpu.memory_space<vmem>>, vector<16xi32>,
        %add3A_290 = arith.constant 0 : i32
        %add3A_291 = arith.addi %add3A_275, %add3A_290 : i32
        %get3A_292 = arith.index_cast %add3A_291 : i32 to index
        %get3A_293 = tpu.vector_load %arg7[%get3A_292] {strides = array<i32>} : memref<4096xi32, #tpu.memory_space<vmem>>, vector<16xi32>,
        %get3A_294 = vector.shape_cast %get3A_293 : vector<16xi32> to vector<16xi32>
        %swap3A_295 = arith.constant 0 : index
        %swap3A_296 = tpu.vector_load %arg10[%swap3A_295] {strides = array<i32>} : memref<128xi32, #tpu.memory_space<vmem>>, vector<16xi32>,
        %swap3A_297 = vector.shape_cast %swap3A_296 : vector<16xi32> to vector<16xi32>
        %swap3A_298 = vector.shape_cast %get3A_294 : vector<16xi32> to vector<16xi32>
        tpu.vector_store %arg10[%swap3A_295], %swap3A_298 {strides = array<i32>} : memref<128xi32, #tpu.memory_space<vmem>>, vector<16xi32>,
        %add3A_299 = arith.constant 16 : i32
        %add3A_300 = arith.addi %add3A_275, %add3A_299 : i32
        %get3A_301 = arith.index_cast %add3A_300 : i32 to index
        %get3A_302 = tpu.vector_load %arg6[%get3A_301] {strides = array<i32>} : memref<4096xi32, #tpu.memory_space<vmem>>, vector<16xi32>,
        %get3A_303 = vector.shape_cast %get3A_302 : vector<16xi32> to vector<16xi32>
        %mul3A_304 = arith.constant 2 : i32
        %mul3A_305 = vector.broadcast %mul3A_304 : i32 to vector<16xi32>
        %mul3A_306 = arith.muli %get3A_303, %mul3A_305 : vector<16xi32>
        %add3A_307 = vector.broadcast %arg0 : i32 to vector<16xi32>
        %add3A_308 = arith.addi %mul3A_306, %add3A_307 : vector<16xi32>
        %swap3A_309 = arith.constant 16 : index
        %swap3A_310 = tpu.vector_load %arg8[%swap3A_309] {strides = array<i32>} : memref<128xi32, #tpu.memory_space<vmem>>, vector<16xi32>,
        %swap3A_311 = vector.shape_cast %swap3A_310 : vector<16xi32> to vector<16xi32>
        %swap3A_312 = vector.shape_cast %add3A_308 : vector<16xi32> to vector<16xi32>
        tpu.vector_store %arg8[%swap3A_309], %swap3A_312 {strides = array<i32>} : memref<128xi32, #tpu.memory_space<vmem>>, vector<16xi32>,
        %add3A_313 = arith.constant 16 : i32
        %add3A_314 = arith.addi %add3A_275, %add3A_313 : i32
        %get3A_315 = arith.index_cast %add3A_314 : i32 to index
        %get3A_316 = tpu.vector_load %arg7[%get3A_315] {strides = array<i32>} : memref<4096xi32, #tpu.memory_space<vmem>>, vector<16xi32>,
        %get3A_317 = vector.shape_cast %get3A_316 : vector<16xi32> to vector<16xi32>
        %swap3A_318 = arith.constant 16 : index
        %swap3A_319 = tpu.vector_load %arg10[%swap3A_318] {strides = array<i32>} : memref<128xi32, #tpu.memory_space<vmem>>, vector<16xi32>,
        %swap3A_320 = vector.shape_cast %swap3A_319 : vector<16xi32> to vector<16xi32>
        %swap3A_321 = vector.shape_cast %get3A_317 : vector<16xi32> to vector<16xi32>
        tpu.vector_store %arg10[%swap3A_318], %swap3A_321 {strides = array<i32>} : memref<128xi32, #tpu.memory_space<vmem>>, vector<16xi32>,
        %add3A_322 = arith.constant 32 : i32
        %add3A_323 = arith.addi %add3A_275, %add3A_322 : i32
        %get3A_324 = arith.index_cast %add3A_323 : i32 to index
        %get3A_325 = tpu.vector_load %arg6[%get3A_324] {strides = array<i32>} : memref<4096xi32, #tpu.memory_space<vmem>>, vector<16xi32>,
        %get3A_326 = vector.shape_cast %get3A_325 : vector<16xi32> to vector<16xi32>
        %mul3A_327 = arith.constant 2 : i32
        %mul3A_328 = vector.broadcast %mul3A_327 : i32 to vector<16xi32>
        %mul3A_329 = arith.muli %get3A_326, %mul3A_328 : vector<16xi32>
        %add3A_330 = vector.broadcast %arg0 : i32 to vector<16xi32>
        %add3A_331 = arith.addi %mul3A_329, %add3A_330 : vector<16xi32>
        %swap3A_332 = arith.constant 32 : index
        %swap3A_333 = tpu.vector_load %arg8[%swap3A_332] {strides = array<i32>} : memref<128xi32, #tpu.memory_space<vmem>>, vector<16xi32>,
        %swap3A_334 = vector.shape_cast %swap3A_333 : vector<16xi32> to vector<16xi32>
        %swap3A_335 = vector.shape_cast %add3A_331 : vector<16xi32> to vector<16xi32>
        tpu.vector_store %arg8[%swap3A_332], %swap3A_335 {strides = array<i32>} : memref<128xi32, #tpu.memory_space<vmem>>, vector<16xi32>,
        %add3A_336 = arith.constant 32 : i32
        %add3A_337 = arith.addi %add3A_275, %add3A_336 : i32
        %get3A_338 = arith.index_cast %add3A_337 : i32 to index
        %get3A_339 = tpu.vector_load %arg7[%get3A_338] {strides = array<i32>} : memref<4096xi32, #tpu.memory_space<vmem>>, vector<16xi32>,
        %get3A_340 = vector.shape_cast %get3A_339 : vector<16xi32> to vector<16xi32>
        %swap3A_341 = arith.constant 32 : index
        %swap3A_342 = tpu.vector_load %arg10[%swap3A_341] {strides = array<i32>} : memref<128xi32, #tpu.memory_space<vmem>>, vector<16xi32>,
        %swap3A_343 = vector.shape_cast %swap3A_342 : vector<16xi32> to vector<16xi32>
        %swap3A_344 = vector.shape_cast %get3A_340 : vector<16xi32> to vector<16xi32>
        tpu.vector_store %arg10[%swap3A_341], %swap3A_344 {strides = array<i32>} : memref<128xi32, #tpu.memory_space<vmem>>, vector<16xi32>,
        %add3A_345 = arith.constant 48 : i32
        %add3A_346 = arith.addi %add3A_275, %add3A_345 : i32
        %get3A_347 = arith.index_cast %add3A_346 : i32 to index
        %get3A_348 = tpu.vector_load %arg6[%get3A_347] {strides = array<i32>} : memref<4096xi32, #tpu.memory_space<vmem>>, vector<16xi32>,
        %get3A_349 = vector.shape_cast %get3A_348 : vector<16xi32> to vector<16xi32>
        %mul3A_350 = arith.constant 2 : i32
        %mul3A_351 = vector.broadcast %mul3A_350 : i32 to vector<16xi32>
        %mul3A_352 = arith.muli %get3A_349, %mul3A_351 : vector<16xi32>
        %add3A_353 = vector.broadcast %arg0 : i32 to vector<16xi32>
        %add3A_354 = arith.addi %mul3A_352, %add3A_353 : vector<16xi32>
        %swap3A_355 = arith.constant 48 : index
        %swap3A_356 = tpu.vector_load %arg8[%swap3A_355] {strides = array<i32>} : memref<128xi32, #tpu.memory_space<vmem>>, vector<16xi32>,
        %swap3A_357 = vector.shape_cast %swap3A_356 : vector<16xi32> to vector<16xi32>
        %swap3A_358 = vector.shape_cast %add3A_354 : vector<16xi32> to vector<16xi32>
        tpu.vector_store %arg8[%swap3A_355], %swap3A_358 {strides = array<i32>} : memref<128xi32, #tpu.memory_space<vmem>>, vector<16xi32>,
        %add3A_359 = arith.constant 48 : i32
        %add3A_360 = arith.addi %add3A_275, %add3A_359 : i32
        %get3A_361 = arith.index_cast %add3A_360 : i32 to index
        %get3A_362 = tpu.vector_load %arg7[%get3A_361] {strides = array<i32>} : memref<4096xi32, #tpu.memory_space<vmem>>, vector<16xi32>,
        %get3A_363 = vector.shape_cast %get3A_362 : vector<16xi32> to vector<16xi32>
        %swap3A_364 = arith.constant 48 : index
        %swap3A_365 = tpu.vector_load %arg10[%swap3A_364] {strides = array<i32>} : memref<128xi32, #tpu.memory_space<vmem>>, vector<16xi32>,
        %swap3A_366 = vector.shape_cast %swap3A_365 : vector<16xi32> to vector<16xi32>
        %swap3A_367 = vector.shape_cast %get3A_363 : vector<16xi32> to vector<16xi32>
        tpu.vector_store %arg10[%swap3A_364], %swap3A_367 {strides = array<i32>} : memref<128xi32, #tpu.memory_space<vmem>>, vector<16xi32>,
        %add3A_368 = arith.constant 64 : i32
        %add3A_369 = arith.addi %add3A_275, %add3A_368 : i32
        %get3A_370 = arith.index_cast %add3A_369 : i32 to index
        %get3A_371 = tpu.vector_load %arg6[%get3A_370] {strides = array<i32>} : memref<4096xi32, #tpu.memory_space<vmem>>, vector<16xi32>,
        %get3A_372 = vector.shape_cast %get3A_371 : vector<16xi32> to vector<16xi32>
        %mul3A_373 = arith.constant 2 : i32
        %mul3A_374 = vector.broadcast %mul3A_373 : i32 to vector<16xi32>
        %mul3A_375 = arith.muli %get3A_372, %mul3A_374 : vector<16xi32>
        %add3A_376 = vector.broadcast %arg0 : i32 to vector<16xi32>
        %add3A_377 = arith.addi %mul3A_375, %add3A_376 : vector<16xi32>
        %swap3A_378 = arith.constant 64 : index
        %swap3A_379 = tpu.vector_load %arg8[%swap3A_378] {strides = array<i32>} : memref<128xi32, #tpu.memory_space<vmem>>, vector<16xi32>,
        %swap3A_380 = vector.shape_cast %swap3A_379 : vector<16xi32> to vector<16xi32>
        %swap3A_381 = vector.shape_cast %add3A_377 : vector<16xi32> to vector<16xi32>
        tpu.vector_store %arg8[%swap3A_378], %swap3A_381 {strides = array<i32>} : memref<128xi32, #tpu.memory_space<vmem>>, vector<16xi32>,
        %add3A_382 = arith.constant 64 : i32
        %add3A_383 = arith.addi %add3A_275, %add3A_382 : i32
        %get3A_384 = arith.index_cast %add3A_383 : i32 to index
        %get3A_385 = tpu.vector_load %arg7[%get3A_384] {strides = array<i32>} : memref<4096xi32, #tpu.memory_space<vmem>>, vector<16xi32>,
        %get3A_386 = vector.shape_cast %get3A_385 : vector<16xi32> to vector<16xi32>
        %swap3A_387 = arith.constant 64 : index
        %swap3A_388 = tpu.vector_load %arg10[%swap3A_387] {strides = array<i32>} : memref<128xi32, #tpu.memory_space<vmem>>, vector<16xi32>,
        %swap3A_389 = vector.shape_cast %swap3A_388 : vector<16xi32> to vector<16xi32>
        %swap3A_390 = vector.shape_cast %get3A_386 : vector<16xi32> to vector<16xi32>
        tpu.vector_store %arg10[%swap3A_387], %swap3A_390 {strides = array<i32>} : memref<128xi32, #tpu.memory_space<vmem>>, vector<16xi32>,
        %add3A_391 = arith.constant 80 : i32
        %add3A_392 = arith.addi %add3A_275, %add3A_391 : i32
        %get3A_393 = arith.index_cast %add3A_392 : i32 to index
        %get3A_394 = tpu.vector_load %arg6[%get3A_393] {strides = array<i32>} : memref<4096xi32, #tpu.memory_space<vmem>>, vector<16xi32>,
        %get3A_395 = vector.shape_cast %get3A_394 : vector<16xi32> to vector<16xi32>
        %mul3A_396 = arith.constant 2 : i32
        %mul3A_397 = vector.broadcast %mul3A_396 : i32 to vector<16xi32>
        %mul3A_398 = arith.muli %get3A_395, %mul3A_397 : vector<16xi32>
        %add3A_399 = vector.broadcast %arg0 : i32 to vector<16xi32>
        %add3A_400 = arith.addi %mul3A_398, %add3A_399 : vector<16xi32>
        %swap3A_401 = arith.constant 80 : index
        %swap3A_402 = tpu.vector_load %arg8[%swap3A_401] {strides = array<i32>} : memref<128xi32, #tpu.memory_space<vmem>>, vector<16xi32>,
        %swap3A_403 = vector.shape_cast %swap3A_402 : vector<16xi32> to vector<16xi32>
        %swap3A_404 = vector.shape_cast %add3A_400 : vector<16xi32> to vector<16xi32>
        tpu.vector_store %arg8[%swap3A_401], %swap3A_404 {strides = array<i32>} : memref<128xi32, #tpu.memory_space<vmem>>, vector<16xi32>,
        %add3A_405 = arith.constant 80 : i32
        %add3A_406 = arith.addi %add3A_275, %add3A_405 : i32
        %get3A_407 = arith.index_cast %add3A_406 : i32 to index
        %get3A_408 = tpu.vector_load %arg7[%get3A_407] {strides = array<i32>} : memref<4096xi32, #tpu.memory_space<vmem>>, vector<16xi32>,
        %get3A_409 = vector.shape_cast %get3A_408 : vector<16xi32> to vector<16xi32>
        %swap3A_410 = arith.constant 80 : index
        %swap3A_411 = tpu.vector_load %arg10[%swap3A_410] {strides = array<i32>} : memref<128xi32, #tpu.memory_space<vmem>>, vector<16xi32>,
        %swap3A_412 = vector.shape_cast %swap3A_411 : vector<16xi32> to vector<16xi32>
        %swap3A_413 = vector.shape_cast %get3A_409 : vector<16xi32> to vector<16xi32>
        tpu.vector_store %arg10[%swap3A_410], %swap3A_413 {strides = array<i32>} : memref<128xi32, #tpu.memory_space<vmem>>, vector<16xi32>,
        %add3A_414 = arith.constant 96 : i32
        %add3A_415 = arith.addi %add3A_275, %add3A_414 : i32
        %get3A_416 = arith.index_cast %add3A_415 : i32 to index
        %get3A_417 = tpu.vector_load %arg6[%get3A_416] {strides = array<i32>} : memref<4096xi32, #tpu.memory_space<vmem>>, vector<16xi32>,
        %get3A_418 = vector.shape_cast %get3A_417 : vector<16xi32> to vector<16xi32>
        %mul3A_419 = arith.constant 2 : i32
        %mul3A_420 = vector.broadcast %mul3A_419 : i32 to vector<16xi32>
        %mul3A_421 = arith.muli %get3A_418, %mul3A_420 : vector<16xi32>
        %add3A_422 = vector.broadcast %arg0 : i32 to vector<16xi32>
        %add3A_423 = arith.addi %mul3A_421, %add3A_422 : vector<16xi32>
        %swap3A_424 = arith.constant 96 : index
        %swap3A_425 = tpu.vector_load %arg8[%swap3A_424] {strides = array<i32>} : memref<128xi32, #tpu.memory_space<vmem>>, vector<16xi32>,
        %swap3A_426 = vector.shape_cast %swap3A_425 : vector<16xi32> to vector<16xi32>
        %swap3A_427 = vector.shape_cast %add3A_423 : vector<16xi32> to vector<16xi32>
        tpu.vector_store %arg8[%swap3A_424], %swap3A_427 {strides = array<i32>} : memref<128xi32, #tpu.memory_space<vmem>>, vector<16xi32>,
        %add3A_428 = arith.constant 96 : i32
        %add3A_429 = arith.addi %add3A_275, %add3A_428 : i32
        %get3A_430 = arith.index_cast %add3A_429 : i32 to index
        %get3A_431 = tpu.vector_load %arg7[%get3A_430] {strides = array<i32>} : memref<4096xi32, #tpu.memory_space<vmem>>, vector<16xi32>,
        %get3A_432 = vector.shape_cast %get3A_431 : vector<16xi32> to vector<16xi32>
        %swap3A_433 = arith.constant 96 : index
        %swap3A_434 = tpu.vector_load %arg10[%swap3A_433] {strides = array<i32>} : memref<128xi32, #tpu.memory_space<vmem>>, vector<16xi32>,
        %swap3A_435 = vector.shape_cast %swap3A_434 : vector<16xi32> to vector<16xi32>
        %swap3A_436 = vector.shape_cast %get3A_432 : vector<16xi32> to vector<16xi32>
        tpu.vector_store %arg10[%swap3A_433], %swap3A_436 {strides = array<i32>} : memref<128xi32, #tpu.memory_space<vmem>>, vector<16xi32>,
        %add3A_437 = arith.constant 112 : i32
        %add3A_438 = arith.addi %add3A_275, %add3A_437 : i32
        %get3A_439 = arith.index_cast %add3A_438 : i32 to index
        %get3A_440 = tpu.vector_load %arg6[%get3A_439] {strides = array<i32>} : memref<4096xi32, #tpu.memory_space<vmem>>, vector<16xi32>,
        %get3A_441 = vector.shape_cast %get3A_440 : vector<16xi32> to vector<16xi32>
        %mul3A_442 = arith.constant 2 : i32
        %mul3A_443 = vector.broadcast %mul3A_442 : i32 to vector<16xi32>
        %mul3A_444 = arith.muli %get3A_441, %mul3A_443 : vector<16xi32>
        %add3A_445 = vector.broadcast %arg0 : i32 to vector<16xi32>
        %add3A_446 = arith.addi %mul3A_444, %add3A_445 : vector<16xi32>
        %swap3A_447 = arith.constant 112 : index
        %swap3A_448 = tpu.vector_load %arg8[%swap3A_447] {strides = array<i32>} : memref<128xi32, #tpu.memory_space<vmem>>, vector<16xi32>,
        %swap3A_449 = vector.shape_cast %swap3A_448 : vector<16xi32> to vector<16xi32>
        %swap3A_450 = vector.shape_cast %add3A_446 : vector<16xi32> to vector<16xi32>
        tpu.vector_store %arg8[%swap3A_447], %swap3A_450 {strides = array<i32>} : memref<128xi32, #tpu.memory_space<vmem>>, vector<16xi32>,
        %add3A_451 = arith.constant 112 : i32
        %add3A_452 = arith.addi %add3A_275, %add3A_451 : i32
        %get3A_453 = arith.index_cast %add3A_452 : i32 to index
        %get3A_454 = tpu.vector_load %arg7[%get3A_453] {strides = array<i32>} : memref<4096xi32, #tpu.memory_space<vmem>>, vector<16xi32>,
        %get3A_455 = vector.shape_cast %get3A_454 : vector<16xi32> to vector<16xi32>
        %swap3A_456 = arith.constant 112 : index
        %swap3A_457 = tpu.vector_load %arg10[%swap3A_456] {strides = array<i32>} : memref<128xi32, #tpu.memory_space<vmem>>, vector<16xi32>,
        %swap3A_458 = vector.shape_cast %swap3A_457 : vector<16xi32> to vector<16xi32>
        %swap3A_459 = vector.shape_cast %get3A_455 : vector<16xi32> to vector<16xi32>
        tpu.vector_store %arg10[%swap3A_456], %swap3A_459 {strides = array<i32>} : memref<128xi32, #tpu.memory_space<vmem>>, vector<16xi32>,
        %dma_start3A_460 = arith.constant 0 : i32
        %dma_start3A_461 = arith.constant 0 : i32
        %dma_start3A_462 = tpu.memref_slice %arg2[%dma_start3A_460, %dma_start3A_461] : memref<20480x80xf32, #tpu.memory_space<hbm>> -> memref<20480x80xf32, #tpu.memory_space<hbm>>
        tpu.enqueue_indirect_dma source(%dma_start3A_462 : memref<20480x80xf32, #tpu.memory_space<hbm>>) target(%arg12 : memref<128x80xf32, #tpu.memory_space<vmem>>) offsets(%arg8 : memref<128xi32, #tpu.memory_space<vmem>>) semaphore(%arg15 : memref<!tpu.dma_semaphore, #tpu.memory_space<semaphore_mem>>)
      } else {
      }
      %eq3A_251 = arith.constant 0 : i32
      %eq3A_252 = arith.cmpi eq, %rem3A_230, %eq3A_251 : i32
      %convert_element_type3A_253 = arith.extui %eq3A_252 : i1 to i32
      %cond3A_254 = arith.constant 0 : i32
      %cond3A_255 = arith.cmpi ne, %convert_element_type3A_253, %cond3A_254 : i32
      scf.if %cond3A_255 {
        %dma_wait3A_261 = arith.constant 0 : i32
        %dma_wait3A_262 = arith.constant 0 : i32
        %dma_wait3A_263 = tpu.memref_slice %arg2[%dma_wait3A_261, %dma_wait3A_262] : memref<20480x80xf32, #tpu.memory_space<hbm>> -> memref<20480x80xf32, #tpu.memory_space<hbm>>
        tpu.wait_indirect_dma semaphore(%arg15 : memref<!tpu.dma_semaphore, #tpu.memory_space<semaphore_mem>>) src(%dma_wait3A_263 : memref<20480x80xf32, #tpu.memory_space<hbm>>) dst(%arg12 : memref<128x80xf32, #tpu.memory_space<vmem>>)
        %dma_start3A_264 = arith.constant 0 : i32
        %dma_start3A_265 = arith.constant 0 : i32
        %dma_start3A_266 = tpu.memref_slice %arg14[%dma_start3A_264, %dma_start3A_265] : memref<10240x80xf32, #tpu.memory_space<vmem_shared>> -> memref<10240x80xf32, #tpu.memory_space<vmem_shared>>
        tpu.enqueue_indirect_dma source(%arg12 : memref<128x80xf32, #tpu.memory_space<vmem>>) target(%dma_start3A_266 : memref<10240x80xf32, #tpu.memory_space<vmem_shared>>) offsets(%arg10 : memref<128xi32, #tpu.memory_space<vmem>>) semaphore(%arg17 : memref<!tpu.dma_semaphore, #tpu.memory_space<semaphore_mem>>) {add = true}
      } else {
      }
      %eq3A_256 = arith.constant 1 : i32
      %eq3A_257 = arith.cmpi eq, %rem3A_230, %eq3A_256 : i32
      %convert_element_type3A_258 = arith.extui %eq3A_257 : i1 to i32
      %cond3A_259 = arith.constant 0 : i32
      %cond3A_260 = arith.cmpi ne, %convert_element_type3A_258, %cond3A_259 : i32
      scf.if %cond3A_260 {
        %dma_wait3A_261 = arith.constant 0 : i32
        %dma_wait3A_262 = arith.constant 0 : i32
        %dma_wait3A_263 = tpu.memref_slice %arg2[%dma_wait3A_261, %dma_wait3A_262] : memref<20480x80xf32, #tpu.memory_space<hbm>> -> memref<20480x80xf32, #tpu.memory_space<hbm>>
        tpu.wait_indirect_dma semaphore(%arg16 : memref<!tpu.dma_semaphore, #tpu.memory_space<semaphore_mem>>) src(%dma_wait3A_263 : memref<20480x80xf32, #tpu.memory_space<hbm>>) dst(%arg13 : memref<128x80xf32, #tpu.memory_space<vmem>>)
        %dma_start3A_264 = arith.constant 0 : i32
        %dma_start3A_265 = arith.constant 0 : i32
        %dma_start3A_266 = tpu.memref_slice %arg14[%dma_start3A_264, %dma_start3A_265] : memref<10240x80xf32, #tpu.memory_space<vmem_shared>> -> memref<10240x80xf32, #tpu.memory_space<vmem_shared>>
        tpu.enqueue_indirect_dma source(%arg13 : memref<128x80xf32, #tpu.memory_space<vmem>>) target(%dma_start3A_266 : memref<10240x80xf32, #tpu.memory_space<vmem_shared>>) offsets(%arg11 : memref<128xi32, #tpu.memory_space<vmem>>) semaphore(%arg18 : memref<!tpu.dma_semaphore, #tpu.memory_space<semaphore_mem>>) {add = true}
      } else {
      }
    }
    %while3A_219 = arith.constant 1 : i32
    scf.for %while3A_229 = %while3A_217 to %while3A_213 step %while3A_219  : i32 {
      %rem3A = arith.constant 2 : i32
      %rem3A_230 = arith.remsi %while3A_229, %rem3A : i32
      %add3A_231 = arith.constant 1 : i32
      %add3A_232 = arith.addi %while3A_229, %add3A_231 : i32
      %rem3A_233 = arith.constant 32 : i32
      %rem3A_234 = arith.remsi %add3A_232, %rem3A_233 : i32
      %eq3A = arith.constant 0 : i32
      %eq3A_235 = arith.cmpi eq, %rem3A_234, %eq3A : i32
      %lt3A = arith.cmpi slt, %add3A_232, %select_n3A : i32
      %and3A = arith.andi %eq3A_235, %lt3A : i1
      %convert_element_type3A = arith.extui %and3A : i1 to i32
      %cond3A = arith.constant 0 : i32
      %cond3A_236 = arith.cmpi ne, %convert_element_type3A, %cond3A : i32
      scf.if %cond3A_236 {
        %mul3A_261 = arith.constant 128 : i32
        %mul3A_262 = arith.muli %add3A_232, %mul3A_261 : i32
        %add3A_263 = arith.addi %mul3A_17, %mul3A_262 : i32
        %min3A_264 = arith.constant 315904 : i32
        %min3A_265 = arith.minsi %add3A_263, %min3A_264 : i32
        "tpu.region"() ({
          %run_scoped3A = tpu.sem_alloc : memref<!tpu.dma_semaphore, #tpu.memory_space<semaphore_mem>>
          %dma_start3A_266 = tpu.memref_slice %arg3[%min3A_265] : memref<320000xi32, #tpu.memory_space<hbm>> -> memref<4096xi32, #tpu.memory_space<hbm>>
          %dma_start3A_267 = tpu.memref_slice %arg3[%min3A_265] : memref<320000xi32, #tpu.memory_space<hbm>> -> memref<4096xi32, #tpu.memory_space<hbm>>
          tpu.enqueue_dma source(%dma_start3A_267 : memref<4096xi32, #tpu.memory_space<hbm>>) target(%arg6 : memref<4096xi32, #tpu.memory_space<vmem>>) target_semaphore(%run_scoped3A : memref<!tpu.dma_semaphore, #tpu.memory_space<semaphore_mem>>)
          %dma_wait3A_268 = tpu.memref_slice %arg3[%min3A_265] : memref<320000xi32, #tpu.memory_space<hbm>> -> memref<4096xi32, #tpu.memory_space<hbm>>
          %dma_wait3A_269 = tpu.memref_slice %arg3[%min3A_265] : memref<320000xi32, #tpu.memory_space<hbm>> -> memref<4096xi32, #tpu.memory_space<hbm>>
          tpu.wait_dma2 semaphore(%run_scoped3A : memref<!tpu.dma_semaphore, #tpu.memory_space<semaphore_mem>>) src(%dma_wait3A_269 : memref<4096xi32, #tpu.memory_space<hbm>>) dst(%arg6 : memref<4096xi32, #tpu.memory_space<vmem>>)
          tpu.yield
        }) : () -> ()
        "tpu.region"() ({
          %run_scoped3A = tpu.sem_alloc : memref<!tpu.dma_semaphore, #tpu.memory_space<semaphore_mem>>
          %dma_start3A_266 = tpu.memref_slice %arg4[%min3A_265] : memref<320000xi32, #tpu.memory_space<hbm>> -> memref<4096xi32, #tpu.memory_space<hbm>>
          %dma_start3A_267 = tpu.memref_slice %arg4[%min3A_265] : memref<320000xi32, #tpu.memory_space<hbm>> -> memref<4096xi32, #tpu.memory_space<hbm>>
          tpu.enqueue_dma source(%dma_start3A_267 : memref<4096xi32, #tpu.memory_space<hbm>>) target(%arg7 : memref<4096xi32, #tpu.memory_space<vmem>>) target_semaphore(%run_scoped3A : memref<!tpu.dma_semaphore, #tpu.memory_space<semaphore_mem>>)
          %dma_wait3A_268 = tpu.memref_slice %arg4[%min3A_265] : memref<320000xi32, #tpu.memory_space<hbm>> -> memref<4096xi32, #tpu.memory_space<hbm>>
          %dma_wait3A_269 = tpu.memref_slice %arg4[%min3A_265] : memref<320000xi32, #tpu.memory_space<hbm>> -> memref<4096xi32, #tpu.memory_space<hbm>>
          tpu.wait_dma2 semaphore(%run_scoped3A : memref<!tpu.dma_semaphore, #tpu.memory_space<semaphore_mem>>) src(%dma_wait3A_269 : memref<4096xi32, #tpu.memory_space<hbm>>) dst(%arg7 : memref<4096xi32, #tpu.memory_space<vmem>>)
          tpu.yield
        }) : () -> ()
      } else {
      }
      %eq3A_237 = arith.constant 0 : i32
      %eq3A_238 = arith.cmpi eq, %rem3A_230, %eq3A_237 : i32
      %lt3A_239 = arith.cmpi slt, %add3A_232, %select_n3A : i32
      %and3A_240 = arith.andi %eq3A_238, %lt3A_239 : i1
      %convert_element_type3A_241 = arith.extui %and3A_240 : i1 to i32
      %cond3A_242 = arith.constant 0 : i32
      %cond3A_243 = arith.cmpi ne, %convert_element_type3A_241, %cond3A_242 : i32
      scf.if %cond3A_243 {
        %ge3A_261 = arith.constant 1 : i32
        %ge3A_262 = arith.cmpi sge, %while3A_229, %ge3A_261 : i32
        %convert_element_type3A_263 = arith.extui %ge3A_262 : i1 to i32
        %cond3A_264 = arith.constant 0 : i32
        %cond3A_265 = arith.cmpi ne, %convert_element_type3A_263, %cond3A_264 : i32
        scf.if %cond3A_265 {
          %dma_wait3A_463 = arith.constant 0 : i32
          %dma_wait3A_464 = arith.constant 0 : i32
          %dma_wait3A_465 = tpu.memref_slice %arg14[%dma_wait3A_463, %dma_wait3A_464] : memref<10240x80xf32, #tpu.memory_space<vmem_shared>> -> memref<10240x80xf32, #tpu.memory_space<vmem_shared>>
          tpu.wait_indirect_dma semaphore(%arg18 : memref<!tpu.dma_semaphore, #tpu.memory_space<semaphore_mem>>) src(%arg13 : memref<128x80xf32, #tpu.memory_space<vmem>>) dst(%dma_wait3A_465 : memref<10240x80xf32, #tpu.memory_space<vmem_shared>>)
        } else {
        }
        %sub3A_266 = arith.subi %add3A_232, %rem3A_234 : i32
        %mul3A_267 = arith.constant 128 : i32
        %mul3A_268 = arith.muli %sub3A_266, %mul3A_267 : i32
        %add3A_269 = arith.addi %mul3A_17, %mul3A_268 : i32
        %min3A_270 = arith.constant 315904 : i32
        %min3A_271 = arith.minsi %add3A_269, %min3A_270 : i32
        %sub3A_272 = arith.subi %add3A_269, %min3A_271 : i32
        %mul3A_273 = arith.constant 128 : i32
        %mul3A_274 = arith.muli %rem3A_234, %mul3A_273 : i32
        %add3A_275 = arith.addi %mul3A_274, %sub3A_272 : i32
        %add3A_276 = arith.constant 0 : i32
        %add3A_277 = arith.addi %add3A_275, %add3A_276 : i32
        %get3A_278 = arith.index_cast %add3A_277 : i32 to index
        %get3A_279 = tpu.vector_load %arg6[%get3A_278] {strides = array<i32>} : memref<4096xi32, #tpu.memory_space<vmem>>, vector<16xi32>,
        %get3A_280 = vector.shape_cast %get3A_279 : vector<16xi32> to vector<16xi32>
        %mul3A_281 = arith.constant 2 : i32
        %mul3A_282 = vector.broadcast %mul3A_281 : i32 to vector<16xi32>
        %mul3A_283 = arith.muli %get3A_280, %mul3A_282 : vector<16xi32>
        %add3A_284 = vector.broadcast %arg0 : i32 to vector<16xi32>
        %add3A_285 = arith.addi %mul3A_283, %add3A_284 : vector<16xi32>
        %swap3A_286 = arith.constant 0 : index
        %swap3A_287 = tpu.vector_load %arg9[%swap3A_286] {strides = array<i32>} : memref<128xi32, #tpu.memory_space<vmem>>, vector<16xi32>,
        %swap3A_288 = vector.shape_cast %swap3A_287 : vector<16xi32> to vector<16xi32>
        %swap3A_289 = vector.shape_cast %add3A_285 : vector<16xi32> to vector<16xi32>
        tpu.vector_store %arg9[%swap3A_286], %swap3A_289 {strides = array<i32>} : memref<128xi32, #tpu.memory_space<vmem>>, vector<16xi32>,
        %add3A_290 = arith.constant 0 : i32
        %add3A_291 = arith.addi %add3A_275, %add3A_290 : i32
        %get3A_292 = arith.index_cast %add3A_291 : i32 to index
        %get3A_293 = tpu.vector_load %arg7[%get3A_292] {strides = array<i32>} : memref<4096xi32, #tpu.memory_space<vmem>>, vector<16xi32>,
        %get3A_294 = vector.shape_cast %get3A_293 : vector<16xi32> to vector<16xi32>
        %swap3A_295 = arith.constant 0 : index
        %swap3A_296 = tpu.vector_load %arg11[%swap3A_295] {strides = array<i32>} : memref<128xi32, #tpu.memory_space<vmem>>, vector<16xi32>,
        %swap3A_297 = vector.shape_cast %swap3A_296 : vector<16xi32> to vector<16xi32>
        %swap3A_298 = vector.shape_cast %get3A_294 : vector<16xi32> to vector<16xi32>
        tpu.vector_store %arg11[%swap3A_295], %swap3A_298 {strides = array<i32>} : memref<128xi32, #tpu.memory_space<vmem>>, vector<16xi32>,
        %add3A_299 = arith.constant 16 : i32
        %add3A_300 = arith.addi %add3A_275, %add3A_299 : i32
        %get3A_301 = arith.index_cast %add3A_300 : i32 to index
        %get3A_302 = tpu.vector_load %arg6[%get3A_301] {strides = array<i32>} : memref<4096xi32, #tpu.memory_space<vmem>>, vector<16xi32>,
        %get3A_303 = vector.shape_cast %get3A_302 : vector<16xi32> to vector<16xi32>
        %mul3A_304 = arith.constant 2 : i32
        %mul3A_305 = vector.broadcast %mul3A_304 : i32 to vector<16xi32>
        %mul3A_306 = arith.muli %get3A_303, %mul3A_305 : vector<16xi32>
        %add3A_307 = vector.broadcast %arg0 : i32 to vector<16xi32>
        %add3A_308 = arith.addi %mul3A_306, %add3A_307 : vector<16xi32>
        %swap3A_309 = arith.constant 16 : index
        %swap3A_310 = tpu.vector_load %arg9[%swap3A_309] {strides = array<i32>} : memref<128xi32, #tpu.memory_space<vmem>>, vector<16xi32>,
        %swap3A_311 = vector.shape_cast %swap3A_310 : vector<16xi32> to vector<16xi32>
        %swap3A_312 = vector.shape_cast %add3A_308 : vector<16xi32> to vector<16xi32>
        tpu.vector_store %arg9[%swap3A_309], %swap3A_312 {strides = array<i32>} : memref<128xi32, #tpu.memory_space<vmem>>, vector<16xi32>,
        %add3A_313 = arith.constant 16 : i32
        %add3A_314 = arith.addi %add3A_275, %add3A_313 : i32
        %get3A_315 = arith.index_cast %add3A_314 : i32 to index
        %get3A_316 = tpu.vector_load %arg7[%get3A_315] {strides = array<i32>} : memref<4096xi32, #tpu.memory_space<vmem>>, vector<16xi32>,
        %get3A_317 = vector.shape_cast %get3A_316 : vector<16xi32> to vector<16xi32>
        %swap3A_318 = arith.constant 16 : index
        %swap3A_319 = tpu.vector_load %arg11[%swap3A_318] {strides = array<i32>} : memref<128xi32, #tpu.memory_space<vmem>>, vector<16xi32>,
        %swap3A_320 = vector.shape_cast %swap3A_319 : vector<16xi32> to vector<16xi32>
        %swap3A_321 = vector.shape_cast %get3A_317 : vector<16xi32> to vector<16xi32>
        tpu.vector_store %arg11[%swap3A_318], %swap3A_321 {strides = array<i32>} : memref<128xi32, #tpu.memory_space<vmem>>, vector<16xi32>,
        %add3A_322 = arith.constant 32 : i32
        %add3A_323 = arith.addi %add3A_275, %add3A_322 : i32
        %get3A_324 = arith.index_cast %add3A_323 : i32 to index
        %get3A_325 = tpu.vector_load %arg6[%get3A_324] {strides = array<i32>} : memref<4096xi32, #tpu.memory_space<vmem>>, vector<16xi32>,
        %get3A_326 = vector.shape_cast %get3A_325 : vector<16xi32> to vector<16xi32>
        %mul3A_327 = arith.constant 2 : i32
        %mul3A_328 = vector.broadcast %mul3A_327 : i32 to vector<16xi32>
        %mul3A_329 = arith.muli %get3A_326, %mul3A_328 : vector<16xi32>
        %add3A_330 = vector.broadcast %arg0 : i32 to vector<16xi32>
        %add3A_331 = arith.addi %mul3A_329, %add3A_330 : vector<16xi32>
        %swap3A_332 = arith.constant 32 : index
        %swap3A_333 = tpu.vector_load %arg9[%swap3A_332] {strides = array<i32>} : memref<128xi32, #tpu.memory_space<vmem>>, vector<16xi32>,
        %swap3A_334 = vector.shape_cast %swap3A_333 : vector<16xi32> to vector<16xi32>
        %swap3A_335 = vector.shape_cast %add3A_331 : vector<16xi32> to vector<16xi32>
        tpu.vector_store %arg9[%swap3A_332], %swap3A_335 {strides = array<i32>} : memref<128xi32, #tpu.memory_space<vmem>>, vector<16xi32>,
        %add3A_336 = arith.constant 32 : i32
        %add3A_337 = arith.addi %add3A_275, %add3A_336 : i32
        %get3A_338 = arith.index_cast %add3A_337 : i32 to index
        %get3A_339 = tpu.vector_load %arg7[%get3A_338] {strides = array<i32>} : memref<4096xi32, #tpu.memory_space<vmem>>, vector<16xi32>,
        %get3A_340 = vector.shape_cast %get3A_339 : vector<16xi32> to vector<16xi32>
        %swap3A_341 = arith.constant 32 : index
        %swap3A_342 = tpu.vector_load %arg11[%swap3A_341] {strides = array<i32>} : memref<128xi32, #tpu.memory_space<vmem>>, vector<16xi32>,
        %swap3A_343 = vector.shape_cast %swap3A_342 : vector<16xi32> to vector<16xi32>
        %swap3A_344 = vector.shape_cast %get3A_340 : vector<16xi32> to vector<16xi32>
        tpu.vector_store %arg11[%swap3A_341], %swap3A_344 {strides = array<i32>} : memref<128xi32, #tpu.memory_space<vmem>>, vector<16xi32>,
        %add3A_345 = arith.constant 48 : i32
        %add3A_346 = arith.addi %add3A_275, %add3A_345 : i32
        %get3A_347 = arith.index_cast %add3A_346 : i32 to index
        %get3A_348 = tpu.vector_load %arg6[%get3A_347] {strides = array<i32>} : memref<4096xi32, #tpu.memory_space<vmem>>, vector<16xi32>,
        %get3A_349 = vector.shape_cast %get3A_348 : vector<16xi32> to vector<16xi32>
        %mul3A_350 = arith.constant 2 : i32
        %mul3A_351 = vector.broadcast %mul3A_350 : i32 to vector<16xi32>
        %mul3A_352 = arith.muli %get3A_349, %mul3A_351 : vector<16xi32>
        %add3A_353 = vector.broadcast %arg0 : i32 to vector<16xi32>
        %add3A_354 = arith.addi %mul3A_352, %add3A_353 : vector<16xi32>
        %swap3A_355 = arith.constant 48 : index
        %swap3A_356 = tpu.vector_load %arg9[%swap3A_355] {strides = array<i32>} : memref<128xi32, #tpu.memory_space<vmem>>, vector<16xi32>,
        %swap3A_357 = vector.shape_cast %swap3A_356 : vector<16xi32> to vector<16xi32>
        %swap3A_358 = vector.shape_cast %add3A_354 : vector<16xi32> to vector<16xi32>
        tpu.vector_store %arg9[%swap3A_355], %swap3A_358 {strides = array<i32>} : memref<128xi32, #tpu.memory_space<vmem>>, vector<16xi32>,
        %add3A_359 = arith.constant 48 : i32
        %add3A_360 = arith.addi %add3A_275, %add3A_359 : i32
        %get3A_361 = arith.index_cast %add3A_360 : i32 to index
        %get3A_362 = tpu.vector_load %arg7[%get3A_361] {strides = array<i32>} : memref<4096xi32, #tpu.memory_space<vmem>>, vector<16xi32>,
        %get3A_363 = vector.shape_cast %get3A_362 : vector<16xi32> to vector<16xi32>
        %swap3A_364 = arith.constant 48 : index
        %swap3A_365 = tpu.vector_load %arg11[%swap3A_364] {strides = array<i32>} : memref<128xi32, #tpu.memory_space<vmem>>, vector<16xi32>,
        %swap3A_366 = vector.shape_cast %swap3A_365 : vector<16xi32> to vector<16xi32>
        %swap3A_367 = vector.shape_cast %get3A_363 : vector<16xi32> to vector<16xi32>
        tpu.vector_store %arg11[%swap3A_364], %swap3A_367 {strides = array<i32>} : memref<128xi32, #tpu.memory_space<vmem>>, vector<16xi32>,
        %add3A_368 = arith.constant 64 : i32
        %add3A_369 = arith.addi %add3A_275, %add3A_368 : i32
        %get3A_370 = arith.index_cast %add3A_369 : i32 to index
        %get3A_371 = tpu.vector_load %arg6[%get3A_370] {strides = array<i32>} : memref<4096xi32, #tpu.memory_space<vmem>>, vector<16xi32>,
        %get3A_372 = vector.shape_cast %get3A_371 : vector<16xi32> to vector<16xi32>
        %mul3A_373 = arith.constant 2 : i32
        %mul3A_374 = vector.broadcast %mul3A_373 : i32 to vector<16xi32>
        %mul3A_375 = arith.muli %get3A_372, %mul3A_374 : vector<16xi32>
        %add3A_376 = vector.broadcast %arg0 : i32 to vector<16xi32>
        %add3A_377 = arith.addi %mul3A_375, %add3A_376 : vector<16xi32>
        %swap3A_378 = arith.constant 64 : index
        %swap3A_379 = tpu.vector_load %arg9[%swap3A_378] {strides = array<i32>} : memref<128xi32, #tpu.memory_space<vmem>>, vector<16xi32>,
        %swap3A_380 = vector.shape_cast %swap3A_379 : vector<16xi32> to vector<16xi32>
        %swap3A_381 = vector.shape_cast %add3A_377 : vector<16xi32> to vector<16xi32>
        tpu.vector_store %arg9[%swap3A_378], %swap3A_381 {strides = array<i32>} : memref<128xi32, #tpu.memory_space<vmem>>, vector<16xi32>,
        %add3A_382 = arith.constant 64 : i32
        %add3A_383 = arith.addi %add3A_275, %add3A_382 : i32
        %get3A_384 = arith.index_cast %add3A_383 : i32 to index
        %get3A_385 = tpu.vector_load %arg7[%get3A_384] {strides = array<i32>} : memref<4096xi32, #tpu.memory_space<vmem>>, vector<16xi32>,
        %get3A_386 = vector.shape_cast %get3A_385 : vector<16xi32> to vector<16xi32>
        %swap3A_387 = arith.constant 64 : index
        %swap3A_388 = tpu.vector_load %arg11[%swap3A_387] {strides = array<i32>} : memref<128xi32, #tpu.memory_space<vmem>>, vector<16xi32>,
        %swap3A_389 = vector.shape_cast %swap3A_388 : vector<16xi32> to vector<16xi32>
        %swap3A_390 = vector.shape_cast %get3A_386 : vector<16xi32> to vector<16xi32>
        tpu.vector_store %arg11[%swap3A_387], %swap3A_390 {strides = array<i32>} : memref<128xi32, #tpu.memory_space<vmem>>, vector<16xi32>,
        %add3A_391 = arith.constant 80 : i32
        %add3A_392 = arith.addi %add3A_275, %add3A_391 : i32
        %get3A_393 = arith.index_cast %add3A_392 : i32 to index
        %get3A_394 = tpu.vector_load %arg6[%get3A_393] {strides = array<i32>} : memref<4096xi32, #tpu.memory_space<vmem>>, vector<16xi32>,
        %get3A_395 = vector.shape_cast %get3A_394 : vector<16xi32> to vector<16xi32>
        %mul3A_396 = arith.constant 2 : i32
        %mul3A_397 = vector.broadcast %mul3A_396 : i32 to vector<16xi32>
        %mul3A_398 = arith.muli %get3A_395, %mul3A_397 : vector<16xi32>
        %add3A_399 = vector.broadcast %arg0 : i32 to vector<16xi32>
        %add3A_400 = arith.addi %mul3A_398, %add3A_399 : vector<16xi32>
        %swap3A_401 = arith.constant 80 : index
        %swap3A_402 = tpu.vector_load %arg9[%swap3A_401] {strides = array<i32>} : memref<128xi32, #tpu.memory_space<vmem>>, vector<16xi32>,
        %swap3A_403 = vector.shape_cast %swap3A_402 : vector<16xi32> to vector<16xi32>
        %swap3A_404 = vector.shape_cast %add3A_400 : vector<16xi32> to vector<16xi32>
        tpu.vector_store %arg9[%swap3A_401], %swap3A_404 {strides = array<i32>} : memref<128xi32, #tpu.memory_space<vmem>>, vector<16xi32>,
        %add3A_405 = arith.constant 80 : i32
        %add3A_406 = arith.addi %add3A_275, %add3A_405 : i32
        %get3A_407 = arith.index_cast %add3A_406 : i32 to index
        %get3A_408 = tpu.vector_load %arg7[%get3A_407] {strides = array<i32>} : memref<4096xi32, #tpu.memory_space<vmem>>, vector<16xi32>,
        %get3A_409 = vector.shape_cast %get3A_408 : vector<16xi32> to vector<16xi32>
        %swap3A_410 = arith.constant 80 : index
        %swap3A_411 = tpu.vector_load %arg11[%swap3A_410] {strides = array<i32>} : memref<128xi32, #tpu.memory_space<vmem>>, vector<16xi32>,
        %swap3A_412 = vector.shape_cast %swap3A_411 : vector<16xi32> to vector<16xi32>
        %swap3A_413 = vector.shape_cast %get3A_409 : vector<16xi32> to vector<16xi32>
        tpu.vector_store %arg11[%swap3A_410], %swap3A_413 {strides = array<i32>} : memref<128xi32, #tpu.memory_space<vmem>>, vector<16xi32>,
        %add3A_414 = arith.constant 96 : i32
        %add3A_415 = arith.addi %add3A_275, %add3A_414 : i32
        %get3A_416 = arith.index_cast %add3A_415 : i32 to index
        %get3A_417 = tpu.vector_load %arg6[%get3A_416] {strides = array<i32>} : memref<4096xi32, #tpu.memory_space<vmem>>, vector<16xi32>,
        %get3A_418 = vector.shape_cast %get3A_417 : vector<16xi32> to vector<16xi32>
        %mul3A_419 = arith.constant 2 : i32
        %mul3A_420 = vector.broadcast %mul3A_419 : i32 to vector<16xi32>
        %mul3A_421 = arith.muli %get3A_418, %mul3A_420 : vector<16xi32>
        %add3A_422 = vector.broadcast %arg0 : i32 to vector<16xi32>
        %add3A_423 = arith.addi %mul3A_421, %add3A_422 : vector<16xi32>
        %swap3A_424 = arith.constant 96 : index
        %swap3A_425 = tpu.vector_load %arg9[%swap3A_424] {strides = array<i32>} : memref<128xi32, #tpu.memory_space<vmem>>, vector<16xi32>,
        %swap3A_426 = vector.shape_cast %swap3A_425 : vector<16xi32> to vector<16xi32>
        %swap3A_427 = vector.shape_cast %add3A_423 : vector<16xi32> to vector<16xi32>
        tpu.vector_store %arg9[%swap3A_424], %swap3A_427 {strides = array<i32>} : memref<128xi32, #tpu.memory_space<vmem>>, vector<16xi32>,
        %add3A_428 = arith.constant 96 : i32
        %add3A_429 = arith.addi %add3A_275, %add3A_428 : i32
        %get3A_430 = arith.index_cast %add3A_429 : i32 to index
        %get3A_431 = tpu.vector_load %arg7[%get3A_430] {strides = array<i32>} : memref<4096xi32, #tpu.memory_space<vmem>>, vector<16xi32>,
        %get3A_432 = vector.shape_cast %get3A_431 : vector<16xi32> to vector<16xi32>
        %swap3A_433 = arith.constant 96 : index
        %swap3A_434 = tpu.vector_load %arg11[%swap3A_433] {strides = array<i32>} : memref<128xi32, #tpu.memory_space<vmem>>, vector<16xi32>,
        %swap3A_435 = vector.shape_cast %swap3A_434 : vector<16xi32> to vector<16xi32>
        %swap3A_436 = vector.shape_cast %get3A_432 : vector<16xi32> to vector<16xi32>
        tpu.vector_store %arg11[%swap3A_433], %swap3A_436 {strides = array<i32>} : memref<128xi32, #tpu.memory_space<vmem>>, vector<16xi32>,
        %add3A_437 = arith.constant 112 : i32
        %add3A_438 = arith.addi %add3A_275, %add3A_437 : i32
        %get3A_439 = arith.index_cast %add3A_438 : i32 to index
        %get3A_440 = tpu.vector_load %arg6[%get3A_439] {strides = array<i32>} : memref<4096xi32, #tpu.memory_space<vmem>>, vector<16xi32>,
        %get3A_441 = vector.shape_cast %get3A_440 : vector<16xi32> to vector<16xi32>
        %mul3A_442 = arith.constant 2 : i32
        %mul3A_443 = vector.broadcast %mul3A_442 : i32 to vector<16xi32>
        %mul3A_444 = arith.muli %get3A_441, %mul3A_443 : vector<16xi32>
        %add3A_445 = vector.broadcast %arg0 : i32 to vector<16xi32>
        %add3A_446 = arith.addi %mul3A_444, %add3A_445 : vector<16xi32>
        %swap3A_447 = arith.constant 112 : index
        %swap3A_448 = tpu.vector_load %arg9[%swap3A_447] {strides = array<i32>} : memref<128xi32, #tpu.memory_space<vmem>>, vector<16xi32>,
        %swap3A_449 = vector.shape_cast %swap3A_448 : vector<16xi32> to vector<16xi32>
        %swap3A_450 = vector.shape_cast %add3A_446 : vector<16xi32> to vector<16xi32>
        tpu.vector_store %arg9[%swap3A_447], %swap3A_450 {strides = array<i32>} : memref<128xi32, #tpu.memory_space<vmem>>, vector<16xi32>,
        %add3A_451 = arith.constant 112 : i32
        %add3A_452 = arith.addi %add3A_275, %add3A_451 : i32
        %get3A_453 = arith.index_cast %add3A_452 : i32 to index
        %get3A_454 = tpu.vector_load %arg7[%get3A_453] {strides = array<i32>} : memref<4096xi32, #tpu.memory_space<vmem>>, vector<16xi32>,
        %get3A_455 = vector.shape_cast %get3A_454 : vector<16xi32> to vector<16xi32>
        %swap3A_456 = arith.constant 112 : index
        %swap3A_457 = tpu.vector_load %arg11[%swap3A_456] {strides = array<i32>} : memref<128xi32, #tpu.memory_space<vmem>>, vector<16xi32>,
        %swap3A_458 = vector.shape_cast %swap3A_457 : vector<16xi32> to vector<16xi32>
        %swap3A_459 = vector.shape_cast %get3A_455 : vector<16xi32> to vector<16xi32>
        tpu.vector_store %arg11[%swap3A_456], %swap3A_459 {strides = array<i32>} : memref<128xi32, #tpu.memory_space<vmem>>, vector<16xi32>,
        %dma_start3A_460 = arith.constant 0 : i32
        %dma_start3A_461 = arith.constant 0 : i32
        %dma_start3A_462 = tpu.memref_slice %arg2[%dma_start3A_460, %dma_start3A_461] : memref<20480x80xf32, #tpu.memory_space<hbm>> -> memref<20480x80xf32, #tpu.memory_space<hbm>>
        tpu.enqueue_indirect_dma source(%dma_start3A_462 : memref<20480x80xf32, #tpu.memory_space<hbm>>) target(%arg13 : memref<128x80xf32, #tpu.memory_space<vmem>>) offsets(%arg9 : memref<128xi32, #tpu.memory_space<vmem>>) semaphore(%arg16 : memref<!tpu.dma_semaphore, #tpu.memory_space<semaphore_mem>>)
      } else {
      }
      %eq3A_244 = arith.constant 1 : i32
      %eq3A_245 = arith.cmpi eq, %rem3A_230, %eq3A_244 : i32
      %lt3A_246 = arith.cmpi slt, %add3A_232, %select_n3A : i32
      %and3A_247 = arith.andi %eq3A_245, %lt3A_246 : i1
      %convert_element_type3A_248 = arith.extui %and3A_247 : i1 to i32
      %cond3A_249 = arith.constant 0 : i32
      %cond3A_250 = arith.cmpi ne, %convert_element_type3A_248, %cond3A_249 : i32
      scf.if %cond3A_250 {
        %ge3A_261 = arith.constant 1 : i32
        %ge3A_262 = arith.cmpi sge, %while3A_229, %ge3A_261 : i32
        %convert_element_type3A_263 = arith.extui %ge3A_262 : i1 to i32
        %cond3A_264 = arith.constant 0 : i32
        %cond3A_265 = arith.cmpi ne, %convert_element_type3A_263, %cond3A_264 : i32
        scf.if %cond3A_265 {
          %dma_wait3A_463 = arith.constant 0 : i32
          %dma_wait3A_464 = arith.constant 0 : i32
          %dma_wait3A_465 = tpu.memref_slice %arg14[%dma_wait3A_463, %dma_wait3A_464] : memref<10240x80xf32, #tpu.memory_space<vmem_shared>> -> memref<10240x80xf32, #tpu.memory_space<vmem_shared>>
          tpu.wait_indirect_dma semaphore(%arg17 : memref<!tpu.dma_semaphore, #tpu.memory_space<semaphore_mem>>) src(%arg12 : memref<128x80xf32, #tpu.memory_space<vmem>>) dst(%dma_wait3A_465 : memref<10240x80xf32, #tpu.memory_space<vmem_shared>>)
        } else {
        }
        %sub3A_266 = arith.subi %add3A_232, %rem3A_234 : i32
        %mul3A_267 = arith.constant 128 : i32
        %mul3A_268 = arith.muli %sub3A_266, %mul3A_267 : i32
        %add3A_269 = arith.addi %mul3A_17, %mul3A_268 : i32
        %min3A_270 = arith.constant 315904 : i32
        %min3A_271 = arith.minsi %add3A_269, %min3A_270 : i32
        %sub3A_272 = arith.subi %add3A_269, %min3A_271 : i32
        %mul3A_273 = arith.constant 128 : i32
        %mul3A_274 = arith.muli %rem3A_234, %mul3A_273 : i32
        %add3A_275 = arith.addi %mul3A_274, %sub3A_272 : i32
        %add3A_276 = arith.constant 0 : i32
        %add3A_277 = arith.addi %add3A_275, %add3A_276 : i32
        %get3A_278 = arith.index_cast %add3A_277 : i32 to index
        %get3A_279 = tpu.vector_load %arg6[%get3A_278] {strides = array<i32>} : memref<4096xi32, #tpu.memory_space<vmem>>, vector<16xi32>,
        %get3A_280 = vector.shape_cast %get3A_279 : vector<16xi32> to vector<16xi32>
        %mul3A_281 = arith.constant 2 : i32
        %mul3A_282 = vector.broadcast %mul3A_281 : i32 to vector<16xi32>
        %mul3A_283 = arith.muli %get3A_280, %mul3A_282 : vector<16xi32>
        %add3A_284 = vector.broadcast %arg0 : i32 to vector<16xi32>
        %add3A_285 = arith.addi %mul3A_283, %add3A_284 : vector<16xi32>
        %swap3A_286 = arith.constant 0 : index
        %swap3A_287 = tpu.vector_load %arg8[%swap3A_286] {strides = array<i32>} : memref<128xi32, #tpu.memory_space<vmem>>, vector<16xi32>,
        %swap3A_288 = vector.shape_cast %swap3A_287 : vector<16xi32> to vector<16xi32>
        %swap3A_289 = vector.shape_cast %add3A_285 : vector<16xi32> to vector<16xi32>
        tpu.vector_store %arg8[%swap3A_286], %swap3A_289 {strides = array<i32>} : memref<128xi32, #tpu.memory_space<vmem>>, vector<16xi32>,
        %add3A_290 = arith.constant 0 : i32
        %add3A_291 = arith.addi %add3A_275, %add3A_290 : i32
        %get3A_292 = arith.index_cast %add3A_291 : i32 to index
        %get3A_293 = tpu.vector_load %arg7[%get3A_292] {strides = array<i32>} : memref<4096xi32, #tpu.memory_space<vmem>>, vector<16xi32>,
        %get3A_294 = vector.shape_cast %get3A_293 : vector<16xi32> to vector<16xi32>
        %swap3A_295 = arith.constant 0 : index
        %swap3A_296 = tpu.vector_load %arg10[%swap3A_295] {strides = array<i32>} : memref<128xi32, #tpu.memory_space<vmem>>, vector<16xi32>,
        %swap3A_297 = vector.shape_cast %swap3A_296 : vector<16xi32> to vector<16xi32>
        %swap3A_298 = vector.shape_cast %get3A_294 : vector<16xi32> to vector<16xi32>
        tpu.vector_store %arg10[%swap3A_295], %swap3A_298 {strides = array<i32>} : memref<128xi32, #tpu.memory_space<vmem>>, vector<16xi32>,
        %add3A_299 = arith.constant 16 : i32
        %add3A_300 = arith.addi %add3A_275, %add3A_299 : i32
        %get3A_301 = arith.index_cast %add3A_300 : i32 to index
        %get3A_302 = tpu.vector_load %arg6[%get3A_301] {strides = array<i32>} : memref<4096xi32, #tpu.memory_space<vmem>>, vector<16xi32>,
        %get3A_303 = vector.shape_cast %get3A_302 : vector<16xi32> to vector<16xi32>
        %mul3A_304 = arith.constant 2 : i32
        %mul3A_305 = vector.broadcast %mul3A_304 : i32 to vector<16xi32>
        %mul3A_306 = arith.muli %get3A_303, %mul3A_305 : vector<16xi32>
        %add3A_307 = vector.broadcast %arg0 : i32 to vector<16xi32>
        %add3A_308 = arith.addi %mul3A_306, %add3A_307 : vector<16xi32>
        %swap3A_309 = arith.constant 16 : index
        %swap3A_310 = tpu.vector_load %arg8[%swap3A_309] {strides = array<i32>} : memref<128xi32, #tpu.memory_space<vmem>>, vector<16xi32>,
        %swap3A_311 = vector.shape_cast %swap3A_310 : vector<16xi32> to vector<16xi32>
        %swap3A_312 = vector.shape_cast %add3A_308 : vector<16xi32> to vector<16xi32>
        tpu.vector_store %arg8[%swap3A_309], %swap3A_312 {strides = array<i32>} : memref<128xi32, #tpu.memory_space<vmem>>, vector<16xi32>,
        %add3A_313 = arith.constant 16 : i32
        %add3A_314 = arith.addi %add3A_275, %add3A_313 : i32
        %get3A_315 = arith.index_cast %add3A_314 : i32 to index
        %get3A_316 = tpu.vector_load %arg7[%get3A_315] {strides = array<i32>} : memref<4096xi32, #tpu.memory_space<vmem>>, vector<16xi32>,
        %get3A_317 = vector.shape_cast %get3A_316 : vector<16xi32> to vector<16xi32>
        %swap3A_318 = arith.constant 16 : index
        %swap3A_319 = tpu.vector_load %arg10[%swap3A_318] {strides = array<i32>} : memref<128xi32, #tpu.memory_space<vmem>>, vector<16xi32>,
        %swap3A_320 = vector.shape_cast %swap3A_319 : vector<16xi32> to vector<16xi32>
        %swap3A_321 = vector.shape_cast %get3A_317 : vector<16xi32> to vector<16xi32>
        tpu.vector_store %arg10[%swap3A_318], %swap3A_321 {strides = array<i32>} : memref<128xi32, #tpu.memory_space<vmem>>, vector<16xi32>,
        %add3A_322 = arith.constant 32 : i32
        %add3A_323 = arith.addi %add3A_275, %add3A_322 : i32
        %get3A_324 = arith.index_cast %add3A_323 : i32 to index
        %get3A_325 = tpu.vector_load %arg6[%get3A_324] {strides = array<i32>} : memref<4096xi32, #tpu.memory_space<vmem>>, vector<16xi32>,
        %get3A_326 = vector.shape_cast %get3A_325 : vector<16xi32> to vector<16xi32>
        %mul3A_327 = arith.constant 2 : i32
        %mul3A_328 = vector.broadcast %mul3A_327 : i32 to vector<16xi32>
        %mul3A_329 = arith.muli %get3A_326, %mul3A_328 : vector<16xi32>
        %add3A_330 = vector.broadcast %arg0 : i32 to vector<16xi32>
        %add3A_331 = arith.addi %mul3A_329, %add3A_330 : vector<16xi32>
        %swap3A_332 = arith.constant 32 : index
        %swap3A_333 = tpu.vector_load %arg8[%swap3A_332] {strides = array<i32>} : memref<128xi32, #tpu.memory_space<vmem>>, vector<16xi32>,
        %swap3A_334 = vector.shape_cast %swap3A_333 : vector<16xi32> to vector<16xi32>
        %swap3A_335 = vector.shape_cast %add3A_331 : vector<16xi32> to vector<16xi32>
        tpu.vector_store %arg8[%swap3A_332], %swap3A_335 {strides = array<i32>} : memref<128xi32, #tpu.memory_space<vmem>>, vector<16xi32>,
        %add3A_336 = arith.constant 32 : i32
        %add3A_337 = arith.addi %add3A_275, %add3A_336 : i32
        %get3A_338 = arith.index_cast %add3A_337 : i32 to index
        %get3A_339 = tpu.vector_load %arg7[%get3A_338] {strides = array<i32>} : memref<4096xi32, #tpu.memory_space<vmem>>, vector<16xi32>,
        %get3A_340 = vector.shape_cast %get3A_339 : vector<16xi32> to vector<16xi32>
        %swap3A_341 = arith.constant 32 : index
        %swap3A_342 = tpu.vector_load %arg10[%swap3A_341] {strides = array<i32>} : memref<128xi32, #tpu.memory_space<vmem>>, vector<16xi32>,
        %swap3A_343 = vector.shape_cast %swap3A_342 : vector<16xi32> to vector<16xi32>
        %swap3A_344 = vector.shape_cast %get3A_340 : vector<16xi32> to vector<16xi32>
        tpu.vector_store %arg10[%swap3A_341], %swap3A_344 {strides = array<i32>} : memref<128xi32, #tpu.memory_space<vmem>>, vector<16xi32>,
        %add3A_345 = arith.constant 48 : i32
        %add3A_346 = arith.addi %add3A_275, %add3A_345 : i32
        %get3A_347 = arith.index_cast %add3A_346 : i32 to index
        %get3A_348 = tpu.vector_load %arg6[%get3A_347] {strides = array<i32>} : memref<4096xi32, #tpu.memory_space<vmem>>, vector<16xi32>,
        %get3A_349 = vector.shape_cast %get3A_348 : vector<16xi32> to vector<16xi32>
        %mul3A_350 = arith.constant 2 : i32
        %mul3A_351 = vector.broadcast %mul3A_350 : i32 to vector<16xi32>
        %mul3A_352 = arith.muli %get3A_349, %mul3A_351 : vector<16xi32>
        %add3A_353 = vector.broadcast %arg0 : i32 to vector<16xi32>
        %add3A_354 = arith.addi %mul3A_352, %add3A_353 : vector<16xi32>
        %swap3A_355 = arith.constant 48 : index
        %swap3A_356 = tpu.vector_load %arg8[%swap3A_355] {strides = array<i32>} : memref<128xi32, #tpu.memory_space<vmem>>, vector<16xi32>,
        %swap3A_357 = vector.shape_cast %swap3A_356 : vector<16xi32> to vector<16xi32>
        %swap3A_358 = vector.shape_cast %add3A_354 : vector<16xi32> to vector<16xi32>
        tpu.vector_store %arg8[%swap3A_355], %swap3A_358 {strides = array<i32>} : memref<128xi32, #tpu.memory_space<vmem>>, vector<16xi32>,
        %add3A_359 = arith.constant 48 : i32
        %add3A_360 = arith.addi %add3A_275, %add3A_359 : i32
        %get3A_361 = arith.index_cast %add3A_360 : i32 to index
        %get3A_362 = tpu.vector_load %arg7[%get3A_361] {strides = array<i32>} : memref<4096xi32, #tpu.memory_space<vmem>>, vector<16xi32>,
        %get3A_363 = vector.shape_cast %get3A_362 : vector<16xi32> to vector<16xi32>
        %swap3A_364 = arith.constant 48 : index
        %swap3A_365 = tpu.vector_load %arg10[%swap3A_364] {strides = array<i32>} : memref<128xi32, #tpu.memory_space<vmem>>, vector<16xi32>,
        %swap3A_366 = vector.shape_cast %swap3A_365 : vector<16xi32> to vector<16xi32>
        %swap3A_367 = vector.shape_cast %get3A_363 : vector<16xi32> to vector<16xi32>
        tpu.vector_store %arg10[%swap3A_364], %swap3A_367 {strides = array<i32>} : memref<128xi32, #tpu.memory_space<vmem>>, vector<16xi32>,
        %add3A_368 = arith.constant 64 : i32
        %add3A_369 = arith.addi %add3A_275, %add3A_368 : i32
        %get3A_370 = arith.index_cast %add3A_369 : i32 to index
        %get3A_371 = tpu.vector_load %arg6[%get3A_370] {strides = array<i32>} : memref<4096xi32, #tpu.memory_space<vmem>>, vector<16xi32>,
        %get3A_372 = vector.shape_cast %get3A_371 : vector<16xi32> to vector<16xi32>
        %mul3A_373 = arith.constant 2 : i32
        %mul3A_374 = vector.broadcast %mul3A_373 : i32 to vector<16xi32>
        %mul3A_375 = arith.muli %get3A_372, %mul3A_374 : vector<16xi32>
        %add3A_376 = vector.broadcast %arg0 : i32 to vector<16xi32>
        %add3A_377 = arith.addi %mul3A_375, %add3A_376 : vector<16xi32>
        %swap3A_378 = arith.constant 64 : index
        %swap3A_379 = tpu.vector_load %arg8[%swap3A_378] {strides = array<i32>} : memref<128xi32, #tpu.memory_space<vmem>>, vector<16xi32>,
        %swap3A_380 = vector.shape_cast %swap3A_379 : vector<16xi32> to vector<16xi32>
        %swap3A_381 = vector.shape_cast %add3A_377 : vector<16xi32> to vector<16xi32>
        tpu.vector_store %arg8[%swap3A_378], %swap3A_381 {strides = array<i32>} : memref<128xi32, #tpu.memory_space<vmem>>, vector<16xi32>,
        %add3A_382 = arith.constant 64 : i32
        %add3A_383 = arith.addi %add3A_275, %add3A_382 : i32
        %get3A_384 = arith.index_cast %add3A_383 : i32 to index
        %get3A_385 = tpu.vector_load %arg7[%get3A_384] {strides = array<i32>} : memref<4096xi32, #tpu.memory_space<vmem>>, vector<16xi32>,
        %get3A_386 = vector.shape_cast %get3A_385 : vector<16xi32> to vector<16xi32>
        %swap3A_387 = arith.constant 64 : index
        %swap3A_388 = tpu.vector_load %arg10[%swap3A_387] {strides = array<i32>} : memref<128xi32, #tpu.memory_space<vmem>>, vector<16xi32>,
        %swap3A_389 = vector.shape_cast %swap3A_388 : vector<16xi32> to vector<16xi32>
        %swap3A_390 = vector.shape_cast %get3A_386 : vector<16xi32> to vector<16xi32>
        tpu.vector_store %arg10[%swap3A_387], %swap3A_390 {strides = array<i32>} : memref<128xi32, #tpu.memory_space<vmem>>, vector<16xi32>,
        %add3A_391 = arith.constant 80 : i32
        %add3A_392 = arith.addi %add3A_275, %add3A_391 : i32
        %get3A_393 = arith.index_cast %add3A_392 : i32 to index
        %get3A_394 = tpu.vector_load %arg6[%get3A_393] {strides = array<i32>} : memref<4096xi32, #tpu.memory_space<vmem>>, vector<16xi32>,
        %get3A_395 = vector.shape_cast %get3A_394 : vector<16xi32> to vector<16xi32>
        %mul3A_396 = arith.constant 2 : i32
        %mul3A_397 = vector.broadcast %mul3A_396 : i32 to vector<16xi32>
        %mul3A_398 = arith.muli %get3A_395, %mul3A_397 : vector<16xi32>
        %add3A_399 = vector.broadcast %arg0 : i32 to vector<16xi32>
        %add3A_400 = arith.addi %mul3A_398, %add3A_399 : vector<16xi32>
        %swap3A_401 = arith.constant 80 : index
        %swap3A_402 = tpu.vector_load %arg8[%swap3A_401] {strides = array<i32>} : memref<128xi32, #tpu.memory_space<vmem>>, vector<16xi32>,
        %swap3A_403 = vector.shape_cast %swap3A_402 : vector<16xi32> to vector<16xi32>
        %swap3A_404 = vector.shape_cast %add3A_400 : vector<16xi32> to vector<16xi32>
        tpu.vector_store %arg8[%swap3A_401], %swap3A_404 {strides = array<i32>} : memref<128xi32, #tpu.memory_space<vmem>>, vector<16xi32>,
        %add3A_405 = arith.constant 80 : i32
        %add3A_406 = arith.addi %add3A_275, %add3A_405 : i32
        %get3A_407 = arith.index_cast %add3A_406 : i32 to index
        %get3A_408 = tpu.vector_load %arg7[%get3A_407] {strides = array<i32>} : memref<4096xi32, #tpu.memory_space<vmem>>, vector<16xi32>,
        %get3A_409 = vector.shape_cast %get3A_408 : vector<16xi32> to vector<16xi32>
        %swap3A_410 = arith.constant 80 : index
        %swap3A_411 = tpu.vector_load %arg10[%swap3A_410] {strides = array<i32>} : memref<128xi32, #tpu.memory_space<vmem>>, vector<16xi32>,
        %swap3A_412 = vector.shape_cast %swap3A_411 : vector<16xi32> to vector<16xi32>
        %swap3A_413 = vector.shape_cast %get3A_409 : vector<16xi32> to vector<16xi32>
        tpu.vector_store %arg10[%swap3A_410], %swap3A_413 {strides = array<i32>} : memref<128xi32, #tpu.memory_space<vmem>>, vector<16xi32>,
        %add3A_414 = arith.constant 96 : i32
        %add3A_415 = arith.addi %add3A_275, %add3A_414 : i32
        %get3A_416 = arith.index_cast %add3A_415 : i32 to index
        %get3A_417 = tpu.vector_load %arg6[%get3A_416] {strides = array<i32>} : memref<4096xi32, #tpu.memory_space<vmem>>, vector<16xi32>,
        %get3A_418 = vector.shape_cast %get3A_417 : vector<16xi32> to vector<16xi32>
        %mul3A_419 = arith.constant 2 : i32
        %mul3A_420 = vector.broadcast %mul3A_419 : i32 to vector<16xi32>
        %mul3A_421 = arith.muli %get3A_418, %mul3A_420 : vector<16xi32>
        %add3A_422 = vector.broadcast %arg0 : i32 to vector<16xi32>
        %add3A_423 = arith.addi %mul3A_421, %add3A_422 : vector<16xi32>
        %swap3A_424 = arith.constant 96 : index
        %swap3A_425 = tpu.vector_load %arg8[%swap3A_424] {strides = array<i32>} : memref<128xi32, #tpu.memory_space<vmem>>, vector<16xi32>,
        %swap3A_426 = vector.shape_cast %swap3A_425 : vector<16xi32> to vector<16xi32>
        %swap3A_427 = vector.shape_cast %add3A_423 : vector<16xi32> to vector<16xi32>
        tpu.vector_store %arg8[%swap3A_424], %swap3A_427 {strides = array<i32>} : memref<128xi32, #tpu.memory_space<vmem>>, vector<16xi32>,
        %add3A_428 = arith.constant 96 : i32
        %add3A_429 = arith.addi %add3A_275, %add3A_428 : i32
        %get3A_430 = arith.index_cast %add3A_429 : i32 to index
        %get3A_431 = tpu.vector_load %arg7[%get3A_430] {strides = array<i32>} : memref<4096xi32, #tpu.memory_space<vmem>>, vector<16xi32>,
        %get3A_432 = vector.shape_cast %get3A_431 : vector<16xi32> to vector<16xi32>
        %swap3A_433 = arith.constant 96 : index
        %swap3A_434 = tpu.vector_load %arg10[%swap3A_433] {strides = array<i32>} : memref<128xi32, #tpu.memory_space<vmem>>, vector<16xi32>,
        %swap3A_435 = vector.shape_cast %swap3A_434 : vector<16xi32> to vector<16xi32>
        %swap3A_436 = vector.shape_cast %get3A_432 : vector<16xi32> to vector<16xi32>
        tpu.vector_store %arg10[%swap3A_433], %swap3A_436 {strides = array<i32>} : memref<128xi32, #tpu.memory_space<vmem>>, vector<16xi32>,
        %add3A_437 = arith.constant 112 : i32
        %add3A_438 = arith.addi %add3A_275, %add3A_437 : i32
        %get3A_439 = arith.index_cast %add3A_438 : i32 to index
        %get3A_440 = tpu.vector_load %arg6[%get3A_439] {strides = array<i32>} : memref<4096xi32, #tpu.memory_space<vmem>>, vector<16xi32>,
        %get3A_441 = vector.shape_cast %get3A_440 : vector<16xi32> to vector<16xi32>
        %mul3A_442 = arith.constant 2 : i32
        %mul3A_443 = vector.broadcast %mul3A_442 : i32 to vector<16xi32>
        %mul3A_444 = arith.muli %get3A_441, %mul3A_443 : vector<16xi32>
        %add3A_445 = vector.broadcast %arg0 : i32 to vector<16xi32>
        %add3A_446 = arith.addi %mul3A_444, %add3A_445 : vector<16xi32>
        %swap3A_447 = arith.constant 112 : index
        %swap3A_448 = tpu.vector_load %arg8[%swap3A_447] {strides = array<i32>} : memref<128xi32, #tpu.memory_space<vmem>>, vector<16xi32>,
        %swap3A_449 = vector.shape_cast %swap3A_448 : vector<16xi32> to vector<16xi32>
        %swap3A_450 = vector.shape_cast %add3A_446 : vector<16xi32> to vector<16xi32>
        tpu.vector_store %arg8[%swap3A_447], %swap3A_450 {strides = array<i32>} : memref<128xi32, #tpu.memory_space<vmem>>, vector<16xi32>,
        %add3A_451 = arith.constant 112 : i32
        %add3A_452 = arith.addi %add3A_275, %add3A_451 : i32
        %get3A_453 = arith.index_cast %add3A_452 : i32 to index
        %get3A_454 = tpu.vector_load %arg7[%get3A_453] {strides = array<i32>} : memref<4096xi32, #tpu.memory_space<vmem>>, vector<16xi32>,
        %get3A_455 = vector.shape_cast %get3A_454 : vector<16xi32> to vector<16xi32>
        %swap3A_456 = arith.constant 112 : index
        %swap3A_457 = tpu.vector_load %arg10[%swap3A_456] {strides = array<i32>} : memref<128xi32, #tpu.memory_space<vmem>>, vector<16xi32>,
        %swap3A_458 = vector.shape_cast %swap3A_457 : vector<16xi32> to vector<16xi32>
        %swap3A_459 = vector.shape_cast %get3A_455 : vector<16xi32> to vector<16xi32>
        tpu.vector_store %arg10[%swap3A_456], %swap3A_459 {strides = array<i32>} : memref<128xi32, #tpu.memory_space<vmem>>, vector<16xi32>,
        %dma_start3A_460 = arith.constant 0 : i32
        %dma_start3A_461 = arith.constant 0 : i32
        %dma_start3A_462 = tpu.memref_slice %arg2[%dma_start3A_460, %dma_start3A_461] : memref<20480x80xf32, #tpu.memory_space<hbm>> -> memref<20480x80xf32, #tpu.memory_space<hbm>>
        tpu.enqueue_indirect_dma source(%dma_start3A_462 : memref<20480x80xf32, #tpu.memory_space<hbm>>) target(%arg12 : memref<128x80xf32, #tpu.memory_space<vmem>>) offsets(%arg8 : memref<128xi32, #tpu.memory_space<vmem>>) semaphore(%arg15 : memref<!tpu.dma_semaphore, #tpu.memory_space<semaphore_mem>>)
      } else {
      }
      %eq3A_251 = arith.constant 0 : i32
      %eq3A_252 = arith.cmpi eq, %rem3A_230, %eq3A_251 : i32
      %convert_element_type3A_253 = arith.extui %eq3A_252 : i1 to i32
      %cond3A_254 = arith.constant 0 : i32
      %cond3A_255 = arith.cmpi ne, %convert_element_type3A_253, %cond3A_254 : i32
      scf.if %cond3A_255 {
        %dma_wait3A_261 = arith.constant 0 : i32
        %dma_wait3A_262 = arith.constant 0 : i32
        %dma_wait3A_263 = tpu.memref_slice %arg2[%dma_wait3A_261, %dma_wait3A_262] : memref<20480x80xf32, #tpu.memory_space<hbm>> -> memref<20480x80xf32, #tpu.memory_space<hbm>>
        tpu.wait_indirect_dma semaphore(%arg15 : memref<!tpu.dma_semaphore, #tpu.memory_space<semaphore_mem>>) src(%dma_wait3A_263 : memref<20480x80xf32, #tpu.memory_space<hbm>>) dst(%arg12 : memref<128x80xf32, #tpu.memory_space<vmem>>)
        %dma_start3A_264 = arith.constant 0 : i32
        %dma_start3A_265 = arith.constant 0 : i32
        %dma_start3A_266 = tpu.memref_slice %arg14[%dma_start3A_264, %dma_start3A_265] : memref<10240x80xf32, #tpu.memory_space<vmem_shared>> -> memref<10240x80xf32, #tpu.memory_space<vmem_shared>>
        tpu.enqueue_indirect_dma source(%arg12 : memref<128x80xf32, #tpu.memory_space<vmem>>) target(%dma_start3A_266 : memref<10240x80xf32, #tpu.memory_space<vmem_shared>>) offsets(%arg10 : memref<128xi32, #tpu.memory_space<vmem>>) semaphore(%arg17 : memref<!tpu.dma_semaphore, #tpu.memory_space<semaphore_mem>>) {add = true}
      } else {
      }
      %eq3A_256 = arith.constant 1 : i32
      %eq3A_257 = arith.cmpi eq, %rem3A_230, %eq3A_256 : i32
      %convert_element_type3A_258 = arith.extui %eq3A_257 : i1 to i32
      %cond3A_259 = arith.constant 0 : i32
      %cond3A_260 = arith.cmpi ne, %convert_element_type3A_258, %cond3A_259 : i32
      scf.if %cond3A_260 {
        %dma_wait3A_261 = arith.constant 0 : i32
        %dma_wait3A_262 = arith.constant 0 : i32
        %dma_wait3A_263 = tpu.memref_slice %arg2[%dma_wait3A_261, %dma_wait3A_262] : memref<20480x80xf32, #tpu.memory_space<hbm>> -> memref<20480x80xf32, #tpu.memory_space<hbm>>
        tpu.wait_indirect_dma semaphore(%arg16 : memref<!tpu.dma_semaphore, #tpu.memory_space<semaphore_mem>>) src(%dma_wait3A_263 : memref<20480x80xf32, #tpu.memory_space<hbm>>) dst(%arg13 : memref<128x80xf32, #tpu.memory_space<vmem>>)
        %dma_start3A_264 = arith.constant 0 : i32
        %dma_start3A_265 = arith.constant 0 : i32
        %dma_start3A_266 = tpu.memref_slice %arg14[%dma_start3A_264, %dma_start3A_265] : memref<10240x80xf32, #tpu.memory_space<vmem_shared>> -> memref<10240x80xf32, #tpu.memory_space<vmem_shared>>
        tpu.enqueue_indirect_dma source(%arg13 : memref<128x80xf32, #tpu.memory_space<vmem>>) target(%dma_start3A_266 : memref<10240x80xf32, #tpu.memory_space<vmem_shared>>) offsets(%arg11 : memref<128xi32, #tpu.memory_space<vmem>>) semaphore(%arg18 : memref<!tpu.dma_semaphore, #tpu.memory_space<semaphore_mem>>) {add = true}
      } else {
      }
    }
    %dma_wait3A = arith.constant 0 : i32
    %dma_wait3A_220 = arith.constant 0 : i32
    %dma_wait3A_221 = tpu.memref_slice %arg14[%dma_wait3A, %dma_wait3A_220] : memref<10240x80xf32, #tpu.memory_space<vmem_shared>> -> memref<10240x80xf32, #tpu.memory_space<vmem_shared>>
    tpu.wait_indirect_dma semaphore(%arg17 : memref<!tpu.dma_semaphore, #tpu.memory_space<semaphore_mem>>) src(%arg12 : memref<128x80xf32, #tpu.memory_space<vmem>>) dst(%dma_wait3A_221 : memref<10240x80xf32, #tpu.memory_space<vmem_shared>>)
    %dma_wait3A_222 = arith.constant 0 : i32
    %dma_wait3A_223 = arith.constant 0 : i32
    %dma_wait3A_224 = tpu.memref_slice %arg14[%dma_wait3A_222, %dma_wait3A_223] : memref<10240x80xf32, #tpu.memory_space<vmem_shared>> -> memref<10240x80xf32, #tpu.memory_space<vmem_shared>>
    tpu.wait_indirect_dma semaphore(%arg18 : memref<!tpu.dma_semaphore, #tpu.memory_space<semaphore_mem>>) src(%arg13 : memref<128x80xf32, #tpu.memory_space<vmem>>) dst(%dma_wait3A_224 : memref<10240x80xf32, #tpu.memory_space<vmem_shared>>)
    %barrier3A_225 = arith.constant 0 : index
    tpu.barrier barrier_id(%barrier3A_225)
    %mul3A_226 = arith.constant 10240 : i32
    %mul3A_227 = arith.muli %arg0, %mul3A_226 : i32
    %add3A_228 = arith.addi %mul3A_227, %mul3A_4 : i32
    "tpu.region"() ({
      %run_scoped3A = tpu.sem_alloc : memref<!tpu.dma_semaphore, #tpu.memory_space<semaphore_mem>>
      %dma_start3A_229 = arith.constant 0 : i32
      %dma_start3A_230 = tpu.memref_slice %arg5[%add3A_228, %dma_start3A_229] : memref<20480x80xf32, #tpu.memory_space<hbm>> -> memref<640x80xf32, #tpu.memory_space<hbm>>
      %dma_start3A_231 = arith.constant 0 : i32
      %dma_start3A_232 = tpu.memref_slice %arg14[%mul3A_4, %dma_start3A_231] : memref<10240x80xf32, #tpu.memory_space<vmem_shared>> -> memref<640x80xf32, #tpu.memory_space<vmem_shared>>
      tpu.enqueue_dma source(%dma_start3A_232 : memref<640x80xf32, #tpu.memory_space<vmem_shared>>) target(%dma_start3A_230 : memref<640x80xf32, #tpu.memory_space<hbm>>) target_semaphore(%run_scoped3A : memref<!tpu.dma_semaphore, #tpu.memory_space<semaphore_mem>>)
      %dma_wait3A_233 = arith.constant 0 : i32
      %dma_wait3A_234 = tpu.memref_slice %arg5[%add3A_228, %dma_wait3A_233] : memref<20480x80xf32, #tpu.memory_space<hbm>> -> memref<640x80xf32, #tpu.memory_space<hbm>>
      %dma_wait3A_235 = arith.constant 0 : i32
      %dma_wait3A_236 = tpu.memref_slice %arg14[%mul3A_4, %dma_wait3A_235] : memref<10240x80xf32, #tpu.memory_space<vmem_shared>> -> memref<640x80xf32, #tpu.memory_space<vmem_shared>>
      tpu.wait_dma2 semaphore(%run_scoped3A : memref<!tpu.dma_semaphore, #tpu.memory_space<semaphore_mem>>) src(%dma_wait3A_236 : memref<640x80xf32, #tpu.memory_space<vmem_shared>>) dst(%dma_wait3A_234 : memref<640x80xf32, #tpu.memory_space<hbm>>)
      tpu.yield
    }) : () -> ()
    return
  }
}

#map = affine_map<(d0, d1) -> (0, 0)>
#map1 = affine_map<(d0, d1) -> (0)>
module attributes {stable_mosaic.version = 14 : i64} {
  func.func @k(%arg0: i32, %arg1: i32, %arg2: memref<20480x128xf32, #tpu.memory_space<hbm>>, %arg3: memref<320000xi32, #tpu.memory_space<hbm>>, %arg4: memref<320000xi32, #tpu.memory_space<hbm>>, %arg5: memref<20480x128xf32, #tpu.memory_space<hbm>>, %arg6: memref<4096xi32, #tpu.memory_space<vmem>>, %arg7: memref<4096xi32, #tpu.memory_space<vmem>>, %arg8: memref<128xi32, #tpu.memory_space<vmem>>, %arg9: memref<128xi32, #tpu.memory_space<vmem>>, %arg10: memref<128xi32, #tpu.memory_space<vmem>>, %arg11: memref<128xi32, #tpu.memory_space<vmem>>, %arg12: memref<128x128xf32, #tpu.memory_space<vmem>>, %arg13: memref<128x128xf32, #tpu.memory_space<vmem>>, %arg14: memref<10240x128xf32, #tpu.memory_space<vmem_shared>>, %arg15: memref<!tpu.dma_semaphore, #tpu.memory_space<semaphore_mem>>, %arg16: memref<!tpu.dma_semaphore, #tpu.memory_space<semaphore_mem>>, %arg17: memref<!tpu.dma_semaphore, #tpu.memory_space<semaphore_mem>>, %arg18: memref<!tpu.dma_semaphore, #tpu.memory_space<semaphore_mem>>) attributes {dimension_semantics = [#tpu.dimension_semantics<core_parallel>, #tpu.dimension_semantics<subcore_parallel>], iteration_bounds = array<i64: 2, 16>, scalar_prefetch = 0 : i64, scratch_operands = 13 : i64, tpu.core_type = #tpu.core_type<sc_vector_subcore>, window_params = [{transform_indices = #map}, {transform_indices = #map1}, {transform_indices = #map1}, {transform_indices = #map}]} {
    %scan3A = arith.constant 0 : i32
    %scan3A_0 = arith.constant 128 : i32
    %scan3A_1 = arith.addi %scan3A, %scan3A_0 : i32
    %scan3A_2 = arith.constant 1 : i32
    scf.for %scan3A_229 = %scan3A to %scan3A_1 step %scan3A_2  : i32 {
      %broadcast_in_dim3A = arith.constant 0.000000e+00 : f32
      %broadcast_in_dim3A_230 = vector.broadcast %broadcast_in_dim3A : f32 to vector<16xf32>
      %swap3A_231 = arith.index_cast %scan3A_229 : i32 to index
      %swap3A_232 = arith.constant 0 : index
      %swap3A_233 = tpu.vector_load %arg12[%swap3A_231, %swap3A_232] {strides = array<i32>} : memref<128x128xf32, #tpu.memory_space<vmem>>, vector<1x16xf32>,
      %swap3A_234 = vector.shape_cast %swap3A_233 : vector<1x16xf32> to vector<16xf32>
      %swap3A_235 = vector.shape_cast %broadcast_in_dim3A_230 : vector<16xf32> to vector<1x16xf32>
      tpu.vector_store %arg12[%swap3A_231, %swap3A_232], %swap3A_235 {strides = array<i32>} : memref<128x128xf32, #tpu.memory_space<vmem>>, vector<1x16xf32>,
      %broadcast_in_dim3A_236 = arith.constant 0.000000e+00 : f32
      %broadcast_in_dim3A_237 = vector.broadcast %broadcast_in_dim3A_236 : f32 to vector<16xf32>
      %swap3A_238 = arith.index_cast %scan3A_229 : i32 to index
      %swap3A_239 = arith.constant 16 : index
      %swap3A_240 = tpu.vector_load %arg12[%swap3A_238, %swap3A_239] {strides = array<i32>} : memref<128x128xf32, #tpu.memory_space<vmem>>, vector<1x16xf32>,
      %swap3A_241 = vector.shape_cast %swap3A_240 : vector<1x16xf32> to vector<16xf32>
      %swap3A_242 = vector.shape_cast %broadcast_in_dim3A_237 : vector<16xf32> to vector<1x16xf32>
      tpu.vector_store %arg12[%swap3A_238, %swap3A_239], %swap3A_242 {strides = array<i32>} : memref<128x128xf32, #tpu.memory_space<vmem>>, vector<1x16xf32>,
      %broadcast_in_dim3A_243 = arith.constant 0.000000e+00 : f32
      %broadcast_in_dim3A_244 = vector.broadcast %broadcast_in_dim3A_243 : f32 to vector<16xf32>
      %swap3A_245 = arith.index_cast %scan3A_229 : i32 to index
      %swap3A_246 = arith.constant 32 : index
      %swap3A_247 = tpu.vector_load %arg12[%swap3A_245, %swap3A_246] {strides = array<i32>} : memref<128x128xf32, #tpu.memory_space<vmem>>, vector<1x16xf32>,
      %swap3A_248 = vector.shape_cast %swap3A_247 : vector<1x16xf32> to vector<16xf32>
      %swap3A_249 = vector.shape_cast %broadcast_in_dim3A_244 : vector<16xf32> to vector<1x16xf32>
      tpu.vector_store %arg12[%swap3A_245, %swap3A_246], %swap3A_249 {strides = array<i32>} : memref<128x128xf32, #tpu.memory_space<vmem>>, vector<1x16xf32>,
      %broadcast_in_dim3A_250 = arith.constant 0.000000e+00 : f32
      %broadcast_in_dim3A_251 = vector.broadcast %broadcast_in_dim3A_250 : f32 to vector<16xf32>
      %swap3A_252 = arith.index_cast %scan3A_229 : i32 to index
      %swap3A_253 = arith.constant 48 : index
      %swap3A_254 = tpu.vector_load %arg12[%swap3A_252, %swap3A_253] {strides = array<i32>} : memref<128x128xf32, #tpu.memory_space<vmem>>, vector<1x16xf32>,
      %swap3A_255 = vector.shape_cast %swap3A_254 : vector<1x16xf32> to vector<16xf32>
      %swap3A_256 = vector.shape_cast %broadcast_in_dim3A_251 : vector<16xf32> to vector<1x16xf32>
      tpu.vector_store %arg12[%swap3A_252, %swap3A_253], %swap3A_256 {strides = array<i32>} : memref<128x128xf32, #tpu.memory_space<vmem>>, vector<1x16xf32>,
      %broadcast_in_dim3A_257 = arith.constant 0.000000e+00 : f32
      %broadcast_in_dim3A_258 = vector.broadcast %broadcast_in_dim3A_257 : f32 to vector<16xf32>
      %swap3A_259 = arith.index_cast %scan3A_229 : i32 to index
      %swap3A_260 = arith.constant 64 : index
      %swap3A_261 = tpu.vector_load %arg12[%swap3A_259, %swap3A_260] {strides = array<i32>} : memref<128x128xf32, #tpu.memory_space<vmem>>, vector<1x16xf32>,
      %swap3A_262 = vector.shape_cast %swap3A_261 : vector<1x16xf32> to vector<16xf32>
      %swap3A_263 = vector.shape_cast %broadcast_in_dim3A_258 : vector<16xf32> to vector<1x16xf32>
      tpu.vector_store %arg12[%swap3A_259, %swap3A_260], %swap3A_263 {strides = array<i32>} : memref<128x128xf32, #tpu.memory_space<vmem>>, vector<1x16xf32>,
      %broadcast_in_dim3A_264 = arith.constant 0.000000e+00 : f32
      %broadcast_in_dim3A_265 = vector.broadcast %broadcast_in_dim3A_264 : f32 to vector<16xf32>
      %swap3A_266 = arith.index_cast %scan3A_229 : i32 to index
      %swap3A_267 = arith.constant 80 : index
      %swap3A_268 = tpu.vector_load %arg12[%swap3A_266, %swap3A_267] {strides = array<i32>} : memref<128x128xf32, #tpu.memory_space<vmem>>, vector<1x16xf32>,
      %swap3A_269 = vector.shape_cast %swap3A_268 : vector<1x16xf32> to vector<16xf32>
      %swap3A_270 = vector.shape_cast %broadcast_in_dim3A_265 : vector<16xf32> to vector<1x16xf32>
      tpu.vector_store %arg12[%swap3A_266, %swap3A_267], %swap3A_270 {strides = array<i32>} : memref<128x128xf32, #tpu.memory_space<vmem>>, vector<1x16xf32>,
      %broadcast_in_dim3A_271 = arith.constant 0.000000e+00 : f32
      %broadcast_in_dim3A_272 = vector.broadcast %broadcast_in_dim3A_271 : f32 to vector<16xf32>
      %swap3A_273 = arith.index_cast %scan3A_229 : i32 to index
      %swap3A_274 = arith.constant 96 : index
      %swap3A_275 = tpu.vector_load %arg12[%swap3A_273, %swap3A_274] {strides = array<i32>} : memref<128x128xf32, #tpu.memory_space<vmem>>, vector<1x16xf32>,
      %swap3A_276 = vector.shape_cast %swap3A_275 : vector<1x16xf32> to vector<16xf32>
      %swap3A_277 = vector.shape_cast %broadcast_in_dim3A_272 : vector<16xf32> to vector<1x16xf32>
      tpu.vector_store %arg12[%swap3A_273, %swap3A_274], %swap3A_277 {strides = array<i32>} : memref<128x128xf32, #tpu.memory_space<vmem>>, vector<1x16xf32>,
      %broadcast_in_dim3A_278 = arith.constant 0.000000e+00 : f32
      %broadcast_in_dim3A_279 = vector.broadcast %broadcast_in_dim3A_278 : f32 to vector<16xf32>
      %swap3A_280 = arith.index_cast %scan3A_229 : i32 to index
      %swap3A_281 = arith.constant 112 : index
      %swap3A_282 = tpu.vector_load %arg12[%swap3A_280, %swap3A_281] {strides = array<i32>} : memref<128x128xf32, #tpu.memory_space<vmem>>, vector<1x16xf32>,
      %swap3A_283 = vector.shape_cast %swap3A_282 : vector<1x16xf32> to vector<16xf32>
      %swap3A_284 = vector.shape_cast %broadcast_in_dim3A_279 : vector<16xf32> to vector<1x16xf32>
      tpu.vector_store %arg12[%swap3A_280, %swap3A_281], %swap3A_284 {strides = array<i32>} : memref<128x128xf32, #tpu.memory_space<vmem>>, vector<1x16xf32>,
    }
    %scan3A_3 = arith.constant 128 : i32
    %mul3A = arith.constant 640 : i32
    %mul3A_4 = arith.muli %arg1, %mul3A : i32
    %scan3A_5 = arith.constant 0 : i32
    %scan3A_6 = arith.constant 5 : i32
    %scan3A_7 = arith.addi %scan3A_5, %scan3A_6 : i32
    %scan3A_8 = arith.constant 1 : i32
    scf.for %scan3A_229 = %scan3A_5 to %scan3A_7 step %scan3A_8  : i32 {
      %mul3A_230 = arith.constant 128 : i32
      %mul3A_231 = arith.muli %scan3A_229, %mul3A_230 : i32
      %add3A_232 = arith.addi %mul3A_4, %mul3A_231 : i32
      "tpu.region"() ({
        %run_scoped3A = tpu.sem_alloc : memref<!tpu.dma_semaphore, #tpu.memory_space<semaphore_mem>>
        %dma_start3A_233 = arith.constant 0 : i32
        %dma_start3A_234 = tpu.memref_slice %arg14[%add3A_232, %dma_start3A_233] : memref<10240x128xf32, #tpu.memory_space<vmem_shared>> -> memref<128x128xf32, #tpu.memory_space<vmem_shared>>
        %dma_start3A_235 = arith.constant 0 : i32
        %dma_start3A_236 = tpu.memref_slice %arg14[%add3A_232, %dma_start3A_235] : memref<10240x128xf32, #tpu.memory_space<vmem_shared>> -> memref<128x128xf32, #tpu.memory_space<vmem_shared>>
        tpu.enqueue_dma source(%arg12 : memref<128x128xf32, #tpu.memory_space<vmem>>) target(%dma_start3A_236 : memref<128x128xf32, #tpu.memory_space<vmem_shared>>) target_semaphore(%run_scoped3A : memref<!tpu.dma_semaphore, #tpu.memory_space<semaphore_mem>>)
        %dma_wait3A_237 = arith.constant 0 : i32
        %dma_wait3A_238 = tpu.memref_slice %arg14[%add3A_232, %dma_wait3A_237] : memref<10240x128xf32, #tpu.memory_space<vmem_shared>> -> memref<128x128xf32, #tpu.memory_space<vmem_shared>>
        %dma_wait3A_239 = arith.constant 0 : i32
        %dma_wait3A_240 = tpu.memref_slice %arg14[%add3A_232, %dma_wait3A_239] : memref<10240x128xf32, #tpu.memory_space<vmem_shared>> -> memref<128x128xf32, #tpu.memory_space<vmem_shared>>
        tpu.wait_dma2 semaphore(%run_scoped3A : memref<!tpu.dma_semaphore, #tpu.memory_space<semaphore_mem>>) src(%arg12 : memref<128x128xf32, #tpu.memory_space<vmem>>) dst(%dma_wait3A_240 : memref<128x128xf32, #tpu.memory_space<vmem_shared>>)
        tpu.yield
      }) : () -> ()
    }
    %scan3A_9 = arith.constant 5 : i32
    %ge3A = arith.constant 12 : i32
    %ge3A_10 = arith.cmpi sge, %arg1, %ge3A : i32
    %jit3A = arith.constant 157 : i32
    %jit3A_11 = arith.constant 156 : i32
    %select_n3A = arith.select %ge3A_10, %jit3A, %jit3A_11 : i32
    %mul3A_12 = arith.constant 156 : i32
    %mul3A_13 = arith.muli %arg1, %mul3A_12 : i32
    %sub3A = arith.constant 12 : i32
    %sub3A_14 = arith.subi %arg1, %sub3A : i32
    %max3A = arith.constant 0 : i32
    %max3A_15 = arith.maxsi %sub3A_14, %max3A : i32
    %add3A = arith.addi %mul3A_13, %max3A_15 : i32
    %mul3A_16 = arith.constant 128 : i32
    %mul3A_17 = arith.muli %add3A, %mul3A_16 : i32
    %add3A_18 = arith.constant 0 : i32
    %add3A_19 = arith.addi %mul3A_17, %add3A_18 : i32
    %min3A = arith.constant 315904 : i32
    %min3A_20 = arith.minsi %add3A_19, %min3A : i32
    "tpu.region"() ({
      %run_scoped3A = tpu.sem_alloc : memref<!tpu.dma_semaphore, #tpu.memory_space<semaphore_mem>>
      %dma_start3A_229 = tpu.memref_slice %arg3[%min3A_20] : memref<320000xi32, #tpu.memory_space<hbm>> -> memref<4096xi32, #tpu.memory_space<hbm>>
      %dma_start3A_230 = tpu.memref_slice %arg3[%min3A_20] : memref<320000xi32, #tpu.memory_space<hbm>> -> memref<4096xi32, #tpu.memory_space<hbm>>
      tpu.enqueue_dma source(%dma_start3A_230 : memref<4096xi32, #tpu.memory_space<hbm>>) target(%arg6 : memref<4096xi32, #tpu.memory_space<vmem>>) target_semaphore(%run_scoped3A : memref<!tpu.dma_semaphore, #tpu.memory_space<semaphore_mem>>)
      %dma_wait3A_231 = tpu.memref_slice %arg3[%min3A_20] : memref<320000xi32, #tpu.memory_space<hbm>> -> memref<4096xi32, #tpu.memory_space<hbm>>
      %dma_wait3A_232 = tpu.memref_slice %arg3[%min3A_20] : memref<320000xi32, #tpu.memory_space<hbm>> -> memref<4096xi32, #tpu.memory_space<hbm>>
      tpu.wait_dma2 semaphore(%run_scoped3A : memref<!tpu.dma_semaphore, #tpu.memory_space<semaphore_mem>>) src(%dma_wait3A_232 : memref<4096xi32, #tpu.memory_space<hbm>>) dst(%arg6 : memref<4096xi32, #tpu.memory_space<vmem>>)
      tpu.yield
    }) : () -> ()
    "tpu.region"() ({
      %run_scoped3A = tpu.sem_alloc : memref<!tpu.dma_semaphore, #tpu.memory_space<semaphore_mem>>
      %dma_start3A_229 = tpu.memref_slice %arg4[%min3A_20] : memref<320000xi32, #tpu.memory_space<hbm>> -> memref<4096xi32, #tpu.memory_space<hbm>>
      %dma_start3A_230 = tpu.memref_slice %arg4[%min3A_20] : memref<320000xi32, #tpu.memory_space<hbm>> -> memref<4096xi32, #tpu.memory_space<hbm>>
      tpu.enqueue_dma source(%dma_start3A_230 : memref<4096xi32, #tpu.memory_space<hbm>>) target(%arg7 : memref<4096xi32, #tpu.memory_space<vmem>>) target_semaphore(%run_scoped3A : memref<!tpu.dma_semaphore, #tpu.memory_space<semaphore_mem>>)
      %dma_wait3A_231 = tpu.memref_slice %arg4[%min3A_20] : memref<320000xi32, #tpu.memory_space<hbm>> -> memref<4096xi32, #tpu.memory_space<hbm>>
      %dma_wait3A_232 = tpu.memref_slice %arg4[%min3A_20] : memref<320000xi32, #tpu.memory_space<hbm>> -> memref<4096xi32, #tpu.memory_space<hbm>>
      tpu.wait_dma2 semaphore(%run_scoped3A : memref<!tpu.dma_semaphore, #tpu.memory_space<semaphore_mem>>) src(%dma_wait3A_232 : memref<4096xi32, #tpu.memory_space<hbm>>) dst(%arg7 : memref<4096xi32, #tpu.memory_space<vmem>>)
      tpu.yield
    }) : () -> ()
    %barrier3A = arith.constant 0 : index
    tpu.barrier barrier_id(%barrier3A)
    %add3A_21 = arith.constant 0 : i32
    %add3A_22 = arith.addi %mul3A_17, %add3A_21 : i32
    %min3A_23 = arith.constant 315904 : i32
    %min3A_24 = arith.minsi %add3A_22, %min3A_23 : i32
    %sub3A_25 = arith.subi %add3A_22, %min3A_24 : i32
    %add3A_26 = arith.constant 0 : i32
    %add3A_27 = arith.addi %add3A_26, %sub3A_25 : i32
    %add3A_28 = arith.constant 0 : i32
    %add3A_29 = arith.addi %add3A_27, %add3A_28 : i32
    %get3A = arith.index_cast %add3A_29 : i32 to index
    %get3A_30 = tpu.vector_load %arg6[%get3A] {strides = array<i32>} : memref<4096xi32, #tpu.memory_space<vmem>>, vector<16xi32>,
    %get3A_31 = vector.shape_cast %get3A_30 : vector<16xi32> to vector<16xi32>
    %mul3A_32 = arith.constant 2 : i32
    %mul3A_33 = vector.broadcast %mul3A_32 : i32 to vector<16xi32>
    %mul3A_34 = arith.muli %get3A_31, %mul3A_33 : vector<16xi32>
    %add3A_35 = vector.broadcast %arg0 : i32 to vector<16xi32>
    %add3A_36 = arith.addi %mul3A_34, %add3A_35 : vector<16xi32>
    %swap3A = arith.constant 0 : index
    %swap3A_37 = tpu.vector_load %arg8[%swap3A] {strides = array<i32>} : memref<128xi32, #tpu.memory_space<vmem>>, vector<16xi32>,
    %swap3A_38 = vector.shape_cast %swap3A_37 : vector<16xi32> to vector<16xi32>
    %swap3A_39 = vector.shape_cast %add3A_36 : vector<16xi32> to vector<16xi32>
    tpu.vector_store %arg8[%swap3A], %swap3A_39 {strides = array<i32>} : memref<128xi32, #tpu.memory_space<vmem>>, vector<16xi32>,
    %add3A_40 = arith.constant 0 : i32
    %add3A_41 = arith.addi %add3A_27, %add3A_40 : i32
    %get3A_42 = arith.index_cast %add3A_41 : i32 to index
    %get3A_43 = tpu.vector_load %arg7[%get3A_42] {strides = array<i32>} : memref<4096xi32, #tpu.memory_space<vmem>>, vector<16xi32>,
    %get3A_44 = vector.shape_cast %get3A_43 : vector<16xi32> to vector<16xi32>
    %swap3A_45 = arith.constant 0 : index
    %swap3A_46 = tpu.vector_load %arg10[%swap3A_45] {strides = array<i32>} : memref<128xi32, #tpu.memory_space<vmem>>, vector<16xi32>,
    %swap3A_47 = vector.shape_cast %swap3A_46 : vector<16xi32> to vector<16xi32>
    %swap3A_48 = vector.shape_cast %get3A_44 : vector<16xi32> to vector<16xi32>
    tpu.vector_store %arg10[%swap3A_45], %swap3A_48 {strides = array<i32>} : memref<128xi32, #tpu.memory_space<vmem>>, vector<16xi32>,
    %add3A_49 = arith.constant 16 : i32
    %add3A_50 = arith.addi %add3A_27, %add3A_49 : i32
    %get3A_51 = arith.index_cast %add3A_50 : i32 to index
    %get3A_52 = tpu.vector_load %arg6[%get3A_51] {strides = array<i32>} : memref<4096xi32, #tpu.memory_space<vmem>>, vector<16xi32>,
    %get3A_53 = vector.shape_cast %get3A_52 : vector<16xi32> to vector<16xi32>
    %mul3A_54 = arith.constant 2 : i32
    %mul3A_55 = vector.broadcast %mul3A_54 : i32 to vector<16xi32>
    %mul3A_56 = arith.muli %get3A_53, %mul3A_55 : vector<16xi32>
    %add3A_57 = vector.broadcast %arg0 : i32 to vector<16xi32>
    %add3A_58 = arith.addi %mul3A_56, %add3A_57 : vector<16xi32>
    %swap3A_59 = arith.constant 16 : index
    %swap3A_60 = tpu.vector_load %arg8[%swap3A_59] {strides = array<i32>} : memref<128xi32, #tpu.memory_space<vmem>>, vector<16xi32>,
    %swap3A_61 = vector.shape_cast %swap3A_60 : vector<16xi32> to vector<16xi32>
    %swap3A_62 = vector.shape_cast %add3A_58 : vector<16xi32> to vector<16xi32>
    tpu.vector_store %arg8[%swap3A_59], %swap3A_62 {strides = array<i32>} : memref<128xi32, #tpu.memory_space<vmem>>, vector<16xi32>,
    %add3A_63 = arith.constant 16 : i32
    %add3A_64 = arith.addi %add3A_27, %add3A_63 : i32
    %get3A_65 = arith.index_cast %add3A_64 : i32 to index
    %get3A_66 = tpu.vector_load %arg7[%get3A_65] {strides = array<i32>} : memref<4096xi32, #tpu.memory_space<vmem>>, vector<16xi32>,
    %get3A_67 = vector.shape_cast %get3A_66 : vector<16xi32> to vector<16xi32>
    %swap3A_68 = arith.constant 16 : index
    %swap3A_69 = tpu.vector_load %arg10[%swap3A_68] {strides = array<i32>} : memref<128xi32, #tpu.memory_space<vmem>>, vector<16xi32>,
    %swap3A_70 = vector.shape_cast %swap3A_69 : vector<16xi32> to vector<16xi32>
    %swap3A_71 = vector.shape_cast %get3A_67 : vector<16xi32> to vector<16xi32>
    tpu.vector_store %arg10[%swap3A_68], %swap3A_71 {strides = array<i32>} : memref<128xi32, #tpu.memory_space<vmem>>, vector<16xi32>,
    %add3A_72 = arith.constant 32 : i32
    %add3A_73 = arith.addi %add3A_27, %add3A_72 : i32
    %get3A_74 = arith.index_cast %add3A_73 : i32 to index
    %get3A_75 = tpu.vector_load %arg6[%get3A_74] {strides = array<i32>} : memref<4096xi32, #tpu.memory_space<vmem>>, vector<16xi32>,
    %get3A_76 = vector.shape_cast %get3A_75 : vector<16xi32> to vector<16xi32>
    %mul3A_77 = arith.constant 2 : i32
    %mul3A_78 = vector.broadcast %mul3A_77 : i32 to vector<16xi32>
    %mul3A_79 = arith.muli %get3A_76, %mul3A_78 : vector<16xi32>
    %add3A_80 = vector.broadcast %arg0 : i32 to vector<16xi32>
    %add3A_81 = arith.addi %mul3A_79, %add3A_80 : vector<16xi32>
    %swap3A_82 = arith.constant 32 : index
    %swap3A_83 = tpu.vector_load %arg8[%swap3A_82] {strides = array<i32>} : memref<128xi32, #tpu.memory_space<vmem>>, vector<16xi32>,
    %swap3A_84 = vector.shape_cast %swap3A_83 : vector<16xi32> to vector<16xi32>
    %swap3A_85 = vector.shape_cast %add3A_81 : vector<16xi32> to vector<16xi32>
    tpu.vector_store %arg8[%swap3A_82], %swap3A_85 {strides = array<i32>} : memref<128xi32, #tpu.memory_space<vmem>>, vector<16xi32>,
    %add3A_86 = arith.constant 32 : i32
    %add3A_87 = arith.addi %add3A_27, %add3A_86 : i32
    %get3A_88 = arith.index_cast %add3A_87 : i32 to index
    %get3A_89 = tpu.vector_load %arg7[%get3A_88] {strides = array<i32>} : memref<4096xi32, #tpu.memory_space<vmem>>, vector<16xi32>,
    %get3A_90 = vector.shape_cast %get3A_89 : vector<16xi32> to vector<16xi32>
    %swap3A_91 = arith.constant 32 : index
    %swap3A_92 = tpu.vector_load %arg10[%swap3A_91] {strides = array<i32>} : memref<128xi32, #tpu.memory_space<vmem>>, vector<16xi32>,
    %swap3A_93 = vector.shape_cast %swap3A_92 : vector<16xi32> to vector<16xi32>
    %swap3A_94 = vector.shape_cast %get3A_90 : vector<16xi32> to vector<16xi32>
    tpu.vector_store %arg10[%swap3A_91], %swap3A_94 {strides = array<i32>} : memref<128xi32, #tpu.memory_space<vmem>>, vector<16xi32>,
    %add3A_95 = arith.constant 48 : i32
    %add3A_96 = arith.addi %add3A_27, %add3A_95 : i32
    %get3A_97 = arith.index_cast %add3A_96 : i32 to index
    %get3A_98 = tpu.vector_load %arg6[%get3A_97] {strides = array<i32>} : memref<4096xi32, #tpu.memory_space<vmem>>, vector<16xi32>,
    %get3A_99 = vector.shape_cast %get3A_98 : vector<16xi32> to vector<16xi32>
    %mul3A_100 = arith.constant 2 : i32
    %mul3A_101 = vector.broadcast %mul3A_100 : i32 to vector<16xi32>
    %mul3A_102 = arith.muli %get3A_99, %mul3A_101 : vector<16xi32>
    %add3A_103 = vector.broadcast %arg0 : i32 to vector<16xi32>
    %add3A_104 = arith.addi %mul3A_102, %add3A_103 : vector<16xi32>
    %swap3A_105 = arith.constant 48 : index
    %swap3A_106 = tpu.vector_load %arg8[%swap3A_105] {strides = array<i32>} : memref<128xi32, #tpu.memory_space<vmem>>, vector<16xi32>,
    %swap3A_107 = vector.shape_cast %swap3A_106 : vector<16xi32> to vector<16xi32>
    %swap3A_108 = vector.shape_cast %add3A_104 : vector<16xi32> to vector<16xi32>
    tpu.vector_store %arg8[%swap3A_105], %swap3A_108 {strides = array<i32>} : memref<128xi32, #tpu.memory_space<vmem>>, vector<16xi32>,
    %add3A_109 = arith.constant 48 : i32
    %add3A_110 = arith.addi %add3A_27, %add3A_109 : i32
    %get3A_111 = arith.index_cast %add3A_110 : i32 to index
    %get3A_112 = tpu.vector_load %arg7[%get3A_111] {strides = array<i32>} : memref<4096xi32, #tpu.memory_space<vmem>>, vector<16xi32>,
    %get3A_113 = vector.shape_cast %get3A_112 : vector<16xi32> to vector<16xi32>
    %swap3A_114 = arith.constant 48 : index
    %swap3A_115 = tpu.vector_load %arg10[%swap3A_114] {strides = array<i32>} : memref<128xi32, #tpu.memory_space<vmem>>, vector<16xi32>,
    %swap3A_116 = vector.shape_cast %swap3A_115 : vector<16xi32> to vector<16xi32>
    %swap3A_117 = vector.shape_cast %get3A_113 : vector<16xi32> to vector<16xi32>
    tpu.vector_store %arg10[%swap3A_114], %swap3A_117 {strides = array<i32>} : memref<128xi32, #tpu.memory_space<vmem>>, vector<16xi32>,
    %add3A_118 = arith.constant 64 : i32
    %add3A_119 = arith.addi %add3A_27, %add3A_118 : i32
    %get3A_120 = arith.index_cast %add3A_119 : i32 to index
    %get3A_121 = tpu.vector_load %arg6[%get3A_120] {strides = array<i32>} : memref<4096xi32, #tpu.memory_space<vmem>>, vector<16xi32>,
    %get3A_122 = vector.shape_cast %get3A_121 : vector<16xi32> to vector<16xi32>
    %mul3A_123 = arith.constant 2 : i32
    %mul3A_124 = vector.broadcast %mul3A_123 : i32 to vector<16xi32>
    %mul3A_125 = arith.muli %get3A_122, %mul3A_124 : vector<16xi32>
    %add3A_126 = vector.broadcast %arg0 : i32 to vector<16xi32>
    %add3A_127 = arith.addi %mul3A_125, %add3A_126 : vector<16xi32>
    %swap3A_128 = arith.constant 64 : index
    %swap3A_129 = tpu.vector_load %arg8[%swap3A_128] {strides = array<i32>} : memref<128xi32, #tpu.memory_space<vmem>>, vector<16xi32>,
    %swap3A_130 = vector.shape_cast %swap3A_129 : vector<16xi32> to vector<16xi32>
    %swap3A_131 = vector.shape_cast %add3A_127 : vector<16xi32> to vector<16xi32>
    tpu.vector_store %arg8[%swap3A_128], %swap3A_131 {strides = array<i32>} : memref<128xi32, #tpu.memory_space<vmem>>, vector<16xi32>,
    %add3A_132 = arith.constant 64 : i32
    %add3A_133 = arith.addi %add3A_27, %add3A_132 : i32
    %get3A_134 = arith.index_cast %add3A_133 : i32 to index
    %get3A_135 = tpu.vector_load %arg7[%get3A_134] {strides = array<i32>} : memref<4096xi32, #tpu.memory_space<vmem>>, vector<16xi32>,
    %get3A_136 = vector.shape_cast %get3A_135 : vector<16xi32> to vector<16xi32>
    %swap3A_137 = arith.constant 64 : index
    %swap3A_138 = tpu.vector_load %arg10[%swap3A_137] {strides = array<i32>} : memref<128xi32, #tpu.memory_space<vmem>>, vector<16xi32>,
    %swap3A_139 = vector.shape_cast %swap3A_138 : vector<16xi32> to vector<16xi32>
    %swap3A_140 = vector.shape_cast %get3A_136 : vector<16xi32> to vector<16xi32>
    tpu.vector_store %arg10[%swap3A_137], %swap3A_140 {strides = array<i32>} : memref<128xi32, #tpu.memory_space<vmem>>, vector<16xi32>,
    %add3A_141 = arith.constant 80 : i32
    %add3A_142 = arith.addi %add3A_27, %add3A_141 : i32
    %get3A_143 = arith.index_cast %add3A_142 : i32 to index
    %get3A_144 = tpu.vector_load %arg6[%get3A_143] {strides = array<i32>} : memref<4096xi32, #tpu.memory_space<vmem>>, vector<16xi32>,
    %get3A_145 = vector.shape_cast %get3A_144 : vector<16xi32> to vector<16xi32>
    %mul3A_146 = arith.constant 2 : i32
    %mul3A_147 = vector.broadcast %mul3A_146 : i32 to vector<16xi32>
    %mul3A_148 = arith.muli %get3A_145, %mul3A_147 : vector<16xi32>
    %add3A_149 = vector.broadcast %arg0 : i32 to vector<16xi32>
    %add3A_150 = arith.addi %mul3A_148, %add3A_149 : vector<16xi32>
    %swap3A_151 = arith.constant 80 : index
    %swap3A_152 = tpu.vector_load %arg8[%swap3A_151] {strides = array<i32>} : memref<128xi32, #tpu.memory_space<vmem>>, vector<16xi32>,
    %swap3A_153 = vector.shape_cast %swap3A_152 : vector<16xi32> to vector<16xi32>
    %swap3A_154 = vector.shape_cast %add3A_150 : vector<16xi32> to vector<16xi32>
    tpu.vector_store %arg8[%swap3A_151], %swap3A_154 {strides = array<i32>} : memref<128xi32, #tpu.memory_space<vmem>>, vector<16xi32>,
    %add3A_155 = arith.constant 80 : i32
    %add3A_156 = arith.addi %add3A_27, %add3A_155 : i32
    %get3A_157 = arith.index_cast %add3A_156 : i32 to index
    %get3A_158 = tpu.vector_load %arg7[%get3A_157] {strides = array<i32>} : memref<4096xi32, #tpu.memory_space<vmem>>, vector<16xi32>,
    %get3A_159 = vector.shape_cast %get3A_158 : vector<16xi32> to vector<16xi32>
    %swap3A_160 = arith.constant 80 : index
    %swap3A_161 = tpu.vector_load %arg10[%swap3A_160] {strides = array<i32>} : memref<128xi32, #tpu.memory_space<vmem>>, vector<16xi32>,
    %swap3A_162 = vector.shape_cast %swap3A_161 : vector<16xi32> to vector<16xi32>
    %swap3A_163 = vector.shape_cast %get3A_159 : vector<16xi32> to vector<16xi32>
    tpu.vector_store %arg10[%swap3A_160], %swap3A_163 {strides = array<i32>} : memref<128xi32, #tpu.memory_space<vmem>>, vector<16xi32>,
    %add3A_164 = arith.constant 96 : i32
    %add3A_165 = arith.addi %add3A_27, %add3A_164 : i32
    %get3A_166 = arith.index_cast %add3A_165 : i32 to index
    %get3A_167 = tpu.vector_load %arg6[%get3A_166] {strides = array<i32>} : memref<4096xi32, #tpu.memory_space<vmem>>, vector<16xi32>,
    %get3A_168 = vector.shape_cast %get3A_167 : vector<16xi32> to vector<16xi32>
    %mul3A_169 = arith.constant 2 : i32
    %mul3A_170 = vector.broadcast %mul3A_169 : i32 to vector<16xi32>
    %mul3A_171 = arith.muli %get3A_168, %mul3A_170 : vector<16xi32>
    %add3A_172 = vector.broadcast %arg0 : i32 to vector<16xi32>
    %add3A_173 = arith.addi %mul3A_171, %add3A_172 : vector<16xi32>
    %swap3A_174 = arith.constant 96 : index
    %swap3A_175 = tpu.vector_load %arg8[%swap3A_174] {strides = array<i32>} : memref<128xi32, #tpu.memory_space<vmem>>, vector<16xi32>,
    %swap3A_176 = vector.shape_cast %swap3A_175 : vector<16xi32> to vector<16xi32>
    %swap3A_177 = vector.shape_cast %add3A_173 : vector<16xi32> to vector<16xi32>
    tpu.vector_store %arg8[%swap3A_174], %swap3A_177 {strides = array<i32>} : memref<128xi32, #tpu.memory_space<vmem>>, vector<16xi32>,
    %add3A_178 = arith.constant 96 : i32
    %add3A_179 = arith.addi %add3A_27, %add3A_178 : i32
    %get3A_180 = arith.index_cast %add3A_179 : i32 to index
    %get3A_181 = tpu.vector_load %arg7[%get3A_180] {strides = array<i32>} : memref<4096xi32, #tpu.memory_space<vmem>>, vector<16xi32>,
    %get3A_182 = vector.shape_cast %get3A_181 : vector<16xi32> to vector<16xi32>
    %swap3A_183 = arith.constant 96 : index
    %swap3A_184 = tpu.vector_load %arg10[%swap3A_183] {strides = array<i32>} : memref<128xi32, #tpu.memory_space<vmem>>, vector<16xi32>,
    %swap3A_185 = vector.shape_cast %swap3A_184 : vector<16xi32> to vector<16xi32>
    %swap3A_186 = vector.shape_cast %get3A_182 : vector<16xi32> to vector<16xi32>
    tpu.vector_store %arg10[%swap3A_183], %swap3A_186 {strides = array<i32>} : memref<128xi32, #tpu.memory_space<vmem>>, vector<16xi32>,
    %add3A_187 = arith.constant 112 : i32
    %add3A_188 = arith.addi %add3A_27, %add3A_187 : i32
    %get3A_189 = arith.index_cast %add3A_188 : i32 to index
    %get3A_190 = tpu.vector_load %arg6[%get3A_189] {strides = array<i32>} : memref<4096xi32, #tpu.memory_space<vmem>>, vector<16xi32>,
    %get3A_191 = vector.shape_cast %get3A_190 : vector<16xi32> to vector<16xi32>
    %mul3A_192 = arith.constant 2 : i32
    %mul3A_193 = vector.broadcast %mul3A_192 : i32 to vector<16xi32>
    %mul3A_194 = arith.muli %get3A_191, %mul3A_193 : vector<16xi32>
    %add3A_195 = vector.broadcast %arg0 : i32 to vector<16xi32>
    %add3A_196 = arith.addi %mul3A_194, %add3A_195 : vector<16xi32>
    %swap3A_197 = arith.constant 112 : index
    %swap3A_198 = tpu.vector_load %arg8[%swap3A_197] {strides = array<i32>} : memref<128xi32, #tpu.memory_space<vmem>>, vector<16xi32>,
    %swap3A_199 = vector.shape_cast %swap3A_198 : vector<16xi32> to vector<16xi32>
    %swap3A_200 = vector.shape_cast %add3A_196 : vector<16xi32> to vector<16xi32>
    tpu.vector_store %arg8[%swap3A_197], %swap3A_200 {strides = array<i32>} : memref<128xi32, #tpu.memory_space<vmem>>, vector<16xi32>,
    %add3A_201 = arith.constant 112 : i32
    %add3A_202 = arith.addi %add3A_27, %add3A_201 : i32
    %get3A_203 = arith.index_cast %add3A_202 : i32 to index
    %get3A_204 = tpu.vector_load %arg7[%get3A_203] {strides = array<i32>} : memref<4096xi32, #tpu.memory_space<vmem>>, vector<16xi32>,
    %get3A_205 = vector.shape_cast %get3A_204 : vector<16xi32> to vector<16xi32>
    %swap3A_206 = arith.constant 112 : index
    %swap3A_207 = tpu.vector_load %arg10[%swap3A_206] {strides = array<i32>} : memref<128xi32, #tpu.memory_space<vmem>>, vector<16xi32>,
    %swap3A_208 = vector.shape_cast %swap3A_207 : vector<16xi32> to vector<16xi32>
    %swap3A_209 = vector.shape_cast %get3A_205 : vector<16xi32> to vector<16xi32>
    tpu.vector_store %arg10[%swap3A_206], %swap3A_209 {strides = array<i32>} : memref<128xi32, #tpu.memory_space<vmem>>, vector<16xi32>,
    %dma_start3A = arith.constant 0 : i32
    %dma_start3A_210 = arith.constant 0 : i32
    %dma_start3A_211 = tpu.memref_slice %arg2[%dma_start3A, %dma_start3A_210] : memref<20480x128xf32, #tpu.memory_space<hbm>> -> memref<20480x128xf32, #tpu.memory_space<hbm>>
    tpu.enqueue_indirect_dma source(%dma_start3A_211 : memref<20480x128xf32, #tpu.memory_space<hbm>>) target(%arg12 : memref<128x128xf32, #tpu.memory_space<vmem>>) offsets(%arg8 : memref<128xi32, #tpu.memory_space<vmem>>) semaphore(%arg15 : memref<!tpu.dma_semaphore, #tpu.memory_space<semaphore_mem>>)
    %while3A = arith.constant 0 : i32
    %while3A_212 = arith.subi %select_n3A, %while3A : i32
    %while3A_213 = arith.addi %while3A, %while3A_212 : i32
    %while3A_214 = arith.constant 1 : i32
    %while3A_215 = arith.divsi %while3A_212, %while3A_214 : i32
    %while3A_216 = arith.muli %while3A_215, %while3A_214 : i32
    %while3A_217 = arith.addi %while3A, %while3A_216 : i32
    %while3A_218 = arith.constant 1 : i32
    scf.for %while3A_229 = %while3A to %while3A_217 step %while3A_218  : i32 {
      %rem3A = arith.constant 2 : i32
      %rem3A_230 = arith.remsi %while3A_229, %rem3A : i32
      %add3A_231 = arith.constant 1 : i32
      %add3A_232 = arith.addi %while3A_229, %add3A_231 : i32
      %rem3A_233 = arith.constant 32 : i32
      %rem3A_234 = arith.remsi %add3A_232, %rem3A_233 : i32
      %eq3A = arith.constant 0 : i32
      %eq3A_235 = arith.cmpi eq, %rem3A_234, %eq3A : i32
      %lt3A = arith.cmpi slt, %add3A_232, %select_n3A : i32
      %and3A = arith.andi %eq3A_235, %lt3A : i1
      %convert_element_type3A = arith.extui %and3A : i1 to i32
      %cond3A = arith.constant 0 : i32
      %cond3A_236 = arith.cmpi ne, %convert_element_type3A, %cond3A : i32
      scf.if %cond3A_236 {
        %mul3A_261 = arith.constant 128 : i32
        %mul3A_262 = arith.muli %add3A_232, %mul3A_261 : i32
        %add3A_263 = arith.addi %mul3A_17, %mul3A_262 : i32
        %min3A_264 = arith.constant 315904 : i32
        %min3A_265 = arith.minsi %add3A_263, %min3A_264 : i32
        "tpu.region"() ({
          %run_scoped3A = tpu.sem_alloc : memref<!tpu.dma_semaphore, #tpu.memory_space<semaphore_mem>>
          %dma_start3A_266 = tpu.memref_slice %arg3[%min3A_265] : memref<320000xi32, #tpu.memory_space<hbm>> -> memref<4096xi32, #tpu.memory_space<hbm>>
          %dma_start3A_267 = tpu.memref_slice %arg3[%min3A_265] : memref<320000xi32, #tpu.memory_space<hbm>> -> memref<4096xi32, #tpu.memory_space<hbm>>
          tpu.enqueue_dma source(%dma_start3A_267 : memref<4096xi32, #tpu.memory_space<hbm>>) target(%arg6 : memref<4096xi32, #tpu.memory_space<vmem>>) target_semaphore(%run_scoped3A : memref<!tpu.dma_semaphore, #tpu.memory_space<semaphore_mem>>)
          %dma_wait3A_268 = tpu.memref_slice %arg3[%min3A_265] : memref<320000xi32, #tpu.memory_space<hbm>> -> memref<4096xi32, #tpu.memory_space<hbm>>
          %dma_wait3A_269 = tpu.memref_slice %arg3[%min3A_265] : memref<320000xi32, #tpu.memory_space<hbm>> -> memref<4096xi32, #tpu.memory_space<hbm>>
          tpu.wait_dma2 semaphore(%run_scoped3A : memref<!tpu.dma_semaphore, #tpu.memory_space<semaphore_mem>>) src(%dma_wait3A_269 : memref<4096xi32, #tpu.memory_space<hbm>>) dst(%arg6 : memref<4096xi32, #tpu.memory_space<vmem>>)
          tpu.yield
        }) : () -> ()
        "tpu.region"() ({
          %run_scoped3A = tpu.sem_alloc : memref<!tpu.dma_semaphore, #tpu.memory_space<semaphore_mem>>
          %dma_start3A_266 = tpu.memref_slice %arg4[%min3A_265] : memref<320000xi32, #tpu.memory_space<hbm>> -> memref<4096xi32, #tpu.memory_space<hbm>>
          %dma_start3A_267 = tpu.memref_slice %arg4[%min3A_265] : memref<320000xi32, #tpu.memory_space<hbm>> -> memref<4096xi32, #tpu.memory_space<hbm>>
          tpu.enqueue_dma source(%dma_start3A_267 : memref<4096xi32, #tpu.memory_space<hbm>>) target(%arg7 : memref<4096xi32, #tpu.memory_space<vmem>>) target_semaphore(%run_scoped3A : memref<!tpu.dma_semaphore, #tpu.memory_space<semaphore_mem>>)
          %dma_wait3A_268 = tpu.memref_slice %arg4[%min3A_265] : memref<320000xi32, #tpu.memory_space<hbm>> -> memref<4096xi32, #tpu.memory_space<hbm>>
          %dma_wait3A_269 = tpu.memref_slice %arg4[%min3A_265] : memref<320000xi32, #tpu.memory_space<hbm>> -> memref<4096xi32, #tpu.memory_space<hbm>>
          tpu.wait_dma2 semaphore(%run_scoped3A : memref<!tpu.dma_semaphore, #tpu.memory_space<semaphore_mem>>) src(%dma_wait3A_269 : memref<4096xi32, #tpu.memory_space<hbm>>) dst(%arg7 : memref<4096xi32, #tpu.memory_space<vmem>>)
          tpu.yield
        }) : () -> ()
      } else {
      }
      %eq3A_237 = arith.constant 0 : i32
      %eq3A_238 = arith.cmpi eq, %rem3A_230, %eq3A_237 : i32
      %lt3A_239 = arith.cmpi slt, %add3A_232, %select_n3A : i32
      %and3A_240 = arith.andi %eq3A_238, %lt3A_239 : i1
      %convert_element_type3A_241 = arith.extui %and3A_240 : i1 to i32
      %cond3A_242 = arith.constant 0 : i32
      %cond3A_243 = arith.cmpi ne, %convert_element_type3A_241, %cond3A_242 : i32
      scf.if %cond3A_243 {
        %ge3A_261 = arith.constant 1 : i32
        %ge3A_262 = arith.cmpi sge, %while3A_229, %ge3A_261 : i32
        %convert_element_type3A_263 = arith.extui %ge3A_262 : i1 to i32
        %cond3A_264 = arith.constant 0 : i32
        %cond3A_265 = arith.cmpi ne, %convert_element_type3A_263, %cond3A_264 : i32
        scf.if %cond3A_265 {
          %dma_wait3A_463 = arith.constant 0 : i32
          %dma_wait3A_464 = arith.constant 0 : i32
          %dma_wait3A_465 = tpu.memref_slice %arg14[%dma_wait3A_463, %dma_wait3A_464] : memref<10240x128xf32, #tpu.memory_space<vmem_shared>> -> memref<10240x128xf32, #tpu.memory_space<vmem_shared>>
          tpu.wait_indirect_dma semaphore(%arg18 : memref<!tpu.dma_semaphore, #tpu.memory_space<semaphore_mem>>) src(%arg13 : memref<128x128xf32, #tpu.memory_space<vmem>>) dst(%dma_wait3A_465 : memref<10240x128xf32, #tpu.memory_space<vmem_shared>>)
        } else {
        }
        %sub3A_266 = arith.subi %add3A_232, %rem3A_234 : i32
        %mul3A_267 = arith.constant 128 : i32
        %mul3A_268 = arith.muli %sub3A_266, %mul3A_267 : i32
        %add3A_269 = arith.addi %mul3A_17, %mul3A_268 : i32
        %min3A_270 = arith.constant 315904 : i32
        %min3A_271 = arith.minsi %add3A_269, %min3A_270 : i32
        %sub3A_272 = arith.subi %add3A_269, %min3A_271 : i32
        %mul3A_273 = arith.constant 128 : i32
        %mul3A_274 = arith.muli %rem3A_234, %mul3A_273 : i32
        %add3A_275 = arith.addi %mul3A_274, %sub3A_272 : i32
        %add3A_276 = arith.constant 0 : i32
        %add3A_277 = arith.addi %add3A_275, %add3A_276 : i32
        %get3A_278 = arith.index_cast %add3A_277 : i32 to index
        %get3A_279 = tpu.vector_load %arg6[%get3A_278] {strides = array<i32>} : memref<4096xi32, #tpu.memory_space<vmem>>, vector<16xi32>,
        %get3A_280 = vector.shape_cast %get3A_279 : vector<16xi32> to vector<16xi32>
        %mul3A_281 = arith.constant 2 : i32
        %mul3A_282 = vector.broadcast %mul3A_281 : i32 to vector<16xi32>
        %mul3A_283 = arith.muli %get3A_280, %mul3A_282 : vector<16xi32>
        %add3A_284 = vector.broadcast %arg0 : i32 to vector<16xi32>
        %add3A_285 = arith.addi %mul3A_283, %add3A_284 : vector<16xi32>
        %swap3A_286 = arith.constant 0 : index
        %swap3A_287 = tpu.vector_load %arg9[%swap3A_286] {strides = array<i32>} : memref<128xi32, #tpu.memory_space<vmem>>, vector<16xi32>,
        %swap3A_288 = vector.shape_cast %swap3A_287 : vector<16xi32> to vector<16xi32>
        %swap3A_289 = vector.shape_cast %add3A_285 : vector<16xi32> to vector<16xi32>
        tpu.vector_store %arg9[%swap3A_286], %swap3A_289 {strides = array<i32>} : memref<128xi32, #tpu.memory_space<vmem>>, vector<16xi32>,
        %add3A_290 = arith.constant 0 : i32
        %add3A_291 = arith.addi %add3A_275, %add3A_290 : i32
        %get3A_292 = arith.index_cast %add3A_291 : i32 to index
        %get3A_293 = tpu.vector_load %arg7[%get3A_292] {strides = array<i32>} : memref<4096xi32, #tpu.memory_space<vmem>>, vector<16xi32>,
        %get3A_294 = vector.shape_cast %get3A_293 : vector<16xi32> to vector<16xi32>
        %swap3A_295 = arith.constant 0 : index
        %swap3A_296 = tpu.vector_load %arg11[%swap3A_295] {strides = array<i32>} : memref<128xi32, #tpu.memory_space<vmem>>, vector<16xi32>,
        %swap3A_297 = vector.shape_cast %swap3A_296 : vector<16xi32> to vector<16xi32>
        %swap3A_298 = vector.shape_cast %get3A_294 : vector<16xi32> to vector<16xi32>
        tpu.vector_store %arg11[%swap3A_295], %swap3A_298 {strides = array<i32>} : memref<128xi32, #tpu.memory_space<vmem>>, vector<16xi32>,
        %add3A_299 = arith.constant 16 : i32
        %add3A_300 = arith.addi %add3A_275, %add3A_299 : i32
        %get3A_301 = arith.index_cast %add3A_300 : i32 to index
        %get3A_302 = tpu.vector_load %arg6[%get3A_301] {strides = array<i32>} : memref<4096xi32, #tpu.memory_space<vmem>>, vector<16xi32>,
        %get3A_303 = vector.shape_cast %get3A_302 : vector<16xi32> to vector<16xi32>
        %mul3A_304 = arith.constant 2 : i32
        %mul3A_305 = vector.broadcast %mul3A_304 : i32 to vector<16xi32>
        %mul3A_306 = arith.muli %get3A_303, %mul3A_305 : vector<16xi32>
        %add3A_307 = vector.broadcast %arg0 : i32 to vector<16xi32>
        %add3A_308 = arith.addi %mul3A_306, %add3A_307 : vector<16xi32>
        %swap3A_309 = arith.constant 16 : index
        %swap3A_310 = tpu.vector_load %arg9[%swap3A_309] {strides = array<i32>} : memref<128xi32, #tpu.memory_space<vmem>>, vector<16xi32>,
        %swap3A_311 = vector.shape_cast %swap3A_310 : vector<16xi32> to vector<16xi32>
        %swap3A_312 = vector.shape_cast %add3A_308 : vector<16xi32> to vector<16xi32>
        tpu.vector_store %arg9[%swap3A_309], %swap3A_312 {strides = array<i32>} : memref<128xi32, #tpu.memory_space<vmem>>, vector<16xi32>,
        %add3A_313 = arith.constant 16 : i32
        %add3A_314 = arith.addi %add3A_275, %add3A_313 : i32
        %get3A_315 = arith.index_cast %add3A_314 : i32 to index
        %get3A_316 = tpu.vector_load %arg7[%get3A_315] {strides = array<i32>} : memref<4096xi32, #tpu.memory_space<vmem>>, vector<16xi32>,
        %get3A_317 = vector.shape_cast %get3A_316 : vector<16xi32> to vector<16xi32>
        %swap3A_318 = arith.constant 16 : index
        %swap3A_319 = tpu.vector_load %arg11[%swap3A_318] {strides = array<i32>} : memref<128xi32, #tpu.memory_space<vmem>>, vector<16xi32>,
        %swap3A_320 = vector.shape_cast %swap3A_319 : vector<16xi32> to vector<16xi32>
        %swap3A_321 = vector.shape_cast %get3A_317 : vector<16xi32> to vector<16xi32>
        tpu.vector_store %arg11[%swap3A_318], %swap3A_321 {strides = array<i32>} : memref<128xi32, #tpu.memory_space<vmem>>, vector<16xi32>,
        %add3A_322 = arith.constant 32 : i32
        %add3A_323 = arith.addi %add3A_275, %add3A_322 : i32
        %get3A_324 = arith.index_cast %add3A_323 : i32 to index
        %get3A_325 = tpu.vector_load %arg6[%get3A_324] {strides = array<i32>} : memref<4096xi32, #tpu.memory_space<vmem>>, vector<16xi32>,
        %get3A_326 = vector.shape_cast %get3A_325 : vector<16xi32> to vector<16xi32>
        %mul3A_327 = arith.constant 2 : i32
        %mul3A_328 = vector.broadcast %mul3A_327 : i32 to vector<16xi32>
        %mul3A_329 = arith.muli %get3A_326, %mul3A_328 : vector<16xi32>
        %add3A_330 = vector.broadcast %arg0 : i32 to vector<16xi32>
        %add3A_331 = arith.addi %mul3A_329, %add3A_330 : vector<16xi32>
        %swap3A_332 = arith.constant 32 : index
        %swap3A_333 = tpu.vector_load %arg9[%swap3A_332] {strides = array<i32>} : memref<128xi32, #tpu.memory_space<vmem>>, vector<16xi32>,
        %swap3A_334 = vector.shape_cast %swap3A_333 : vector<16xi32> to vector<16xi32>
        %swap3A_335 = vector.shape_cast %add3A_331 : vector<16xi32> to vector<16xi32>
        tpu.vector_store %arg9[%swap3A_332], %swap3A_335 {strides = array<i32>} : memref<128xi32, #tpu.memory_space<vmem>>, vector<16xi32>,
        %add3A_336 = arith.constant 32 : i32
        %add3A_337 = arith.addi %add3A_275, %add3A_336 : i32
        %get3A_338 = arith.index_cast %add3A_337 : i32 to index
        %get3A_339 = tpu.vector_load %arg7[%get3A_338] {strides = array<i32>} : memref<4096xi32, #tpu.memory_space<vmem>>, vector<16xi32>,
        %get3A_340 = vector.shape_cast %get3A_339 : vector<16xi32> to vector<16xi32>
        %swap3A_341 = arith.constant 32 : index
        %swap3A_342 = tpu.vector_load %arg11[%swap3A_341] {strides = array<i32>} : memref<128xi32, #tpu.memory_space<vmem>>, vector<16xi32>,
        %swap3A_343 = vector.shape_cast %swap3A_342 : vector<16xi32> to vector<16xi32>
        %swap3A_344 = vector.shape_cast %get3A_340 : vector<16xi32> to vector<16xi32>
        tpu.vector_store %arg11[%swap3A_341], %swap3A_344 {strides = array<i32>} : memref<128xi32, #tpu.memory_space<vmem>>, vector<16xi32>,
        %add3A_345 = arith.constant 48 : i32
        %add3A_346 = arith.addi %add3A_275, %add3A_345 : i32
        %get3A_347 = arith.index_cast %add3A_346 : i32 to index
        %get3A_348 = tpu.vector_load %arg6[%get3A_347] {strides = array<i32>} : memref<4096xi32, #tpu.memory_space<vmem>>, vector<16xi32>,
        %get3A_349 = vector.shape_cast %get3A_348 : vector<16xi32> to vector<16xi32>
        %mul3A_350 = arith.constant 2 : i32
        %mul3A_351 = vector.broadcast %mul3A_350 : i32 to vector<16xi32>
        %mul3A_352 = arith.muli %get3A_349, %mul3A_351 : vector<16xi32>
        %add3A_353 = vector.broadcast %arg0 : i32 to vector<16xi32>
        %add3A_354 = arith.addi %mul3A_352, %add3A_353 : vector<16xi32>
        %swap3A_355 = arith.constant 48 : index
        %swap3A_356 = tpu.vector_load %arg9[%swap3A_355] {strides = array<i32>} : memref<128xi32, #tpu.memory_space<vmem>>, vector<16xi32>,
        %swap3A_357 = vector.shape_cast %swap3A_356 : vector<16xi32> to vector<16xi32>
        %swap3A_358 = vector.shape_cast %add3A_354 : vector<16xi32> to vector<16xi32>
        tpu.vector_store %arg9[%swap3A_355], %swap3A_358 {strides = array<i32>} : memref<128xi32, #tpu.memory_space<vmem>>, vector<16xi32>,
        %add3A_359 = arith.constant 48 : i32
        %add3A_360 = arith.addi %add3A_275, %add3A_359 : i32
        %get3A_361 = arith.index_cast %add3A_360 : i32 to index
        %get3A_362 = tpu.vector_load %arg7[%get3A_361] {strides = array<i32>} : memref<4096xi32, #tpu.memory_space<vmem>>, vector<16xi32>,
        %get3A_363 = vector.shape_cast %get3A_362 : vector<16xi32> to vector<16xi32>
        %swap3A_364 = arith.constant 48 : index
        %swap3A_365 = tpu.vector_load %arg11[%swap3A_364] {strides = array<i32>} : memref<128xi32, #tpu.memory_space<vmem>>, vector<16xi32>,
        %swap3A_366 = vector.shape_cast %swap3A_365 : vector<16xi32> to vector<16xi32>
        %swap3A_367 = vector.shape_cast %get3A_363 : vector<16xi32> to vector<16xi32>
        tpu.vector_store %arg11[%swap3A_364], %swap3A_367 {strides = array<i32>} : memref<128xi32, #tpu.memory_space<vmem>>, vector<16xi32>,
        %add3A_368 = arith.constant 64 : i32
        %add3A_369 = arith.addi %add3A_275, %add3A_368 : i32
        %get3A_370 = arith.index_cast %add3A_369 : i32 to index
        %get3A_371 = tpu.vector_load %arg6[%get3A_370] {strides = array<i32>} : memref<4096xi32, #tpu.memory_space<vmem>>, vector<16xi32>,
        %get3A_372 = vector.shape_cast %get3A_371 : vector<16xi32> to vector<16xi32>
        %mul3A_373 = arith.constant 2 : i32
        %mul3A_374 = vector.broadcast %mul3A_373 : i32 to vector<16xi32>
        %mul3A_375 = arith.muli %get3A_372, %mul3A_374 : vector<16xi32>
        %add3A_376 = vector.broadcast %arg0 : i32 to vector<16xi32>
        %add3A_377 = arith.addi %mul3A_375, %add3A_376 : vector<16xi32>
        %swap3A_378 = arith.constant 64 : index
        %swap3A_379 = tpu.vector_load %arg9[%swap3A_378] {strides = array<i32>} : memref<128xi32, #tpu.memory_space<vmem>>, vector<16xi32>,
        %swap3A_380 = vector.shape_cast %swap3A_379 : vector<16xi32> to vector<16xi32>
        %swap3A_381 = vector.shape_cast %add3A_377 : vector<16xi32> to vector<16xi32>
        tpu.vector_store %arg9[%swap3A_378], %swap3A_381 {strides = array<i32>} : memref<128xi32, #tpu.memory_space<vmem>>, vector<16xi32>,
        %add3A_382 = arith.constant 64 : i32
        %add3A_383 = arith.addi %add3A_275, %add3A_382 : i32
        %get3A_384 = arith.index_cast %add3A_383 : i32 to index
        %get3A_385 = tpu.vector_load %arg7[%get3A_384] {strides = array<i32>} : memref<4096xi32, #tpu.memory_space<vmem>>, vector<16xi32>,
        %get3A_386 = vector.shape_cast %get3A_385 : vector<16xi32> to vector<16xi32>
        %swap3A_387 = arith.constant 64 : index
        %swap3A_388 = tpu.vector_load %arg11[%swap3A_387] {strides = array<i32>} : memref<128xi32, #tpu.memory_space<vmem>>, vector<16xi32>,
        %swap3A_389 = vector.shape_cast %swap3A_388 : vector<16xi32> to vector<16xi32>
        %swap3A_390 = vector.shape_cast %get3A_386 : vector<16xi32> to vector<16xi32>
        tpu.vector_store %arg11[%swap3A_387], %swap3A_390 {strides = array<i32>} : memref<128xi32, #tpu.memory_space<vmem>>, vector<16xi32>,
        %add3A_391 = arith.constant 80 : i32
        %add3A_392 = arith.addi %add3A_275, %add3A_391 : i32
        %get3A_393 = arith.index_cast %add3A_392 : i32 to index
        %get3A_394 = tpu.vector_load %arg6[%get3A_393] {strides = array<i32>} : memref<4096xi32, #tpu.memory_space<vmem>>, vector<16xi32>,
        %get3A_395 = vector.shape_cast %get3A_394 : vector<16xi32> to vector<16xi32>
        %mul3A_396 = arith.constant 2 : i32
        %mul3A_397 = vector.broadcast %mul3A_396 : i32 to vector<16xi32>
        %mul3A_398 = arith.muli %get3A_395, %mul3A_397 : vector<16xi32>
        %add3A_399 = vector.broadcast %arg0 : i32 to vector<16xi32>
        %add3A_400 = arith.addi %mul3A_398, %add3A_399 : vector<16xi32>
        %swap3A_401 = arith.constant 80 : index
        %swap3A_402 = tpu.vector_load %arg9[%swap3A_401] {strides = array<i32>} : memref<128xi32, #tpu.memory_space<vmem>>, vector<16xi32>,
        %swap3A_403 = vector.shape_cast %swap3A_402 : vector<16xi32> to vector<16xi32>
        %swap3A_404 = vector.shape_cast %add3A_400 : vector<16xi32> to vector<16xi32>
        tpu.vector_store %arg9[%swap3A_401], %swap3A_404 {strides = array<i32>} : memref<128xi32, #tpu.memory_space<vmem>>, vector<16xi32>,
        %add3A_405 = arith.constant 80 : i32
        %add3A_406 = arith.addi %add3A_275, %add3A_405 : i32
        %get3A_407 = arith.index_cast %add3A_406 : i32 to index
        %get3A_408 = tpu.vector_load %arg7[%get3A_407] {strides = array<i32>} : memref<4096xi32, #tpu.memory_space<vmem>>, vector<16xi32>,
        %get3A_409 = vector.shape_cast %get3A_408 : vector<16xi32> to vector<16xi32>
        %swap3A_410 = arith.constant 80 : index
        %swap3A_411 = tpu.vector_load %arg11[%swap3A_410] {strides = array<i32>} : memref<128xi32, #tpu.memory_space<vmem>>, vector<16xi32>,
        %swap3A_412 = vector.shape_cast %swap3A_411 : vector<16xi32> to vector<16xi32>
        %swap3A_413 = vector.shape_cast %get3A_409 : vector<16xi32> to vector<16xi32>
        tpu.vector_store %arg11[%swap3A_410], %swap3A_413 {strides = array<i32>} : memref<128xi32, #tpu.memory_space<vmem>>, vector<16xi32>,
        %add3A_414 = arith.constant 96 : i32
        %add3A_415 = arith.addi %add3A_275, %add3A_414 : i32
        %get3A_416 = arith.index_cast %add3A_415 : i32 to index
        %get3A_417 = tpu.vector_load %arg6[%get3A_416] {strides = array<i32>} : memref<4096xi32, #tpu.memory_space<vmem>>, vector<16xi32>,
        %get3A_418 = vector.shape_cast %get3A_417 : vector<16xi32> to vector<16xi32>
        %mul3A_419 = arith.constant 2 : i32
        %mul3A_420 = vector.broadcast %mul3A_419 : i32 to vector<16xi32>
        %mul3A_421 = arith.muli %get3A_418, %mul3A_420 : vector<16xi32>
        %add3A_422 = vector.broadcast %arg0 : i32 to vector<16xi32>
        %add3A_423 = arith.addi %mul3A_421, %add3A_422 : vector<16xi32>
        %swap3A_424 = arith.constant 96 : index
        %swap3A_425 = tpu.vector_load %arg9[%swap3A_424] {strides = array<i32>} : memref<128xi32, #tpu.memory_space<vmem>>, vector<16xi32>,
        %swap3A_426 = vector.shape_cast %swap3A_425 : vector<16xi32> to vector<16xi32>
        %swap3A_427 = vector.shape_cast %add3A_423 : vector<16xi32> to vector<16xi32>
        tpu.vector_store %arg9[%swap3A_424], %swap3A_427 {strides = array<i32>} : memref<128xi32, #tpu.memory_space<vmem>>, vector<16xi32>,
        %add3A_428 = arith.constant 96 : i32
        %add3A_429 = arith.addi %add3A_275, %add3A_428 : i32
        %get3A_430 = arith.index_cast %add3A_429 : i32 to index
        %get3A_431 = tpu.vector_load %arg7[%get3A_430] {strides = array<i32>} : memref<4096xi32, #tpu.memory_space<vmem>>, vector<16xi32>,
        %get3A_432 = vector.shape_cast %get3A_431 : vector<16xi32> to vector<16xi32>
        %swap3A_433 = arith.constant 96 : index
        %swap3A_434 = tpu.vector_load %arg11[%swap3A_433] {strides = array<i32>} : memref<128xi32, #tpu.memory_space<vmem>>, vector<16xi32>,
        %swap3A_435 = vector.shape_cast %swap3A_434 : vector<16xi32> to vector<16xi32>
        %swap3A_436 = vector.shape_cast %get3A_432 : vector<16xi32> to vector<16xi32>
        tpu.vector_store %arg11[%swap3A_433], %swap3A_436 {strides = array<i32>} : memref<128xi32, #tpu.memory_space<vmem>>, vector<16xi32>,
        %add3A_437 = arith.constant 112 : i32
        %add3A_438 = arith.addi %add3A_275, %add3A_437 : i32
        %get3A_439 = arith.index_cast %add3A_438 : i32 to index
        %get3A_440 = tpu.vector_load %arg6[%get3A_439] {strides = array<i32>} : memref<4096xi32, #tpu.memory_space<vmem>>, vector<16xi32>,
        %get3A_441 = vector.shape_cast %get3A_440 : vector<16xi32> to vector<16xi32>
        %mul3A_442 = arith.constant 2 : i32
        %mul3A_443 = vector.broadcast %mul3A_442 : i32 to vector<16xi32>
        %mul3A_444 = arith.muli %get3A_441, %mul3A_443 : vector<16xi32>
        %add3A_445 = vector.broadcast %arg0 : i32 to vector<16xi32>
        %add3A_446 = arith.addi %mul3A_444, %add3A_445 : vector<16xi32>
        %swap3A_447 = arith.constant 112 : index
        %swap3A_448 = tpu.vector_load %arg9[%swap3A_447] {strides = array<i32>} : memref<128xi32, #tpu.memory_space<vmem>>, vector<16xi32>,
        %swap3A_449 = vector.shape_cast %swap3A_448 : vector<16xi32> to vector<16xi32>
        %swap3A_450 = vector.shape_cast %add3A_446 : vector<16xi32> to vector<16xi32>
        tpu.vector_store %arg9[%swap3A_447], %swap3A_450 {strides = array<i32>} : memref<128xi32, #tpu.memory_space<vmem>>, vector<16xi32>,
        %add3A_451 = arith.constant 112 : i32
        %add3A_452 = arith.addi %add3A_275, %add3A_451 : i32
        %get3A_453 = arith.index_cast %add3A_452 : i32 to index
        %get3A_454 = tpu.vector_load %arg7[%get3A_453] {strides = array<i32>} : memref<4096xi32, #tpu.memory_space<vmem>>, vector<16xi32>,
        %get3A_455 = vector.shape_cast %get3A_454 : vector<16xi32> to vector<16xi32>
        %swap3A_456 = arith.constant 112 : index
        %swap3A_457 = tpu.vector_load %arg11[%swap3A_456] {strides = array<i32>} : memref<128xi32, #tpu.memory_space<vmem>>, vector<16xi32>,
        %swap3A_458 = vector.shape_cast %swap3A_457 : vector<16xi32> to vector<16xi32>
        %swap3A_459 = vector.shape_cast %get3A_455 : vector<16xi32> to vector<16xi32>
        tpu.vector_store %arg11[%swap3A_456], %swap3A_459 {strides = array<i32>} : memref<128xi32, #tpu.memory_space<vmem>>, vector<16xi32>,
        %dma_start3A_460 = arith.constant 0 : i32
        %dma_start3A_461 = arith.constant 0 : i32
        %dma_start3A_462 = tpu.memref_slice %arg2[%dma_start3A_460, %dma_start3A_461] : memref<20480x128xf32, #tpu.memory_space<hbm>> -> memref<20480x128xf32, #tpu.memory_space<hbm>>
        tpu.enqueue_indirect_dma source(%dma_start3A_462 : memref<20480x128xf32, #tpu.memory_space<hbm>>) target(%arg13 : memref<128x128xf32, #tpu.memory_space<vmem>>) offsets(%arg9 : memref<128xi32, #tpu.memory_space<vmem>>) semaphore(%arg16 : memref<!tpu.dma_semaphore, #tpu.memory_space<semaphore_mem>>)
      } else {
      }
      %eq3A_244 = arith.constant 1 : i32
      %eq3A_245 = arith.cmpi eq, %rem3A_230, %eq3A_244 : i32
      %lt3A_246 = arith.cmpi slt, %add3A_232, %select_n3A : i32
      %and3A_247 = arith.andi %eq3A_245, %lt3A_246 : i1
      %convert_element_type3A_248 = arith.extui %and3A_247 : i1 to i32
      %cond3A_249 = arith.constant 0 : i32
      %cond3A_250 = arith.cmpi ne, %convert_element_type3A_248, %cond3A_249 : i32
      scf.if %cond3A_250 {
        %ge3A_261 = arith.constant 1 : i32
        %ge3A_262 = arith.cmpi sge, %while3A_229, %ge3A_261 : i32
        %convert_element_type3A_263 = arith.extui %ge3A_262 : i1 to i32
        %cond3A_264 = arith.constant 0 : i32
        %cond3A_265 = arith.cmpi ne, %convert_element_type3A_263, %cond3A_264 : i32
        scf.if %cond3A_265 {
          %dma_wait3A_463 = arith.constant 0 : i32
          %dma_wait3A_464 = arith.constant 0 : i32
          %dma_wait3A_465 = tpu.memref_slice %arg14[%dma_wait3A_463, %dma_wait3A_464] : memref<10240x128xf32, #tpu.memory_space<vmem_shared>> -> memref<10240x128xf32, #tpu.memory_space<vmem_shared>>
          tpu.wait_indirect_dma semaphore(%arg17 : memref<!tpu.dma_semaphore, #tpu.memory_space<semaphore_mem>>) src(%arg12 : memref<128x128xf32, #tpu.memory_space<vmem>>) dst(%dma_wait3A_465 : memref<10240x128xf32, #tpu.memory_space<vmem_shared>>)
        } else {
        }
        %sub3A_266 = arith.subi %add3A_232, %rem3A_234 : i32
        %mul3A_267 = arith.constant 128 : i32
        %mul3A_268 = arith.muli %sub3A_266, %mul3A_267 : i32
        %add3A_269 = arith.addi %mul3A_17, %mul3A_268 : i32
        %min3A_270 = arith.constant 315904 : i32
        %min3A_271 = arith.minsi %add3A_269, %min3A_270 : i32
        %sub3A_272 = arith.subi %add3A_269, %min3A_271 : i32
        %mul3A_273 = arith.constant 128 : i32
        %mul3A_274 = arith.muli %rem3A_234, %mul3A_273 : i32
        %add3A_275 = arith.addi %mul3A_274, %sub3A_272 : i32
        %add3A_276 = arith.constant 0 : i32
        %add3A_277 = arith.addi %add3A_275, %add3A_276 : i32
        %get3A_278 = arith.index_cast %add3A_277 : i32 to index
        %get3A_279 = tpu.vector_load %arg6[%get3A_278] {strides = array<i32>} : memref<4096xi32, #tpu.memory_space<vmem>>, vector<16xi32>,
        %get3A_280 = vector.shape_cast %get3A_279 : vector<16xi32> to vector<16xi32>
        %mul3A_281 = arith.constant 2 : i32
        %mul3A_282 = vector.broadcast %mul3A_281 : i32 to vector<16xi32>
        %mul3A_283 = arith.muli %get3A_280, %mul3A_282 : vector<16xi32>
        %add3A_284 = vector.broadcast %arg0 : i32 to vector<16xi32>
        %add3A_285 = arith.addi %mul3A_283, %add3A_284 : vector<16xi32>
        %swap3A_286 = arith.constant 0 : index
        %swap3A_287 = tpu.vector_load %arg8[%swap3A_286] {strides = array<i32>} : memref<128xi32, #tpu.memory_space<vmem>>, vector<16xi32>,
        %swap3A_288 = vector.shape_cast %swap3A_287 : vector<16xi32> to vector<16xi32>
        %swap3A_289 = vector.shape_cast %add3A_285 : vector<16xi32> to vector<16xi32>
        tpu.vector_store %arg8[%swap3A_286], %swap3A_289 {strides = array<i32>} : memref<128xi32, #tpu.memory_space<vmem>>, vector<16xi32>,
        %add3A_290 = arith.constant 0 : i32
        %add3A_291 = arith.addi %add3A_275, %add3A_290 : i32
        %get3A_292 = arith.index_cast %add3A_291 : i32 to index
        %get3A_293 = tpu.vector_load %arg7[%get3A_292] {strides = array<i32>} : memref<4096xi32, #tpu.memory_space<vmem>>, vector<16xi32>,
        %get3A_294 = vector.shape_cast %get3A_293 : vector<16xi32> to vector<16xi32>
        %swap3A_295 = arith.constant 0 : index
        %swap3A_296 = tpu.vector_load %arg10[%swap3A_295] {strides = array<i32>} : memref<128xi32, #tpu.memory_space<vmem>>, vector<16xi32>,
        %swap3A_297 = vector.shape_cast %swap3A_296 : vector<16xi32> to vector<16xi32>
        %swap3A_298 = vector.shape_cast %get3A_294 : vector<16xi32> to vector<16xi32>
        tpu.vector_store %arg10[%swap3A_295], %swap3A_298 {strides = array<i32>} : memref<128xi32, #tpu.memory_space<vmem>>, vector<16xi32>,
        %add3A_299 = arith.constant 16 : i32
        %add3A_300 = arith.addi %add3A_275, %add3A_299 : i32
        %get3A_301 = arith.index_cast %add3A_300 : i32 to index
        %get3A_302 = tpu.vector_load %arg6[%get3A_301] {strides = array<i32>} : memref<4096xi32, #tpu.memory_space<vmem>>, vector<16xi32>,
        %get3A_303 = vector.shape_cast %get3A_302 : vector<16xi32> to vector<16xi32>
        %mul3A_304 = arith.constant 2 : i32
        %mul3A_305 = vector.broadcast %mul3A_304 : i32 to vector<16xi32>
        %mul3A_306 = arith.muli %get3A_303, %mul3A_305 : vector<16xi32>
        %add3A_307 = vector.broadcast %arg0 : i32 to vector<16xi32>
        %add3A_308 = arith.addi %mul3A_306, %add3A_307 : vector<16xi32>
        %swap3A_309 = arith.constant 16 : index
        %swap3A_310 = tpu.vector_load %arg8[%swap3A_309] {strides = array<i32>} : memref<128xi32, #tpu.memory_space<vmem>>, vector<16xi32>,
        %swap3A_311 = vector.shape_cast %swap3A_310 : vector<16xi32> to vector<16xi32>
        %swap3A_312 = vector.shape_cast %add3A_308 : vector<16xi32> to vector<16xi32>
        tpu.vector_store %arg8[%swap3A_309], %swap3A_312 {strides = array<i32>} : memref<128xi32, #tpu.memory_space<vmem>>, vector<16xi32>,
        %add3A_313 = arith.constant 16 : i32
        %add3A_314 = arith.addi %add3A_275, %add3A_313 : i32
        %get3A_315 = arith.index_cast %add3A_314 : i32 to index
        %get3A_316 = tpu.vector_load %arg7[%get3A_315] {strides = array<i32>} : memref<4096xi32, #tpu.memory_space<vmem>>, vector<16xi32>,
        %get3A_317 = vector.shape_cast %get3A_316 : vector<16xi32> to vector<16xi32>
        %swap3A_318 = arith.constant 16 : index
        %swap3A_319 = tpu.vector_load %arg10[%swap3A_318] {strides = array<i32>} : memref<128xi32, #tpu.memory_space<vmem>>, vector<16xi32>,
        %swap3A_320 = vector.shape_cast %swap3A_319 : vector<16xi32> to vector<16xi32>
        %swap3A_321 = vector.shape_cast %get3A_317 : vector<16xi32> to vector<16xi32>
        tpu.vector_store %arg10[%swap3A_318], %swap3A_321 {strides = array<i32>} : memref<128xi32, #tpu.memory_space<vmem>>, vector<16xi32>,
        %add3A_322 = arith.constant 32 : i32
        %add3A_323 = arith.addi %add3A_275, %add3A_322 : i32
        %get3A_324 = arith.index_cast %add3A_323 : i32 to index
        %get3A_325 = tpu.vector_load %arg6[%get3A_324] {strides = array<i32>} : memref<4096xi32, #tpu.memory_space<vmem>>, vector<16xi32>,
        %get3A_326 = vector.shape_cast %get3A_325 : vector<16xi32> to vector<16xi32>
        %mul3A_327 = arith.constant 2 : i32
        %mul3A_328 = vector.broadcast %mul3A_327 : i32 to vector<16xi32>
        %mul3A_329 = arith.muli %get3A_326, %mul3A_328 : vector<16xi32>
        %add3A_330 = vector.broadcast %arg0 : i32 to vector<16xi32>
        %add3A_331 = arith.addi %mul3A_329, %add3A_330 : vector<16xi32>
        %swap3A_332 = arith.constant 32 : index
        %swap3A_333 = tpu.vector_load %arg8[%swap3A_332] {strides = array<i32>} : memref<128xi32, #tpu.memory_space<vmem>>, vector<16xi32>,
        %swap3A_334 = vector.shape_cast %swap3A_333 : vector<16xi32> to vector<16xi32>
        %swap3A_335 = vector.shape_cast %add3A_331 : vector<16xi32> to vector<16xi32>
        tpu.vector_store %arg8[%swap3A_332], %swap3A_335 {strides = array<i32>} : memref<128xi32, #tpu.memory_space<vmem>>, vector<16xi32>,
        %add3A_336 = arith.constant 32 : i32
        %add3A_337 = arith.addi %add3A_275, %add3A_336 : i32
        %get3A_338 = arith.index_cast %add3A_337 : i32 to index
        %get3A_339 = tpu.vector_load %arg7[%get3A_338] {strides = array<i32>} : memref<4096xi32, #tpu.memory_space<vmem>>, vector<16xi32>,
        %get3A_340 = vector.shape_cast %get3A_339 : vector<16xi32> to vector<16xi32>
        %swap3A_341 = arith.constant 32 : index
        %swap3A_342 = tpu.vector_load %arg10[%swap3A_341] {strides = array<i32>} : memref<128xi32, #tpu.memory_space<vmem>>, vector<16xi32>,
        %swap3A_343 = vector.shape_cast %swap3A_342 : vector<16xi32> to vector<16xi32>
        %swap3A_344 = vector.shape_cast %get3A_340 : vector<16xi32> to vector<16xi32>
        tpu.vector_store %arg10[%swap3A_341], %swap3A_344 {strides = array<i32>} : memref<128xi32, #tpu.memory_space<vmem>>, vector<16xi32>,
        %add3A_345 = arith.constant 48 : i32
        %add3A_346 = arith.addi %add3A_275, %add3A_345 : i32
        %get3A_347 = arith.index_cast %add3A_346 : i32 to index
        %get3A_348 = tpu.vector_load %arg6[%get3A_347] {strides = array<i32>} : memref<4096xi32, #tpu.memory_space<vmem>>, vector<16xi32>,
        %get3A_349 = vector.shape_cast %get3A_348 : vector<16xi32> to vector<16xi32>
        %mul3A_350 = arith.constant 2 : i32
        %mul3A_351 = vector.broadcast %mul3A_350 : i32 to vector<16xi32>
        %mul3A_352 = arith.muli %get3A_349, %mul3A_351 : vector<16xi32>
        %add3A_353 = vector.broadcast %arg0 : i32 to vector<16xi32>
        %add3A_354 = arith.addi %mul3A_352, %add3A_353 : vector<16xi32>
        %swap3A_355 = arith.constant 48 : index
        %swap3A_356 = tpu.vector_load %arg8[%swap3A_355] {strides = array<i32>} : memref<128xi32, #tpu.memory_space<vmem>>, vector<16xi32>,
        %swap3A_357 = vector.shape_cast %swap3A_356 : vector<16xi32> to vector<16xi32>
        %swap3A_358 = vector.shape_cast %add3A_354 : vector<16xi32> to vector<16xi32>
        tpu.vector_store %arg8[%swap3A_355], %swap3A_358 {strides = array<i32>} : memref<128xi32, #tpu.memory_space<vmem>>, vector<16xi32>,
        %add3A_359 = arith.constant 48 : i32
        %add3A_360 = arith.addi %add3A_275, %add3A_359 : i32
        %get3A_361 = arith.index_cast %add3A_360 : i32 to index
        %get3A_362 = tpu.vector_load %arg7[%get3A_361] {strides = array<i32>} : memref<4096xi32, #tpu.memory_space<vmem>>, vector<16xi32>,
        %get3A_363 = vector.shape_cast %get3A_362 : vector<16xi32> to vector<16xi32>
        %swap3A_364 = arith.constant 48 : index
        %swap3A_365 = tpu.vector_load %arg10[%swap3A_364] {strides = array<i32>} : memref<128xi32, #tpu.memory_space<vmem>>, vector<16xi32>,
        %swap3A_366 = vector.shape_cast %swap3A_365 : vector<16xi32> to vector<16xi32>
        %swap3A_367 = vector.shape_cast %get3A_363 : vector<16xi32> to vector<16xi32>
        tpu.vector_store %arg10[%swap3A_364], %swap3A_367 {strides = array<i32>} : memref<128xi32, #tpu.memory_space<vmem>>, vector<16xi32>,
        %add3A_368 = arith.constant 64 : i32
        %add3A_369 = arith.addi %add3A_275, %add3A_368 : i32
        %get3A_370 = arith.index_cast %add3A_369 : i32 to index
        %get3A_371 = tpu.vector_load %arg6[%get3A_370] {strides = array<i32>} : memref<4096xi32, #tpu.memory_space<vmem>>, vector<16xi32>,
        %get3A_372 = vector.shape_cast %get3A_371 : vector<16xi32> to vector<16xi32>
        %mul3A_373 = arith.constant 2 : i32
        %mul3A_374 = vector.broadcast %mul3A_373 : i32 to vector<16xi32>
        %mul3A_375 = arith.muli %get3A_372, %mul3A_374 : vector<16xi32>
        %add3A_376 = vector.broadcast %arg0 : i32 to vector<16xi32>
        %add3A_377 = arith.addi %mul3A_375, %add3A_376 : vector<16xi32>
        %swap3A_378 = arith.constant 64 : index
        %swap3A_379 = tpu.vector_load %arg8[%swap3A_378] {strides = array<i32>} : memref<128xi32, #tpu.memory_space<vmem>>, vector<16xi32>,
        %swap3A_380 = vector.shape_cast %swap3A_379 : vector<16xi32> to vector<16xi32>
        %swap3A_381 = vector.shape_cast %add3A_377 : vector<16xi32> to vector<16xi32>
        tpu.vector_store %arg8[%swap3A_378], %swap3A_381 {strides = array<i32>} : memref<128xi32, #tpu.memory_space<vmem>>, vector<16xi32>,
        %add3A_382 = arith.constant 64 : i32
        %add3A_383 = arith.addi %add3A_275, %add3A_382 : i32
        %get3A_384 = arith.index_cast %add3A_383 : i32 to index
        %get3A_385 = tpu.vector_load %arg7[%get3A_384] {strides = array<i32>} : memref<4096xi32, #tpu.memory_space<vmem>>, vector<16xi32>,
        %get3A_386 = vector.shape_cast %get3A_385 : vector<16xi32> to vector<16xi32>
        %swap3A_387 = arith.constant 64 : index
        %swap3A_388 = tpu.vector_load %arg10[%swap3A_387] {strides = array<i32>} : memref<128xi32, #tpu.memory_space<vmem>>, vector<16xi32>,
        %swap3A_389 = vector.shape_cast %swap3A_388 : vector<16xi32> to vector<16xi32>
        %swap3A_390 = vector.shape_cast %get3A_386 : vector<16xi32> to vector<16xi32>
        tpu.vector_store %arg10[%swap3A_387], %swap3A_390 {strides = array<i32>} : memref<128xi32, #tpu.memory_space<vmem>>, vector<16xi32>,
        %add3A_391 = arith.constant 80 : i32
        %add3A_392 = arith.addi %add3A_275, %add3A_391 : i32
        %get3A_393 = arith.index_cast %add3A_392 : i32 to index
        %get3A_394 = tpu.vector_load %arg6[%get3A_393] {strides = array<i32>} : memref<4096xi32, #tpu.memory_space<vmem>>, vector<16xi32>,
        %get3A_395 = vector.shape_cast %get3A_394 : vector<16xi32> to vector<16xi32>
        %mul3A_396 = arith.constant 2 : i32
        %mul3A_397 = vector.broadcast %mul3A_396 : i32 to vector<16xi32>
        %mul3A_398 = arith.muli %get3A_395, %mul3A_397 : vector<16xi32>
        %add3A_399 = vector.broadcast %arg0 : i32 to vector<16xi32>
        %add3A_400 = arith.addi %mul3A_398, %add3A_399 : vector<16xi32>
        %swap3A_401 = arith.constant 80 : index
        %swap3A_402 = tpu.vector_load %arg8[%swap3A_401] {strides = array<i32>} : memref<128xi32, #tpu.memory_space<vmem>>, vector<16xi32>,
        %swap3A_403 = vector.shape_cast %swap3A_402 : vector<16xi32> to vector<16xi32>
        %swap3A_404 = vector.shape_cast %add3A_400 : vector<16xi32> to vector<16xi32>
        tpu.vector_store %arg8[%swap3A_401], %swap3A_404 {strides = array<i32>} : memref<128xi32, #tpu.memory_space<vmem>>, vector<16xi32>,
        %add3A_405 = arith.constant 80 : i32
        %add3A_406 = arith.addi %add3A_275, %add3A_405 : i32
        %get3A_407 = arith.index_cast %add3A_406 : i32 to index
        %get3A_408 = tpu.vector_load %arg7[%get3A_407] {strides = array<i32>} : memref<4096xi32, #tpu.memory_space<vmem>>, vector<16xi32>,
        %get3A_409 = vector.shape_cast %get3A_408 : vector<16xi32> to vector<16xi32>
        %swap3A_410 = arith.constant 80 : index
        %swap3A_411 = tpu.vector_load %arg10[%swap3A_410] {strides = array<i32>} : memref<128xi32, #tpu.memory_space<vmem>>, vector<16xi32>,
        %swap3A_412 = vector.shape_cast %swap3A_411 : vector<16xi32> to vector<16xi32>
        %swap3A_413 = vector.shape_cast %get3A_409 : vector<16xi32> to vector<16xi32>
        tpu.vector_store %arg10[%swap3A_410], %swap3A_413 {strides = array<i32>} : memref<128xi32, #tpu.memory_space<vmem>>, vector<16xi32>,
        %add3A_414 = arith.constant 96 : i32
        %add3A_415 = arith.addi %add3A_275, %add3A_414 : i32
        %get3A_416 = arith.index_cast %add3A_415 : i32 to index
        %get3A_417 = tpu.vector_load %arg6[%get3A_416] {strides = array<i32>} : memref<4096xi32, #tpu.memory_space<vmem>>, vector<16xi32>,
        %get3A_418 = vector.shape_cast %get3A_417 : vector<16xi32> to vector<16xi32>
        %mul3A_419 = arith.constant 2 : i32
        %mul3A_420 = vector.broadcast %mul3A_419 : i32 to vector<16xi32>
        %mul3A_421 = arith.muli %get3A_418, %mul3A_420 : vector<16xi32>
        %add3A_422 = vector.broadcast %arg0 : i32 to vector<16xi32>
        %add3A_423 = arith.addi %mul3A_421, %add3A_422 : vector<16xi32>
        %swap3A_424 = arith.constant 96 : index
        %swap3A_425 = tpu.vector_load %arg8[%swap3A_424] {strides = array<i32>} : memref<128xi32, #tpu.memory_space<vmem>>, vector<16xi32>,
        %swap3A_426 = vector.shape_cast %swap3A_425 : vector<16xi32> to vector<16xi32>
        %swap3A_427 = vector.shape_cast %add3A_423 : vector<16xi32> to vector<16xi32>
        tpu.vector_store %arg8[%swap3A_424], %swap3A_427 {strides = array<i32>} : memref<128xi32, #tpu.memory_space<vmem>>, vector<16xi32>,
        %add3A_428 = arith.constant 96 : i32
        %add3A_429 = arith.addi %add3A_275, %add3A_428 : i32
        %get3A_430 = arith.index_cast %add3A_429 : i32 to index
        %get3A_431 = tpu.vector_load %arg7[%get3A_430] {strides = array<i32>} : memref<4096xi32, #tpu.memory_space<vmem>>, vector<16xi32>,
        %get3A_432 = vector.shape_cast %get3A_431 : vector<16xi32> to vector<16xi32>
        %swap3A_433 = arith.constant 96 : index
        %swap3A_434 = tpu.vector_load %arg10[%swap3A_433] {strides = array<i32>} : memref<128xi32, #tpu.memory_space<vmem>>, vector<16xi32>,
        %swap3A_435 = vector.shape_cast %swap3A_434 : vector<16xi32> to vector<16xi32>
        %swap3A_436 = vector.shape_cast %get3A_432 : vector<16xi32> to vector<16xi32>
        tpu.vector_store %arg10[%swap3A_433], %swap3A_436 {strides = array<i32>} : memref<128xi32, #tpu.memory_space<vmem>>, vector<16xi32>,
        %add3A_437 = arith.constant 112 : i32
        %add3A_438 = arith.addi %add3A_275, %add3A_437 : i32
        %get3A_439 = arith.index_cast %add3A_438 : i32 to index
        %get3A_440 = tpu.vector_load %arg6[%get3A_439] {strides = array<i32>} : memref<4096xi32, #tpu.memory_space<vmem>>, vector<16xi32>,
        %get3A_441 = vector.shape_cast %get3A_440 : vector<16xi32> to vector<16xi32>
        %mul3A_442 = arith.constant 2 : i32
        %mul3A_443 = vector.broadcast %mul3A_442 : i32 to vector<16xi32>
        %mul3A_444 = arith.muli %get3A_441, %mul3A_443 : vector<16xi32>
        %add3A_445 = vector.broadcast %arg0 : i32 to vector<16xi32>
        %add3A_446 = arith.addi %mul3A_444, %add3A_445 : vector<16xi32>
        %swap3A_447 = arith.constant 112 : index
        %swap3A_448 = tpu.vector_load %arg8[%swap3A_447] {strides = array<i32>} : memref<128xi32, #tpu.memory_space<vmem>>, vector<16xi32>,
        %swap3A_449 = vector.shape_cast %swap3A_448 : vector<16xi32> to vector<16xi32>
        %swap3A_450 = vector.shape_cast %add3A_446 : vector<16xi32> to vector<16xi32>
        tpu.vector_store %arg8[%swap3A_447], %swap3A_450 {strides = array<i32>} : memref<128xi32, #tpu.memory_space<vmem>>, vector<16xi32>,
        %add3A_451 = arith.constant 112 : i32
        %add3A_452 = arith.addi %add3A_275, %add3A_451 : i32
        %get3A_453 = arith.index_cast %add3A_452 : i32 to index
        %get3A_454 = tpu.vector_load %arg7[%get3A_453] {strides = array<i32>} : memref<4096xi32, #tpu.memory_space<vmem>>, vector<16xi32>,
        %get3A_455 = vector.shape_cast %get3A_454 : vector<16xi32> to vector<16xi32>
        %swap3A_456 = arith.constant 112 : index
        %swap3A_457 = tpu.vector_load %arg10[%swap3A_456] {strides = array<i32>} : memref<128xi32, #tpu.memory_space<vmem>>, vector<16xi32>,
        %swap3A_458 = vector.shape_cast %swap3A_457 : vector<16xi32> to vector<16xi32>
        %swap3A_459 = vector.shape_cast %get3A_455 : vector<16xi32> to vector<16xi32>
        tpu.vector_store %arg10[%swap3A_456], %swap3A_459 {strides = array<i32>} : memref<128xi32, #tpu.memory_space<vmem>>, vector<16xi32>,
        %dma_start3A_460 = arith.constant 0 : i32
        %dma_start3A_461 = arith.constant 0 : i32
        %dma_start3A_462 = tpu.memref_slice %arg2[%dma_start3A_460, %dma_start3A_461] : memref<20480x128xf32, #tpu.memory_space<hbm>> -> memref<20480x128xf32, #tpu.memory_space<hbm>>
        tpu.enqueue_indirect_dma source(%dma_start3A_462 : memref<20480x128xf32, #tpu.memory_space<hbm>>) target(%arg12 : memref<128x128xf32, #tpu.memory_space<vmem>>) offsets(%arg8 : memref<128xi32, #tpu.memory_space<vmem>>) semaphore(%arg15 : memref<!tpu.dma_semaphore, #tpu.memory_space<semaphore_mem>>)
      } else {
      }
      %eq3A_251 = arith.constant 0 : i32
      %eq3A_252 = arith.cmpi eq, %rem3A_230, %eq3A_251 : i32
      %convert_element_type3A_253 = arith.extui %eq3A_252 : i1 to i32
      %cond3A_254 = arith.constant 0 : i32
      %cond3A_255 = arith.cmpi ne, %convert_element_type3A_253, %cond3A_254 : i32
      scf.if %cond3A_255 {
        %dma_wait3A_261 = arith.constant 0 : i32
        %dma_wait3A_262 = arith.constant 0 : i32
        %dma_wait3A_263 = tpu.memref_slice %arg2[%dma_wait3A_261, %dma_wait3A_262] : memref<20480x128xf32, #tpu.memory_space<hbm>> -> memref<20480x128xf32, #tpu.memory_space<hbm>>
        tpu.wait_indirect_dma semaphore(%arg15 : memref<!tpu.dma_semaphore, #tpu.memory_space<semaphore_mem>>) src(%dma_wait3A_263 : memref<20480x128xf32, #tpu.memory_space<hbm>>) dst(%arg12 : memref<128x128xf32, #tpu.memory_space<vmem>>)
        %dma_start3A_264 = arith.constant 0 : i32
        %dma_start3A_265 = arith.constant 0 : i32
        %dma_start3A_266 = tpu.memref_slice %arg14[%dma_start3A_264, %dma_start3A_265] : memref<10240x128xf32, #tpu.memory_space<vmem_shared>> -> memref<10240x128xf32, #tpu.memory_space<vmem_shared>>
        tpu.enqueue_indirect_dma source(%arg12 : memref<128x128xf32, #tpu.memory_space<vmem>>) target(%dma_start3A_266 : memref<10240x128xf32, #tpu.memory_space<vmem_shared>>) offsets(%arg10 : memref<128xi32, #tpu.memory_space<vmem>>) semaphore(%arg17 : memref<!tpu.dma_semaphore, #tpu.memory_space<semaphore_mem>>) {add = true}
      } else {
      }
      %eq3A_256 = arith.constant 1 : i32
      %eq3A_257 = arith.cmpi eq, %rem3A_230, %eq3A_256 : i32
      %convert_element_type3A_258 = arith.extui %eq3A_257 : i1 to i32
      %cond3A_259 = arith.constant 0 : i32
      %cond3A_260 = arith.cmpi ne, %convert_element_type3A_258, %cond3A_259 : i32
      scf.if %cond3A_260 {
        %dma_wait3A_261 = arith.constant 0 : i32
        %dma_wait3A_262 = arith.constant 0 : i32
        %dma_wait3A_263 = tpu.memref_slice %arg2[%dma_wait3A_261, %dma_wait3A_262] : memref<20480x128xf32, #tpu.memory_space<hbm>> -> memref<20480x128xf32, #tpu.memory_space<hbm>>
        tpu.wait_indirect_dma semaphore(%arg16 : memref<!tpu.dma_semaphore, #tpu.memory_space<semaphore_mem>>) src(%dma_wait3A_263 : memref<20480x128xf32, #tpu.memory_space<hbm>>) dst(%arg13 : memref<128x128xf32, #tpu.memory_space<vmem>>)
        %dma_start3A_264 = arith.constant 0 : i32
        %dma_start3A_265 = arith.constant 0 : i32
        %dma_start3A_266 = tpu.memref_slice %arg14[%dma_start3A_264, %dma_start3A_265] : memref<10240x128xf32, #tpu.memory_space<vmem_shared>> -> memref<10240x128xf32, #tpu.memory_space<vmem_shared>>
        tpu.enqueue_indirect_dma source(%arg13 : memref<128x128xf32, #tpu.memory_space<vmem>>) target(%dma_start3A_266 : memref<10240x128xf32, #tpu.memory_space<vmem_shared>>) offsets(%arg11 : memref<128xi32, #tpu.memory_space<vmem>>) semaphore(%arg18 : memref<!tpu.dma_semaphore, #tpu.memory_space<semaphore_mem>>) {add = true}
      } else {
      }
    }
    %while3A_219 = arith.constant 1 : i32
    scf.for %while3A_229 = %while3A_217 to %while3A_213 step %while3A_219  : i32 {
      %rem3A = arith.constant 2 : i32
      %rem3A_230 = arith.remsi %while3A_229, %rem3A : i32
      %add3A_231 = arith.constant 1 : i32
      %add3A_232 = arith.addi %while3A_229, %add3A_231 : i32
      %rem3A_233 = arith.constant 32 : i32
      %rem3A_234 = arith.remsi %add3A_232, %rem3A_233 : i32
      %eq3A = arith.constant 0 : i32
      %eq3A_235 = arith.cmpi eq, %rem3A_234, %eq3A : i32
      %lt3A = arith.cmpi slt, %add3A_232, %select_n3A : i32
      %and3A = arith.andi %eq3A_235, %lt3A : i1
      %convert_element_type3A = arith.extui %and3A : i1 to i32
      %cond3A = arith.constant 0 : i32
      %cond3A_236 = arith.cmpi ne, %convert_element_type3A, %cond3A : i32
      scf.if %cond3A_236 {
        %mul3A_261 = arith.constant 128 : i32
        %mul3A_262 = arith.muli %add3A_232, %mul3A_261 : i32
        %add3A_263 = arith.addi %mul3A_17, %mul3A_262 : i32
        %min3A_264 = arith.constant 315904 : i32
        %min3A_265 = arith.minsi %add3A_263, %min3A_264 : i32
        "tpu.region"() ({
          %run_scoped3A = tpu.sem_alloc : memref<!tpu.dma_semaphore, #tpu.memory_space<semaphore_mem>>
          %dma_start3A_266 = tpu.memref_slice %arg3[%min3A_265] : memref<320000xi32, #tpu.memory_space<hbm>> -> memref<4096xi32, #tpu.memory_space<hbm>>
          %dma_start3A_267 = tpu.memref_slice %arg3[%min3A_265] : memref<320000xi32, #tpu.memory_space<hbm>> -> memref<4096xi32, #tpu.memory_space<hbm>>
          tpu.enqueue_dma source(%dma_start3A_267 : memref<4096xi32, #tpu.memory_space<hbm>>) target(%arg6 : memref<4096xi32, #tpu.memory_space<vmem>>) target_semaphore(%run_scoped3A : memref<!tpu.dma_semaphore, #tpu.memory_space<semaphore_mem>>)
          %dma_wait3A_268 = tpu.memref_slice %arg3[%min3A_265] : memref<320000xi32, #tpu.memory_space<hbm>> -> memref<4096xi32, #tpu.memory_space<hbm>>
          %dma_wait3A_269 = tpu.memref_slice %arg3[%min3A_265] : memref<320000xi32, #tpu.memory_space<hbm>> -> memref<4096xi32, #tpu.memory_space<hbm>>
          tpu.wait_dma2 semaphore(%run_scoped3A : memref<!tpu.dma_semaphore, #tpu.memory_space<semaphore_mem>>) src(%dma_wait3A_269 : memref<4096xi32, #tpu.memory_space<hbm>>) dst(%arg6 : memref<4096xi32, #tpu.memory_space<vmem>>)
          tpu.yield
        }) : () -> ()
        "tpu.region"() ({
          %run_scoped3A = tpu.sem_alloc : memref<!tpu.dma_semaphore, #tpu.memory_space<semaphore_mem>>
          %dma_start3A_266 = tpu.memref_slice %arg4[%min3A_265] : memref<320000xi32, #tpu.memory_space<hbm>> -> memref<4096xi32, #tpu.memory_space<hbm>>
          %dma_start3A_267 = tpu.memref_slice %arg4[%min3A_265] : memref<320000xi32, #tpu.memory_space<hbm>> -> memref<4096xi32, #tpu.memory_space<hbm>>
          tpu.enqueue_dma source(%dma_start3A_267 : memref<4096xi32, #tpu.memory_space<hbm>>) target(%arg7 : memref<4096xi32, #tpu.memory_space<vmem>>) target_semaphore(%run_scoped3A : memref<!tpu.dma_semaphore, #tpu.memory_space<semaphore_mem>>)
          %dma_wait3A_268 = tpu.memref_slice %arg4[%min3A_265] : memref<320000xi32, #tpu.memory_space<hbm>> -> memref<4096xi32, #tpu.memory_space<hbm>>
          %dma_wait3A_269 = tpu.memref_slice %arg4[%min3A_265] : memref<320000xi32, #tpu.memory_space<hbm>> -> memref<4096xi32, #tpu.memory_space<hbm>>
          tpu.wait_dma2 semaphore(%run_scoped3A : memref<!tpu.dma_semaphore, #tpu.memory_space<semaphore_mem>>) src(%dma_wait3A_269 : memref<4096xi32, #tpu.memory_space<hbm>>) dst(%arg7 : memref<4096xi32, #tpu.memory_space<vmem>>)
          tpu.yield
        }) : () -> ()
      } else {
      }
      %eq3A_237 = arith.constant 0 : i32
      %eq3A_238 = arith.cmpi eq, %rem3A_230, %eq3A_237 : i32
      %lt3A_239 = arith.cmpi slt, %add3A_232, %select_n3A : i32
      %and3A_240 = arith.andi %eq3A_238, %lt3A_239 : i1
      %convert_element_type3A_241 = arith.extui %and3A_240 : i1 to i32
      %cond3A_242 = arith.constant 0 : i32
      %cond3A_243 = arith.cmpi ne, %convert_element_type3A_241, %cond3A_242 : i32
      scf.if %cond3A_243 {
        %ge3A_261 = arith.constant 1 : i32
        %ge3A_262 = arith.cmpi sge, %while3A_229, %ge3A_261 : i32
        %convert_element_type3A_263 = arith.extui %ge3A_262 : i1 to i32
        %cond3A_264 = arith.constant 0 : i32
        %cond3A_265 = arith.cmpi ne, %convert_element_type3A_263, %cond3A_264 : i32
        scf.if %cond3A_265 {
          %dma_wait3A_463 = arith.constant 0 : i32
          %dma_wait3A_464 = arith.constant 0 : i32
          %dma_wait3A_465 = tpu.memref_slice %arg14[%dma_wait3A_463, %dma_wait3A_464] : memref<10240x128xf32, #tpu.memory_space<vmem_shared>> -> memref<10240x128xf32, #tpu.memory_space<vmem_shared>>
          tpu.wait_indirect_dma semaphore(%arg18 : memref<!tpu.dma_semaphore, #tpu.memory_space<semaphore_mem>>) src(%arg13 : memref<128x128xf32, #tpu.memory_space<vmem>>) dst(%dma_wait3A_465 : memref<10240x128xf32, #tpu.memory_space<vmem_shared>>)
        } else {
        }
        %sub3A_266 = arith.subi %add3A_232, %rem3A_234 : i32
        %mul3A_267 = arith.constant 128 : i32
        %mul3A_268 = arith.muli %sub3A_266, %mul3A_267 : i32
        %add3A_269 = arith.addi %mul3A_17, %mul3A_268 : i32
        %min3A_270 = arith.constant 315904 : i32
        %min3A_271 = arith.minsi %add3A_269, %min3A_270 : i32
        %sub3A_272 = arith.subi %add3A_269, %min3A_271 : i32
        %mul3A_273 = arith.constant 128 : i32
        %mul3A_274 = arith.muli %rem3A_234, %mul3A_273 : i32
        %add3A_275 = arith.addi %mul3A_274, %sub3A_272 : i32
        %add3A_276 = arith.constant 0 : i32
        %add3A_277 = arith.addi %add3A_275, %add3A_276 : i32
        %get3A_278 = arith.index_cast %add3A_277 : i32 to index
        %get3A_279 = tpu.vector_load %arg6[%get3A_278] {strides = array<i32>} : memref<4096xi32, #tpu.memory_space<vmem>>, vector<16xi32>,
        %get3A_280 = vector.shape_cast %get3A_279 : vector<16xi32> to vector<16xi32>
        %mul3A_281 = arith.constant 2 : i32
        %mul3A_282 = vector.broadcast %mul3A_281 : i32 to vector<16xi32>
        %mul3A_283 = arith.muli %get3A_280, %mul3A_282 : vector<16xi32>
        %add3A_284 = vector.broadcast %arg0 : i32 to vector<16xi32>
        %add3A_285 = arith.addi %mul3A_283, %add3A_284 : vector<16xi32>
        %swap3A_286 = arith.constant 0 : index
        %swap3A_287 = tpu.vector_load %arg9[%swap3A_286] {strides = array<i32>} : memref<128xi32, #tpu.memory_space<vmem>>, vector<16xi32>,
        %swap3A_288 = vector.shape_cast %swap3A_287 : vector<16xi32> to vector<16xi32>
        %swap3A_289 = vector.shape_cast %add3A_285 : vector<16xi32> to vector<16xi32>
        tpu.vector_store %arg9[%swap3A_286], %swap3A_289 {strides = array<i32>} : memref<128xi32, #tpu.memory_space<vmem>>, vector<16xi32>,
        %add3A_290 = arith.constant 0 : i32
        %add3A_291 = arith.addi %add3A_275, %add3A_290 : i32
        %get3A_292 = arith.index_cast %add3A_291 : i32 to index
        %get3A_293 = tpu.vector_load %arg7[%get3A_292] {strides = array<i32>} : memref<4096xi32, #tpu.memory_space<vmem>>, vector<16xi32>,
        %get3A_294 = vector.shape_cast %get3A_293 : vector<16xi32> to vector<16xi32>
        %swap3A_295 = arith.constant 0 : index
        %swap3A_296 = tpu.vector_load %arg11[%swap3A_295] {strides = array<i32>} : memref<128xi32, #tpu.memory_space<vmem>>, vector<16xi32>,
        %swap3A_297 = vector.shape_cast %swap3A_296 : vector<16xi32> to vector<16xi32>
        %swap3A_298 = vector.shape_cast %get3A_294 : vector<16xi32> to vector<16xi32>
        tpu.vector_store %arg11[%swap3A_295], %swap3A_298 {strides = array<i32>} : memref<128xi32, #tpu.memory_space<vmem>>, vector<16xi32>,
        %add3A_299 = arith.constant 16 : i32
        %add3A_300 = arith.addi %add3A_275, %add3A_299 : i32
        %get3A_301 = arith.index_cast %add3A_300 : i32 to index
        %get3A_302 = tpu.vector_load %arg6[%get3A_301] {strides = array<i32>} : memref<4096xi32, #tpu.memory_space<vmem>>, vector<16xi32>,
        %get3A_303 = vector.shape_cast %get3A_302 : vector<16xi32> to vector<16xi32>
        %mul3A_304 = arith.constant 2 : i32
        %mul3A_305 = vector.broadcast %mul3A_304 : i32 to vector<16xi32>
        %mul3A_306 = arith.muli %get3A_303, %mul3A_305 : vector<16xi32>
        %add3A_307 = vector.broadcast %arg0 : i32 to vector<16xi32>
        %add3A_308 = arith.addi %mul3A_306, %add3A_307 : vector<16xi32>
        %swap3A_309 = arith.constant 16 : index
        %swap3A_310 = tpu.vector_load %arg9[%swap3A_309] {strides = array<i32>} : memref<128xi32, #tpu.memory_space<vmem>>, vector<16xi32>,
        %swap3A_311 = vector.shape_cast %swap3A_310 : vector<16xi32> to vector<16xi32>
        %swap3A_312 = vector.shape_cast %add3A_308 : vector<16xi32> to vector<16xi32>
        tpu.vector_store %arg9[%swap3A_309], %swap3A_312 {strides = array<i32>} : memref<128xi32, #tpu.memory_space<vmem>>, vector<16xi32>,
        %add3A_313 = arith.constant 16 : i32
        %add3A_314 = arith.addi %add3A_275, %add3A_313 : i32
        %get3A_315 = arith.index_cast %add3A_314 : i32 to index
        %get3A_316 = tpu.vector_load %arg7[%get3A_315] {strides = array<i32>} : memref<4096xi32, #tpu.memory_space<vmem>>, vector<16xi32>,
        %get3A_317 = vector.shape_cast %get3A_316 : vector<16xi32> to vector<16xi32>
        %swap3A_318 = arith.constant 16 : index
        %swap3A_319 = tpu.vector_load %arg11[%swap3A_318] {strides = array<i32>} : memref<128xi32, #tpu.memory_space<vmem>>, vector<16xi32>,
        %swap3A_320 = vector.shape_cast %swap3A_319 : vector<16xi32> to vector<16xi32>
        %swap3A_321 = vector.shape_cast %get3A_317 : vector<16xi32> to vector<16xi32>
        tpu.vector_store %arg11[%swap3A_318], %swap3A_321 {strides = array<i32>} : memref<128xi32, #tpu.memory_space<vmem>>, vector<16xi32>,
        %add3A_322 = arith.constant 32 : i32
        %add3A_323 = arith.addi %add3A_275, %add3A_322 : i32
        %get3A_324 = arith.index_cast %add3A_323 : i32 to index
        %get3A_325 = tpu.vector_load %arg6[%get3A_324] {strides = array<i32>} : memref<4096xi32, #tpu.memory_space<vmem>>, vector<16xi32>,
        %get3A_326 = vector.shape_cast %get3A_325 : vector<16xi32> to vector<16xi32>
        %mul3A_327 = arith.constant 2 : i32
        %mul3A_328 = vector.broadcast %mul3A_327 : i32 to vector<16xi32>
        %mul3A_329 = arith.muli %get3A_326, %mul3A_328 : vector<16xi32>
        %add3A_330 = vector.broadcast %arg0 : i32 to vector<16xi32>
        %add3A_331 = arith.addi %mul3A_329, %add3A_330 : vector<16xi32>
        %swap3A_332 = arith.constant 32 : index
        %swap3A_333 = tpu.vector_load %arg9[%swap3A_332] {strides = array<i32>} : memref<128xi32, #tpu.memory_space<vmem>>, vector<16xi32>,
        %swap3A_334 = vector.shape_cast %swap3A_333 : vector<16xi32> to vector<16xi32>
        %swap3A_335 = vector.shape_cast %add3A_331 : vector<16xi32> to vector<16xi32>
        tpu.vector_store %arg9[%swap3A_332], %swap3A_335 {strides = array<i32>} : memref<128xi32, #tpu.memory_space<vmem>>, vector<16xi32>,
        %add3A_336 = arith.constant 32 : i32
        %add3A_337 = arith.addi %add3A_275, %add3A_336 : i32
        %get3A_338 = arith.index_cast %add3A_337 : i32 to index
        %get3A_339 = tpu.vector_load %arg7[%get3A_338] {strides = array<i32>} : memref<4096xi32, #tpu.memory_space<vmem>>, vector<16xi32>,
        %get3A_340 = vector.shape_cast %get3A_339 : vector<16xi32> to vector<16xi32>
        %swap3A_341 = arith.constant 32 : index
        %swap3A_342 = tpu.vector_load %arg11[%swap3A_341] {strides = array<i32>} : memref<128xi32, #tpu.memory_space<vmem>>, vector<16xi32>,
        %swap3A_343 = vector.shape_cast %swap3A_342 : vector<16xi32> to vector<16xi32>
        %swap3A_344 = vector.shape_cast %get3A_340 : vector<16xi32> to vector<16xi32>
        tpu.vector_store %arg11[%swap3A_341], %swap3A_344 {strides = array<i32>} : memref<128xi32, #tpu.memory_space<vmem>>, vector<16xi32>,
        %add3A_345 = arith.constant 48 : i32
        %add3A_346 = arith.addi %add3A_275, %add3A_345 : i32
        %get3A_347 = arith.index_cast %add3A_346 : i32 to index
        %get3A_348 = tpu.vector_load %arg6[%get3A_347] {strides = array<i32>} : memref<4096xi32, #tpu.memory_space<vmem>>, vector<16xi32>,
        %get3A_349 = vector.shape_cast %get3A_348 : vector<16xi32> to vector<16xi32>
        %mul3A_350 = arith.constant 2 : i32
        %mul3A_351 = vector.broadcast %mul3A_350 : i32 to vector<16xi32>
        %mul3A_352 = arith.muli %get3A_349, %mul3A_351 : vector<16xi32>
        %add3A_353 = vector.broadcast %arg0 : i32 to vector<16xi32>
        %add3A_354 = arith.addi %mul3A_352, %add3A_353 : vector<16xi32>
        %swap3A_355 = arith.constant 48 : index
        %swap3A_356 = tpu.vector_load %arg9[%swap3A_355] {strides = array<i32>} : memref<128xi32, #tpu.memory_space<vmem>>, vector<16xi32>,
        %swap3A_357 = vector.shape_cast %swap3A_356 : vector<16xi32> to vector<16xi32>
        %swap3A_358 = vector.shape_cast %add3A_354 : vector<16xi32> to vector<16xi32>
        tpu.vector_store %arg9[%swap3A_355], %swap3A_358 {strides = array<i32>} : memref<128xi32, #tpu.memory_space<vmem>>, vector<16xi32>,
        %add3A_359 = arith.constant 48 : i32
        %add3A_360 = arith.addi %add3A_275, %add3A_359 : i32
        %get3A_361 = arith.index_cast %add3A_360 : i32 to index
        %get3A_362 = tpu.vector_load %arg7[%get3A_361] {strides = array<i32>} : memref<4096xi32, #tpu.memory_space<vmem>>, vector<16xi32>,
        %get3A_363 = vector.shape_cast %get3A_362 : vector<16xi32> to vector<16xi32>
        %swap3A_364 = arith.constant 48 : index
        %swap3A_365 = tpu.vector_load %arg11[%swap3A_364] {strides = array<i32>} : memref<128xi32, #tpu.memory_space<vmem>>, vector<16xi32>,
        %swap3A_366 = vector.shape_cast %swap3A_365 : vector<16xi32> to vector<16xi32>
        %swap3A_367 = vector.shape_cast %get3A_363 : vector<16xi32> to vector<16xi32>
        tpu.vector_store %arg11[%swap3A_364], %swap3A_367 {strides = array<i32>} : memref<128xi32, #tpu.memory_space<vmem>>, vector<16xi32>,
        %add3A_368 = arith.constant 64 : i32
        %add3A_369 = arith.addi %add3A_275, %add3A_368 : i32
        %get3A_370 = arith.index_cast %add3A_369 : i32 to index
        %get3A_371 = tpu.vector_load %arg6[%get3A_370] {strides = array<i32>} : memref<4096xi32, #tpu.memory_space<vmem>>, vector<16xi32>,
        %get3A_372 = vector.shape_cast %get3A_371 : vector<16xi32> to vector<16xi32>
        %mul3A_373 = arith.constant 2 : i32
        %mul3A_374 = vector.broadcast %mul3A_373 : i32 to vector<16xi32>
        %mul3A_375 = arith.muli %get3A_372, %mul3A_374 : vector<16xi32>
        %add3A_376 = vector.broadcast %arg0 : i32 to vector<16xi32>
        %add3A_377 = arith.addi %mul3A_375, %add3A_376 : vector<16xi32>
        %swap3A_378 = arith.constant 64 : index
        %swap3A_379 = tpu.vector_load %arg9[%swap3A_378] {strides = array<i32>} : memref<128xi32, #tpu.memory_space<vmem>>, vector<16xi32>,
        %swap3A_380 = vector.shape_cast %swap3A_379 : vector<16xi32> to vector<16xi32>
        %swap3A_381 = vector.shape_cast %add3A_377 : vector<16xi32> to vector<16xi32>
        tpu.vector_store %arg9[%swap3A_378], %swap3A_381 {strides = array<i32>} : memref<128xi32, #tpu.memory_space<vmem>>, vector<16xi32>,
        %add3A_382 = arith.constant 64 : i32
        %add3A_383 = arith.addi %add3A_275, %add3A_382 : i32
        %get3A_384 = arith.index_cast %add3A_383 : i32 to index
        %get3A_385 = tpu.vector_load %arg7[%get3A_384] {strides = array<i32>} : memref<4096xi32, #tpu.memory_space<vmem>>, vector<16xi32>,
        %get3A_386 = vector.shape_cast %get3A_385 : vector<16xi32> to vector<16xi32>
        %swap3A_387 = arith.constant 64 : index
        %swap3A_388 = tpu.vector_load %arg11[%swap3A_387] {strides = array<i32>} : memref<128xi32, #tpu.memory_space<vmem>>, vector<16xi32>,
        %swap3A_389 = vector.shape_cast %swap3A_388 : vector<16xi32> to vector<16xi32>
        %swap3A_390 = vector.shape_cast %get3A_386 : vector<16xi32> to vector<16xi32>
        tpu.vector_store %arg11[%swap3A_387], %swap3A_390 {strides = array<i32>} : memref<128xi32, #tpu.memory_space<vmem>>, vector<16xi32>,
        %add3A_391 = arith.constant 80 : i32
        %add3A_392 = arith.addi %add3A_275, %add3A_391 : i32
        %get3A_393 = arith.index_cast %add3A_392 : i32 to index
        %get3A_394 = tpu.vector_load %arg6[%get3A_393] {strides = array<i32>} : memref<4096xi32, #tpu.memory_space<vmem>>, vector<16xi32>,
        %get3A_395 = vector.shape_cast %get3A_394 : vector<16xi32> to vector<16xi32>
        %mul3A_396 = arith.constant 2 : i32
        %mul3A_397 = vector.broadcast %mul3A_396 : i32 to vector<16xi32>
        %mul3A_398 = arith.muli %get3A_395, %mul3A_397 : vector<16xi32>
        %add3A_399 = vector.broadcast %arg0 : i32 to vector<16xi32>
        %add3A_400 = arith.addi %mul3A_398, %add3A_399 : vector<16xi32>
        %swap3A_401 = arith.constant 80 : index
        %swap3A_402 = tpu.vector_load %arg9[%swap3A_401] {strides = array<i32>} : memref<128xi32, #tpu.memory_space<vmem>>, vector<16xi32>,
        %swap3A_403 = vector.shape_cast %swap3A_402 : vector<16xi32> to vector<16xi32>
        %swap3A_404 = vector.shape_cast %add3A_400 : vector<16xi32> to vector<16xi32>
        tpu.vector_store %arg9[%swap3A_401], %swap3A_404 {strides = array<i32>} : memref<128xi32, #tpu.memory_space<vmem>>, vector<16xi32>,
        %add3A_405 = arith.constant 80 : i32
        %add3A_406 = arith.addi %add3A_275, %add3A_405 : i32
        %get3A_407 = arith.index_cast %add3A_406 : i32 to index
        %get3A_408 = tpu.vector_load %arg7[%get3A_407] {strides = array<i32>} : memref<4096xi32, #tpu.memory_space<vmem>>, vector<16xi32>,
        %get3A_409 = vector.shape_cast %get3A_408 : vector<16xi32> to vector<16xi32>
        %swap3A_410 = arith.constant 80 : index
        %swap3A_411 = tpu.vector_load %arg11[%swap3A_410] {strides = array<i32>} : memref<128xi32, #tpu.memory_space<vmem>>, vector<16xi32>,
        %swap3A_412 = vector.shape_cast %swap3A_411 : vector<16xi32> to vector<16xi32>
        %swap3A_413 = vector.shape_cast %get3A_409 : vector<16xi32> to vector<16xi32>
        tpu.vector_store %arg11[%swap3A_410], %swap3A_413 {strides = array<i32>} : memref<128xi32, #tpu.memory_space<vmem>>, vector<16xi32>,
        %add3A_414 = arith.constant 96 : i32
        %add3A_415 = arith.addi %add3A_275, %add3A_414 : i32
        %get3A_416 = arith.index_cast %add3A_415 : i32 to index
        %get3A_417 = tpu.vector_load %arg6[%get3A_416] {strides = array<i32>} : memref<4096xi32, #tpu.memory_space<vmem>>, vector<16xi32>,
        %get3A_418 = vector.shape_cast %get3A_417 : vector<16xi32> to vector<16xi32>
        %mul3A_419 = arith.constant 2 : i32
        %mul3A_420 = vector.broadcast %mul3A_419 : i32 to vector<16xi32>
        %mul3A_421 = arith.muli %get3A_418, %mul3A_420 : vector<16xi32>
        %add3A_422 = vector.broadcast %arg0 : i32 to vector<16xi32>
        %add3A_423 = arith.addi %mul3A_421, %add3A_422 : vector<16xi32>
        %swap3A_424 = arith.constant 96 : index
        %swap3A_425 = tpu.vector_load %arg9[%swap3A_424] {strides = array<i32>} : memref<128xi32, #tpu.memory_space<vmem>>, vector<16xi32>,
        %swap3A_426 = vector.shape_cast %swap3A_425 : vector<16xi32> to vector<16xi32>
        %swap3A_427 = vector.shape_cast %add3A_423 : vector<16xi32> to vector<16xi32>
        tpu.vector_store %arg9[%swap3A_424], %swap3A_427 {strides = array<i32>} : memref<128xi32, #tpu.memory_space<vmem>>, vector<16xi32>,
        %add3A_428 = arith.constant 96 : i32
        %add3A_429 = arith.addi %add3A_275, %add3A_428 : i32
        %get3A_430 = arith.index_cast %add3A_429 : i32 to index
        %get3A_431 = tpu.vector_load %arg7[%get3A_430] {strides = array<i32>} : memref<4096xi32, #tpu.memory_space<vmem>>, vector<16xi32>,
        %get3A_432 = vector.shape_cast %get3A_431 : vector<16xi32> to vector<16xi32>
        %swap3A_433 = arith.constant 96 : index
        %swap3A_434 = tpu.vector_load %arg11[%swap3A_433] {strides = array<i32>} : memref<128xi32, #tpu.memory_space<vmem>>, vector<16xi32>,
        %swap3A_435 = vector.shape_cast %swap3A_434 : vector<16xi32> to vector<16xi32>
        %swap3A_436 = vector.shape_cast %get3A_432 : vector<16xi32> to vector<16xi32>
        tpu.vector_store %arg11[%swap3A_433], %swap3A_436 {strides = array<i32>} : memref<128xi32, #tpu.memory_space<vmem>>, vector<16xi32>,
        %add3A_437 = arith.constant 112 : i32
        %add3A_438 = arith.addi %add3A_275, %add3A_437 : i32
        %get3A_439 = arith.index_cast %add3A_438 : i32 to index
        %get3A_440 = tpu.vector_load %arg6[%get3A_439] {strides = array<i32>} : memref<4096xi32, #tpu.memory_space<vmem>>, vector<16xi32>,
        %get3A_441 = vector.shape_cast %get3A_440 : vector<16xi32> to vector<16xi32>
        %mul3A_442 = arith.constant 2 : i32
        %mul3A_443 = vector.broadcast %mul3A_442 : i32 to vector<16xi32>
        %mul3A_444 = arith.muli %get3A_441, %mul3A_443 : vector<16xi32>
        %add3A_445 = vector.broadcast %arg0 : i32 to vector<16xi32>
        %add3A_446 = arith.addi %mul3A_444, %add3A_445 : vector<16xi32>
        %swap3A_447 = arith.constant 112 : index
        %swap3A_448 = tpu.vector_load %arg9[%swap3A_447] {strides = array<i32>} : memref<128xi32, #tpu.memory_space<vmem>>, vector<16xi32>,
        %swap3A_449 = vector.shape_cast %swap3A_448 : vector<16xi32> to vector<16xi32>
        %swap3A_450 = vector.shape_cast %add3A_446 : vector<16xi32> to vector<16xi32>
        tpu.vector_store %arg9[%swap3A_447], %swap3A_450 {strides = array<i32>} : memref<128xi32, #tpu.memory_space<vmem>>, vector<16xi32>,
        %add3A_451 = arith.constant 112 : i32
        %add3A_452 = arith.addi %add3A_275, %add3A_451 : i32
        %get3A_453 = arith.index_cast %add3A_452 : i32 to index
        %get3A_454 = tpu.vector_load %arg7[%get3A_453] {strides = array<i32>} : memref<4096xi32, #tpu.memory_space<vmem>>, vector<16xi32>,
        %get3A_455 = vector.shape_cast %get3A_454 : vector<16xi32> to vector<16xi32>
        %swap3A_456 = arith.constant 112 : index
        %swap3A_457 = tpu.vector_load %arg11[%swap3A_456] {strides = array<i32>} : memref<128xi32, #tpu.memory_space<vmem>>, vector<16xi32>,
        %swap3A_458 = vector.shape_cast %swap3A_457 : vector<16xi32> to vector<16xi32>
        %swap3A_459 = vector.shape_cast %get3A_455 : vector<16xi32> to vector<16xi32>
        tpu.vector_store %arg11[%swap3A_456], %swap3A_459 {strides = array<i32>} : memref<128xi32, #tpu.memory_space<vmem>>, vector<16xi32>,
        %dma_start3A_460 = arith.constant 0 : i32
        %dma_start3A_461 = arith.constant 0 : i32
        %dma_start3A_462 = tpu.memref_slice %arg2[%dma_start3A_460, %dma_start3A_461] : memref<20480x128xf32, #tpu.memory_space<hbm>> -> memref<20480x128xf32, #tpu.memory_space<hbm>>
        tpu.enqueue_indirect_dma source(%dma_start3A_462 : memref<20480x128xf32, #tpu.memory_space<hbm>>) target(%arg13 : memref<128x128xf32, #tpu.memory_space<vmem>>) offsets(%arg9 : memref<128xi32, #tpu.memory_space<vmem>>) semaphore(%arg16 : memref<!tpu.dma_semaphore, #tpu.memory_space<semaphore_mem>>)
      } else {
      }
      %eq3A_244 = arith.constant 1 : i32
      %eq3A_245 = arith.cmpi eq, %rem3A_230, %eq3A_244 : i32
      %lt3A_246 = arith.cmpi slt, %add3A_232, %select_n3A : i32
      %and3A_247 = arith.andi %eq3A_245, %lt3A_246 : i1
      %convert_element_type3A_248 = arith.extui %and3A_247 : i1 to i32
      %cond3A_249 = arith.constant 0 : i32
      %cond3A_250 = arith.cmpi ne, %convert_element_type3A_248, %cond3A_249 : i32
      scf.if %cond3A_250 {
        %ge3A_261 = arith.constant 1 : i32
        %ge3A_262 = arith.cmpi sge, %while3A_229, %ge3A_261 : i32
        %convert_element_type3A_263 = arith.extui %ge3A_262 : i1 to i32
        %cond3A_264 = arith.constant 0 : i32
        %cond3A_265 = arith.cmpi ne, %convert_element_type3A_263, %cond3A_264 : i32
        scf.if %cond3A_265 {
          %dma_wait3A_463 = arith.constant 0 : i32
          %dma_wait3A_464 = arith.constant 0 : i32
          %dma_wait3A_465 = tpu.memref_slice %arg14[%dma_wait3A_463, %dma_wait3A_464] : memref<10240x128xf32, #tpu.memory_space<vmem_shared>> -> memref<10240x128xf32, #tpu.memory_space<vmem_shared>>
          tpu.wait_indirect_dma semaphore(%arg17 : memref<!tpu.dma_semaphore, #tpu.memory_space<semaphore_mem>>) src(%arg12 : memref<128x128xf32, #tpu.memory_space<vmem>>) dst(%dma_wait3A_465 : memref<10240x128xf32, #tpu.memory_space<vmem_shared>>)
        } else {
        }
        %sub3A_266 = arith.subi %add3A_232, %rem3A_234 : i32
        %mul3A_267 = arith.constant 128 : i32
        %mul3A_268 = arith.muli %sub3A_266, %mul3A_267 : i32
        %add3A_269 = arith.addi %mul3A_17, %mul3A_268 : i32
        %min3A_270 = arith.constant 315904 : i32
        %min3A_271 = arith.minsi %add3A_269, %min3A_270 : i32
        %sub3A_272 = arith.subi %add3A_269, %min3A_271 : i32
        %mul3A_273 = arith.constant 128 : i32
        %mul3A_274 = arith.muli %rem3A_234, %mul3A_273 : i32
        %add3A_275 = arith.addi %mul3A_274, %sub3A_272 : i32
        %add3A_276 = arith.constant 0 : i32
        %add3A_277 = arith.addi %add3A_275, %add3A_276 : i32
        %get3A_278 = arith.index_cast %add3A_277 : i32 to index
        %get3A_279 = tpu.vector_load %arg6[%get3A_278] {strides = array<i32>} : memref<4096xi32, #tpu.memory_space<vmem>>, vector<16xi32>,
        %get3A_280 = vector.shape_cast %get3A_279 : vector<16xi32> to vector<16xi32>
        %mul3A_281 = arith.constant 2 : i32
        %mul3A_282 = vector.broadcast %mul3A_281 : i32 to vector<16xi32>
        %mul3A_283 = arith.muli %get3A_280, %mul3A_282 : vector<16xi32>
        %add3A_284 = vector.broadcast %arg0 : i32 to vector<16xi32>
        %add3A_285 = arith.addi %mul3A_283, %add3A_284 : vector<16xi32>
        %swap3A_286 = arith.constant 0 : index
        %swap3A_287 = tpu.vector_load %arg8[%swap3A_286] {strides = array<i32>} : memref<128xi32, #tpu.memory_space<vmem>>, vector<16xi32>,
        %swap3A_288 = vector.shape_cast %swap3A_287 : vector<16xi32> to vector<16xi32>
        %swap3A_289 = vector.shape_cast %add3A_285 : vector<16xi32> to vector<16xi32>
        tpu.vector_store %arg8[%swap3A_286], %swap3A_289 {strides = array<i32>} : memref<128xi32, #tpu.memory_space<vmem>>, vector<16xi32>,
        %add3A_290 = arith.constant 0 : i32
        %add3A_291 = arith.addi %add3A_275, %add3A_290 : i32
        %get3A_292 = arith.index_cast %add3A_291 : i32 to index
        %get3A_293 = tpu.vector_load %arg7[%get3A_292] {strides = array<i32>} : memref<4096xi32, #tpu.memory_space<vmem>>, vector<16xi32>,
        %get3A_294 = vector.shape_cast %get3A_293 : vector<16xi32> to vector<16xi32>
        %swap3A_295 = arith.constant 0 : index
        %swap3A_296 = tpu.vector_load %arg10[%swap3A_295] {strides = array<i32>} : memref<128xi32, #tpu.memory_space<vmem>>, vector<16xi32>,
        %swap3A_297 = vector.shape_cast %swap3A_296 : vector<16xi32> to vector<16xi32>
        %swap3A_298 = vector.shape_cast %get3A_294 : vector<16xi32> to vector<16xi32>
        tpu.vector_store %arg10[%swap3A_295], %swap3A_298 {strides = array<i32>} : memref<128xi32, #tpu.memory_space<vmem>>, vector<16xi32>,
        %add3A_299 = arith.constant 16 : i32
        %add3A_300 = arith.addi %add3A_275, %add3A_299 : i32
        %get3A_301 = arith.index_cast %add3A_300 : i32 to index
        %get3A_302 = tpu.vector_load %arg6[%get3A_301] {strides = array<i32>} : memref<4096xi32, #tpu.memory_space<vmem>>, vector<16xi32>,
        %get3A_303 = vector.shape_cast %get3A_302 : vector<16xi32> to vector<16xi32>
        %mul3A_304 = arith.constant 2 : i32
        %mul3A_305 = vector.broadcast %mul3A_304 : i32 to vector<16xi32>
        %mul3A_306 = arith.muli %get3A_303, %mul3A_305 : vector<16xi32>
        %add3A_307 = vector.broadcast %arg0 : i32 to vector<16xi32>
        %add3A_308 = arith.addi %mul3A_306, %add3A_307 : vector<16xi32>
        %swap3A_309 = arith.constant 16 : index
        %swap3A_310 = tpu.vector_load %arg8[%swap3A_309] {strides = array<i32>} : memref<128xi32, #tpu.memory_space<vmem>>, vector<16xi32>,
        %swap3A_311 = vector.shape_cast %swap3A_310 : vector<16xi32> to vector<16xi32>
        %swap3A_312 = vector.shape_cast %add3A_308 : vector<16xi32> to vector<16xi32>
        tpu.vector_store %arg8[%swap3A_309], %swap3A_312 {strides = array<i32>} : memref<128xi32, #tpu.memory_space<vmem>>, vector<16xi32>,
        %add3A_313 = arith.constant 16 : i32
        %add3A_314 = arith.addi %add3A_275, %add3A_313 : i32
        %get3A_315 = arith.index_cast %add3A_314 : i32 to index
        %get3A_316 = tpu.vector_load %arg7[%get3A_315] {strides = array<i32>} : memref<4096xi32, #tpu.memory_space<vmem>>, vector<16xi32>,
        %get3A_317 = vector.shape_cast %get3A_316 : vector<16xi32> to vector<16xi32>
        %swap3A_318 = arith.constant 16 : index
        %swap3A_319 = tpu.vector_load %arg10[%swap3A_318] {strides = array<i32>} : memref<128xi32, #tpu.memory_space<vmem>>, vector<16xi32>,
        %swap3A_320 = vector.shape_cast %swap3A_319 : vector<16xi32> to vector<16xi32>
        %swap3A_321 = vector.shape_cast %get3A_317 : vector<16xi32> to vector<16xi32>
        tpu.vector_store %arg10[%swap3A_318], %swap3A_321 {strides = array<i32>} : memref<128xi32, #tpu.memory_space<vmem>>, vector<16xi32>,
        %add3A_322 = arith.constant 32 : i32
        %add3A_323 = arith.addi %add3A_275, %add3A_322 : i32
        %get3A_324 = arith.index_cast %add3A_323 : i32 to index
        %get3A_325 = tpu.vector_load %arg6[%get3A_324] {strides = array<i32>} : memref<4096xi32, #tpu.memory_space<vmem>>, vector<16xi32>,
        %get3A_326 = vector.shape_cast %get3A_325 : vector<16xi32> to vector<16xi32>
        %mul3A_327 = arith.constant 2 : i32
        %mul3A_328 = vector.broadcast %mul3A_327 : i32 to vector<16xi32>
        %mul3A_329 = arith.muli %get3A_326, %mul3A_328 : vector<16xi32>
        %add3A_330 = vector.broadcast %arg0 : i32 to vector<16xi32>
        %add3A_331 = arith.addi %mul3A_329, %add3A_330 : vector<16xi32>
        %swap3A_332 = arith.constant 32 : index
        %swap3A_333 = tpu.vector_load %arg8[%swap3A_332] {strides = array<i32>} : memref<128xi32, #tpu.memory_space<vmem>>, vector<16xi32>,
        %swap3A_334 = vector.shape_cast %swap3A_333 : vector<16xi32> to vector<16xi32>
        %swap3A_335 = vector.shape_cast %add3A_331 : vector<16xi32> to vector<16xi32>
        tpu.vector_store %arg8[%swap3A_332], %swap3A_335 {strides = array<i32>} : memref<128xi32, #tpu.memory_space<vmem>>, vector<16xi32>,
        %add3A_336 = arith.constant 32 : i32
        %add3A_337 = arith.addi %add3A_275, %add3A_336 : i32
        %get3A_338 = arith.index_cast %add3A_337 : i32 to index
        %get3A_339 = tpu.vector_load %arg7[%get3A_338] {strides = array<i32>} : memref<4096xi32, #tpu.memory_space<vmem>>, vector<16xi32>,
        %get3A_340 = vector.shape_cast %get3A_339 : vector<16xi32> to vector<16xi32>
        %swap3A_341 = arith.constant 32 : index
        %swap3A_342 = tpu.vector_load %arg10[%swap3A_341] {strides = array<i32>} : memref<128xi32, #tpu.memory_space<vmem>>, vector<16xi32>,
        %swap3A_343 = vector.shape_cast %swap3A_342 : vector<16xi32> to vector<16xi32>
        %swap3A_344 = vector.shape_cast %get3A_340 : vector<16xi32> to vector<16xi32>
        tpu.vector_store %arg10[%swap3A_341], %swap3A_344 {strides = array<i32>} : memref<128xi32, #tpu.memory_space<vmem>>, vector<16xi32>,
        %add3A_345 = arith.constant 48 : i32
        %add3A_346 = arith.addi %add3A_275, %add3A_345 : i32
        %get3A_347 = arith.index_cast %add3A_346 : i32 to index
        %get3A_348 = tpu.vector_load %arg6[%get3A_347] {strides = array<i32>} : memref<4096xi32, #tpu.memory_space<vmem>>, vector<16xi32>,
        %get3A_349 = vector.shape_cast %get3A_348 : vector<16xi32> to vector<16xi32>
        %mul3A_350 = arith.constant 2 : i32
        %mul3A_351 = vector.broadcast %mul3A_350 : i32 to vector<16xi32>
        %mul3A_352 = arith.muli %get3A_349, %mul3A_351 : vector<16xi32>
        %add3A_353 = vector.broadcast %arg0 : i32 to vector<16xi32>
        %add3A_354 = arith.addi %mul3A_352, %add3A_353 : vector<16xi32>
        %swap3A_355 = arith.constant 48 : index
        %swap3A_356 = tpu.vector_load %arg8[%swap3A_355] {strides = array<i32>} : memref<128xi32, #tpu.memory_space<vmem>>, vector<16xi32>,
        %swap3A_357 = vector.shape_cast %swap3A_356 : vector<16xi32> to vector<16xi32>
        %swap3A_358 = vector.shape_cast %add3A_354 : vector<16xi32> to vector<16xi32>
        tpu.vector_store %arg8[%swap3A_355], %swap3A_358 {strides = array<i32>} : memref<128xi32, #tpu.memory_space<vmem>>, vector<16xi32>,
        %add3A_359 = arith.constant 48 : i32
        %add3A_360 = arith.addi %add3A_275, %add3A_359 : i32
        %get3A_361 = arith.index_cast %add3A_360 : i32 to index
        %get3A_362 = tpu.vector_load %arg7[%get3A_361] {strides = array<i32>} : memref<4096xi32, #tpu.memory_space<vmem>>, vector<16xi32>,
        %get3A_363 = vector.shape_cast %get3A_362 : vector<16xi32> to vector<16xi32>
        %swap3A_364 = arith.constant 48 : index
        %swap3A_365 = tpu.vector_load %arg10[%swap3A_364] {strides = array<i32>} : memref<128xi32, #tpu.memory_space<vmem>>, vector<16xi32>,
        %swap3A_366 = vector.shape_cast %swap3A_365 : vector<16xi32> to vector<16xi32>
        %swap3A_367 = vector.shape_cast %get3A_363 : vector<16xi32> to vector<16xi32>
        tpu.vector_store %arg10[%swap3A_364], %swap3A_367 {strides = array<i32>} : memref<128xi32, #tpu.memory_space<vmem>>, vector<16xi32>,
        %add3A_368 = arith.constant 64 : i32
        %add3A_369 = arith.addi %add3A_275, %add3A_368 : i32
        %get3A_370 = arith.index_cast %add3A_369 : i32 to index
        %get3A_371 = tpu.vector_load %arg6[%get3A_370] {strides = array<i32>} : memref<4096xi32, #tpu.memory_space<vmem>>, vector<16xi32>,
        %get3A_372 = vector.shape_cast %get3A_371 : vector<16xi32> to vector<16xi32>
        %mul3A_373 = arith.constant 2 : i32
        %mul3A_374 = vector.broadcast %mul3A_373 : i32 to vector<16xi32>
        %mul3A_375 = arith.muli %get3A_372, %mul3A_374 : vector<16xi32>
        %add3A_376 = vector.broadcast %arg0 : i32 to vector<16xi32>
        %add3A_377 = arith.addi %mul3A_375, %add3A_376 : vector<16xi32>
        %swap3A_378 = arith.constant 64 : index
        %swap3A_379 = tpu.vector_load %arg8[%swap3A_378] {strides = array<i32>} : memref<128xi32, #tpu.memory_space<vmem>>, vector<16xi32>,
        %swap3A_380 = vector.shape_cast %swap3A_379 : vector<16xi32> to vector<16xi32>
        %swap3A_381 = vector.shape_cast %add3A_377 : vector<16xi32> to vector<16xi32>
        tpu.vector_store %arg8[%swap3A_378], %swap3A_381 {strides = array<i32>} : memref<128xi32, #tpu.memory_space<vmem>>, vector<16xi32>,
        %add3A_382 = arith.constant 64 : i32
        %add3A_383 = arith.addi %add3A_275, %add3A_382 : i32
        %get3A_384 = arith.index_cast %add3A_383 : i32 to index
        %get3A_385 = tpu.vector_load %arg7[%get3A_384] {strides = array<i32>} : memref<4096xi32, #tpu.memory_space<vmem>>, vector<16xi32>,
        %get3A_386 = vector.shape_cast %get3A_385 : vector<16xi32> to vector<16xi32>
        %swap3A_387 = arith.constant 64 : index
        %swap3A_388 = tpu.vector_load %arg10[%swap3A_387] {strides = array<i32>} : memref<128xi32, #tpu.memory_space<vmem>>, vector<16xi32>,
        %swap3A_389 = vector.shape_cast %swap3A_388 : vector<16xi32> to vector<16xi32>
        %swap3A_390 = vector.shape_cast %get3A_386 : vector<16xi32> to vector<16xi32>
        tpu.vector_store %arg10[%swap3A_387], %swap3A_390 {strides = array<i32>} : memref<128xi32, #tpu.memory_space<vmem>>, vector<16xi32>,
        %add3A_391 = arith.constant 80 : i32
        %add3A_392 = arith.addi %add3A_275, %add3A_391 : i32
        %get3A_393 = arith.index_cast %add3A_392 : i32 to index
        %get3A_394 = tpu.vector_load %arg6[%get3A_393] {strides = array<i32>} : memref<4096xi32, #tpu.memory_space<vmem>>, vector<16xi32>,
        %get3A_395 = vector.shape_cast %get3A_394 : vector<16xi32> to vector<16xi32>
        %mul3A_396 = arith.constant 2 : i32
        %mul3A_397 = vector.broadcast %mul3A_396 : i32 to vector<16xi32>
        %mul3A_398 = arith.muli %get3A_395, %mul3A_397 : vector<16xi32>
        %add3A_399 = vector.broadcast %arg0 : i32 to vector<16xi32>
        %add3A_400 = arith.addi %mul3A_398, %add3A_399 : vector<16xi32>
        %swap3A_401 = arith.constant 80 : index
        %swap3A_402 = tpu.vector_load %arg8[%swap3A_401] {strides = array<i32>} : memref<128xi32, #tpu.memory_space<vmem>>, vector<16xi32>,
        %swap3A_403 = vector.shape_cast %swap3A_402 : vector<16xi32> to vector<16xi32>
        %swap3A_404 = vector.shape_cast %add3A_400 : vector<16xi32> to vector<16xi32>
        tpu.vector_store %arg8[%swap3A_401], %swap3A_404 {strides = array<i32>} : memref<128xi32, #tpu.memory_space<vmem>>, vector<16xi32>,
        %add3A_405 = arith.constant 80 : i32
        %add3A_406 = arith.addi %add3A_275, %add3A_405 : i32
        %get3A_407 = arith.index_cast %add3A_406 : i32 to index
        %get3A_408 = tpu.vector_load %arg7[%get3A_407] {strides = array<i32>} : memref<4096xi32, #tpu.memory_space<vmem>>, vector<16xi32>,
        %get3A_409 = vector.shape_cast %get3A_408 : vector<16xi32> to vector<16xi32>
        %swap3A_410 = arith.constant 80 : index
        %swap3A_411 = tpu.vector_load %arg10[%swap3A_410] {strides = array<i32>} : memref<128xi32, #tpu.memory_space<vmem>>, vector<16xi32>,
        %swap3A_412 = vector.shape_cast %swap3A_411 : vector<16xi32> to vector<16xi32>
        %swap3A_413 = vector.shape_cast %get3A_409 : vector<16xi32> to vector<16xi32>
        tpu.vector_store %arg10[%swap3A_410], %swap3A_413 {strides = array<i32>} : memref<128xi32, #tpu.memory_space<vmem>>, vector<16xi32>,
        %add3A_414 = arith.constant 96 : i32
        %add3A_415 = arith.addi %add3A_275, %add3A_414 : i32
        %get3A_416 = arith.index_cast %add3A_415 : i32 to index
        %get3A_417 = tpu.vector_load %arg6[%get3A_416] {strides = array<i32>} : memref<4096xi32, #tpu.memory_space<vmem>>, vector<16xi32>,
        %get3A_418 = vector.shape_cast %get3A_417 : vector<16xi32> to vector<16xi32>
        %mul3A_419 = arith.constant 2 : i32
        %mul3A_420 = vector.broadcast %mul3A_419 : i32 to vector<16xi32>
        %mul3A_421 = arith.muli %get3A_418, %mul3A_420 : vector<16xi32>
        %add3A_422 = vector.broadcast %arg0 : i32 to vector<16xi32>
        %add3A_423 = arith.addi %mul3A_421, %add3A_422 : vector<16xi32>
        %swap3A_424 = arith.constant 96 : index
        %swap3A_425 = tpu.vector_load %arg8[%swap3A_424] {strides = array<i32>} : memref<128xi32, #tpu.memory_space<vmem>>, vector<16xi32>,
        %swap3A_426 = vector.shape_cast %swap3A_425 : vector<16xi32> to vector<16xi32>
        %swap3A_427 = vector.shape_cast %add3A_423 : vector<16xi32> to vector<16xi32>
        tpu.vector_store %arg8[%swap3A_424], %swap3A_427 {strides = array<i32>} : memref<128xi32, #tpu.memory_space<vmem>>, vector<16xi32>,
        %add3A_428 = arith.constant 96 : i32
        %add3A_429 = arith.addi %add3A_275, %add3A_428 : i32
        %get3A_430 = arith.index_cast %add3A_429 : i32 to index
        %get3A_431 = tpu.vector_load %arg7[%get3A_430] {strides = array<i32>} : memref<4096xi32, #tpu.memory_space<vmem>>, vector<16xi32>,
        %get3A_432 = vector.shape_cast %get3A_431 : vector<16xi32> to vector<16xi32>
        %swap3A_433 = arith.constant 96 : index
        %swap3A_434 = tpu.vector_load %arg10[%swap3A_433] {strides = array<i32>} : memref<128xi32, #tpu.memory_space<vmem>>, vector<16xi32>,
        %swap3A_435 = vector.shape_cast %swap3A_434 : vector<16xi32> to vector<16xi32>
        %swap3A_436 = vector.shape_cast %get3A_432 : vector<16xi32> to vector<16xi32>
        tpu.vector_store %arg10[%swap3A_433], %swap3A_436 {strides = array<i32>} : memref<128xi32, #tpu.memory_space<vmem>>, vector<16xi32>,
        %add3A_437 = arith.constant 112 : i32
        %add3A_438 = arith.addi %add3A_275, %add3A_437 : i32
        %get3A_439 = arith.index_cast %add3A_438 : i32 to index
        %get3A_440 = tpu.vector_load %arg6[%get3A_439] {strides = array<i32>} : memref<4096xi32, #tpu.memory_space<vmem>>, vector<16xi32>,
        %get3A_441 = vector.shape_cast %get3A_440 : vector<16xi32> to vector<16xi32>
        %mul3A_442 = arith.constant 2 : i32
        %mul3A_443 = vector.broadcast %mul3A_442 : i32 to vector<16xi32>
        %mul3A_444 = arith.muli %get3A_441, %mul3A_443 : vector<16xi32>
        %add3A_445 = vector.broadcast %arg0 : i32 to vector<16xi32>
        %add3A_446 = arith.addi %mul3A_444, %add3A_445 : vector<16xi32>
        %swap3A_447 = arith.constant 112 : index
        %swap3A_448 = tpu.vector_load %arg8[%swap3A_447] {strides = array<i32>} : memref<128xi32, #tpu.memory_space<vmem>>, vector<16xi32>,
        %swap3A_449 = vector.shape_cast %swap3A_448 : vector<16xi32> to vector<16xi32>
        %swap3A_450 = vector.shape_cast %add3A_446 : vector<16xi32> to vector<16xi32>
        tpu.vector_store %arg8[%swap3A_447], %swap3A_450 {strides = array<i32>} : memref<128xi32, #tpu.memory_space<vmem>>, vector<16xi32>,
        %add3A_451 = arith.constant 112 : i32
        %add3A_452 = arith.addi %add3A_275, %add3A_451 : i32
        %get3A_453 = arith.index_cast %add3A_452 : i32 to index
        %get3A_454 = tpu.vector_load %arg7[%get3A_453] {strides = array<i32>} : memref<4096xi32, #tpu.memory_space<vmem>>, vector<16xi32>,
        %get3A_455 = vector.shape_cast %get3A_454 : vector<16xi32> to vector<16xi32>
        %swap3A_456 = arith.constant 112 : index
        %swap3A_457 = tpu.vector_load %arg10[%swap3A_456] {strides = array<i32>} : memref<128xi32, #tpu.memory_space<vmem>>, vector<16xi32>,
        %swap3A_458 = vector.shape_cast %swap3A_457 : vector<16xi32> to vector<16xi32>
        %swap3A_459 = vector.shape_cast %get3A_455 : vector<16xi32> to vector<16xi32>
        tpu.vector_store %arg10[%swap3A_456], %swap3A_459 {strides = array<i32>} : memref<128xi32, #tpu.memory_space<vmem>>, vector<16xi32>,
        %dma_start3A_460 = arith.constant 0 : i32
        %dma_start3A_461 = arith.constant 0 : i32
        %dma_start3A_462 = tpu.memref_slice %arg2[%dma_start3A_460, %dma_start3A_461] : memref<20480x128xf32, #tpu.memory_space<hbm>> -> memref<20480x128xf32, #tpu.memory_space<hbm>>
        tpu.enqueue_indirect_dma source(%dma_start3A_462 : memref<20480x128xf32, #tpu.memory_space<hbm>>) target(%arg12 : memref<128x128xf32, #tpu.memory_space<vmem>>) offsets(%arg8 : memref<128xi32, #tpu.memory_space<vmem>>) semaphore(%arg15 : memref<!tpu.dma_semaphore, #tpu.memory_space<semaphore_mem>>)
      } else {
      }
      %eq3A_251 = arith.constant 0 : i32
      %eq3A_252 = arith.cmpi eq, %rem3A_230, %eq3A_251 : i32
      %convert_element_type3A_253 = arith.extui %eq3A_252 : i1 to i32
      %cond3A_254 = arith.constant 0 : i32
      %cond3A_255 = arith.cmpi ne, %convert_element_type3A_253, %cond3A_254 : i32
      scf.if %cond3A_255 {
        %dma_wait3A_261 = arith.constant 0 : i32
        %dma_wait3A_262 = arith.constant 0 : i32
        %dma_wait3A_263 = tpu.memref_slice %arg2[%dma_wait3A_261, %dma_wait3A_262] : memref<20480x128xf32, #tpu.memory_space<hbm>> -> memref<20480x128xf32, #tpu.memory_space<hbm>>
        tpu.wait_indirect_dma semaphore(%arg15 : memref<!tpu.dma_semaphore, #tpu.memory_space<semaphore_mem>>) src(%dma_wait3A_263 : memref<20480x128xf32, #tpu.memory_space<hbm>>) dst(%arg12 : memref<128x128xf32, #tpu.memory_space<vmem>>)
        %dma_start3A_264 = arith.constant 0 : i32
        %dma_start3A_265 = arith.constant 0 : i32
        %dma_start3A_266 = tpu.memref_slice %arg14[%dma_start3A_264, %dma_start3A_265] : memref<10240x128xf32, #tpu.memory_space<vmem_shared>> -> memref<10240x128xf32, #tpu.memory_space<vmem_shared>>
        tpu.enqueue_indirect_dma source(%arg12 : memref<128x128xf32, #tpu.memory_space<vmem>>) target(%dma_start3A_266 : memref<10240x128xf32, #tpu.memory_space<vmem_shared>>) offsets(%arg10 : memref<128xi32, #tpu.memory_space<vmem>>) semaphore(%arg17 : memref<!tpu.dma_semaphore, #tpu.memory_space<semaphore_mem>>) {add = true}
      } else {
      }
      %eq3A_256 = arith.constant 1 : i32
      %eq3A_257 = arith.cmpi eq, %rem3A_230, %eq3A_256 : i32
      %convert_element_type3A_258 = arith.extui %eq3A_257 : i1 to i32
      %cond3A_259 = arith.constant 0 : i32
      %cond3A_260 = arith.cmpi ne, %convert_element_type3A_258, %cond3A_259 : i32
      scf.if %cond3A_260 {
        %dma_wait3A_261 = arith.constant 0 : i32
        %dma_wait3A_262 = arith.constant 0 : i32
        %dma_wait3A_263 = tpu.memref_slice %arg2[%dma_wait3A_261, %dma_wait3A_262] : memref<20480x128xf32, #tpu.memory_space<hbm>> -> memref<20480x128xf32, #tpu.memory_space<hbm>>
        tpu.wait_indirect_dma semaphore(%arg16 : memref<!tpu.dma_semaphore, #tpu.memory_space<semaphore_mem>>) src(%dma_wait3A_263 : memref<20480x128xf32, #tpu.memory_space<hbm>>) dst(%arg13 : memref<128x128xf32, #tpu.memory_space<vmem>>)
        %dma_start3A_264 = arith.constant 0 : i32
        %dma_start3A_265 = arith.constant 0 : i32
        %dma_start3A_266 = tpu.memref_slice %arg14[%dma_start3A_264, %dma_start3A_265] : memref<10240x128xf32, #tpu.memory_space<vmem_shared>> -> memref<10240x128xf32, #tpu.memory_space<vmem_shared>>
        tpu.enqueue_indirect_dma source(%arg13 : memref<128x128xf32, #tpu.memory_space<vmem>>) target(%dma_start3A_266 : memref<10240x128xf32, #tpu.memory_space<vmem_shared>>) offsets(%arg11 : memref<128xi32, #tpu.memory_space<vmem>>) semaphore(%arg18 : memref<!tpu.dma_semaphore, #tpu.memory_space<semaphore_mem>>) {add = true}
      } else {
      }
    }
    %dma_wait3A = arith.constant 0 : i32
    %dma_wait3A_220 = arith.constant 0 : i32
    %dma_wait3A_221 = tpu.memref_slice %arg14[%dma_wait3A, %dma_wait3A_220] : memref<10240x128xf32, #tpu.memory_space<vmem_shared>> -> memref<10240x128xf32, #tpu.memory_space<vmem_shared>>
    tpu.wait_indirect_dma semaphore(%arg17 : memref<!tpu.dma_semaphore, #tpu.memory_space<semaphore_mem>>) src(%arg12 : memref<128x128xf32, #tpu.memory_space<vmem>>) dst(%dma_wait3A_221 : memref<10240x128xf32, #tpu.memory_space<vmem_shared>>)
    %dma_wait3A_222 = arith.constant 0 : i32
    %dma_wait3A_223 = arith.constant 0 : i32
    %dma_wait3A_224 = tpu.memref_slice %arg14[%dma_wait3A_222, %dma_wait3A_223] : memref<10240x128xf32, #tpu.memory_space<vmem_shared>> -> memref<10240x128xf32, #tpu.memory_space<vmem_shared>>
    tpu.wait_indirect_dma semaphore(%arg18 : memref<!tpu.dma_semaphore, #tpu.memory_space<semaphore_mem>>) src(%arg13 : memref<128x128xf32, #tpu.memory_space<vmem>>) dst(%dma_wait3A_224 : memref<10240x128xf32, #tpu.memory_space<vmem_shared>>)
    %barrier3A_225 = arith.constant 0 : index
    tpu.barrier barrier_id(%barrier3A_225)
    %mul3A_226 = arith.constant 10240 : i32
    %mul3A_227 = arith.muli %arg0, %mul3A_226 : i32
    %add3A_228 = arith.addi %mul3A_227, %mul3A_4 : i32
    "tpu.region"() ({
      %run_scoped3A = tpu.sem_alloc : memref<!tpu.dma_semaphore, #tpu.memory_space<semaphore_mem>>
      %dma_start3A_229 = arith.constant 0 : i32
      %dma_start3A_230 = tpu.memref_slice %arg5[%add3A_228, %dma_start3A_229] : memref<20480x128xf32, #tpu.memory_space<hbm>> -> memref<640x128xf32, #tpu.memory_space<hbm>>
      %dma_start3A_231 = arith.constant 0 : i32
      %dma_start3A_232 = tpu.memref_slice %arg14[%mul3A_4, %dma_start3A_231] : memref<10240x128xf32, #tpu.memory_space<vmem_shared>> -> memref<640x128xf32, #tpu.memory_space<vmem_shared>>
      tpu.enqueue_dma source(%dma_start3A_232 : memref<640x128xf32, #tpu.memory_space<vmem_shared>>) target(%dma_start3A_230 : memref<640x128xf32, #tpu.memory_space<hbm>>) target_semaphore(%run_scoped3A : memref<!tpu.dma_semaphore, #tpu.memory_space<semaphore_mem>>)
      %dma_wait3A_233 = arith.constant 0 : i32
      %dma_wait3A_234 = tpu.memref_slice %arg5[%add3A_228, %dma_wait3A_233] : memref<20480x128xf32, #tpu.memory_space<hbm>> -> memref<640x128xf32, #tpu.memory_space<hbm>>
      %dma_wait3A_235 = arith.constant 0 : i32
      %dma_wait3A_236 = tpu.memref_slice %arg14[%mul3A_4, %dma_wait3A_235] : memref<10240x128xf32, #tpu.memory_space<vmem_shared>> -> memref<640x128xf32, #tpu.memory_space<vmem_shared>>
      tpu.wait_dma2 semaphore(%run_scoped3A : memref<!tpu.dma_semaphore, #tpu.memory_space<semaphore_mem>>) src(%dma_wait3A_236 : memref<640x128xf32, #tpu.memory_space<vmem_shared>>) dst(%dma_wait3A_234 : memref<640x128xf32, #tpu.memory_space<hbm>>)
      tpu.yield
    }) : () -> ()
    return
  }
}

#map = affine_map<(d0, d1) -> (0, 0)>
#map1 = affine_map<(d0, d1) -> (0)>
module attributes {stable_mosaic.version = 14 : i64} {
  func.func @k(%arg0: i32, %arg1: i32, %arg2: memref<20480x128xf32, #tpu.memory_space<hbm>>, %arg3: memref<320000xi32, #tpu.memory_space<hbm>>, %arg4: memref<320000xi32, #tpu.memory_space<hbm>>, %arg5: memref<20480x128xf32, #tpu.memory_space<hbm>>, %arg6: memref<4096xi32, #tpu.memory_space<vmem>>, %arg7: memref<4096xi32, #tpu.memory_space<vmem>>, %arg8: memref<128xi32, #tpu.memory_space<vmem>>, %arg9: memref<128xi32, #tpu.memory_space<vmem>>, %arg10: memref<128xi32, #tpu.memory_space<vmem>>, %arg11: memref<128xi32, #tpu.memory_space<vmem>>, %arg12: memref<128x128xf32, #tpu.memory_space<vmem>>, %arg13: memref<128x128xf32, #tpu.memory_space<vmem>>, %arg14: memref<10240x128xf32, #tpu.memory_space<vmem_shared>>, %arg15: memref<!tpu.dma_semaphore, #tpu.memory_space<semaphore_mem>>, %arg16: memref<!tpu.dma_semaphore, #tpu.memory_space<semaphore_mem>>, %arg17: memref<!tpu.dma_semaphore, #tpu.memory_space<semaphore_mem>>, %arg18: memref<!tpu.dma_semaphore, #tpu.memory_space<semaphore_mem>>) attributes {dimension_semantics = [#tpu.dimension_semantics<core_parallel>, #tpu.dimension_semantics<subcore_parallel>], iteration_bounds = array<i64: 2, 16>, scalar_prefetch = 0 : i64, scratch_operands = 13 : i64, tpu.core_type = #tpu.core_type<sc_vector_subcore>, window_params = [{transform_indices = #map}, {transform_indices = #map1}, {transform_indices = #map1}, {transform_indices = #map}]} {
    %scan3A = arith.constant 0 : i32
    %scan3A_0 = arith.constant 128 : i32
    %scan3A_1 = arith.addi %scan3A, %scan3A_0 : i32
    %scan3A_2 = arith.constant 1 : i32
    scf.for %scan3A_229 = %scan3A to %scan3A_1 step %scan3A_2  : i32 {
      %broadcast_in_dim3A = arith.constant 0.000000e+00 : f32
      %broadcast_in_dim3A_230 = vector.broadcast %broadcast_in_dim3A : f32 to vector<16xf32>
      %swap3A_231 = arith.index_cast %scan3A_229 : i32 to index
      %swap3A_232 = arith.constant 0 : index
      %swap3A_233 = tpu.vector_load %arg12[%swap3A_231, %swap3A_232] {strides = array<i32>} : memref<128x128xf32, #tpu.memory_space<vmem>>, vector<1x16xf32>,
      %swap3A_234 = vector.shape_cast %swap3A_233 : vector<1x16xf32> to vector<16xf32>
      %swap3A_235 = vector.shape_cast %broadcast_in_dim3A_230 : vector<16xf32> to vector<1x16xf32>
      tpu.vector_store %arg12[%swap3A_231, %swap3A_232], %swap3A_235 {strides = array<i32>} : memref<128x128xf32, #tpu.memory_space<vmem>>, vector<1x16xf32>,
      %broadcast_in_dim3A_236 = arith.constant 0.000000e+00 : f32
      %broadcast_in_dim3A_237 = vector.broadcast %broadcast_in_dim3A_236 : f32 to vector<16xf32>
      %swap3A_238 = arith.index_cast %scan3A_229 : i32 to index
      %swap3A_239 = arith.constant 16 : index
      %swap3A_240 = tpu.vector_load %arg12[%swap3A_238, %swap3A_239] {strides = array<i32>} : memref<128x128xf32, #tpu.memory_space<vmem>>, vector<1x16xf32>,
      %swap3A_241 = vector.shape_cast %swap3A_240 : vector<1x16xf32> to vector<16xf32>
      %swap3A_242 = vector.shape_cast %broadcast_in_dim3A_237 : vector<16xf32> to vector<1x16xf32>
      tpu.vector_store %arg12[%swap3A_238, %swap3A_239], %swap3A_242 {strides = array<i32>} : memref<128x128xf32, #tpu.memory_space<vmem>>, vector<1x16xf32>,
      %broadcast_in_dim3A_243 = arith.constant 0.000000e+00 : f32
      %broadcast_in_dim3A_244 = vector.broadcast %broadcast_in_dim3A_243 : f32 to vector<16xf32>
      %swap3A_245 = arith.index_cast %scan3A_229 : i32 to index
      %swap3A_246 = arith.constant 32 : index
      %swap3A_247 = tpu.vector_load %arg12[%swap3A_245, %swap3A_246] {strides = array<i32>} : memref<128x128xf32, #tpu.memory_space<vmem>>, vector<1x16xf32>,
      %swap3A_248 = vector.shape_cast %swap3A_247 : vector<1x16xf32> to vector<16xf32>
      %swap3A_249 = vector.shape_cast %broadcast_in_dim3A_244 : vector<16xf32> to vector<1x16xf32>
      tpu.vector_store %arg12[%swap3A_245, %swap3A_246], %swap3A_249 {strides = array<i32>} : memref<128x128xf32, #tpu.memory_space<vmem>>, vector<1x16xf32>,
      %broadcast_in_dim3A_250 = arith.constant 0.000000e+00 : f32
      %broadcast_in_dim3A_251 = vector.broadcast %broadcast_in_dim3A_250 : f32 to vector<16xf32>
      %swap3A_252 = arith.index_cast %scan3A_229 : i32 to index
      %swap3A_253 = arith.constant 48 : index
      %swap3A_254 = tpu.vector_load %arg12[%swap3A_252, %swap3A_253] {strides = array<i32>} : memref<128x128xf32, #tpu.memory_space<vmem>>, vector<1x16xf32>,
      %swap3A_255 = vector.shape_cast %swap3A_254 : vector<1x16xf32> to vector<16xf32>
      %swap3A_256 = vector.shape_cast %broadcast_in_dim3A_251 : vector<16xf32> to vector<1x16xf32>
      tpu.vector_store %arg12[%swap3A_252, %swap3A_253], %swap3A_256 {strides = array<i32>} : memref<128x128xf32, #tpu.memory_space<vmem>>, vector<1x16xf32>,
      %broadcast_in_dim3A_257 = arith.constant 0.000000e+00 : f32
      %broadcast_in_dim3A_258 = vector.broadcast %broadcast_in_dim3A_257 : f32 to vector<16xf32>
      %swap3A_259 = arith.index_cast %scan3A_229 : i32 to index
      %swap3A_260 = arith.constant 64 : index
      %swap3A_261 = tpu.vector_load %arg12[%swap3A_259, %swap3A_260] {strides = array<i32>} : memref<128x128xf32, #tpu.memory_space<vmem>>, vector<1x16xf32>,
      %swap3A_262 = vector.shape_cast %swap3A_261 : vector<1x16xf32> to vector<16xf32>
      %swap3A_263 = vector.shape_cast %broadcast_in_dim3A_258 : vector<16xf32> to vector<1x16xf32>
      tpu.vector_store %arg12[%swap3A_259, %swap3A_260], %swap3A_263 {strides = array<i32>} : memref<128x128xf32, #tpu.memory_space<vmem>>, vector<1x16xf32>,
      %broadcast_in_dim3A_264 = arith.constant 0.000000e+00 : f32
      %broadcast_in_dim3A_265 = vector.broadcast %broadcast_in_dim3A_264 : f32 to vector<16xf32>
      %swap3A_266 = arith.index_cast %scan3A_229 : i32 to index
      %swap3A_267 = arith.constant 80 : index
      %swap3A_268 = tpu.vector_load %arg12[%swap3A_266, %swap3A_267] {strides = array<i32>} : memref<128x128xf32, #tpu.memory_space<vmem>>, vector<1x16xf32>,
      %swap3A_269 = vector.shape_cast %swap3A_268 : vector<1x16xf32> to vector<16xf32>
      %swap3A_270 = vector.shape_cast %broadcast_in_dim3A_265 : vector<16xf32> to vector<1x16xf32>
      tpu.vector_store %arg12[%swap3A_266, %swap3A_267], %swap3A_270 {strides = array<i32>} : memref<128x128xf32, #tpu.memory_space<vmem>>, vector<1x16xf32>,
      %broadcast_in_dim3A_271 = arith.constant 0.000000e+00 : f32
      %broadcast_in_dim3A_272 = vector.broadcast %broadcast_in_dim3A_271 : f32 to vector<16xf32>
      %swap3A_273 = arith.index_cast %scan3A_229 : i32 to index
      %swap3A_274 = arith.constant 96 : index
      %swap3A_275 = tpu.vector_load %arg12[%swap3A_273, %swap3A_274] {strides = array<i32>} : memref<128x128xf32, #tpu.memory_space<vmem>>, vector<1x16xf32>,
      %swap3A_276 = vector.shape_cast %swap3A_275 : vector<1x16xf32> to vector<16xf32>
      %swap3A_277 = vector.shape_cast %broadcast_in_dim3A_272 : vector<16xf32> to vector<1x16xf32>
      tpu.vector_store %arg12[%swap3A_273, %swap3A_274], %swap3A_277 {strides = array<i32>} : memref<128x128xf32, #tpu.memory_space<vmem>>, vector<1x16xf32>,
      %broadcast_in_dim3A_278 = arith.constant 0.000000e+00 : f32
      %broadcast_in_dim3A_279 = vector.broadcast %broadcast_in_dim3A_278 : f32 to vector<16xf32>
      %swap3A_280 = arith.index_cast %scan3A_229 : i32 to index
      %swap3A_281 = arith.constant 112 : index
      %swap3A_282 = tpu.vector_load %arg12[%swap3A_280, %swap3A_281] {strides = array<i32>} : memref<128x128xf32, #tpu.memory_space<vmem>>, vector<1x16xf32>,
      %swap3A_283 = vector.shape_cast %swap3A_282 : vector<1x16xf32> to vector<16xf32>
      %swap3A_284 = vector.shape_cast %broadcast_in_dim3A_279 : vector<16xf32> to vector<1x16xf32>
      tpu.vector_store %arg12[%swap3A_280, %swap3A_281], %swap3A_284 {strides = array<i32>} : memref<128x128xf32, #tpu.memory_space<vmem>>, vector<1x16xf32>,
    }
    %scan3A_3 = arith.constant 128 : i32
    %mul3A = arith.constant 640 : i32
    %mul3A_4 = arith.muli %arg1, %mul3A : i32
    %scan3A_5 = arith.constant 0 : i32
    %scan3A_6 = arith.constant 5 : i32
    %scan3A_7 = arith.addi %scan3A_5, %scan3A_6 : i32
    %scan3A_8 = arith.constant 1 : i32
    scf.for %scan3A_229 = %scan3A_5 to %scan3A_7 step %scan3A_8  : i32 {
      %mul3A_230 = arith.constant 128 : i32
      %mul3A_231 = arith.muli %scan3A_229, %mul3A_230 : i32
      %add3A_232 = arith.addi %mul3A_4, %mul3A_231 : i32
      "tpu.region"() ({
        %run_scoped3A = tpu.sem_alloc : memref<!tpu.dma_semaphore, #tpu.memory_space<semaphore_mem>>
        %dma_start3A_233 = arith.constant 0 : i32
        %dma_start3A_234 = tpu.memref_slice %arg14[%add3A_232, %dma_start3A_233] : memref<10240x128xf32, #tpu.memory_space<vmem_shared>> -> memref<128x128xf32, #tpu.memory_space<vmem_shared>>
        %dma_start3A_235 = arith.constant 0 : i32
        %dma_start3A_236 = tpu.memref_slice %arg14[%add3A_232, %dma_start3A_235] : memref<10240x128xf32, #tpu.memory_space<vmem_shared>> -> memref<128x128xf32, #tpu.memory_space<vmem_shared>>
        tpu.enqueue_dma source(%arg12 : memref<128x128xf32, #tpu.memory_space<vmem>>) target(%dma_start3A_236 : memref<128x128xf32, #tpu.memory_space<vmem_shared>>) target_semaphore(%run_scoped3A : memref<!tpu.dma_semaphore, #tpu.memory_space<semaphore_mem>>)
        %dma_wait3A_237 = arith.constant 0 : i32
        %dma_wait3A_238 = tpu.memref_slice %arg14[%add3A_232, %dma_wait3A_237] : memref<10240x128xf32, #tpu.memory_space<vmem_shared>> -> memref<128x128xf32, #tpu.memory_space<vmem_shared>>
        %dma_wait3A_239 = arith.constant 0 : i32
        %dma_wait3A_240 = tpu.memref_slice %arg14[%add3A_232, %dma_wait3A_239] : memref<10240x128xf32, #tpu.memory_space<vmem_shared>> -> memref<128x128xf32, #tpu.memory_space<vmem_shared>>
        tpu.wait_dma2 semaphore(%run_scoped3A : memref<!tpu.dma_semaphore, #tpu.memory_space<semaphore_mem>>) src(%arg12 : memref<128x128xf32, #tpu.memory_space<vmem>>) dst(%dma_wait3A_240 : memref<128x128xf32, #tpu.memory_space<vmem_shared>>)
        tpu.yield
      }) : () -> ()
    }
    %scan3A_9 = arith.constant 5 : i32
    %ge3A = arith.constant 12 : i32
    %ge3A_10 = arith.cmpi sge, %arg1, %ge3A : i32
    %jit3A = arith.constant 157 : i32
    %jit3A_11 = arith.constant 156 : i32
    %select_n3A = arith.select %ge3A_10, %jit3A, %jit3A_11 : i32
    %mul3A_12 = arith.constant 156 : i32
    %mul3A_13 = arith.muli %arg1, %mul3A_12 : i32
    %sub3A = arith.constant 12 : i32
    %sub3A_14 = arith.subi %arg1, %sub3A : i32
    %max3A = arith.constant 0 : i32
    %max3A_15 = arith.maxsi %sub3A_14, %max3A : i32
    %add3A = arith.addi %mul3A_13, %max3A_15 : i32
    %mul3A_16 = arith.constant 128 : i32
    %mul3A_17 = arith.muli %add3A, %mul3A_16 : i32
    %add3A_18 = arith.constant 0 : i32
    %add3A_19 = arith.addi %mul3A_17, %add3A_18 : i32
    %min3A = arith.constant 315904 : i32
    %min3A_20 = arith.minsi %add3A_19, %min3A : i32
    "tpu.region"() ({
      %run_scoped3A = tpu.sem_alloc : memref<!tpu.dma_semaphore, #tpu.memory_space<semaphore_mem>>
      %dma_start3A_229 = tpu.memref_slice %arg3[%min3A_20] : memref<320000xi32, #tpu.memory_space<hbm>> -> memref<4096xi32, #tpu.memory_space<hbm>>
      %dma_start3A_230 = tpu.memref_slice %arg3[%min3A_20] : memref<320000xi32, #tpu.memory_space<hbm>> -> memref<4096xi32, #tpu.memory_space<hbm>>
      tpu.enqueue_dma source(%dma_start3A_230 : memref<4096xi32, #tpu.memory_space<hbm>>) target(%arg6 : memref<4096xi32, #tpu.memory_space<vmem>>) target_semaphore(%run_scoped3A : memref<!tpu.dma_semaphore, #tpu.memory_space<semaphore_mem>>)
      %dma_wait3A_231 = tpu.memref_slice %arg3[%min3A_20] : memref<320000xi32, #tpu.memory_space<hbm>> -> memref<4096xi32, #tpu.memory_space<hbm>>
      %dma_wait3A_232 = tpu.memref_slice %arg3[%min3A_20] : memref<320000xi32, #tpu.memory_space<hbm>> -> memref<4096xi32, #tpu.memory_space<hbm>>
      tpu.wait_dma2 semaphore(%run_scoped3A : memref<!tpu.dma_semaphore, #tpu.memory_space<semaphore_mem>>) src(%dma_wait3A_232 : memref<4096xi32, #tpu.memory_space<hbm>>) dst(%arg6 : memref<4096xi32, #tpu.memory_space<vmem>>)
      tpu.yield
    }) : () -> ()
    "tpu.region"() ({
      %run_scoped3A = tpu.sem_alloc : memref<!tpu.dma_semaphore, #tpu.memory_space<semaphore_mem>>
      %dma_start3A_229 = tpu.memref_slice %arg4[%min3A_20] : memref<320000xi32, #tpu.memory_space<hbm>> -> memref<4096xi32, #tpu.memory_space<hbm>>
      %dma_start3A_230 = tpu.memref_slice %arg4[%min3A_20] : memref<320000xi32, #tpu.memory_space<hbm>> -> memref<4096xi32, #tpu.memory_space<hbm>>
      tpu.enqueue_dma source(%dma_start3A_230 : memref<4096xi32, #tpu.memory_space<hbm>>) target(%arg7 : memref<4096xi32, #tpu.memory_space<vmem>>) target_semaphore(%run_scoped3A : memref<!tpu.dma_semaphore, #tpu.memory_space<semaphore_mem>>)
      %dma_wait3A_231 = tpu.memref_slice %arg4[%min3A_20] : memref<320000xi32, #tpu.memory_space<hbm>> -> memref<4096xi32, #tpu.memory_space<hbm>>
      %dma_wait3A_232 = tpu.memref_slice %arg4[%min3A_20] : memref<320000xi32, #tpu.memory_space<hbm>> -> memref<4096xi32, #tpu.memory_space<hbm>>
      tpu.wait_dma2 semaphore(%run_scoped3A : memref<!tpu.dma_semaphore, #tpu.memory_space<semaphore_mem>>) src(%dma_wait3A_232 : memref<4096xi32, #tpu.memory_space<hbm>>) dst(%arg7 : memref<4096xi32, #tpu.memory_space<vmem>>)
      tpu.yield
    }) : () -> ()
    %barrier3A = arith.constant 0 : index
    tpu.barrier barrier_id(%barrier3A)
    %add3A_21 = arith.constant 0 : i32
    %add3A_22 = arith.addi %mul3A_17, %add3A_21 : i32
    %min3A_23 = arith.constant 315904 : i32
    %min3A_24 = arith.minsi %add3A_22, %min3A_23 : i32
    %sub3A_25 = arith.subi %add3A_22, %min3A_24 : i32
    %add3A_26 = arith.constant 0 : i32
    %add3A_27 = arith.addi %add3A_26, %sub3A_25 : i32
    %add3A_28 = arith.constant 0 : i32
    %add3A_29 = arith.addi %add3A_27, %add3A_28 : i32
    %get3A = arith.index_cast %add3A_29 : i32 to index
    %get3A_30 = tpu.vector_load %arg6[%get3A] {strides = array<i32>} : memref<4096xi32, #tpu.memory_space<vmem>>, vector<16xi32>,
    %get3A_31 = vector.shape_cast %get3A_30 : vector<16xi32> to vector<16xi32>
    %mul3A_32 = arith.constant 2 : i32
    %mul3A_33 = vector.broadcast %mul3A_32 : i32 to vector<16xi32>
    %mul3A_34 = arith.muli %get3A_31, %mul3A_33 : vector<16xi32>
    %add3A_35 = vector.broadcast %arg0 : i32 to vector<16xi32>
    %add3A_36 = arith.addi %mul3A_34, %add3A_35 : vector<16xi32>
    %swap3A = arith.constant 0 : index
    %swap3A_37 = tpu.vector_load %arg8[%swap3A] {strides = array<i32>} : memref<128xi32, #tpu.memory_space<vmem>>, vector<16xi32>,
    %swap3A_38 = vector.shape_cast %swap3A_37 : vector<16xi32> to vector<16xi32>
    %swap3A_39 = vector.shape_cast %add3A_36 : vector<16xi32> to vector<16xi32>
    tpu.vector_store %arg8[%swap3A], %swap3A_39 {strides = array<i32>} : memref<128xi32, #tpu.memory_space<vmem>>, vector<16xi32>,
    %add3A_40 = arith.constant 0 : i32
    %add3A_41 = arith.addi %add3A_27, %add3A_40 : i32
    %get3A_42 = arith.index_cast %add3A_41 : i32 to index
    %get3A_43 = tpu.vector_load %arg7[%get3A_42] {strides = array<i32>} : memref<4096xi32, #tpu.memory_space<vmem>>, vector<16xi32>,
    %get3A_44 = vector.shape_cast %get3A_43 : vector<16xi32> to vector<16xi32>
    %swap3A_45 = arith.constant 0 : index
    %swap3A_46 = tpu.vector_load %arg10[%swap3A_45] {strides = array<i32>} : memref<128xi32, #tpu.memory_space<vmem>>, vector<16xi32>,
    %swap3A_47 = vector.shape_cast %swap3A_46 : vector<16xi32> to vector<16xi32>
    %swap3A_48 = vector.shape_cast %get3A_44 : vector<16xi32> to vector<16xi32>
    tpu.vector_store %arg10[%swap3A_45], %swap3A_48 {strides = array<i32>} : memref<128xi32, #tpu.memory_space<vmem>>, vector<16xi32>,
    %add3A_49 = arith.constant 16 : i32
    %add3A_50 = arith.addi %add3A_27, %add3A_49 : i32
    %get3A_51 = arith.index_cast %add3A_50 : i32 to index
    %get3A_52 = tpu.vector_load %arg6[%get3A_51] {strides = array<i32>} : memref<4096xi32, #tpu.memory_space<vmem>>, vector<16xi32>,
    %get3A_53 = vector.shape_cast %get3A_52 : vector<16xi32> to vector<16xi32>
    %mul3A_54 = arith.constant 2 : i32
    %mul3A_55 = vector.broadcast %mul3A_54 : i32 to vector<16xi32>
    %mul3A_56 = arith.muli %get3A_53, %mul3A_55 : vector<16xi32>
    %add3A_57 = vector.broadcast %arg0 : i32 to vector<16xi32>
    %add3A_58 = arith.addi %mul3A_56, %add3A_57 : vector<16xi32>
    %swap3A_59 = arith.constant 16 : index
    %swap3A_60 = tpu.vector_load %arg8[%swap3A_59] {strides = array<i32>} : memref<128xi32, #tpu.memory_space<vmem>>, vector<16xi32>,
    %swap3A_61 = vector.shape_cast %swap3A_60 : vector<16xi32> to vector<16xi32>
    %swap3A_62 = vector.shape_cast %add3A_58 : vector<16xi32> to vector<16xi32>
    tpu.vector_store %arg8[%swap3A_59], %swap3A_62 {strides = array<i32>} : memref<128xi32, #tpu.memory_space<vmem>>, vector<16xi32>,
    %add3A_63 = arith.constant 16 : i32
    %add3A_64 = arith.addi %add3A_27, %add3A_63 : i32
    %get3A_65 = arith.index_cast %add3A_64 : i32 to index
    %get3A_66 = tpu.vector_load %arg7[%get3A_65] {strides = array<i32>} : memref<4096xi32, #tpu.memory_space<vmem>>, vector<16xi32>,
    %get3A_67 = vector.shape_cast %get3A_66 : vector<16xi32> to vector<16xi32>
    %swap3A_68 = arith.constant 16 : index
    %swap3A_69 = tpu.vector_load %arg10[%swap3A_68] {strides = array<i32>} : memref<128xi32, #tpu.memory_space<vmem>>, vector<16xi32>,
    %swap3A_70 = vector.shape_cast %swap3A_69 : vector<16xi32> to vector<16xi32>
    %swap3A_71 = vector.shape_cast %get3A_67 : vector<16xi32> to vector<16xi32>
    tpu.vector_store %arg10[%swap3A_68], %swap3A_71 {strides = array<i32>} : memref<128xi32, #tpu.memory_space<vmem>>, vector<16xi32>,
    %add3A_72 = arith.constant 32 : i32
    %add3A_73 = arith.addi %add3A_27, %add3A_72 : i32
    %get3A_74 = arith.index_cast %add3A_73 : i32 to index
    %get3A_75 = tpu.vector_load %arg6[%get3A_74] {strides = array<i32>} : memref<4096xi32, #tpu.memory_space<vmem>>, vector<16xi32>,
    %get3A_76 = vector.shape_cast %get3A_75 : vector<16xi32> to vector<16xi32>
    %mul3A_77 = arith.constant 2 : i32
    %mul3A_78 = vector.broadcast %mul3A_77 : i32 to vector<16xi32>
    %mul3A_79 = arith.muli %get3A_76, %mul3A_78 : vector<16xi32>
    %add3A_80 = vector.broadcast %arg0 : i32 to vector<16xi32>
    %add3A_81 = arith.addi %mul3A_79, %add3A_80 : vector<16xi32>
    %swap3A_82 = arith.constant 32 : index
    %swap3A_83 = tpu.vector_load %arg8[%swap3A_82] {strides = array<i32>} : memref<128xi32, #tpu.memory_space<vmem>>, vector<16xi32>,
    %swap3A_84 = vector.shape_cast %swap3A_83 : vector<16xi32> to vector<16xi32>
    %swap3A_85 = vector.shape_cast %add3A_81 : vector<16xi32> to vector<16xi32>
    tpu.vector_store %arg8[%swap3A_82], %swap3A_85 {strides = array<i32>} : memref<128xi32, #tpu.memory_space<vmem>>, vector<16xi32>,
    %add3A_86 = arith.constant 32 : i32
    %add3A_87 = arith.addi %add3A_27, %add3A_86 : i32
    %get3A_88 = arith.index_cast %add3A_87 : i32 to index
    %get3A_89 = tpu.vector_load %arg7[%get3A_88] {strides = array<i32>} : memref<4096xi32, #tpu.memory_space<vmem>>, vector<16xi32>,
    %get3A_90 = vector.shape_cast %get3A_89 : vector<16xi32> to vector<16xi32>
    %swap3A_91 = arith.constant 32 : index
    %swap3A_92 = tpu.vector_load %arg10[%swap3A_91] {strides = array<i32>} : memref<128xi32, #tpu.memory_space<vmem>>, vector<16xi32>,
    %swap3A_93 = vector.shape_cast %swap3A_92 : vector<16xi32> to vector<16xi32>
    %swap3A_94 = vector.shape_cast %get3A_90 : vector<16xi32> to vector<16xi32>
    tpu.vector_store %arg10[%swap3A_91], %swap3A_94 {strides = array<i32>} : memref<128xi32, #tpu.memory_space<vmem>>, vector<16xi32>,
    %add3A_95 = arith.constant 48 : i32
    %add3A_96 = arith.addi %add3A_27, %add3A_95 : i32
    %get3A_97 = arith.index_cast %add3A_96 : i32 to index
    %get3A_98 = tpu.vector_load %arg6[%get3A_97] {strides = array<i32>} : memref<4096xi32, #tpu.memory_space<vmem>>, vector<16xi32>,
    %get3A_99 = vector.shape_cast %get3A_98 : vector<16xi32> to vector<16xi32>
    %mul3A_100 = arith.constant 2 : i32
    %mul3A_101 = vector.broadcast %mul3A_100 : i32 to vector<16xi32>
    %mul3A_102 = arith.muli %get3A_99, %mul3A_101 : vector<16xi32>
    %add3A_103 = vector.broadcast %arg0 : i32 to vector<16xi32>
    %add3A_104 = arith.addi %mul3A_102, %add3A_103 : vector<16xi32>
    %swap3A_105 = arith.constant 48 : index
    %swap3A_106 = tpu.vector_load %arg8[%swap3A_105] {strides = array<i32>} : memref<128xi32, #tpu.memory_space<vmem>>, vector<16xi32>,
    %swap3A_107 = vector.shape_cast %swap3A_106 : vector<16xi32> to vector<16xi32>
    %swap3A_108 = vector.shape_cast %add3A_104 : vector<16xi32> to vector<16xi32>
    tpu.vector_store %arg8[%swap3A_105], %swap3A_108 {strides = array<i32>} : memref<128xi32, #tpu.memory_space<vmem>>, vector<16xi32>,
    %add3A_109 = arith.constant 48 : i32
    %add3A_110 = arith.addi %add3A_27, %add3A_109 : i32
    %get3A_111 = arith.index_cast %add3A_110 : i32 to index
    %get3A_112 = tpu.vector_load %arg7[%get3A_111] {strides = array<i32>} : memref<4096xi32, #tpu.memory_space<vmem>>, vector<16xi32>,
    %get3A_113 = vector.shape_cast %get3A_112 : vector<16xi32> to vector<16xi32>
    %swap3A_114 = arith.constant 48 : index
    %swap3A_115 = tpu.vector_load %arg10[%swap3A_114] {strides = array<i32>} : memref<128xi32, #tpu.memory_space<vmem>>, vector<16xi32>,
    %swap3A_116 = vector.shape_cast %swap3A_115 : vector<16xi32> to vector<16xi32>
    %swap3A_117 = vector.shape_cast %get3A_113 : vector<16xi32> to vector<16xi32>
    tpu.vector_store %arg10[%swap3A_114], %swap3A_117 {strides = array<i32>} : memref<128xi32, #tpu.memory_space<vmem>>, vector<16xi32>,
    %add3A_118 = arith.constant 64 : i32
    %add3A_119 = arith.addi %add3A_27, %add3A_118 : i32
    %get3A_120 = arith.index_cast %add3A_119 : i32 to index
    %get3A_121 = tpu.vector_load %arg6[%get3A_120] {strides = array<i32>} : memref<4096xi32, #tpu.memory_space<vmem>>, vector<16xi32>,
    %get3A_122 = vector.shape_cast %get3A_121 : vector<16xi32> to vector<16xi32>
    %mul3A_123 = arith.constant 2 : i32
    %mul3A_124 = vector.broadcast %mul3A_123 : i32 to vector<16xi32>
    %mul3A_125 = arith.muli %get3A_122, %mul3A_124 : vector<16xi32>
    %add3A_126 = vector.broadcast %arg0 : i32 to vector<16xi32>
    %add3A_127 = arith.addi %mul3A_125, %add3A_126 : vector<16xi32>
    %swap3A_128 = arith.constant 64 : index
    %swap3A_129 = tpu.vector_load %arg8[%swap3A_128] {strides = array<i32>} : memref<128xi32, #tpu.memory_space<vmem>>, vector<16xi32>,
    %swap3A_130 = vector.shape_cast %swap3A_129 : vector<16xi32> to vector<16xi32>
    %swap3A_131 = vector.shape_cast %add3A_127 : vector<16xi32> to vector<16xi32>
    tpu.vector_store %arg8[%swap3A_128], %swap3A_131 {strides = array<i32>} : memref<128xi32, #tpu.memory_space<vmem>>, vector<16xi32>,
    %add3A_132 = arith.constant 64 : i32
    %add3A_133 = arith.addi %add3A_27, %add3A_132 : i32
    %get3A_134 = arith.index_cast %add3A_133 : i32 to index
    %get3A_135 = tpu.vector_load %arg7[%get3A_134] {strides = array<i32>} : memref<4096xi32, #tpu.memory_space<vmem>>, vector<16xi32>,
    %get3A_136 = vector.shape_cast %get3A_135 : vector<16xi32> to vector<16xi32>
    %swap3A_137 = arith.constant 64 : index
    %swap3A_138 = tpu.vector_load %arg10[%swap3A_137] {strides = array<i32>} : memref<128xi32, #tpu.memory_space<vmem>>, vector<16xi32>,
    %swap3A_139 = vector.shape_cast %swap3A_138 : vector<16xi32> to vector<16xi32>
    %swap3A_140 = vector.shape_cast %get3A_136 : vector<16xi32> to vector<16xi32>
    tpu.vector_store %arg10[%swap3A_137], %swap3A_140 {strides = array<i32>} : memref<128xi32, #tpu.memory_space<vmem>>, vector<16xi32>,
    %add3A_141 = arith.constant 80 : i32
    %add3A_142 = arith.addi %add3A_27, %add3A_141 : i32
    %get3A_143 = arith.index_cast %add3A_142 : i32 to index
    %get3A_144 = tpu.vector_load %arg6[%get3A_143] {strides = array<i32>} : memref<4096xi32, #tpu.memory_space<vmem>>, vector<16xi32>,
    %get3A_145 = vector.shape_cast %get3A_144 : vector<16xi32> to vector<16xi32>
    %mul3A_146 = arith.constant 2 : i32
    %mul3A_147 = vector.broadcast %mul3A_146 : i32 to vector<16xi32>
    %mul3A_148 = arith.muli %get3A_145, %mul3A_147 : vector<16xi32>
    %add3A_149 = vector.broadcast %arg0 : i32 to vector<16xi32>
    %add3A_150 = arith.addi %mul3A_148, %add3A_149 : vector<16xi32>
    %swap3A_151 = arith.constant 80 : index
    %swap3A_152 = tpu.vector_load %arg8[%swap3A_151] {strides = array<i32>} : memref<128xi32, #tpu.memory_space<vmem>>, vector<16xi32>,
    %swap3A_153 = vector.shape_cast %swap3A_152 : vector<16xi32> to vector<16xi32>
    %swap3A_154 = vector.shape_cast %add3A_150 : vector<16xi32> to vector<16xi32>
    tpu.vector_store %arg8[%swap3A_151], %swap3A_154 {strides = array<i32>} : memref<128xi32, #tpu.memory_space<vmem>>, vector<16xi32>,
    %add3A_155 = arith.constant 80 : i32
    %add3A_156 = arith.addi %add3A_27, %add3A_155 : i32
    %get3A_157 = arith.index_cast %add3A_156 : i32 to index
    %get3A_158 = tpu.vector_load %arg7[%get3A_157] {strides = array<i32>} : memref<4096xi32, #tpu.memory_space<vmem>>, vector<16xi32>,
    %get3A_159 = vector.shape_cast %get3A_158 : vector<16xi32> to vector<16xi32>
    %swap3A_160 = arith.constant 80 : index
    %swap3A_161 = tpu.vector_load %arg10[%swap3A_160] {strides = array<i32>} : memref<128xi32, #tpu.memory_space<vmem>>, vector<16xi32>,
    %swap3A_162 = vector.shape_cast %swap3A_161 : vector<16xi32> to vector<16xi32>
    %swap3A_163 = vector.shape_cast %get3A_159 : vector<16xi32> to vector<16xi32>
    tpu.vector_store %arg10[%swap3A_160], %swap3A_163 {strides = array<i32>} : memref<128xi32, #tpu.memory_space<vmem>>, vector<16xi32>,
    %add3A_164 = arith.constant 96 : i32
    %add3A_165 = arith.addi %add3A_27, %add3A_164 : i32
    %get3A_166 = arith.index_cast %add3A_165 : i32 to index
    %get3A_167 = tpu.vector_load %arg6[%get3A_166] {strides = array<i32>} : memref<4096xi32, #tpu.memory_space<vmem>>, vector<16xi32>,
    %get3A_168 = vector.shape_cast %get3A_167 : vector<16xi32> to vector<16xi32>
    %mul3A_169 = arith.constant 2 : i32
    %mul3A_170 = vector.broadcast %mul3A_169 : i32 to vector<16xi32>
    %mul3A_171 = arith.muli %get3A_168, %mul3A_170 : vector<16xi32>
    %add3A_172 = vector.broadcast %arg0 : i32 to vector<16xi32>
    %add3A_173 = arith.addi %mul3A_171, %add3A_172 : vector<16xi32>
    %swap3A_174 = arith.constant 96 : index
    %swap3A_175 = tpu.vector_load %arg8[%swap3A_174] {strides = array<i32>} : memref<128xi32, #tpu.memory_space<vmem>>, vector<16xi32>,
    %swap3A_176 = vector.shape_cast %swap3A_175 : vector<16xi32> to vector<16xi32>
    %swap3A_177 = vector.shape_cast %add3A_173 : vector<16xi32> to vector<16xi32>
    tpu.vector_store %arg8[%swap3A_174], %swap3A_177 {strides = array<i32>} : memref<128xi32, #tpu.memory_space<vmem>>, vector<16xi32>,
    %add3A_178 = arith.constant 96 : i32
    %add3A_179 = arith.addi %add3A_27, %add3A_178 : i32
    %get3A_180 = arith.index_cast %add3A_179 : i32 to index
    %get3A_181 = tpu.vector_load %arg7[%get3A_180] {strides = array<i32>} : memref<4096xi32, #tpu.memory_space<vmem>>, vector<16xi32>,
    %get3A_182 = vector.shape_cast %get3A_181 : vector<16xi32> to vector<16xi32>
    %swap3A_183 = arith.constant 96 : index
    %swap3A_184 = tpu.vector_load %arg10[%swap3A_183] {strides = array<i32>} : memref<128xi32, #tpu.memory_space<vmem>>, vector<16xi32>,
    %swap3A_185 = vector.shape_cast %swap3A_184 : vector<16xi32> to vector<16xi32>
    %swap3A_186 = vector.shape_cast %get3A_182 : vector<16xi32> to vector<16xi32>
    tpu.vector_store %arg10[%swap3A_183], %swap3A_186 {strides = array<i32>} : memref<128xi32, #tpu.memory_space<vmem>>, vector<16xi32>,
    %add3A_187 = arith.constant 112 : i32
    %add3A_188 = arith.addi %add3A_27, %add3A_187 : i32
    %get3A_189 = arith.index_cast %add3A_188 : i32 to index
    %get3A_190 = tpu.vector_load %arg6[%get3A_189] {strides = array<i32>} : memref<4096xi32, #tpu.memory_space<vmem>>, vector<16xi32>,
    %get3A_191 = vector.shape_cast %get3A_190 : vector<16xi32> to vector<16xi32>
    %mul3A_192 = arith.constant 2 : i32
    %mul3A_193 = vector.broadcast %mul3A_192 : i32 to vector<16xi32>
    %mul3A_194 = arith.muli %get3A_191, %mul3A_193 : vector<16xi32>
    %add3A_195 = vector.broadcast %arg0 : i32 to vector<16xi32>
    %add3A_196 = arith.addi %mul3A_194, %add3A_195 : vector<16xi32>
    %swap3A_197 = arith.constant 112 : index
    %swap3A_198 = tpu.vector_load %arg8[%swap3A_197] {strides = array<i32>} : memref<128xi32, #tpu.memory_space<vmem>>, vector<16xi32>,
    %swap3A_199 = vector.shape_cast %swap3A_198 : vector<16xi32> to vector<16xi32>
    %swap3A_200 = vector.shape_cast %add3A_196 : vector<16xi32> to vector<16xi32>
    tpu.vector_store %arg8[%swap3A_197], %swap3A_200 {strides = array<i32>} : memref<128xi32, #tpu.memory_space<vmem>>, vector<16xi32>,
    %add3A_201 = arith.constant 112 : i32
    %add3A_202 = arith.addi %add3A_27, %add3A_201 : i32
    %get3A_203 = arith.index_cast %add3A_202 : i32 to index
    %get3A_204 = tpu.vector_load %arg7[%get3A_203] {strides = array<i32>} : memref<4096xi32, #tpu.memory_space<vmem>>, vector<16xi32>,
    %get3A_205 = vector.shape_cast %get3A_204 : vector<16xi32> to vector<16xi32>
    %swap3A_206 = arith.constant 112 : index
    %swap3A_207 = tpu.vector_load %arg10[%swap3A_206] {strides = array<i32>} : memref<128xi32, #tpu.memory_space<vmem>>, vector<16xi32>,
    %swap3A_208 = vector.shape_cast %swap3A_207 : vector<16xi32> to vector<16xi32>
    %swap3A_209 = vector.shape_cast %get3A_205 : vector<16xi32> to vector<16xi32>
    tpu.vector_store %arg10[%swap3A_206], %swap3A_209 {strides = array<i32>} : memref<128xi32, #tpu.memory_space<vmem>>, vector<16xi32>,
    %dma_start3A = arith.constant 0 : i32
    %dma_start3A_210 = arith.constant 0 : i32
    %dma_start3A_211 = tpu.memref_slice %arg2[%dma_start3A, %dma_start3A_210] : memref<20480x128xf32, #tpu.memory_space<hbm>> -> memref<20480x128xf32, #tpu.memory_space<hbm>>
    tpu.enqueue_indirect_dma source(%dma_start3A_211 : memref<20480x128xf32, #tpu.memory_space<hbm>>) target(%arg12 : memref<128x128xf32, #tpu.memory_space<vmem>>) offsets(%arg8 : memref<128xi32, #tpu.memory_space<vmem>>) semaphore(%arg15 : memref<!tpu.dma_semaphore, #tpu.memory_space<semaphore_mem>>)
    %while3A = arith.constant 0 : i32
    %while3A_212 = arith.subi %select_n3A, %while3A : i32
    %while3A_213 = arith.addi %while3A, %while3A_212 : i32
    %while3A_214 = arith.constant 1 : i32
    %while3A_215 = arith.divsi %while3A_212, %while3A_214 : i32
    %while3A_216 = arith.muli %while3A_215, %while3A_214 : i32
    %while3A_217 = arith.addi %while3A, %while3A_216 : i32
    %while3A_218 = arith.constant 1 : i32
    scf.for %while3A_229 = %while3A to %while3A_217 step %while3A_218  : i32 {
      %rem3A = arith.constant 2 : i32
      %rem3A_230 = arith.remsi %while3A_229, %rem3A : i32
      %add3A_231 = arith.constant 1 : i32
      %add3A_232 = arith.addi %while3A_229, %add3A_231 : i32
      %rem3A_233 = arith.constant 32 : i32
      %rem3A_234 = arith.remsi %add3A_232, %rem3A_233 : i32
      %eq3A = arith.constant 0 : i32
      %eq3A_235 = arith.cmpi eq, %rem3A_234, %eq3A : i32
      %lt3A = arith.cmpi slt, %add3A_232, %select_n3A : i32
      %and3A = arith.andi %eq3A_235, %lt3A : i1
      %convert_element_type3A = arith.extui %and3A : i1 to i32
      %cond3A = arith.constant 0 : i32
      %cond3A_236 = arith.cmpi ne, %convert_element_type3A, %cond3A : i32
      scf.if %cond3A_236 {
        %mul3A_261 = arith.constant 128 : i32
        %mul3A_262 = arith.muli %add3A_232, %mul3A_261 : i32
        %add3A_263 = arith.addi %mul3A_17, %mul3A_262 : i32
        %min3A_264 = arith.constant 315904 : i32
        %min3A_265 = arith.minsi %add3A_263, %min3A_264 : i32
        "tpu.region"() ({
          %run_scoped3A = tpu.sem_alloc : memref<!tpu.dma_semaphore, #tpu.memory_space<semaphore_mem>>
          %dma_start3A_266 = tpu.memref_slice %arg3[%min3A_265] : memref<320000xi32, #tpu.memory_space<hbm>> -> memref<4096xi32, #tpu.memory_space<hbm>>
          %dma_start3A_267 = tpu.memref_slice %arg3[%min3A_265] : memref<320000xi32, #tpu.memory_space<hbm>> -> memref<4096xi32, #tpu.memory_space<hbm>>
          tpu.enqueue_dma source(%dma_start3A_267 : memref<4096xi32, #tpu.memory_space<hbm>>) target(%arg6 : memref<4096xi32, #tpu.memory_space<vmem>>) target_semaphore(%run_scoped3A : memref<!tpu.dma_semaphore, #tpu.memory_space<semaphore_mem>>)
          %dma_wait3A_268 = tpu.memref_slice %arg3[%min3A_265] : memref<320000xi32, #tpu.memory_space<hbm>> -> memref<4096xi32, #tpu.memory_space<hbm>>
          %dma_wait3A_269 = tpu.memref_slice %arg3[%min3A_265] : memref<320000xi32, #tpu.memory_space<hbm>> -> memref<4096xi32, #tpu.memory_space<hbm>>
          tpu.wait_dma2 semaphore(%run_scoped3A : memref<!tpu.dma_semaphore, #tpu.memory_space<semaphore_mem>>) src(%dma_wait3A_269 : memref<4096xi32, #tpu.memory_space<hbm>>) dst(%arg6 : memref<4096xi32, #tpu.memory_space<vmem>>)
          tpu.yield
        }) : () -> ()
        "tpu.region"() ({
          %run_scoped3A = tpu.sem_alloc : memref<!tpu.dma_semaphore, #tpu.memory_space<semaphore_mem>>
          %dma_start3A_266 = tpu.memref_slice %arg4[%min3A_265] : memref<320000xi32, #tpu.memory_space<hbm>> -> memref<4096xi32, #tpu.memory_space<hbm>>
          %dma_start3A_267 = tpu.memref_slice %arg4[%min3A_265] : memref<320000xi32, #tpu.memory_space<hbm>> -> memref<4096xi32, #tpu.memory_space<hbm>>
          tpu.enqueue_dma source(%dma_start3A_267 : memref<4096xi32, #tpu.memory_space<hbm>>) target(%arg7 : memref<4096xi32, #tpu.memory_space<vmem>>) target_semaphore(%run_scoped3A : memref<!tpu.dma_semaphore, #tpu.memory_space<semaphore_mem>>)
          %dma_wait3A_268 = tpu.memref_slice %arg4[%min3A_265] : memref<320000xi32, #tpu.memory_space<hbm>> -> memref<4096xi32, #tpu.memory_space<hbm>>
          %dma_wait3A_269 = tpu.memref_slice %arg4[%min3A_265] : memref<320000xi32, #tpu.memory_space<hbm>> -> memref<4096xi32, #tpu.memory_space<hbm>>
          tpu.wait_dma2 semaphore(%run_scoped3A : memref<!tpu.dma_semaphore, #tpu.memory_space<semaphore_mem>>) src(%dma_wait3A_269 : memref<4096xi32, #tpu.memory_space<hbm>>) dst(%arg7 : memref<4096xi32, #tpu.memory_space<vmem>>)
          tpu.yield
        }) : () -> ()
      } else {
      }
      %eq3A_237 = arith.constant 0 : i32
      %eq3A_238 = arith.cmpi eq, %rem3A_230, %eq3A_237 : i32
      %lt3A_239 = arith.cmpi slt, %add3A_232, %select_n3A : i32
      %and3A_240 = arith.andi %eq3A_238, %lt3A_239 : i1
      %convert_element_type3A_241 = arith.extui %and3A_240 : i1 to i32
      %cond3A_242 = arith.constant 0 : i32
      %cond3A_243 = arith.cmpi ne, %convert_element_type3A_241, %cond3A_242 : i32
      scf.if %cond3A_243 {
        %ge3A_261 = arith.constant 1 : i32
        %ge3A_262 = arith.cmpi sge, %while3A_229, %ge3A_261 : i32
        %convert_element_type3A_263 = arith.extui %ge3A_262 : i1 to i32
        %cond3A_264 = arith.constant 0 : i32
        %cond3A_265 = arith.cmpi ne, %convert_element_type3A_263, %cond3A_264 : i32
        scf.if %cond3A_265 {
          %dma_wait3A_463 = arith.constant 0 : i32
          %dma_wait3A_464 = arith.constant 0 : i32
          %dma_wait3A_465 = tpu.memref_slice %arg14[%dma_wait3A_463, %dma_wait3A_464] : memref<10240x128xf32, #tpu.memory_space<vmem_shared>> -> memref<10240x128xf32, #tpu.memory_space<vmem_shared>>
          tpu.wait_indirect_dma semaphore(%arg18 : memref<!tpu.dma_semaphore, #tpu.memory_space<semaphore_mem>>) src(%arg13 : memref<128x128xf32, #tpu.memory_space<vmem>>) dst(%dma_wait3A_465 : memref<10240x128xf32, #tpu.memory_space<vmem_shared>>)
        } else {
        }
        %sub3A_266 = arith.subi %add3A_232, %rem3A_234 : i32
        %mul3A_267 = arith.constant 128 : i32
        %mul3A_268 = arith.muli %sub3A_266, %mul3A_267 : i32
        %add3A_269 = arith.addi %mul3A_17, %mul3A_268 : i32
        %min3A_270 = arith.constant 315904 : i32
        %min3A_271 = arith.minsi %add3A_269, %min3A_270 : i32
        %sub3A_272 = arith.subi %add3A_269, %min3A_271 : i32
        %mul3A_273 = arith.constant 128 : i32
        %mul3A_274 = arith.muli %rem3A_234, %mul3A_273 : i32
        %add3A_275 = arith.addi %mul3A_274, %sub3A_272 : i32
        %add3A_276 = arith.constant 0 : i32
        %add3A_277 = arith.addi %add3A_275, %add3A_276 : i32
        %get3A_278 = arith.index_cast %add3A_277 : i32 to index
        %get3A_279 = tpu.vector_load %arg6[%get3A_278] {strides = array<i32>} : memref<4096xi32, #tpu.memory_space<vmem>>, vector<16xi32>,
        %get3A_280 = vector.shape_cast %get3A_279 : vector<16xi32> to vector<16xi32>
        %mul3A_281 = arith.constant 2 : i32
        %mul3A_282 = vector.broadcast %mul3A_281 : i32 to vector<16xi32>
        %mul3A_283 = arith.muli %get3A_280, %mul3A_282 : vector<16xi32>
        %add3A_284 = vector.broadcast %arg0 : i32 to vector<16xi32>
        %add3A_285 = arith.addi %mul3A_283, %add3A_284 : vector<16xi32>
        %swap3A_286 = arith.constant 0 : index
        %swap3A_287 = tpu.vector_load %arg9[%swap3A_286] {strides = array<i32>} : memref<128xi32, #tpu.memory_space<vmem>>, vector<16xi32>,
        %swap3A_288 = vector.shape_cast %swap3A_287 : vector<16xi32> to vector<16xi32>
        %swap3A_289 = vector.shape_cast %add3A_285 : vector<16xi32> to vector<16xi32>
        tpu.vector_store %arg9[%swap3A_286], %swap3A_289 {strides = array<i32>} : memref<128xi32, #tpu.memory_space<vmem>>, vector<16xi32>,
        %add3A_290 = arith.constant 0 : i32
        %add3A_291 = arith.addi %add3A_275, %add3A_290 : i32
        %get3A_292 = arith.index_cast %add3A_291 : i32 to index
        %get3A_293 = tpu.vector_load %arg7[%get3A_292] {strides = array<i32>} : memref<4096xi32, #tpu.memory_space<vmem>>, vector<16xi32>,
        %get3A_294 = vector.shape_cast %get3A_293 : vector<16xi32> to vector<16xi32>
        %swap3A_295 = arith.constant 0 : index
        %swap3A_296 = tpu.vector_load %arg11[%swap3A_295] {strides = array<i32>} : memref<128xi32, #tpu.memory_space<vmem>>, vector<16xi32>,
        %swap3A_297 = vector.shape_cast %swap3A_296 : vector<16xi32> to vector<16xi32>
        %swap3A_298 = vector.shape_cast %get3A_294 : vector<16xi32> to vector<16xi32>
        tpu.vector_store %arg11[%swap3A_295], %swap3A_298 {strides = array<i32>} : memref<128xi32, #tpu.memory_space<vmem>>, vector<16xi32>,
        %add3A_299 = arith.constant 16 : i32
        %add3A_300 = arith.addi %add3A_275, %add3A_299 : i32
        %get3A_301 = arith.index_cast %add3A_300 : i32 to index
        %get3A_302 = tpu.vector_load %arg6[%get3A_301] {strides = array<i32>} : memref<4096xi32, #tpu.memory_space<vmem>>, vector<16xi32>,
        %get3A_303 = vector.shape_cast %get3A_302 : vector<16xi32> to vector<16xi32>
        %mul3A_304 = arith.constant 2 : i32
        %mul3A_305 = vector.broadcast %mul3A_304 : i32 to vector<16xi32>
        %mul3A_306 = arith.muli %get3A_303, %mul3A_305 : vector<16xi32>
        %add3A_307 = vector.broadcast %arg0 : i32 to vector<16xi32>
        %add3A_308 = arith.addi %mul3A_306, %add3A_307 : vector<16xi32>
        %swap3A_309 = arith.constant 16 : index
        %swap3A_310 = tpu.vector_load %arg9[%swap3A_309] {strides = array<i32>} : memref<128xi32, #tpu.memory_space<vmem>>, vector<16xi32>,
        %swap3A_311 = vector.shape_cast %swap3A_310 : vector<16xi32> to vector<16xi32>
        %swap3A_312 = vector.shape_cast %add3A_308 : vector<16xi32> to vector<16xi32>
        tpu.vector_store %arg9[%swap3A_309], %swap3A_312 {strides = array<i32>} : memref<128xi32, #tpu.memory_space<vmem>>, vector<16xi32>,
        %add3A_313 = arith.constant 16 : i32
        %add3A_314 = arith.addi %add3A_275, %add3A_313 : i32
        %get3A_315 = arith.index_cast %add3A_314 : i32 to index
        %get3A_316 = tpu.vector_load %arg7[%get3A_315] {strides = array<i32>} : memref<4096xi32, #tpu.memory_space<vmem>>, vector<16xi32>,
        %get3A_317 = vector.shape_cast %get3A_316 : vector<16xi32> to vector<16xi32>
        %swap3A_318 = arith.constant 16 : index
        %swap3A_319 = tpu.vector_load %arg11[%swap3A_318] {strides = array<i32>} : memref<128xi32, #tpu.memory_space<vmem>>, vector<16xi32>,
        %swap3A_320 = vector.shape_cast %swap3A_319 : vector<16xi32> to vector<16xi32>
        %swap3A_321 = vector.shape_cast %get3A_317 : vector<16xi32> to vector<16xi32>
        tpu.vector_store %arg11[%swap3A_318], %swap3A_321 {strides = array<i32>} : memref<128xi32, #tpu.memory_space<vmem>>, vector<16xi32>,
        %add3A_322 = arith.constant 32 : i32
        %add3A_323 = arith.addi %add3A_275, %add3A_322 : i32
        %get3A_324 = arith.index_cast %add3A_323 : i32 to index
        %get3A_325 = tpu.vector_load %arg6[%get3A_324] {strides = array<i32>} : memref<4096xi32, #tpu.memory_space<vmem>>, vector<16xi32>,
        %get3A_326 = vector.shape_cast %get3A_325 : vector<16xi32> to vector<16xi32>
        %mul3A_327 = arith.constant 2 : i32
        %mul3A_328 = vector.broadcast %mul3A_327 : i32 to vector<16xi32>
        %mul3A_329 = arith.muli %get3A_326, %mul3A_328 : vector<16xi32>
        %add3A_330 = vector.broadcast %arg0 : i32 to vector<16xi32>
        %add3A_331 = arith.addi %mul3A_329, %add3A_330 : vector<16xi32>
        %swap3A_332 = arith.constant 32 : index
        %swap3A_333 = tpu.vector_load %arg9[%swap3A_332] {strides = array<i32>} : memref<128xi32, #tpu.memory_space<vmem>>, vector<16xi32>,
        %swap3A_334 = vector.shape_cast %swap3A_333 : vector<16xi32> to vector<16xi32>
        %swap3A_335 = vector.shape_cast %add3A_331 : vector<16xi32> to vector<16xi32>
        tpu.vector_store %arg9[%swap3A_332], %swap3A_335 {strides = array<i32>} : memref<128xi32, #tpu.memory_space<vmem>>, vector<16xi32>,
        %add3A_336 = arith.constant 32 : i32
        %add3A_337 = arith.addi %add3A_275, %add3A_336 : i32
        %get3A_338 = arith.index_cast %add3A_337 : i32 to index
        %get3A_339 = tpu.vector_load %arg7[%get3A_338] {strides = array<i32>} : memref<4096xi32, #tpu.memory_space<vmem>>, vector<16xi32>,
        %get3A_340 = vector.shape_cast %get3A_339 : vector<16xi32> to vector<16xi32>
        %swap3A_341 = arith.constant 32 : index
        %swap3A_342 = tpu.vector_load %arg11[%swap3A_341] {strides = array<i32>} : memref<128xi32, #tpu.memory_space<vmem>>, vector<16xi32>,
        %swap3A_343 = vector.shape_cast %swap3A_342 : vector<16xi32> to vector<16xi32>
        %swap3A_344 = vector.shape_cast %get3A_340 : vector<16xi32> to vector<16xi32>
        tpu.vector_store %arg11[%swap3A_341], %swap3A_344 {strides = array<i32>} : memref<128xi32, #tpu.memory_space<vmem>>, vector<16xi32>,
        %add3A_345 = arith.constant 48 : i32
        %add3A_346 = arith.addi %add3A_275, %add3A_345 : i32
        %get3A_347 = arith.index_cast %add3A_346 : i32 to index
        %get3A_348 = tpu.vector_load %arg6[%get3A_347] {strides = array<i32>} : memref<4096xi32, #tpu.memory_space<vmem>>, vector<16xi32>,
        %get3A_349 = vector.shape_cast %get3A_348 : vector<16xi32> to vector<16xi32>
        %mul3A_350 = arith.constant 2 : i32
        %mul3A_351 = vector.broadcast %mul3A_350 : i32 to vector<16xi32>
        %mul3A_352 = arith.muli %get3A_349, %mul3A_351 : vector<16xi32>
        %add3A_353 = vector.broadcast %arg0 : i32 to vector<16xi32>
        %add3A_354 = arith.addi %mul3A_352, %add3A_353 : vector<16xi32>
        %swap3A_355 = arith.constant 48 : index
        %swap3A_356 = tpu.vector_load %arg9[%swap3A_355] {strides = array<i32>} : memref<128xi32, #tpu.memory_space<vmem>>, vector<16xi32>,
        %swap3A_357 = vector.shape_cast %swap3A_356 : vector<16xi32> to vector<16xi32>
        %swap3A_358 = vector.shape_cast %add3A_354 : vector<16xi32> to vector<16xi32>
        tpu.vector_store %arg9[%swap3A_355], %swap3A_358 {strides = array<i32>} : memref<128xi32, #tpu.memory_space<vmem>>, vector<16xi32>,
        %add3A_359 = arith.constant 48 : i32
        %add3A_360 = arith.addi %add3A_275, %add3A_359 : i32
        %get3A_361 = arith.index_cast %add3A_360 : i32 to index
        %get3A_362 = tpu.vector_load %arg7[%get3A_361] {strides = array<i32>} : memref<4096xi32, #tpu.memory_space<vmem>>, vector<16xi32>,
        %get3A_363 = vector.shape_cast %get3A_362 : vector<16xi32> to vector<16xi32>
        %swap3A_364 = arith.constant 48 : index
        %swap3A_365 = tpu.vector_load %arg11[%swap3A_364] {strides = array<i32>} : memref<128xi32, #tpu.memory_space<vmem>>, vector<16xi32>,
        %swap3A_366 = vector.shape_cast %swap3A_365 : vector<16xi32> to vector<16xi32>
        %swap3A_367 = vector.shape_cast %get3A_363 : vector<16xi32> to vector<16xi32>
        tpu.vector_store %arg11[%swap3A_364], %swap3A_367 {strides = array<i32>} : memref<128xi32, #tpu.memory_space<vmem>>, vector<16xi32>,
        %add3A_368 = arith.constant 64 : i32
        %add3A_369 = arith.addi %add3A_275, %add3A_368 : i32
        %get3A_370 = arith.index_cast %add3A_369 : i32 to index
        %get3A_371 = tpu.vector_load %arg6[%get3A_370] {strides = array<i32>} : memref<4096xi32, #tpu.memory_space<vmem>>, vector<16xi32>,
        %get3A_372 = vector.shape_cast %get3A_371 : vector<16xi32> to vector<16xi32>
        %mul3A_373 = arith.constant 2 : i32
        %mul3A_374 = vector.broadcast %mul3A_373 : i32 to vector<16xi32>
        %mul3A_375 = arith.muli %get3A_372, %mul3A_374 : vector<16xi32>
        %add3A_376 = vector.broadcast %arg0 : i32 to vector<16xi32>
        %add3A_377 = arith.addi %mul3A_375, %add3A_376 : vector<16xi32>
        %swap3A_378 = arith.constant 64 : index
        %swap3A_379 = tpu.vector_load %arg9[%swap3A_378] {strides = array<i32>} : memref<128xi32, #tpu.memory_space<vmem>>, vector<16xi32>,
        %swap3A_380 = vector.shape_cast %swap3A_379 : vector<16xi32> to vector<16xi32>
        %swap3A_381 = vector.shape_cast %add3A_377 : vector<16xi32> to vector<16xi32>
        tpu.vector_store %arg9[%swap3A_378], %swap3A_381 {strides = array<i32>} : memref<128xi32, #tpu.memory_space<vmem>>, vector<16xi32>,
        %add3A_382 = arith.constant 64 : i32
        %add3A_383 = arith.addi %add3A_275, %add3A_382 : i32
        %get3A_384 = arith.index_cast %add3A_383 : i32 to index
        %get3A_385 = tpu.vector_load %arg7[%get3A_384] {strides = array<i32>} : memref<4096xi32, #tpu.memory_space<vmem>>, vector<16xi32>,
        %get3A_386 = vector.shape_cast %get3A_385 : vector<16xi32> to vector<16xi32>
        %swap3A_387 = arith.constant 64 : index
        %swap3A_388 = tpu.vector_load %arg11[%swap3A_387] {strides = array<i32>} : memref<128xi32, #tpu.memory_space<vmem>>, vector<16xi32>,
        %swap3A_389 = vector.shape_cast %swap3A_388 : vector<16xi32> to vector<16xi32>
        %swap3A_390 = vector.shape_cast %get3A_386 : vector<16xi32> to vector<16xi32>
        tpu.vector_store %arg11[%swap3A_387], %swap3A_390 {strides = array<i32>} : memref<128xi32, #tpu.memory_space<vmem>>, vector<16xi32>,
        %add3A_391 = arith.constant 80 : i32
        %add3A_392 = arith.addi %add3A_275, %add3A_391 : i32
        %get3A_393 = arith.index_cast %add3A_392 : i32 to index
        %get3A_394 = tpu.vector_load %arg6[%get3A_393] {strides = array<i32>} : memref<4096xi32, #tpu.memory_space<vmem>>, vector<16xi32>,
        %get3A_395 = vector.shape_cast %get3A_394 : vector<16xi32> to vector<16xi32>
        %mul3A_396 = arith.constant 2 : i32
        %mul3A_397 = vector.broadcast %mul3A_396 : i32 to vector<16xi32>
        %mul3A_398 = arith.muli %get3A_395, %mul3A_397 : vector<16xi32>
        %add3A_399 = vector.broadcast %arg0 : i32 to vector<16xi32>
        %add3A_400 = arith.addi %mul3A_398, %add3A_399 : vector<16xi32>
        %swap3A_401 = arith.constant 80 : index
        %swap3A_402 = tpu.vector_load %arg9[%swap3A_401] {strides = array<i32>} : memref<128xi32, #tpu.memory_space<vmem>>, vector<16xi32>,
        %swap3A_403 = vector.shape_cast %swap3A_402 : vector<16xi32> to vector<16xi32>
        %swap3A_404 = vector.shape_cast %add3A_400 : vector<16xi32> to vector<16xi32>
        tpu.vector_store %arg9[%swap3A_401], %swap3A_404 {strides = array<i32>} : memref<128xi32, #tpu.memory_space<vmem>>, vector<16xi32>,
        %add3A_405 = arith.constant 80 : i32
        %add3A_406 = arith.addi %add3A_275, %add3A_405 : i32
        %get3A_407 = arith.index_cast %add3A_406 : i32 to index
        %get3A_408 = tpu.vector_load %arg7[%get3A_407] {strides = array<i32>} : memref<4096xi32, #tpu.memory_space<vmem>>, vector<16xi32>,
        %get3A_409 = vector.shape_cast %get3A_408 : vector<16xi32> to vector<16xi32>
        %swap3A_410 = arith.constant 80 : index
        %swap3A_411 = tpu.vector_load %arg11[%swap3A_410] {strides = array<i32>} : memref<128xi32, #tpu.memory_space<vmem>>, vector<16xi32>,
        %swap3A_412 = vector.shape_cast %swap3A_411 : vector<16xi32> to vector<16xi32>
        %swap3A_413 = vector.shape_cast %get3A_409 : vector<16xi32> to vector<16xi32>
        tpu.vector_store %arg11[%swap3A_410], %swap3A_413 {strides = array<i32>} : memref<128xi32, #tpu.memory_space<vmem>>, vector<16xi32>,
        %add3A_414 = arith.constant 96 : i32
        %add3A_415 = arith.addi %add3A_275, %add3A_414 : i32
        %get3A_416 = arith.index_cast %add3A_415 : i32 to index
        %get3A_417 = tpu.vector_load %arg6[%get3A_416] {strides = array<i32>} : memref<4096xi32, #tpu.memory_space<vmem>>, vector<16xi32>,
        %get3A_418 = vector.shape_cast %get3A_417 : vector<16xi32> to vector<16xi32>
        %mul3A_419 = arith.constant 2 : i32
        %mul3A_420 = vector.broadcast %mul3A_419 : i32 to vector<16xi32>
        %mul3A_421 = arith.muli %get3A_418, %mul3A_420 : vector<16xi32>
        %add3A_422 = vector.broadcast %arg0 : i32 to vector<16xi32>
        %add3A_423 = arith.addi %mul3A_421, %add3A_422 : vector<16xi32>
        %swap3A_424 = arith.constant 96 : index
        %swap3A_425 = tpu.vector_load %arg9[%swap3A_424] {strides = array<i32>} : memref<128xi32, #tpu.memory_space<vmem>>, vector<16xi32>,
        %swap3A_426 = vector.shape_cast %swap3A_425 : vector<16xi32> to vector<16xi32>
        %swap3A_427 = vector.shape_cast %add3A_423 : vector<16xi32> to vector<16xi32>
        tpu.vector_store %arg9[%swap3A_424], %swap3A_427 {strides = array<i32>} : memref<128xi32, #tpu.memory_space<vmem>>, vector<16xi32>,
        %add3A_428 = arith.constant 96 : i32
        %add3A_429 = arith.addi %add3A_275, %add3A_428 : i32
        %get3A_430 = arith.index_cast %add3A_429 : i32 to index
        %get3A_431 = tpu.vector_load %arg7[%get3A_430] {strides = array<i32>} : memref<4096xi32, #tpu.memory_space<vmem>>, vector<16xi32>,
        %get3A_432 = vector.shape_cast %get3A_431 : vector<16xi32> to vector<16xi32>
        %swap3A_433 = arith.constant 96 : index
        %swap3A_434 = tpu.vector_load %arg11[%swap3A_433] {strides = array<i32>} : memref<128xi32, #tpu.memory_space<vmem>>, vector<16xi32>,
        %swap3A_435 = vector.shape_cast %swap3A_434 : vector<16xi32> to vector<16xi32>
        %swap3A_436 = vector.shape_cast %get3A_432 : vector<16xi32> to vector<16xi32>
        tpu.vector_store %arg11[%swap3A_433], %swap3A_436 {strides = array<i32>} : memref<128xi32, #tpu.memory_space<vmem>>, vector<16xi32>,
        %add3A_437 = arith.constant 112 : i32
        %add3A_438 = arith.addi %add3A_275, %add3A_437 : i32
        %get3A_439 = arith.index_cast %add3A_438 : i32 to index
        %get3A_440 = tpu.vector_load %arg6[%get3A_439] {strides = array<i32>} : memref<4096xi32, #tpu.memory_space<vmem>>, vector<16xi32>,
        %get3A_441 = vector.shape_cast %get3A_440 : vector<16xi32> to vector<16xi32>
        %mul3A_442 = arith.constant 2 : i32
        %mul3A_443 = vector.broadcast %mul3A_442 : i32 to vector<16xi32>
        %mul3A_444 = arith.muli %get3A_441, %mul3A_443 : vector<16xi32>
        %add3A_445 = vector.broadcast %arg0 : i32 to vector<16xi32>
        %add3A_446 = arith.addi %mul3A_444, %add3A_445 : vector<16xi32>
        %swap3A_447 = arith.constant 112 : index
        %swap3A_448 = tpu.vector_load %arg9[%swap3A_447] {strides = array<i32>} : memref<128xi32, #tpu.memory_space<vmem>>, vector<16xi32>,
        %swap3A_449 = vector.shape_cast %swap3A_448 : vector<16xi32> to vector<16xi32>
        %swap3A_450 = vector.shape_cast %add3A_446 : vector<16xi32> to vector<16xi32>
        tpu.vector_store %arg9[%swap3A_447], %swap3A_450 {strides = array<i32>} : memref<128xi32, #tpu.memory_space<vmem>>, vector<16xi32>,
        %add3A_451 = arith.constant 112 : i32
        %add3A_452 = arith.addi %add3A_275, %add3A_451 : i32
        %get3A_453 = arith.index_cast %add3A_452 : i32 to index
        %get3A_454 = tpu.vector_load %arg7[%get3A_453] {strides = array<i32>} : memref<4096xi32, #tpu.memory_space<vmem>>, vector<16xi32>,
        %get3A_455 = vector.shape_cast %get3A_454 : vector<16xi32> to vector<16xi32>
        %swap3A_456 = arith.constant 112 : index
        %swap3A_457 = tpu.vector_load %arg11[%swap3A_456] {strides = array<i32>} : memref<128xi32, #tpu.memory_space<vmem>>, vector<16xi32>,
        %swap3A_458 = vector.shape_cast %swap3A_457 : vector<16xi32> to vector<16xi32>
        %swap3A_459 = vector.shape_cast %get3A_455 : vector<16xi32> to vector<16xi32>
        tpu.vector_store %arg11[%swap3A_456], %swap3A_459 {strides = array<i32>} : memref<128xi32, #tpu.memory_space<vmem>>, vector<16xi32>,
        %dma_start3A_460 = arith.constant 0 : i32
        %dma_start3A_461 = arith.constant 0 : i32
        %dma_start3A_462 = tpu.memref_slice %arg2[%dma_start3A_460, %dma_start3A_461] : memref<20480x128xf32, #tpu.memory_space<hbm>> -> memref<20480x128xf32, #tpu.memory_space<hbm>>
        tpu.enqueue_indirect_dma source(%dma_start3A_462 : memref<20480x128xf32, #tpu.memory_space<hbm>>) target(%arg13 : memref<128x128xf32, #tpu.memory_space<vmem>>) offsets(%arg9 : memref<128xi32, #tpu.memory_space<vmem>>) semaphore(%arg16 : memref<!tpu.dma_semaphore, #tpu.memory_space<semaphore_mem>>)
      } else {
      }
      %eq3A_244 = arith.constant 1 : i32
      %eq3A_245 = arith.cmpi eq, %rem3A_230, %eq3A_244 : i32
      %lt3A_246 = arith.cmpi slt, %add3A_232, %select_n3A : i32
      %and3A_247 = arith.andi %eq3A_245, %lt3A_246 : i1
      %convert_element_type3A_248 = arith.extui %and3A_247 : i1 to i32
      %cond3A_249 = arith.constant 0 : i32
      %cond3A_250 = arith.cmpi ne, %convert_element_type3A_248, %cond3A_249 : i32
      scf.if %cond3A_250 {
        %ge3A_261 = arith.constant 1 : i32
        %ge3A_262 = arith.cmpi sge, %while3A_229, %ge3A_261 : i32
        %convert_element_type3A_263 = arith.extui %ge3A_262 : i1 to i32
        %cond3A_264 = arith.constant 0 : i32
        %cond3A_265 = arith.cmpi ne, %convert_element_type3A_263, %cond3A_264 : i32
        scf.if %cond3A_265 {
          %dma_wait3A_463 = arith.constant 0 : i32
          %dma_wait3A_464 = arith.constant 0 : i32
          %dma_wait3A_465 = tpu.memref_slice %arg14[%dma_wait3A_463, %dma_wait3A_464] : memref<10240x128xf32, #tpu.memory_space<vmem_shared>> -> memref<10240x128xf32, #tpu.memory_space<vmem_shared>>
          tpu.wait_indirect_dma semaphore(%arg17 : memref<!tpu.dma_semaphore, #tpu.memory_space<semaphore_mem>>) src(%arg12 : memref<128x128xf32, #tpu.memory_space<vmem>>) dst(%dma_wait3A_465 : memref<10240x128xf32, #tpu.memory_space<vmem_shared>>)
        } else {
        }
        %sub3A_266 = arith.subi %add3A_232, %rem3A_234 : i32
        %mul3A_267 = arith.constant 128 : i32
        %mul3A_268 = arith.muli %sub3A_266, %mul3A_267 : i32
        %add3A_269 = arith.addi %mul3A_17, %mul3A_268 : i32
        %min3A_270 = arith.constant 315904 : i32
        %min3A_271 = arith.minsi %add3A_269, %min3A_270 : i32
        %sub3A_272 = arith.subi %add3A_269, %min3A_271 : i32
        %mul3A_273 = arith.constant 128 : i32
        %mul3A_274 = arith.muli %rem3A_234, %mul3A_273 : i32
        %add3A_275 = arith.addi %mul3A_274, %sub3A_272 : i32
        %add3A_276 = arith.constant 0 : i32
        %add3A_277 = arith.addi %add3A_275, %add3A_276 : i32
        %get3A_278 = arith.index_cast %add3A_277 : i32 to index
        %get3A_279 = tpu.vector_load %arg6[%get3A_278] {strides = array<i32>} : memref<4096xi32, #tpu.memory_space<vmem>>, vector<16xi32>,
        %get3A_280 = vector.shape_cast %get3A_279 : vector<16xi32> to vector<16xi32>
        %mul3A_281 = arith.constant 2 : i32
        %mul3A_282 = vector.broadcast %mul3A_281 : i32 to vector<16xi32>
        %mul3A_283 = arith.muli %get3A_280, %mul3A_282 : vector<16xi32>
        %add3A_284 = vector.broadcast %arg0 : i32 to vector<16xi32>
        %add3A_285 = arith.addi %mul3A_283, %add3A_284 : vector<16xi32>
        %swap3A_286 = arith.constant 0 : index
        %swap3A_287 = tpu.vector_load %arg8[%swap3A_286] {strides = array<i32>} : memref<128xi32, #tpu.memory_space<vmem>>, vector<16xi32>,
        %swap3A_288 = vector.shape_cast %swap3A_287 : vector<16xi32> to vector<16xi32>
        %swap3A_289 = vector.shape_cast %add3A_285 : vector<16xi32> to vector<16xi32>
        tpu.vector_store %arg8[%swap3A_286], %swap3A_289 {strides = array<i32>} : memref<128xi32, #tpu.memory_space<vmem>>, vector<16xi32>,
        %add3A_290 = arith.constant 0 : i32
        %add3A_291 = arith.addi %add3A_275, %add3A_290 : i32
        %get3A_292 = arith.index_cast %add3A_291 : i32 to index
        %get3A_293 = tpu.vector_load %arg7[%get3A_292] {strides = array<i32>} : memref<4096xi32, #tpu.memory_space<vmem>>, vector<16xi32>,
        %get3A_294 = vector.shape_cast %get3A_293 : vector<16xi32> to vector<16xi32>
        %swap3A_295 = arith.constant 0 : index
        %swap3A_296 = tpu.vector_load %arg10[%swap3A_295] {strides = array<i32>} : memref<128xi32, #tpu.memory_space<vmem>>, vector<16xi32>,
        %swap3A_297 = vector.shape_cast %swap3A_296 : vector<16xi32> to vector<16xi32>
        %swap3A_298 = vector.shape_cast %get3A_294 : vector<16xi32> to vector<16xi32>
        tpu.vector_store %arg10[%swap3A_295], %swap3A_298 {strides = array<i32>} : memref<128xi32, #tpu.memory_space<vmem>>, vector<16xi32>,
        %add3A_299 = arith.constant 16 : i32
        %add3A_300 = arith.addi %add3A_275, %add3A_299 : i32
        %get3A_301 = arith.index_cast %add3A_300 : i32 to index
        %get3A_302 = tpu.vector_load %arg6[%get3A_301] {strides = array<i32>} : memref<4096xi32, #tpu.memory_space<vmem>>, vector<16xi32>,
        %get3A_303 = vector.shape_cast %get3A_302 : vector<16xi32> to vector<16xi32>
        %mul3A_304 = arith.constant 2 : i32
        %mul3A_305 = vector.broadcast %mul3A_304 : i32 to vector<16xi32>
        %mul3A_306 = arith.muli %get3A_303, %mul3A_305 : vector<16xi32>
        %add3A_307 = vector.broadcast %arg0 : i32 to vector<16xi32>
        %add3A_308 = arith.addi %mul3A_306, %add3A_307 : vector<16xi32>
        %swap3A_309 = arith.constant 16 : index
        %swap3A_310 = tpu.vector_load %arg8[%swap3A_309] {strides = array<i32>} : memref<128xi32, #tpu.memory_space<vmem>>, vector<16xi32>,
        %swap3A_311 = vector.shape_cast %swap3A_310 : vector<16xi32> to vector<16xi32>
        %swap3A_312 = vector.shape_cast %add3A_308 : vector<16xi32> to vector<16xi32>
        tpu.vector_store %arg8[%swap3A_309], %swap3A_312 {strides = array<i32>} : memref<128xi32, #tpu.memory_space<vmem>>, vector<16xi32>,
        %add3A_313 = arith.constant 16 : i32
        %add3A_314 = arith.addi %add3A_275, %add3A_313 : i32
        %get3A_315 = arith.index_cast %add3A_314 : i32 to index
        %get3A_316 = tpu.vector_load %arg7[%get3A_315] {strides = array<i32>} : memref<4096xi32, #tpu.memory_space<vmem>>, vector<16xi32>,
        %get3A_317 = vector.shape_cast %get3A_316 : vector<16xi32> to vector<16xi32>
        %swap3A_318 = arith.constant 16 : index
        %swap3A_319 = tpu.vector_load %arg10[%swap3A_318] {strides = array<i32>} : memref<128xi32, #tpu.memory_space<vmem>>, vector<16xi32>,
        %swap3A_320 = vector.shape_cast %swap3A_319 : vector<16xi32> to vector<16xi32>
        %swap3A_321 = vector.shape_cast %get3A_317 : vector<16xi32> to vector<16xi32>
        tpu.vector_store %arg10[%swap3A_318], %swap3A_321 {strides = array<i32>} : memref<128xi32, #tpu.memory_space<vmem>>, vector<16xi32>,
        %add3A_322 = arith.constant 32 : i32
        %add3A_323 = arith.addi %add3A_275, %add3A_322 : i32
        %get3A_324 = arith.index_cast %add3A_323 : i32 to index
        %get3A_325 = tpu.vector_load %arg6[%get3A_324] {strides = array<i32>} : memref<4096xi32, #tpu.memory_space<vmem>>, vector<16xi32>,
        %get3A_326 = vector.shape_cast %get3A_325 : vector<16xi32> to vector<16xi32>
        %mul3A_327 = arith.constant 2 : i32
        %mul3A_328 = vector.broadcast %mul3A_327 : i32 to vector<16xi32>
        %mul3A_329 = arith.muli %get3A_326, %mul3A_328 : vector<16xi32>
        %add3A_330 = vector.broadcast %arg0 : i32 to vector<16xi32>
        %add3A_331 = arith.addi %mul3A_329, %add3A_330 : vector<16xi32>
        %swap3A_332 = arith.constant 32 : index
        %swap3A_333 = tpu.vector_load %arg8[%swap3A_332] {strides = array<i32>} : memref<128xi32, #tpu.memory_space<vmem>>, vector<16xi32>,
        %swap3A_334 = vector.shape_cast %swap3A_333 : vector<16xi32> to vector<16xi32>
        %swap3A_335 = vector.shape_cast %add3A_331 : vector<16xi32> to vector<16xi32>
        tpu.vector_store %arg8[%swap3A_332], %swap3A_335 {strides = array<i32>} : memref<128xi32, #tpu.memory_space<vmem>>, vector<16xi32>,
        %add3A_336 = arith.constant 32 : i32
        %add3A_337 = arith.addi %add3A_275, %add3A_336 : i32
        %get3A_338 = arith.index_cast %add3A_337 : i32 to index
        %get3A_339 = tpu.vector_load %arg7[%get3A_338] {strides = array<i32>} : memref<4096xi32, #tpu.memory_space<vmem>>, vector<16xi32>,
        %get3A_340 = vector.shape_cast %get3A_339 : vector<16xi32> to vector<16xi32>
        %swap3A_341 = arith.constant 32 : index
        %swap3A_342 = tpu.vector_load %arg10[%swap3A_341] {strides = array<i32>} : memref<128xi32, #tpu.memory_space<vmem>>, vector<16xi32>,
        %swap3A_343 = vector.shape_cast %swap3A_342 : vector<16xi32> to vector<16xi32>
        %swap3A_344 = vector.shape_cast %get3A_340 : vector<16xi32> to vector<16xi32>
        tpu.vector_store %arg10[%swap3A_341], %swap3A_344 {strides = array<i32>} : memref<128xi32, #tpu.memory_space<vmem>>, vector<16xi32>,
        %add3A_345 = arith.constant 48 : i32
        %add3A_346 = arith.addi %add3A_275, %add3A_345 : i32
        %get3A_347 = arith.index_cast %add3A_346 : i32 to index
        %get3A_348 = tpu.vector_load %arg6[%get3A_347] {strides = array<i32>} : memref<4096xi32, #tpu.memory_space<vmem>>, vector<16xi32>,
        %get3A_349 = vector.shape_cast %get3A_348 : vector<16xi32> to vector<16xi32>
        %mul3A_350 = arith.constant 2 : i32
        %mul3A_351 = vector.broadcast %mul3A_350 : i32 to vector<16xi32>
        %mul3A_352 = arith.muli %get3A_349, %mul3A_351 : vector<16xi32>
        %add3A_353 = vector.broadcast %arg0 : i32 to vector<16xi32>
        %add3A_354 = arith.addi %mul3A_352, %add3A_353 : vector<16xi32>
        %swap3A_355 = arith.constant 48 : index
        %swap3A_356 = tpu.vector_load %arg8[%swap3A_355] {strides = array<i32>} : memref<128xi32, #tpu.memory_space<vmem>>, vector<16xi32>,
        %swap3A_357 = vector.shape_cast %swap3A_356 : vector<16xi32> to vector<16xi32>
        %swap3A_358 = vector.shape_cast %add3A_354 : vector<16xi32> to vector<16xi32>
        tpu.vector_store %arg8[%swap3A_355], %swap3A_358 {strides = array<i32>} : memref<128xi32, #tpu.memory_space<vmem>>, vector<16xi32>,
        %add3A_359 = arith.constant 48 : i32
        %add3A_360 = arith.addi %add3A_275, %add3A_359 : i32
        %get3A_361 = arith.index_cast %add3A_360 : i32 to index
        %get3A_362 = tpu.vector_load %arg7[%get3A_361] {strides = array<i32>} : memref<4096xi32, #tpu.memory_space<vmem>>, vector<16xi32>,
        %get3A_363 = vector.shape_cast %get3A_362 : vector<16xi32> to vector<16xi32>
        %swap3A_364 = arith.constant 48 : index
        %swap3A_365 = tpu.vector_load %arg10[%swap3A_364] {strides = array<i32>} : memref<128xi32, #tpu.memory_space<vmem>>, vector<16xi32>,
        %swap3A_366 = vector.shape_cast %swap3A_365 : vector<16xi32> to vector<16xi32>
        %swap3A_367 = vector.shape_cast %get3A_363 : vector<16xi32> to vector<16xi32>
        tpu.vector_store %arg10[%swap3A_364], %swap3A_367 {strides = array<i32>} : memref<128xi32, #tpu.memory_space<vmem>>, vector<16xi32>,
        %add3A_368 = arith.constant 64 : i32
        %add3A_369 = arith.addi %add3A_275, %add3A_368 : i32
        %get3A_370 = arith.index_cast %add3A_369 : i32 to index
        %get3A_371 = tpu.vector_load %arg6[%get3A_370] {strides = array<i32>} : memref<4096xi32, #tpu.memory_space<vmem>>, vector<16xi32>,
        %get3A_372 = vector.shape_cast %get3A_371 : vector<16xi32> to vector<16xi32>
        %mul3A_373 = arith.constant 2 : i32
        %mul3A_374 = vector.broadcast %mul3A_373 : i32 to vector<16xi32>
        %mul3A_375 = arith.muli %get3A_372, %mul3A_374 : vector<16xi32>
        %add3A_376 = vector.broadcast %arg0 : i32 to vector<16xi32>
        %add3A_377 = arith.addi %mul3A_375, %add3A_376 : vector<16xi32>
        %swap3A_378 = arith.constant 64 : index
        %swap3A_379 = tpu.vector_load %arg8[%swap3A_378] {strides = array<i32>} : memref<128xi32, #tpu.memory_space<vmem>>, vector<16xi32>,
        %swap3A_380 = vector.shape_cast %swap3A_379 : vector<16xi32> to vector<16xi32>
        %swap3A_381 = vector.shape_cast %add3A_377 : vector<16xi32> to vector<16xi32>
        tpu.vector_store %arg8[%swap3A_378], %swap3A_381 {strides = array<i32>} : memref<128xi32, #tpu.memory_space<vmem>>, vector<16xi32>,
        %add3A_382 = arith.constant 64 : i32
        %add3A_383 = arith.addi %add3A_275, %add3A_382 : i32
        %get3A_384 = arith.index_cast %add3A_383 : i32 to index
        %get3A_385 = tpu.vector_load %arg7[%get3A_384] {strides = array<i32>} : memref<4096xi32, #tpu.memory_space<vmem>>, vector<16xi32>,
        %get3A_386 = vector.shape_cast %get3A_385 : vector<16xi32> to vector<16xi32>
        %swap3A_387 = arith.constant 64 : index
        %swap3A_388 = tpu.vector_load %arg10[%swap3A_387] {strides = array<i32>} : memref<128xi32, #tpu.memory_space<vmem>>, vector<16xi32>,
        %swap3A_389 = vector.shape_cast %swap3A_388 : vector<16xi32> to vector<16xi32>
        %swap3A_390 = vector.shape_cast %get3A_386 : vector<16xi32> to vector<16xi32>
        tpu.vector_store %arg10[%swap3A_387], %swap3A_390 {strides = array<i32>} : memref<128xi32, #tpu.memory_space<vmem>>, vector<16xi32>,
        %add3A_391 = arith.constant 80 : i32
        %add3A_392 = arith.addi %add3A_275, %add3A_391 : i32
        %get3A_393 = arith.index_cast %add3A_392 : i32 to index
        %get3A_394 = tpu.vector_load %arg6[%get3A_393] {strides = array<i32>} : memref<4096xi32, #tpu.memory_space<vmem>>, vector<16xi32>,
        %get3A_395 = vector.shape_cast %get3A_394 : vector<16xi32> to vector<16xi32>
        %mul3A_396 = arith.constant 2 : i32
        %mul3A_397 = vector.broadcast %mul3A_396 : i32 to vector<16xi32>
        %mul3A_398 = arith.muli %get3A_395, %mul3A_397 : vector<16xi32>
        %add3A_399 = vector.broadcast %arg0 : i32 to vector<16xi32>
        %add3A_400 = arith.addi %mul3A_398, %add3A_399 : vector<16xi32>
        %swap3A_401 = arith.constant 80 : index
        %swap3A_402 = tpu.vector_load %arg8[%swap3A_401] {strides = array<i32>} : memref<128xi32, #tpu.memory_space<vmem>>, vector<16xi32>,
        %swap3A_403 = vector.shape_cast %swap3A_402 : vector<16xi32> to vector<16xi32>
        %swap3A_404 = vector.shape_cast %add3A_400 : vector<16xi32> to vector<16xi32>
        tpu.vector_store %arg8[%swap3A_401], %swap3A_404 {strides = array<i32>} : memref<128xi32, #tpu.memory_space<vmem>>, vector<16xi32>,
        %add3A_405 = arith.constant 80 : i32
        %add3A_406 = arith.addi %add3A_275, %add3A_405 : i32
        %get3A_407 = arith.index_cast %add3A_406 : i32 to index
        %get3A_408 = tpu.vector_load %arg7[%get3A_407] {strides = array<i32>} : memref<4096xi32, #tpu.memory_space<vmem>>, vector<16xi32>,
        %get3A_409 = vector.shape_cast %get3A_408 : vector<16xi32> to vector<16xi32>
        %swap3A_410 = arith.constant 80 : index
        %swap3A_411 = tpu.vector_load %arg10[%swap3A_410] {strides = array<i32>} : memref<128xi32, #tpu.memory_space<vmem>>, vector<16xi32>,
        %swap3A_412 = vector.shape_cast %swap3A_411 : vector<16xi32> to vector<16xi32>
        %swap3A_413 = vector.shape_cast %get3A_409 : vector<16xi32> to vector<16xi32>
        tpu.vector_store %arg10[%swap3A_410], %swap3A_413 {strides = array<i32>} : memref<128xi32, #tpu.memory_space<vmem>>, vector<16xi32>,
        %add3A_414 = arith.constant 96 : i32
        %add3A_415 = arith.addi %add3A_275, %add3A_414 : i32
        %get3A_416 = arith.index_cast %add3A_415 : i32 to index
        %get3A_417 = tpu.vector_load %arg6[%get3A_416] {strides = array<i32>} : memref<4096xi32, #tpu.memory_space<vmem>>, vector<16xi32>,
        %get3A_418 = vector.shape_cast %get3A_417 : vector<16xi32> to vector<16xi32>
        %mul3A_419 = arith.constant 2 : i32
        %mul3A_420 = vector.broadcast %mul3A_419 : i32 to vector<16xi32>
        %mul3A_421 = arith.muli %get3A_418, %mul3A_420 : vector<16xi32>
        %add3A_422 = vector.broadcast %arg0 : i32 to vector<16xi32>
        %add3A_423 = arith.addi %mul3A_421, %add3A_422 : vector<16xi32>
        %swap3A_424 = arith.constant 96 : index
        %swap3A_425 = tpu.vector_load %arg8[%swap3A_424] {strides = array<i32>} : memref<128xi32, #tpu.memory_space<vmem>>, vector<16xi32>,
        %swap3A_426 = vector.shape_cast %swap3A_425 : vector<16xi32> to vector<16xi32>
        %swap3A_427 = vector.shape_cast %add3A_423 : vector<16xi32> to vector<16xi32>
        tpu.vector_store %arg8[%swap3A_424], %swap3A_427 {strides = array<i32>} : memref<128xi32, #tpu.memory_space<vmem>>, vector<16xi32>,
        %add3A_428 = arith.constant 96 : i32
        %add3A_429 = arith.addi %add3A_275, %add3A_428 : i32
        %get3A_430 = arith.index_cast %add3A_429 : i32 to index
        %get3A_431 = tpu.vector_load %arg7[%get3A_430] {strides = array<i32>} : memref<4096xi32, #tpu.memory_space<vmem>>, vector<16xi32>,
        %get3A_432 = vector.shape_cast %get3A_431 : vector<16xi32> to vector<16xi32>
        %swap3A_433 = arith.constant 96 : index
        %swap3A_434 = tpu.vector_load %arg10[%swap3A_433] {strides = array<i32>} : memref<128xi32, #tpu.memory_space<vmem>>, vector<16xi32>,
        %swap3A_435 = vector.shape_cast %swap3A_434 : vector<16xi32> to vector<16xi32>
        %swap3A_436 = vector.shape_cast %get3A_432 : vector<16xi32> to vector<16xi32>
        tpu.vector_store %arg10[%swap3A_433], %swap3A_436 {strides = array<i32>} : memref<128xi32, #tpu.memory_space<vmem>>, vector<16xi32>,
        %add3A_437 = arith.constant 112 : i32
        %add3A_438 = arith.addi %add3A_275, %add3A_437 : i32
        %get3A_439 = arith.index_cast %add3A_438 : i32 to index
        %get3A_440 = tpu.vector_load %arg6[%get3A_439] {strides = array<i32>} : memref<4096xi32, #tpu.memory_space<vmem>>, vector<16xi32>,
        %get3A_441 = vector.shape_cast %get3A_440 : vector<16xi32> to vector<16xi32>
        %mul3A_442 = arith.constant 2 : i32
        %mul3A_443 = vector.broadcast %mul3A_442 : i32 to vector<16xi32>
        %mul3A_444 = arith.muli %get3A_441, %mul3A_443 : vector<16xi32>
        %add3A_445 = vector.broadcast %arg0 : i32 to vector<16xi32>
        %add3A_446 = arith.addi %mul3A_444, %add3A_445 : vector<16xi32>
        %swap3A_447 = arith.constant 112 : index
        %swap3A_448 = tpu.vector_load %arg8[%swap3A_447] {strides = array<i32>} : memref<128xi32, #tpu.memory_space<vmem>>, vector<16xi32>,
        %swap3A_449 = vector.shape_cast %swap3A_448 : vector<16xi32> to vector<16xi32>
        %swap3A_450 = vector.shape_cast %add3A_446 : vector<16xi32> to vector<16xi32>
        tpu.vector_store %arg8[%swap3A_447], %swap3A_450 {strides = array<i32>} : memref<128xi32, #tpu.memory_space<vmem>>, vector<16xi32>,
        %add3A_451 = arith.constant 112 : i32
        %add3A_452 = arith.addi %add3A_275, %add3A_451 : i32
        %get3A_453 = arith.index_cast %add3A_452 : i32 to index
        %get3A_454 = tpu.vector_load %arg7[%get3A_453] {strides = array<i32>} : memref<4096xi32, #tpu.memory_space<vmem>>, vector<16xi32>,
        %get3A_455 = vector.shape_cast %get3A_454 : vector<16xi32> to vector<16xi32>
        %swap3A_456 = arith.constant 112 : index
        %swap3A_457 = tpu.vector_load %arg10[%swap3A_456] {strides = array<i32>} : memref<128xi32, #tpu.memory_space<vmem>>, vector<16xi32>,
        %swap3A_458 = vector.shape_cast %swap3A_457 : vector<16xi32> to vector<16xi32>
        %swap3A_459 = vector.shape_cast %get3A_455 : vector<16xi32> to vector<16xi32>
        tpu.vector_store %arg10[%swap3A_456], %swap3A_459 {strides = array<i32>} : memref<128xi32, #tpu.memory_space<vmem>>, vector<16xi32>,
        %dma_start3A_460 = arith.constant 0 : i32
        %dma_start3A_461 = arith.constant 0 : i32
        %dma_start3A_462 = tpu.memref_slice %arg2[%dma_start3A_460, %dma_start3A_461] : memref<20480x128xf32, #tpu.memory_space<hbm>> -> memref<20480x128xf32, #tpu.memory_space<hbm>>
        tpu.enqueue_indirect_dma source(%dma_start3A_462 : memref<20480x128xf32, #tpu.memory_space<hbm>>) target(%arg12 : memref<128x128xf32, #tpu.memory_space<vmem>>) offsets(%arg8 : memref<128xi32, #tpu.memory_space<vmem>>) semaphore(%arg15 : memref<!tpu.dma_semaphore, #tpu.memory_space<semaphore_mem>>)
      } else {
      }
      %eq3A_251 = arith.constant 0 : i32
      %eq3A_252 = arith.cmpi eq, %rem3A_230, %eq3A_251 : i32
      %convert_element_type3A_253 = arith.extui %eq3A_252 : i1 to i32
      %cond3A_254 = arith.constant 0 : i32
      %cond3A_255 = arith.cmpi ne, %convert_element_type3A_253, %cond3A_254 : i32
      scf.if %cond3A_255 {
        %dma_wait3A_261 = arith.constant 0 : i32
        %dma_wait3A_262 = arith.constant 0 : i32
        %dma_wait3A_263 = tpu.memref_slice %arg2[%dma_wait3A_261, %dma_wait3A_262] : memref<20480x128xf32, #tpu.memory_space<hbm>> -> memref<20480x128xf32, #tpu.memory_space<hbm>>
        tpu.wait_indirect_dma semaphore(%arg15 : memref<!tpu.dma_semaphore, #tpu.memory_space<semaphore_mem>>) src(%dma_wait3A_263 : memref<20480x128xf32, #tpu.memory_space<hbm>>) dst(%arg12 : memref<128x128xf32, #tpu.memory_space<vmem>>)
        %dma_start3A_264 = arith.constant 0 : i32
        %dma_start3A_265 = arith.constant 0 : i32
        %dma_start3A_266 = tpu.memref_slice %arg14[%dma_start3A_264, %dma_start3A_265] : memref<10240x128xf32, #tpu.memory_space<vmem_shared>> -> memref<10240x128xf32, #tpu.memory_space<vmem_shared>>
        tpu.enqueue_indirect_dma source(%arg12 : memref<128x128xf32, #tpu.memory_space<vmem>>) target(%dma_start3A_266 : memref<10240x128xf32, #tpu.memory_space<vmem_shared>>) offsets(%arg10 : memref<128xi32, #tpu.memory_space<vmem>>) semaphore(%arg17 : memref<!tpu.dma_semaphore, #tpu.memory_space<semaphore_mem>>) {add = true}
      } else {
      }
      %eq3A_256 = arith.constant 1 : i32
      %eq3A_257 = arith.cmpi eq, %rem3A_230, %eq3A_256 : i32
      %convert_element_type3A_258 = arith.extui %eq3A_257 : i1 to i32
      %cond3A_259 = arith.constant 0 : i32
      %cond3A_260 = arith.cmpi ne, %convert_element_type3A_258, %cond3A_259 : i32
      scf.if %cond3A_260 {
        %dma_wait3A_261 = arith.constant 0 : i32
        %dma_wait3A_262 = arith.constant 0 : i32
        %dma_wait3A_263 = tpu.memref_slice %arg2[%dma_wait3A_261, %dma_wait3A_262] : memref<20480x128xf32, #tpu.memory_space<hbm>> -> memref<20480x128xf32, #tpu.memory_space<hbm>>
        tpu.wait_indirect_dma semaphore(%arg16 : memref<!tpu.dma_semaphore, #tpu.memory_space<semaphore_mem>>) src(%dma_wait3A_263 : memref<20480x128xf32, #tpu.memory_space<hbm>>) dst(%arg13 : memref<128x128xf32, #tpu.memory_space<vmem>>)
        %dma_start3A_264 = arith.constant 0 : i32
        %dma_start3A_265 = arith.constant 0 : i32
        %dma_start3A_266 = tpu.memref_slice %arg14[%dma_start3A_264, %dma_start3A_265] : memref<10240x128xf32, #tpu.memory_space<vmem_shared>> -> memref<10240x128xf32, #tpu.memory_space<vmem_shared>>
        tpu.enqueue_indirect_dma source(%arg13 : memref<128x128xf32, #tpu.memory_space<vmem>>) target(%dma_start3A_266 : memref<10240x128xf32, #tpu.memory_space<vmem_shared>>) offsets(%arg11 : memref<128xi32, #tpu.memory_space<vmem>>) semaphore(%arg18 : memref<!tpu.dma_semaphore, #tpu.memory_space<semaphore_mem>>) {add = true}
      } else {
      }
    }
    %while3A_219 = arith.constant 1 : i32
    scf.for %while3A_229 = %while3A_217 to %while3A_213 step %while3A_219  : i32 {
      %rem3A = arith.constant 2 : i32
      %rem3A_230 = arith.remsi %while3A_229, %rem3A : i32
      %add3A_231 = arith.constant 1 : i32
      %add3A_232 = arith.addi %while3A_229, %add3A_231 : i32
      %rem3A_233 = arith.constant 32 : i32
      %rem3A_234 = arith.remsi %add3A_232, %rem3A_233 : i32
      %eq3A = arith.constant 0 : i32
      %eq3A_235 = arith.cmpi eq, %rem3A_234, %eq3A : i32
      %lt3A = arith.cmpi slt, %add3A_232, %select_n3A : i32
      %and3A = arith.andi %eq3A_235, %lt3A : i1
      %convert_element_type3A = arith.extui %and3A : i1 to i32
      %cond3A = arith.constant 0 : i32
      %cond3A_236 = arith.cmpi ne, %convert_element_type3A, %cond3A : i32
      scf.if %cond3A_236 {
        %mul3A_261 = arith.constant 128 : i32
        %mul3A_262 = arith.muli %add3A_232, %mul3A_261 : i32
        %add3A_263 = arith.addi %mul3A_17, %mul3A_262 : i32
        %min3A_264 = arith.constant 315904 : i32
        %min3A_265 = arith.minsi %add3A_263, %min3A_264 : i32
        "tpu.region"() ({
          %run_scoped3A = tpu.sem_alloc : memref<!tpu.dma_semaphore, #tpu.memory_space<semaphore_mem>>
          %dma_start3A_266 = tpu.memref_slice %arg3[%min3A_265] : memref<320000xi32, #tpu.memory_space<hbm>> -> memref<4096xi32, #tpu.memory_space<hbm>>
          %dma_start3A_267 = tpu.memref_slice %arg3[%min3A_265] : memref<320000xi32, #tpu.memory_space<hbm>> -> memref<4096xi32, #tpu.memory_space<hbm>>
          tpu.enqueue_dma source(%dma_start3A_267 : memref<4096xi32, #tpu.memory_space<hbm>>) target(%arg6 : memref<4096xi32, #tpu.memory_space<vmem>>) target_semaphore(%run_scoped3A : memref<!tpu.dma_semaphore, #tpu.memory_space<semaphore_mem>>)
          %dma_wait3A_268 = tpu.memref_slice %arg3[%min3A_265] : memref<320000xi32, #tpu.memory_space<hbm>> -> memref<4096xi32, #tpu.memory_space<hbm>>
          %dma_wait3A_269 = tpu.memref_slice %arg3[%min3A_265] : memref<320000xi32, #tpu.memory_space<hbm>> -> memref<4096xi32, #tpu.memory_space<hbm>>
          tpu.wait_dma2 semaphore(%run_scoped3A : memref<!tpu.dma_semaphore, #tpu.memory_space<semaphore_mem>>) src(%dma_wait3A_269 : memref<4096xi32, #tpu.memory_space<hbm>>) dst(%arg6 : memref<4096xi32, #tpu.memory_space<vmem>>)
          tpu.yield
        }) : () -> ()
        "tpu.region"() ({
          %run_scoped3A = tpu.sem_alloc : memref<!tpu.dma_semaphore, #tpu.memory_space<semaphore_mem>>
          %dma_start3A_266 = tpu.memref_slice %arg4[%min3A_265] : memref<320000xi32, #tpu.memory_space<hbm>> -> memref<4096xi32, #tpu.memory_space<hbm>>
          %dma_start3A_267 = tpu.memref_slice %arg4[%min3A_265] : memref<320000xi32, #tpu.memory_space<hbm>> -> memref<4096xi32, #tpu.memory_space<hbm>>
          tpu.enqueue_dma source(%dma_start3A_267 : memref<4096xi32, #tpu.memory_space<hbm>>) target(%arg7 : memref<4096xi32, #tpu.memory_space<vmem>>) target_semaphore(%run_scoped3A : memref<!tpu.dma_semaphore, #tpu.memory_space<semaphore_mem>>)
          %dma_wait3A_268 = tpu.memref_slice %arg4[%min3A_265] : memref<320000xi32, #tpu.memory_space<hbm>> -> memref<4096xi32, #tpu.memory_space<hbm>>
          %dma_wait3A_269 = tpu.memref_slice %arg4[%min3A_265] : memref<320000xi32, #tpu.memory_space<hbm>> -> memref<4096xi32, #tpu.memory_space<hbm>>
          tpu.wait_dma2 semaphore(%run_scoped3A : memref<!tpu.dma_semaphore, #tpu.memory_space<semaphore_mem>>) src(%dma_wait3A_269 : memref<4096xi32, #tpu.memory_space<hbm>>) dst(%arg7 : memref<4096xi32, #tpu.memory_space<vmem>>)
          tpu.yield
        }) : () -> ()
      } else {
      }
      %eq3A_237 = arith.constant 0 : i32
      %eq3A_238 = arith.cmpi eq, %rem3A_230, %eq3A_237 : i32
      %lt3A_239 = arith.cmpi slt, %add3A_232, %select_n3A : i32
      %and3A_240 = arith.andi %eq3A_238, %lt3A_239 : i1
      %convert_element_type3A_241 = arith.extui %and3A_240 : i1 to i32
      %cond3A_242 = arith.constant 0 : i32
      %cond3A_243 = arith.cmpi ne, %convert_element_type3A_241, %cond3A_242 : i32
      scf.if %cond3A_243 {
        %ge3A_261 = arith.constant 1 : i32
        %ge3A_262 = arith.cmpi sge, %while3A_229, %ge3A_261 : i32
        %convert_element_type3A_263 = arith.extui %ge3A_262 : i1 to i32
        %cond3A_264 = arith.constant 0 : i32
        %cond3A_265 = arith.cmpi ne, %convert_element_type3A_263, %cond3A_264 : i32
        scf.if %cond3A_265 {
          %dma_wait3A_463 = arith.constant 0 : i32
          %dma_wait3A_464 = arith.constant 0 : i32
          %dma_wait3A_465 = tpu.memref_slice %arg14[%dma_wait3A_463, %dma_wait3A_464] : memref<10240x128xf32, #tpu.memory_space<vmem_shared>> -> memref<10240x128xf32, #tpu.memory_space<vmem_shared>>
          tpu.wait_indirect_dma semaphore(%arg18 : memref<!tpu.dma_semaphore, #tpu.memory_space<semaphore_mem>>) src(%arg13 : memref<128x128xf32, #tpu.memory_space<vmem>>) dst(%dma_wait3A_465 : memref<10240x128xf32, #tpu.memory_space<vmem_shared>>)
        } else {
        }
        %sub3A_266 = arith.subi %add3A_232, %rem3A_234 : i32
        %mul3A_267 = arith.constant 128 : i32
        %mul3A_268 = arith.muli %sub3A_266, %mul3A_267 : i32
        %add3A_269 = arith.addi %mul3A_17, %mul3A_268 : i32
        %min3A_270 = arith.constant 315904 : i32
        %min3A_271 = arith.minsi %add3A_269, %min3A_270 : i32
        %sub3A_272 = arith.subi %add3A_269, %min3A_271 : i32
        %mul3A_273 = arith.constant 128 : i32
        %mul3A_274 = arith.muli %rem3A_234, %mul3A_273 : i32
        %add3A_275 = arith.addi %mul3A_274, %sub3A_272 : i32
        %add3A_276 = arith.constant 0 : i32
        %add3A_277 = arith.addi %add3A_275, %add3A_276 : i32
        %get3A_278 = arith.index_cast %add3A_277 : i32 to index
        %get3A_279 = tpu.vector_load %arg6[%get3A_278] {strides = array<i32>} : memref<4096xi32, #tpu.memory_space<vmem>>, vector<16xi32>,
        %get3A_280 = vector.shape_cast %get3A_279 : vector<16xi32> to vector<16xi32>
        %mul3A_281 = arith.constant 2 : i32
        %mul3A_282 = vector.broadcast %mul3A_281 : i32 to vector<16xi32>
        %mul3A_283 = arith.muli %get3A_280, %mul3A_282 : vector<16xi32>
        %add3A_284 = vector.broadcast %arg0 : i32 to vector<16xi32>
        %add3A_285 = arith.addi %mul3A_283, %add3A_284 : vector<16xi32>
        %swap3A_286 = arith.constant 0 : index
        %swap3A_287 = tpu.vector_load %arg9[%swap3A_286] {strides = array<i32>} : memref<128xi32, #tpu.memory_space<vmem>>, vector<16xi32>,
        %swap3A_288 = vector.shape_cast %swap3A_287 : vector<16xi32> to vector<16xi32>
        %swap3A_289 = vector.shape_cast %add3A_285 : vector<16xi32> to vector<16xi32>
        tpu.vector_store %arg9[%swap3A_286], %swap3A_289 {strides = array<i32>} : memref<128xi32, #tpu.memory_space<vmem>>, vector<16xi32>,
        %add3A_290 = arith.constant 0 : i32
        %add3A_291 = arith.addi %add3A_275, %add3A_290 : i32
        %get3A_292 = arith.index_cast %add3A_291 : i32 to index
        %get3A_293 = tpu.vector_load %arg7[%get3A_292] {strides = array<i32>} : memref<4096xi32, #tpu.memory_space<vmem>>, vector<16xi32>,
        %get3A_294 = vector.shape_cast %get3A_293 : vector<16xi32> to vector<16xi32>
        %swap3A_295 = arith.constant 0 : index
        %swap3A_296 = tpu.vector_load %arg11[%swap3A_295] {strides = array<i32>} : memref<128xi32, #tpu.memory_space<vmem>>, vector<16xi32>,
        %swap3A_297 = vector.shape_cast %swap3A_296 : vector<16xi32> to vector<16xi32>
        %swap3A_298 = vector.shape_cast %get3A_294 : vector<16xi32> to vector<16xi32>
        tpu.vector_store %arg11[%swap3A_295], %swap3A_298 {strides = array<i32>} : memref<128xi32, #tpu.memory_space<vmem>>, vector<16xi32>,
        %add3A_299 = arith.constant 16 : i32
        %add3A_300 = arith.addi %add3A_275, %add3A_299 : i32
        %get3A_301 = arith.index_cast %add3A_300 : i32 to index
        %get3A_302 = tpu.vector_load %arg6[%get3A_301] {strides = array<i32>} : memref<4096xi32, #tpu.memory_space<vmem>>, vector<16xi32>,
        %get3A_303 = vector.shape_cast %get3A_302 : vector<16xi32> to vector<16xi32>
        %mul3A_304 = arith.constant 2 : i32
        %mul3A_305 = vector.broadcast %mul3A_304 : i32 to vector<16xi32>
        %mul3A_306 = arith.muli %get3A_303, %mul3A_305 : vector<16xi32>
        %add3A_307 = vector.broadcast %arg0 : i32 to vector<16xi32>
        %add3A_308 = arith.addi %mul3A_306, %add3A_307 : vector<16xi32>
        %swap3A_309 = arith.constant 16 : index
        %swap3A_310 = tpu.vector_load %arg9[%swap3A_309] {strides = array<i32>} : memref<128xi32, #tpu.memory_space<vmem>>, vector<16xi32>,
        %swap3A_311 = vector.shape_cast %swap3A_310 : vector<16xi32> to vector<16xi32>
        %swap3A_312 = vector.shape_cast %add3A_308 : vector<16xi32> to vector<16xi32>
        tpu.vector_store %arg9[%swap3A_309], %swap3A_312 {strides = array<i32>} : memref<128xi32, #tpu.memory_space<vmem>>, vector<16xi32>,
        %add3A_313 = arith.constant 16 : i32
        %add3A_314 = arith.addi %add3A_275, %add3A_313 : i32
        %get3A_315 = arith.index_cast %add3A_314 : i32 to index
        %get3A_316 = tpu.vector_load %arg7[%get3A_315] {strides = array<i32>} : memref<4096xi32, #tpu.memory_space<vmem>>, vector<16xi32>,
        %get3A_317 = vector.shape_cast %get3A_316 : vector<16xi32> to vector<16xi32>
        %swap3A_318 = arith.constant 16 : index
        %swap3A_319 = tpu.vector_load %arg11[%swap3A_318] {strides = array<i32>} : memref<128xi32, #tpu.memory_space<vmem>>, vector<16xi32>,
        %swap3A_320 = vector.shape_cast %swap3A_319 : vector<16xi32> to vector<16xi32>
        %swap3A_321 = vector.shape_cast %get3A_317 : vector<16xi32> to vector<16xi32>
        tpu.vector_store %arg11[%swap3A_318], %swap3A_321 {strides = array<i32>} : memref<128xi32, #tpu.memory_space<vmem>>, vector<16xi32>,
        %add3A_322 = arith.constant 32 : i32
        %add3A_323 = arith.addi %add3A_275, %add3A_322 : i32
        %get3A_324 = arith.index_cast %add3A_323 : i32 to index
        %get3A_325 = tpu.vector_load %arg6[%get3A_324] {strides = array<i32>} : memref<4096xi32, #tpu.memory_space<vmem>>, vector<16xi32>,
        %get3A_326 = vector.shape_cast %get3A_325 : vector<16xi32> to vector<16xi32>
        %mul3A_327 = arith.constant 2 : i32
        %mul3A_328 = vector.broadcast %mul3A_327 : i32 to vector<16xi32>
        %mul3A_329 = arith.muli %get3A_326, %mul3A_328 : vector<16xi32>
        %add3A_330 = vector.broadcast %arg0 : i32 to vector<16xi32>
        %add3A_331 = arith.addi %mul3A_329, %add3A_330 : vector<16xi32>
        %swap3A_332 = arith.constant 32 : index
        %swap3A_333 = tpu.vector_load %arg9[%swap3A_332] {strides = array<i32>} : memref<128xi32, #tpu.memory_space<vmem>>, vector<16xi32>,
        %swap3A_334 = vector.shape_cast %swap3A_333 : vector<16xi32> to vector<16xi32>
        %swap3A_335 = vector.shape_cast %add3A_331 : vector<16xi32> to vector<16xi32>
        tpu.vector_store %arg9[%swap3A_332], %swap3A_335 {strides = array<i32>} : memref<128xi32, #tpu.memory_space<vmem>>, vector<16xi32>,
        %add3A_336 = arith.constant 32 : i32
        %add3A_337 = arith.addi %add3A_275, %add3A_336 : i32
        %get3A_338 = arith.index_cast %add3A_337 : i32 to index
        %get3A_339 = tpu.vector_load %arg7[%get3A_338] {strides = array<i32>} : memref<4096xi32, #tpu.memory_space<vmem>>, vector<16xi32>,
        %get3A_340 = vector.shape_cast %get3A_339 : vector<16xi32> to vector<16xi32>
        %swap3A_341 = arith.constant 32 : index
        %swap3A_342 = tpu.vector_load %arg11[%swap3A_341] {strides = array<i32>} : memref<128xi32, #tpu.memory_space<vmem>>, vector<16xi32>,
        %swap3A_343 = vector.shape_cast %swap3A_342 : vector<16xi32> to vector<16xi32>
        %swap3A_344 = vector.shape_cast %get3A_340 : vector<16xi32> to vector<16xi32>
        tpu.vector_store %arg11[%swap3A_341], %swap3A_344 {strides = array<i32>} : memref<128xi32, #tpu.memory_space<vmem>>, vector<16xi32>,
        %add3A_345 = arith.constant 48 : i32
        %add3A_346 = arith.addi %add3A_275, %add3A_345 : i32
        %get3A_347 = arith.index_cast %add3A_346 : i32 to index
        %get3A_348 = tpu.vector_load %arg6[%get3A_347] {strides = array<i32>} : memref<4096xi32, #tpu.memory_space<vmem>>, vector<16xi32>,
        %get3A_349 = vector.shape_cast %get3A_348 : vector<16xi32> to vector<16xi32>
        %mul3A_350 = arith.constant 2 : i32
        %mul3A_351 = vector.broadcast %mul3A_350 : i32 to vector<16xi32>
        %mul3A_352 = arith.muli %get3A_349, %mul3A_351 : vector<16xi32>
        %add3A_353 = vector.broadcast %arg0 : i32 to vector<16xi32>
        %add3A_354 = arith.addi %mul3A_352, %add3A_353 : vector<16xi32>
        %swap3A_355 = arith.constant 48 : index
        %swap3A_356 = tpu.vector_load %arg9[%swap3A_355] {strides = array<i32>} : memref<128xi32, #tpu.memory_space<vmem>>, vector<16xi32>,
        %swap3A_357 = vector.shape_cast %swap3A_356 : vector<16xi32> to vector<16xi32>
        %swap3A_358 = vector.shape_cast %add3A_354 : vector<16xi32> to vector<16xi32>
        tpu.vector_store %arg9[%swap3A_355], %swap3A_358 {strides = array<i32>} : memref<128xi32, #tpu.memory_space<vmem>>, vector<16xi32>,
        %add3A_359 = arith.constant 48 : i32
        %add3A_360 = arith.addi %add3A_275, %add3A_359 : i32
        %get3A_361 = arith.index_cast %add3A_360 : i32 to index
        %get3A_362 = tpu.vector_load %arg7[%get3A_361] {strides = array<i32>} : memref<4096xi32, #tpu.memory_space<vmem>>, vector<16xi32>,
        %get3A_363 = vector.shape_cast %get3A_362 : vector<16xi32> to vector<16xi32>
        %swap3A_364 = arith.constant 48 : index
        %swap3A_365 = tpu.vector_load %arg11[%swap3A_364] {strides = array<i32>} : memref<128xi32, #tpu.memory_space<vmem>>, vector<16xi32>,
        %swap3A_366 = vector.shape_cast %swap3A_365 : vector<16xi32> to vector<16xi32>
        %swap3A_367 = vector.shape_cast %get3A_363 : vector<16xi32> to vector<16xi32>
        tpu.vector_store %arg11[%swap3A_364], %swap3A_367 {strides = array<i32>} : memref<128xi32, #tpu.memory_space<vmem>>, vector<16xi32>,
        %add3A_368 = arith.constant 64 : i32
        %add3A_369 = arith.addi %add3A_275, %add3A_368 : i32
        %get3A_370 = arith.index_cast %add3A_369 : i32 to index
        %get3A_371 = tpu.vector_load %arg6[%get3A_370] {strides = array<i32>} : memref<4096xi32, #tpu.memory_space<vmem>>, vector<16xi32>,
        %get3A_372 = vector.shape_cast %get3A_371 : vector<16xi32> to vector<16xi32>
        %mul3A_373 = arith.constant 2 : i32
        %mul3A_374 = vector.broadcast %mul3A_373 : i32 to vector<16xi32>
        %mul3A_375 = arith.muli %get3A_372, %mul3A_374 : vector<16xi32>
        %add3A_376 = vector.broadcast %arg0 : i32 to vector<16xi32>
        %add3A_377 = arith.addi %mul3A_375, %add3A_376 : vector<16xi32>
        %swap3A_378 = arith.constant 64 : index
        %swap3A_379 = tpu.vector_load %arg9[%swap3A_378] {strides = array<i32>} : memref<128xi32, #tpu.memory_space<vmem>>, vector<16xi32>,
        %swap3A_380 = vector.shape_cast %swap3A_379 : vector<16xi32> to vector<16xi32>
        %swap3A_381 = vector.shape_cast %add3A_377 : vector<16xi32> to vector<16xi32>
        tpu.vector_store %arg9[%swap3A_378], %swap3A_381 {strides = array<i32>} : memref<128xi32, #tpu.memory_space<vmem>>, vector<16xi32>,
        %add3A_382 = arith.constant 64 : i32
        %add3A_383 = arith.addi %add3A_275, %add3A_382 : i32
        %get3A_384 = arith.index_cast %add3A_383 : i32 to index
        %get3A_385 = tpu.vector_load %arg7[%get3A_384] {strides = array<i32>} : memref<4096xi32, #tpu.memory_space<vmem>>, vector<16xi32>,
        %get3A_386 = vector.shape_cast %get3A_385 : vector<16xi32> to vector<16xi32>
        %swap3A_387 = arith.constant 64 : index
        %swap3A_388 = tpu.vector_load %arg11[%swap3A_387] {strides = array<i32>} : memref<128xi32, #tpu.memory_space<vmem>>, vector<16xi32>,
        %swap3A_389 = vector.shape_cast %swap3A_388 : vector<16xi32> to vector<16xi32>
        %swap3A_390 = vector.shape_cast %get3A_386 : vector<16xi32> to vector<16xi32>
        tpu.vector_store %arg11[%swap3A_387], %swap3A_390 {strides = array<i32>} : memref<128xi32, #tpu.memory_space<vmem>>, vector<16xi32>,
        %add3A_391 = arith.constant 80 : i32
        %add3A_392 = arith.addi %add3A_275, %add3A_391 : i32
        %get3A_393 = arith.index_cast %add3A_392 : i32 to index
        %get3A_394 = tpu.vector_load %arg6[%get3A_393] {strides = array<i32>} : memref<4096xi32, #tpu.memory_space<vmem>>, vector<16xi32>,
        %get3A_395 = vector.shape_cast %get3A_394 : vector<16xi32> to vector<16xi32>
        %mul3A_396 = arith.constant 2 : i32
        %mul3A_397 = vector.broadcast %mul3A_396 : i32 to vector<16xi32>
        %mul3A_398 = arith.muli %get3A_395, %mul3A_397 : vector<16xi32>
        %add3A_399 = vector.broadcast %arg0 : i32 to vector<16xi32>
        %add3A_400 = arith.addi %mul3A_398, %add3A_399 : vector<16xi32>
        %swap3A_401 = arith.constant 80 : index
        %swap3A_402 = tpu.vector_load %arg9[%swap3A_401] {strides = array<i32>} : memref<128xi32, #tpu.memory_space<vmem>>, vector<16xi32>,
        %swap3A_403 = vector.shape_cast %swap3A_402 : vector<16xi32> to vector<16xi32>
        %swap3A_404 = vector.shape_cast %add3A_400 : vector<16xi32> to vector<16xi32>
        tpu.vector_store %arg9[%swap3A_401], %swap3A_404 {strides = array<i32>} : memref<128xi32, #tpu.memory_space<vmem>>, vector<16xi32>,
        %add3A_405 = arith.constant 80 : i32
        %add3A_406 = arith.addi %add3A_275, %add3A_405 : i32
        %get3A_407 = arith.index_cast %add3A_406 : i32 to index
        %get3A_408 = tpu.vector_load %arg7[%get3A_407] {strides = array<i32>} : memref<4096xi32, #tpu.memory_space<vmem>>, vector<16xi32>,
        %get3A_409 = vector.shape_cast %get3A_408 : vector<16xi32> to vector<16xi32>
        %swap3A_410 = arith.constant 80 : index
        %swap3A_411 = tpu.vector_load %arg11[%swap3A_410] {strides = array<i32>} : memref<128xi32, #tpu.memory_space<vmem>>, vector<16xi32>,
        %swap3A_412 = vector.shape_cast %swap3A_411 : vector<16xi32> to vector<16xi32>
        %swap3A_413 = vector.shape_cast %get3A_409 : vector<16xi32> to vector<16xi32>
        tpu.vector_store %arg11[%swap3A_410], %swap3A_413 {strides = array<i32>} : memref<128xi32, #tpu.memory_space<vmem>>, vector<16xi32>,
        %add3A_414 = arith.constant 96 : i32
        %add3A_415 = arith.addi %add3A_275, %add3A_414 : i32
        %get3A_416 = arith.index_cast %add3A_415 : i32 to index
        %get3A_417 = tpu.vector_load %arg6[%get3A_416] {strides = array<i32>} : memref<4096xi32, #tpu.memory_space<vmem>>, vector<16xi32>,
        %get3A_418 = vector.shape_cast %get3A_417 : vector<16xi32> to vector<16xi32>
        %mul3A_419 = arith.constant 2 : i32
        %mul3A_420 = vector.broadcast %mul3A_419 : i32 to vector<16xi32>
        %mul3A_421 = arith.muli %get3A_418, %mul3A_420 : vector<16xi32>
        %add3A_422 = vector.broadcast %arg0 : i32 to vector<16xi32>
        %add3A_423 = arith.addi %mul3A_421, %add3A_422 : vector<16xi32>
        %swap3A_424 = arith.constant 96 : index
        %swap3A_425 = tpu.vector_load %arg9[%swap3A_424] {strides = array<i32>} : memref<128xi32, #tpu.memory_space<vmem>>, vector<16xi32>,
        %swap3A_426 = vector.shape_cast %swap3A_425 : vector<16xi32> to vector<16xi32>
        %swap3A_427 = vector.shape_cast %add3A_423 : vector<16xi32> to vector<16xi32>
        tpu.vector_store %arg9[%swap3A_424], %swap3A_427 {strides = array<i32>} : memref<128xi32, #tpu.memory_space<vmem>>, vector<16xi32>,
        %add3A_428 = arith.constant 96 : i32
        %add3A_429 = arith.addi %add3A_275, %add3A_428 : i32
        %get3A_430 = arith.index_cast %add3A_429 : i32 to index
        %get3A_431 = tpu.vector_load %arg7[%get3A_430] {strides = array<i32>} : memref<4096xi32, #tpu.memory_space<vmem>>, vector<16xi32>,
        %get3A_432 = vector.shape_cast %get3A_431 : vector<16xi32> to vector<16xi32>
        %swap3A_433 = arith.constant 96 : index
        %swap3A_434 = tpu.vector_load %arg11[%swap3A_433] {strides = array<i32>} : memref<128xi32, #tpu.memory_space<vmem>>, vector<16xi32>,
        %swap3A_435 = vector.shape_cast %swap3A_434 : vector<16xi32> to vector<16xi32>
        %swap3A_436 = vector.shape_cast %get3A_432 : vector<16xi32> to vector<16xi32>
        tpu.vector_store %arg11[%swap3A_433], %swap3A_436 {strides = array<i32>} : memref<128xi32, #tpu.memory_space<vmem>>, vector<16xi32>,
        %add3A_437 = arith.constant 112 : i32
        %add3A_438 = arith.addi %add3A_275, %add3A_437 : i32
        %get3A_439 = arith.index_cast %add3A_438 : i32 to index
        %get3A_440 = tpu.vector_load %arg6[%get3A_439] {strides = array<i32>} : memref<4096xi32, #tpu.memory_space<vmem>>, vector<16xi32>,
        %get3A_441 = vector.shape_cast %get3A_440 : vector<16xi32> to vector<16xi32>
        %mul3A_442 = arith.constant 2 : i32
        %mul3A_443 = vector.broadcast %mul3A_442 : i32 to vector<16xi32>
        %mul3A_444 = arith.muli %get3A_441, %mul3A_443 : vector<16xi32>
        %add3A_445 = vector.broadcast %arg0 : i32 to vector<16xi32>
        %add3A_446 = arith.addi %mul3A_444, %add3A_445 : vector<16xi32>
        %swap3A_447 = arith.constant 112 : index
        %swap3A_448 = tpu.vector_load %arg9[%swap3A_447] {strides = array<i32>} : memref<128xi32, #tpu.memory_space<vmem>>, vector<16xi32>,
        %swap3A_449 = vector.shape_cast %swap3A_448 : vector<16xi32> to vector<16xi32>
        %swap3A_450 = vector.shape_cast %add3A_446 : vector<16xi32> to vector<16xi32>
        tpu.vector_store %arg9[%swap3A_447], %swap3A_450 {strides = array<i32>} : memref<128xi32, #tpu.memory_space<vmem>>, vector<16xi32>,
        %add3A_451 = arith.constant 112 : i32
        %add3A_452 = arith.addi %add3A_275, %add3A_451 : i32
        %get3A_453 = arith.index_cast %add3A_452 : i32 to index
        %get3A_454 = tpu.vector_load %arg7[%get3A_453] {strides = array<i32>} : memref<4096xi32, #tpu.memory_space<vmem>>, vector<16xi32>,
        %get3A_455 = vector.shape_cast %get3A_454 : vector<16xi32> to vector<16xi32>
        %swap3A_456 = arith.constant 112 : index
        %swap3A_457 = tpu.vector_load %arg11[%swap3A_456] {strides = array<i32>} : memref<128xi32, #tpu.memory_space<vmem>>, vector<16xi32>,
        %swap3A_458 = vector.shape_cast %swap3A_457 : vector<16xi32> to vector<16xi32>
        %swap3A_459 = vector.shape_cast %get3A_455 : vector<16xi32> to vector<16xi32>
        tpu.vector_store %arg11[%swap3A_456], %swap3A_459 {strides = array<i32>} : memref<128xi32, #tpu.memory_space<vmem>>, vector<16xi32>,
        %dma_start3A_460 = arith.constant 0 : i32
        %dma_start3A_461 = arith.constant 0 : i32
        %dma_start3A_462 = tpu.memref_slice %arg2[%dma_start3A_460, %dma_start3A_461] : memref<20480x128xf32, #tpu.memory_space<hbm>> -> memref<20480x128xf32, #tpu.memory_space<hbm>>
        tpu.enqueue_indirect_dma source(%dma_start3A_462 : memref<20480x128xf32, #tpu.memory_space<hbm>>) target(%arg13 : memref<128x128xf32, #tpu.memory_space<vmem>>) offsets(%arg9 : memref<128xi32, #tpu.memory_space<vmem>>) semaphore(%arg16 : memref<!tpu.dma_semaphore, #tpu.memory_space<semaphore_mem>>)
      } else {
      }
      %eq3A_244 = arith.constant 1 : i32
      %eq3A_245 = arith.cmpi eq, %rem3A_230, %eq3A_244 : i32
      %lt3A_246 = arith.cmpi slt, %add3A_232, %select_n3A : i32
      %and3A_247 = arith.andi %eq3A_245, %lt3A_246 : i1
      %convert_element_type3A_248 = arith.extui %and3A_247 : i1 to i32
      %cond3A_249 = arith.constant 0 : i32
      %cond3A_250 = arith.cmpi ne, %convert_element_type3A_248, %cond3A_249 : i32
      scf.if %cond3A_250 {
        %ge3A_261 = arith.constant 1 : i32
        %ge3A_262 = arith.cmpi sge, %while3A_229, %ge3A_261 : i32
        %convert_element_type3A_263 = arith.extui %ge3A_262 : i1 to i32
        %cond3A_264 = arith.constant 0 : i32
        %cond3A_265 = arith.cmpi ne, %convert_element_type3A_263, %cond3A_264 : i32
        scf.if %cond3A_265 {
          %dma_wait3A_463 = arith.constant 0 : i32
          %dma_wait3A_464 = arith.constant 0 : i32
          %dma_wait3A_465 = tpu.memref_slice %arg14[%dma_wait3A_463, %dma_wait3A_464] : memref<10240x128xf32, #tpu.memory_space<vmem_shared>> -> memref<10240x128xf32, #tpu.memory_space<vmem_shared>>
          tpu.wait_indirect_dma semaphore(%arg17 : memref<!tpu.dma_semaphore, #tpu.memory_space<semaphore_mem>>) src(%arg12 : memref<128x128xf32, #tpu.memory_space<vmem>>) dst(%dma_wait3A_465 : memref<10240x128xf32, #tpu.memory_space<vmem_shared>>)
        } else {
        }
        %sub3A_266 = arith.subi %add3A_232, %rem3A_234 : i32
        %mul3A_267 = arith.constant 128 : i32
        %mul3A_268 = arith.muli %sub3A_266, %mul3A_267 : i32
        %add3A_269 = arith.addi %mul3A_17, %mul3A_268 : i32
        %min3A_270 = arith.constant 315904 : i32
        %min3A_271 = arith.minsi %add3A_269, %min3A_270 : i32
        %sub3A_272 = arith.subi %add3A_269, %min3A_271 : i32
        %mul3A_273 = arith.constant 128 : i32
        %mul3A_274 = arith.muli %rem3A_234, %mul3A_273 : i32
        %add3A_275 = arith.addi %mul3A_274, %sub3A_272 : i32
        %add3A_276 = arith.constant 0 : i32
        %add3A_277 = arith.addi %add3A_275, %add3A_276 : i32
        %get3A_278 = arith.index_cast %add3A_277 : i32 to index
        %get3A_279 = tpu.vector_load %arg6[%get3A_278] {strides = array<i32>} : memref<4096xi32, #tpu.memory_space<vmem>>, vector<16xi32>,
        %get3A_280 = vector.shape_cast %get3A_279 : vector<16xi32> to vector<16xi32>
        %mul3A_281 = arith.constant 2 : i32
        %mul3A_282 = vector.broadcast %mul3A_281 : i32 to vector<16xi32>
        %mul3A_283 = arith.muli %get3A_280, %mul3A_282 : vector<16xi32>
        %add3A_284 = vector.broadcast %arg0 : i32 to vector<16xi32>
        %add3A_285 = arith.addi %mul3A_283, %add3A_284 : vector<16xi32>
        %swap3A_286 = arith.constant 0 : index
        %swap3A_287 = tpu.vector_load %arg8[%swap3A_286] {strides = array<i32>} : memref<128xi32, #tpu.memory_space<vmem>>, vector<16xi32>,
        %swap3A_288 = vector.shape_cast %swap3A_287 : vector<16xi32> to vector<16xi32>
        %swap3A_289 = vector.shape_cast %add3A_285 : vector<16xi32> to vector<16xi32>
        tpu.vector_store %arg8[%swap3A_286], %swap3A_289 {strides = array<i32>} : memref<128xi32, #tpu.memory_space<vmem>>, vector<16xi32>,
        %add3A_290 = arith.constant 0 : i32
        %add3A_291 = arith.addi %add3A_275, %add3A_290 : i32
        %get3A_292 = arith.index_cast %add3A_291 : i32 to index
        %get3A_293 = tpu.vector_load %arg7[%get3A_292] {strides = array<i32>} : memref<4096xi32, #tpu.memory_space<vmem>>, vector<16xi32>,
        %get3A_294 = vector.shape_cast %get3A_293 : vector<16xi32> to vector<16xi32>
        %swap3A_295 = arith.constant 0 : index
        %swap3A_296 = tpu.vector_load %arg10[%swap3A_295] {strides = array<i32>} : memref<128xi32, #tpu.memory_space<vmem>>, vector<16xi32>,
        %swap3A_297 = vector.shape_cast %swap3A_296 : vector<16xi32> to vector<16xi32>
        %swap3A_298 = vector.shape_cast %get3A_294 : vector<16xi32> to vector<16xi32>
        tpu.vector_store %arg10[%swap3A_295], %swap3A_298 {strides = array<i32>} : memref<128xi32, #tpu.memory_space<vmem>>, vector<16xi32>,
        %add3A_299 = arith.constant 16 : i32
        %add3A_300 = arith.addi %add3A_275, %add3A_299 : i32
        %get3A_301 = arith.index_cast %add3A_300 : i32 to index
        %get3A_302 = tpu.vector_load %arg6[%get3A_301] {strides = array<i32>} : memref<4096xi32, #tpu.memory_space<vmem>>, vector<16xi32>,
        %get3A_303 = vector.shape_cast %get3A_302 : vector<16xi32> to vector<16xi32>
        %mul3A_304 = arith.constant 2 : i32
        %mul3A_305 = vector.broadcast %mul3A_304 : i32 to vector<16xi32>
        %mul3A_306 = arith.muli %get3A_303, %mul3A_305 : vector<16xi32>
        %add3A_307 = vector.broadcast %arg0 : i32 to vector<16xi32>
        %add3A_308 = arith.addi %mul3A_306, %add3A_307 : vector<16xi32>
        %swap3A_309 = arith.constant 16 : index
        %swap3A_310 = tpu.vector_load %arg8[%swap3A_309] {strides = array<i32>} : memref<128xi32, #tpu.memory_space<vmem>>, vector<16xi32>,
        %swap3A_311 = vector.shape_cast %swap3A_310 : vector<16xi32> to vector<16xi32>
        %swap3A_312 = vector.shape_cast %add3A_308 : vector<16xi32> to vector<16xi32>
        tpu.vector_store %arg8[%swap3A_309], %swap3A_312 {strides = array<i32>} : memref<128xi32, #tpu.memory_space<vmem>>, vector<16xi32>,
        %add3A_313 = arith.constant 16 : i32
        %add3A_314 = arith.addi %add3A_275, %add3A_313 : i32
        %get3A_315 = arith.index_cast %add3A_314 : i32 to index
        %get3A_316 = tpu.vector_load %arg7[%get3A_315] {strides = array<i32>} : memref<4096xi32, #tpu.memory_space<vmem>>, vector<16xi32>,
        %get3A_317 = vector.shape_cast %get3A_316 : vector<16xi32> to vector<16xi32>
        %swap3A_318 = arith.constant 16 : index
        %swap3A_319 = tpu.vector_load %arg10[%swap3A_318] {strides = array<i32>} : memref<128xi32, #tpu.memory_space<vmem>>, vector<16xi32>,
        %swap3A_320 = vector.shape_cast %swap3A_319 : vector<16xi32> to vector<16xi32>
        %swap3A_321 = vector.shape_cast %get3A_317 : vector<16xi32> to vector<16xi32>
        tpu.vector_store %arg10[%swap3A_318], %swap3A_321 {strides = array<i32>} : memref<128xi32, #tpu.memory_space<vmem>>, vector<16xi32>,
        %add3A_322 = arith.constant 32 : i32
        %add3A_323 = arith.addi %add3A_275, %add3A_322 : i32
        %get3A_324 = arith.index_cast %add3A_323 : i32 to index
        %get3A_325 = tpu.vector_load %arg6[%get3A_324] {strides = array<i32>} : memref<4096xi32, #tpu.memory_space<vmem>>, vector<16xi32>,
        %get3A_326 = vector.shape_cast %get3A_325 : vector<16xi32> to vector<16xi32>
        %mul3A_327 = arith.constant 2 : i32
        %mul3A_328 = vector.broadcast %mul3A_327 : i32 to vector<16xi32>
        %mul3A_329 = arith.muli %get3A_326, %mul3A_328 : vector<16xi32>
        %add3A_330 = vector.broadcast %arg0 : i32 to vector<16xi32>
        %add3A_331 = arith.addi %mul3A_329, %add3A_330 : vector<16xi32>
        %swap3A_332 = arith.constant 32 : index
        %swap3A_333 = tpu.vector_load %arg8[%swap3A_332] {strides = array<i32>} : memref<128xi32, #tpu.memory_space<vmem>>, vector<16xi32>,
        %swap3A_334 = vector.shape_cast %swap3A_333 : vector<16xi32> to vector<16xi32>
        %swap3A_335 = vector.shape_cast %add3A_331 : vector<16xi32> to vector<16xi32>
        tpu.vector_store %arg8[%swap3A_332], %swap3A_335 {strides = array<i32>} : memref<128xi32, #tpu.memory_space<vmem>>, vector<16xi32>,
        %add3A_336 = arith.constant 32 : i32
        %add3A_337 = arith.addi %add3A_275, %add3A_336 : i32
        %get3A_338 = arith.index_cast %add3A_337 : i32 to index
        %get3A_339 = tpu.vector_load %arg7[%get3A_338] {strides = array<i32>} : memref<4096xi32, #tpu.memory_space<vmem>>, vector<16xi32>,
        %get3A_340 = vector.shape_cast %get3A_339 : vector<16xi32> to vector<16xi32>
        %swap3A_341 = arith.constant 32 : index
        %swap3A_342 = tpu.vector_load %arg10[%swap3A_341] {strides = array<i32>} : memref<128xi32, #tpu.memory_space<vmem>>, vector<16xi32>,
        %swap3A_343 = vector.shape_cast %swap3A_342 : vector<16xi32> to vector<16xi32>
        %swap3A_344 = vector.shape_cast %get3A_340 : vector<16xi32> to vector<16xi32>
        tpu.vector_store %arg10[%swap3A_341], %swap3A_344 {strides = array<i32>} : memref<128xi32, #tpu.memory_space<vmem>>, vector<16xi32>,
        %add3A_345 = arith.constant 48 : i32
        %add3A_346 = arith.addi %add3A_275, %add3A_345 : i32
        %get3A_347 = arith.index_cast %add3A_346 : i32 to index
        %get3A_348 = tpu.vector_load %arg6[%get3A_347] {strides = array<i32>} : memref<4096xi32, #tpu.memory_space<vmem>>, vector<16xi32>,
        %get3A_349 = vector.shape_cast %get3A_348 : vector<16xi32> to vector<16xi32>
        %mul3A_350 = arith.constant 2 : i32
        %mul3A_351 = vector.broadcast %mul3A_350 : i32 to vector<16xi32>
        %mul3A_352 = arith.muli %get3A_349, %mul3A_351 : vector<16xi32>
        %add3A_353 = vector.broadcast %arg0 : i32 to vector<16xi32>
        %add3A_354 = arith.addi %mul3A_352, %add3A_353 : vector<16xi32>
        %swap3A_355 = arith.constant 48 : index
        %swap3A_356 = tpu.vector_load %arg8[%swap3A_355] {strides = array<i32>} : memref<128xi32, #tpu.memory_space<vmem>>, vector<16xi32>,
        %swap3A_357 = vector.shape_cast %swap3A_356 : vector<16xi32> to vector<16xi32>
        %swap3A_358 = vector.shape_cast %add3A_354 : vector<16xi32> to vector<16xi32>
        tpu.vector_store %arg8[%swap3A_355], %swap3A_358 {strides = array<i32>} : memref<128xi32, #tpu.memory_space<vmem>>, vector<16xi32>,
        %add3A_359 = arith.constant 48 : i32
        %add3A_360 = arith.addi %add3A_275, %add3A_359 : i32
        %get3A_361 = arith.index_cast %add3A_360 : i32 to index
        %get3A_362 = tpu.vector_load %arg7[%get3A_361] {strides = array<i32>} : memref<4096xi32, #tpu.memory_space<vmem>>, vector<16xi32>,
        %get3A_363 = vector.shape_cast %get3A_362 : vector<16xi32> to vector<16xi32>
        %swap3A_364 = arith.constant 48 : index
        %swap3A_365 = tpu.vector_load %arg10[%swap3A_364] {strides = array<i32>} : memref<128xi32, #tpu.memory_space<vmem>>, vector<16xi32>,
        %swap3A_366 = vector.shape_cast %swap3A_365 : vector<16xi32> to vector<16xi32>
        %swap3A_367 = vector.shape_cast %get3A_363 : vector<16xi32> to vector<16xi32>
        tpu.vector_store %arg10[%swap3A_364], %swap3A_367 {strides = array<i32>} : memref<128xi32, #tpu.memory_space<vmem>>, vector<16xi32>,
        %add3A_368 = arith.constant 64 : i32
        %add3A_369 = arith.addi %add3A_275, %add3A_368 : i32
        %get3A_370 = arith.index_cast %add3A_369 : i32 to index
        %get3A_371 = tpu.vector_load %arg6[%get3A_370] {strides = array<i32>} : memref<4096xi32, #tpu.memory_space<vmem>>, vector<16xi32>,
        %get3A_372 = vector.shape_cast %get3A_371 : vector<16xi32> to vector<16xi32>
        %mul3A_373 = arith.constant 2 : i32
        %mul3A_374 = vector.broadcast %mul3A_373 : i32 to vector<16xi32>
        %mul3A_375 = arith.muli %get3A_372, %mul3A_374 : vector<16xi32>
        %add3A_376 = vector.broadcast %arg0 : i32 to vector<16xi32>
        %add3A_377 = arith.addi %mul3A_375, %add3A_376 : vector<16xi32>
        %swap3A_378 = arith.constant 64 : index
        %swap3A_379 = tpu.vector_load %arg8[%swap3A_378] {strides = array<i32>} : memref<128xi32, #tpu.memory_space<vmem>>, vector<16xi32>,
        %swap3A_380 = vector.shape_cast %swap3A_379 : vector<16xi32> to vector<16xi32>
        %swap3A_381 = vector.shape_cast %add3A_377 : vector<16xi32> to vector<16xi32>
        tpu.vector_store %arg8[%swap3A_378], %swap3A_381 {strides = array<i32>} : memref<128xi32, #tpu.memory_space<vmem>>, vector<16xi32>,
        %add3A_382 = arith.constant 64 : i32
        %add3A_383 = arith.addi %add3A_275, %add3A_382 : i32
        %get3A_384 = arith.index_cast %add3A_383 : i32 to index
        %get3A_385 = tpu.vector_load %arg7[%get3A_384] {strides = array<i32>} : memref<4096xi32, #tpu.memory_space<vmem>>, vector<16xi32>,
        %get3A_386 = vector.shape_cast %get3A_385 : vector<16xi32> to vector<16xi32>
        %swap3A_387 = arith.constant 64 : index
        %swap3A_388 = tpu.vector_load %arg10[%swap3A_387] {strides = array<i32>} : memref<128xi32, #tpu.memory_space<vmem>>, vector<16xi32>,
        %swap3A_389 = vector.shape_cast %swap3A_388 : vector<16xi32> to vector<16xi32>
        %swap3A_390 = vector.shape_cast %get3A_386 : vector<16xi32> to vector<16xi32>
        tpu.vector_store %arg10[%swap3A_387], %swap3A_390 {strides = array<i32>} : memref<128xi32, #tpu.memory_space<vmem>>, vector<16xi32>,
        %add3A_391 = arith.constant 80 : i32
        %add3A_392 = arith.addi %add3A_275, %add3A_391 : i32
        %get3A_393 = arith.index_cast %add3A_392 : i32 to index
        %get3A_394 = tpu.vector_load %arg6[%get3A_393] {strides = array<i32>} : memref<4096xi32, #tpu.memory_space<vmem>>, vector<16xi32>,
        %get3A_395 = vector.shape_cast %get3A_394 : vector<16xi32> to vector<16xi32>
        %mul3A_396 = arith.constant 2 : i32
        %mul3A_397 = vector.broadcast %mul3A_396 : i32 to vector<16xi32>
        %mul3A_398 = arith.muli %get3A_395, %mul3A_397 : vector<16xi32>
        %add3A_399 = vector.broadcast %arg0 : i32 to vector<16xi32>
        %add3A_400 = arith.addi %mul3A_398, %add3A_399 : vector<16xi32>
        %swap3A_401 = arith.constant 80 : index
        %swap3A_402 = tpu.vector_load %arg8[%swap3A_401] {strides = array<i32>} : memref<128xi32, #tpu.memory_space<vmem>>, vector<16xi32>,
        %swap3A_403 = vector.shape_cast %swap3A_402 : vector<16xi32> to vector<16xi32>
        %swap3A_404 = vector.shape_cast %add3A_400 : vector<16xi32> to vector<16xi32>
        tpu.vector_store %arg8[%swap3A_401], %swap3A_404 {strides = array<i32>} : memref<128xi32, #tpu.memory_space<vmem>>, vector<16xi32>,
        %add3A_405 = arith.constant 80 : i32
        %add3A_406 = arith.addi %add3A_275, %add3A_405 : i32
        %get3A_407 = arith.index_cast %add3A_406 : i32 to index
        %get3A_408 = tpu.vector_load %arg7[%get3A_407] {strides = array<i32>} : memref<4096xi32, #tpu.memory_space<vmem>>, vector<16xi32>,
        %get3A_409 = vector.shape_cast %get3A_408 : vector<16xi32> to vector<16xi32>
        %swap3A_410 = arith.constant 80 : index
        %swap3A_411 = tpu.vector_load %arg10[%swap3A_410] {strides = array<i32>} : memref<128xi32, #tpu.memory_space<vmem>>, vector<16xi32>,
        %swap3A_412 = vector.shape_cast %swap3A_411 : vector<16xi32> to vector<16xi32>
        %swap3A_413 = vector.shape_cast %get3A_409 : vector<16xi32> to vector<16xi32>
        tpu.vector_store %arg10[%swap3A_410], %swap3A_413 {strides = array<i32>} : memref<128xi32, #tpu.memory_space<vmem>>, vector<16xi32>,
        %add3A_414 = arith.constant 96 : i32
        %add3A_415 = arith.addi %add3A_275, %add3A_414 : i32
        %get3A_416 = arith.index_cast %add3A_415 : i32 to index
        %get3A_417 = tpu.vector_load %arg6[%get3A_416] {strides = array<i32>} : memref<4096xi32, #tpu.memory_space<vmem>>, vector<16xi32>,
        %get3A_418 = vector.shape_cast %get3A_417 : vector<16xi32> to vector<16xi32>
        %mul3A_419 = arith.constant 2 : i32
        %mul3A_420 = vector.broadcast %mul3A_419 : i32 to vector<16xi32>
        %mul3A_421 = arith.muli %get3A_418, %mul3A_420 : vector<16xi32>
        %add3A_422 = vector.broadcast %arg0 : i32 to vector<16xi32>
        %add3A_423 = arith.addi %mul3A_421, %add3A_422 : vector<16xi32>
        %swap3A_424 = arith.constant 96 : index
        %swap3A_425 = tpu.vector_load %arg8[%swap3A_424] {strides = array<i32>} : memref<128xi32, #tpu.memory_space<vmem>>, vector<16xi32>,
        %swap3A_426 = vector.shape_cast %swap3A_425 : vector<16xi32> to vector<16xi32>
        %swap3A_427 = vector.shape_cast %add3A_423 : vector<16xi32> to vector<16xi32>
        tpu.vector_store %arg8[%swap3A_424], %swap3A_427 {strides = array<i32>} : memref<128xi32, #tpu.memory_space<vmem>>, vector<16xi32>,
        %add3A_428 = arith.constant 96 : i32
        %add3A_429 = arith.addi %add3A_275, %add3A_428 : i32
        %get3A_430 = arith.index_cast %add3A_429 : i32 to index
        %get3A_431 = tpu.vector_load %arg7[%get3A_430] {strides = array<i32>} : memref<4096xi32, #tpu.memory_space<vmem>>, vector<16xi32>,
        %get3A_432 = vector.shape_cast %get3A_431 : vector<16xi32> to vector<16xi32>
        %swap3A_433 = arith.constant 96 : index
        %swap3A_434 = tpu.vector_load %arg10[%swap3A_433] {strides = array<i32>} : memref<128xi32, #tpu.memory_space<vmem>>, vector<16xi32>,
        %swap3A_435 = vector.shape_cast %swap3A_434 : vector<16xi32> to vector<16xi32>
        %swap3A_436 = vector.shape_cast %get3A_432 : vector<16xi32> to vector<16xi32>
        tpu.vector_store %arg10[%swap3A_433], %swap3A_436 {strides = array<i32>} : memref<128xi32, #tpu.memory_space<vmem>>, vector<16xi32>,
        %add3A_437 = arith.constant 112 : i32
        %add3A_438 = arith.addi %add3A_275, %add3A_437 : i32
        %get3A_439 = arith.index_cast %add3A_438 : i32 to index
        %get3A_440 = tpu.vector_load %arg6[%get3A_439] {strides = array<i32>} : memref<4096xi32, #tpu.memory_space<vmem>>, vector<16xi32>,
        %get3A_441 = vector.shape_cast %get3A_440 : vector<16xi32> to vector<16xi32>
        %mul3A_442 = arith.constant 2 : i32
        %mul3A_443 = vector.broadcast %mul3A_442 : i32 to vector<16xi32>
        %mul3A_444 = arith.muli %get3A_441, %mul3A_443 : vector<16xi32>
        %add3A_445 = vector.broadcast %arg0 : i32 to vector<16xi32>
        %add3A_446 = arith.addi %mul3A_444, %add3A_445 : vector<16xi32>
        %swap3A_447 = arith.constant 112 : index
        %swap3A_448 = tpu.vector_load %arg8[%swap3A_447] {strides = array<i32>} : memref<128xi32, #tpu.memory_space<vmem>>, vector<16xi32>,
        %swap3A_449 = vector.shape_cast %swap3A_448 : vector<16xi32> to vector<16xi32>
        %swap3A_450 = vector.shape_cast %add3A_446 : vector<16xi32> to vector<16xi32>
        tpu.vector_store %arg8[%swap3A_447], %swap3A_450 {strides = array<i32>} : memref<128xi32, #tpu.memory_space<vmem>>, vector<16xi32>,
        %add3A_451 = arith.constant 112 : i32
        %add3A_452 = arith.addi %add3A_275, %add3A_451 : i32
        %get3A_453 = arith.index_cast %add3A_452 : i32 to index
        %get3A_454 = tpu.vector_load %arg7[%get3A_453] {strides = array<i32>} : memref<4096xi32, #tpu.memory_space<vmem>>, vector<16xi32>,
        %get3A_455 = vector.shape_cast %get3A_454 : vector<16xi32> to vector<16xi32>
        %swap3A_456 = arith.constant 112 : index
        %swap3A_457 = tpu.vector_load %arg10[%swap3A_456] {strides = array<i32>} : memref<128xi32, #tpu.memory_space<vmem>>, vector<16xi32>,
        %swap3A_458 = vector.shape_cast %swap3A_457 : vector<16xi32> to vector<16xi32>
        %swap3A_459 = vector.shape_cast %get3A_455 : vector<16xi32> to vector<16xi32>
        tpu.vector_store %arg10[%swap3A_456], %swap3A_459 {strides = array<i32>} : memref<128xi32, #tpu.memory_space<vmem>>, vector<16xi32>,
        %dma_start3A_460 = arith.constant 0 : i32
        %dma_start3A_461 = arith.constant 0 : i32
        %dma_start3A_462 = tpu.memref_slice %arg2[%dma_start3A_460, %dma_start3A_461] : memref<20480x128xf32, #tpu.memory_space<hbm>> -> memref<20480x128xf32, #tpu.memory_space<hbm>>
        tpu.enqueue_indirect_dma source(%dma_start3A_462 : memref<20480x128xf32, #tpu.memory_space<hbm>>) target(%arg12 : memref<128x128xf32, #tpu.memory_space<vmem>>) offsets(%arg8 : memref<128xi32, #tpu.memory_space<vmem>>) semaphore(%arg15 : memref<!tpu.dma_semaphore, #tpu.memory_space<semaphore_mem>>)
      } else {
      }
      %eq3A_251 = arith.constant 0 : i32
      %eq3A_252 = arith.cmpi eq, %rem3A_230, %eq3A_251 : i32
      %convert_element_type3A_253 = arith.extui %eq3A_252 : i1 to i32
      %cond3A_254 = arith.constant 0 : i32
      %cond3A_255 = arith.cmpi ne, %convert_element_type3A_253, %cond3A_254 : i32
      scf.if %cond3A_255 {
        %dma_wait3A_261 = arith.constant 0 : i32
        %dma_wait3A_262 = arith.constant 0 : i32
        %dma_wait3A_263 = tpu.memref_slice %arg2[%dma_wait3A_261, %dma_wait3A_262] : memref<20480x128xf32, #tpu.memory_space<hbm>> -> memref<20480x128xf32, #tpu.memory_space<hbm>>
        tpu.wait_indirect_dma semaphore(%arg15 : memref<!tpu.dma_semaphore, #tpu.memory_space<semaphore_mem>>) src(%dma_wait3A_263 : memref<20480x128xf32, #tpu.memory_space<hbm>>) dst(%arg12 : memref<128x128xf32, #tpu.memory_space<vmem>>)
        %dma_start3A_264 = arith.constant 0 : i32
        %dma_start3A_265 = arith.constant 0 : i32
        %dma_start3A_266 = tpu.memref_slice %arg14[%dma_start3A_264, %dma_start3A_265] : memref<10240x128xf32, #tpu.memory_space<vmem_shared>> -> memref<10240x128xf32, #tpu.memory_space<vmem_shared>>
        tpu.enqueue_indirect_dma source(%arg12 : memref<128x128xf32, #tpu.memory_space<vmem>>) target(%dma_start3A_266 : memref<10240x128xf32, #tpu.memory_space<vmem_shared>>) offsets(%arg10 : memref<128xi32, #tpu.memory_space<vmem>>) semaphore(%arg17 : memref<!tpu.dma_semaphore, #tpu.memory_space<semaphore_mem>>) {add = true}
      } else {
      }
      %eq3A_256 = arith.constant 1 : i32
      %eq3A_257 = arith.cmpi eq, %rem3A_230, %eq3A_256 : i32
      %convert_element_type3A_258 = arith.extui %eq3A_257 : i1 to i32
      %cond3A_259 = arith.constant 0 : i32
      %cond3A_260 = arith.cmpi ne, %convert_element_type3A_258, %cond3A_259 : i32
      scf.if %cond3A_260 {
        %dma_wait3A_261 = arith.constant 0 : i32
        %dma_wait3A_262 = arith.constant 0 : i32
        %dma_wait3A_263 = tpu.memref_slice %arg2[%dma_wait3A_261, %dma_wait3A_262] : memref<20480x128xf32, #tpu.memory_space<hbm>> -> memref<20480x128xf32, #tpu.memory_space<hbm>>
        tpu.wait_indirect_dma semaphore(%arg16 : memref<!tpu.dma_semaphore, #tpu.memory_space<semaphore_mem>>) src(%dma_wait3A_263 : memref<20480x128xf32, #tpu.memory_space<hbm>>) dst(%arg13 : memref<128x128xf32, #tpu.memory_space<vmem>>)
        %dma_start3A_264 = arith.constant 0 : i32
        %dma_start3A_265 = arith.constant 0 : i32
        %dma_start3A_266 = tpu.memref_slice %arg14[%dma_start3A_264, %dma_start3A_265] : memref<10240x128xf32, #tpu.memory_space<vmem_shared>> -> memref<10240x128xf32, #tpu.memory_space<vmem_shared>>
        tpu.enqueue_indirect_dma source(%arg13 : memref<128x128xf32, #tpu.memory_space<vmem>>) target(%dma_start3A_266 : memref<10240x128xf32, #tpu.memory_space<vmem_shared>>) offsets(%arg11 : memref<128xi32, #tpu.memory_space<vmem>>) semaphore(%arg18 : memref<!tpu.dma_semaphore, #tpu.memory_space<semaphore_mem>>) {add = true}
      } else {
      }
    }
    %dma_wait3A = arith.constant 0 : i32
    %dma_wait3A_220 = arith.constant 0 : i32
    %dma_wait3A_221 = tpu.memref_slice %arg14[%dma_wait3A, %dma_wait3A_220] : memref<10240x128xf32, #tpu.memory_space<vmem_shared>> -> memref<10240x128xf32, #tpu.memory_space<vmem_shared>>
    tpu.wait_indirect_dma semaphore(%arg17 : memref<!tpu.dma_semaphore, #tpu.memory_space<semaphore_mem>>) src(%arg12 : memref<128x128xf32, #tpu.memory_space<vmem>>) dst(%dma_wait3A_221 : memref<10240x128xf32, #tpu.memory_space<vmem_shared>>)
    %dma_wait3A_222 = arith.constant 0 : i32
    %dma_wait3A_223 = arith.constant 0 : i32
    %dma_wait3A_224 = tpu.memref_slice %arg14[%dma_wait3A_222, %dma_wait3A_223] : memref<10240x128xf32, #tpu.memory_space<vmem_shared>> -> memref<10240x128xf32, #tpu.memory_space<vmem_shared>>
    tpu.wait_indirect_dma semaphore(%arg18 : memref<!tpu.dma_semaphore, #tpu.memory_space<semaphore_mem>>) src(%arg13 : memref<128x128xf32, #tpu.memory_space<vmem>>) dst(%dma_wait3A_224 : memref<10240x128xf32, #tpu.memory_space<vmem_shared>>)
    %barrier3A_225 = arith.constant 0 : index
    tpu.barrier barrier_id(%barrier3A_225)
    %mul3A_226 = arith.constant 10240 : i32
    %mul3A_227 = arith.muli %arg0, %mul3A_226 : i32
    %add3A_228 = arith.addi %mul3A_227, %mul3A_4 : i32
    "tpu.region"() ({
      %run_scoped3A = tpu.sem_alloc : memref<!tpu.dma_semaphore, #tpu.memory_space<semaphore_mem>>
      %dma_start3A_229 = arith.constant 0 : i32
      %dma_start3A_230 = tpu.memref_slice %arg5[%add3A_228, %dma_start3A_229] : memref<20480x128xf32, #tpu.memory_space<hbm>> -> memref<640x128xf32, #tpu.memory_space<hbm>>
      %dma_start3A_231 = arith.constant 0 : i32
      %dma_start3A_232 = tpu.memref_slice %arg14[%mul3A_4, %dma_start3A_231] : memref<10240x128xf32, #tpu.memory_space<vmem_shared>> -> memref<640x128xf32, #tpu.memory_space<vmem_shared>>
      tpu.enqueue_dma source(%dma_start3A_232 : memref<640x128xf32, #tpu.memory_space<vmem_shared>>) target(%dma_start3A_230 : memref<640x128xf32, #tpu.memory_space<hbm>>) target_semaphore(%run_scoped3A : memref<!tpu.dma_semaphore, #tpu.memory_space<semaphore_mem>>)
      %dma_wait3A_233 = arith.constant 0 : i32
      %dma_wait3A_234 = tpu.memref_slice %arg5[%add3A_228, %dma_wait3A_233] : memref<20480x128xf32, #tpu.memory_space<hbm>> -> memref<640x128xf32, #tpu.memory_space<hbm>>
      %dma_wait3A_235 = arith.constant 0 : i32
      %dma_wait3A_236 = tpu.memref_slice %arg14[%mul3A_4, %dma_wait3A_235] : memref<10240x128xf32, #tpu.memory_space<vmem_shared>> -> memref<640x128xf32, #tpu.memory_space<vmem_shared>>
      tpu.wait_dma2 semaphore(%run_scoped3A : memref<!tpu.dma_semaphore, #tpu.memory_space<semaphore_mem>>) src(%dma_wait3A_236 : memref<640x128xf32, #tpu.memory_space<vmem_shared>>) dst(%dma_wait3A_234 : memref<640x128xf32, #tpu.memory_space<hbm>>)
      tpu.yield
    }) : () -> ()
    return
  }
}

module attributes {stable_mosaic.version = 14 : i64} {
  func.func @body(%arg0: i32, %arg1: memref<1024x80xf32, #tpu.memory_space<vmem>>, %arg2: memref<1024x80xf32, #tpu.memory_space<vmem>>, %arg3: memref<1024x80xf32, #tpu.memory_space<vmem>>, %arg4: memref<1024x128xf32, #tpu.memory_space<vmem>>, %arg5: memref<80x256xf32, #tpu.memory_space<vmem>>, %arg6: memref<80x256xf32, #tpu.memory_space<vmem>>, %arg7: memref<128x256xf32, #tpu.memory_space<vmem>>, %arg8: memref<1x256xf32, #tpu.memory_space<vmem>>, %arg9: memref<1024x256xf32, #tpu.memory_space<vmem>>, %arg10: memref<1x256xf32, #tpu.memory_space<vmem>>, %arg11: memref<1x256xf32, #tpu.memory_space<vmem>>) attributes {dimension_semantics = [#tpu.dimension_semantics<arbitrary>], iteration_bounds = array<i64: 10>, scalar_prefetch = 0 : i64, scratch_operands = 0 : i64, tpu.core_type = #tpu.core_type<tc>, window_params = [{transform_indices = @transform_0, window_bounds = array<i64: 1024, 80>}, {transform_indices = @transform_1, window_bounds = array<i64: 1024, 80>}, {transform_indices = @transform_2, window_bounds = array<i64: 1024, 80>}, {transform_indices = @transform_3, window_bounds = array<i64: 1024, 128>}, {pipeline_mode = #tpu.pipeline_mode<synchronous>, transform_indices = @transform_4, window_bounds = array<i64: 80, 256>}, {pipeline_mode = #tpu.pipeline_mode<synchronous>, transform_indices = @transform_5, window_bounds = array<i64: 80, 256>}, {pipeline_mode = #tpu.pipeline_mode<synchronous>, transform_indices = @transform_6, window_bounds = array<i64: 128, 256>}, {pipeline_mode = #tpu.pipeline_mode<synchronous>, transform_indices = @transform_7, window_bounds = array<i64: 1, 256>}, {transform_indices = @transform_8, window_bounds = array<i64: 1024, 256>}, {pipeline_mode = #tpu.pipeline_mode<synchronous>, transform_indices = @transform_9, window_bounds = array<i64: 1, 256>}, {pipeline_mode = #tpu.pipeline_mode<synchronous>, transform_indices = @transform_10, window_bounds = array<i64: 1, 256>}]} {
    %get3A = arith.constant 0 : index
    %get3A_0 = arith.constant 64 : index
    %get3A_1 = vector.load %arg3[%get3A, %get3A_0] : memref<1024x80xf32, #tpu.memory_space<vmem>>, vector<1024x1xf32>
    %max3A = arith.constant 1.000000e+00 : f32
    %max3A_2 = vector.broadcast %max3A : f32 to vector<1024x1xf32>
    %max3A_3 = arith.maximumf %get3A_1, %max3A_2 : vector<1024x1xf32>
    %div3A = arith.constant 1.000000e+00 : f32
    %div3A_4 = vector.broadcast %div3A : f32 to vector<1024x1xf32>
    %div3A_5 = arith.divf %div3A_4, %max3A_3 : vector<1024x1xf32>
    %get3A_6 = arith.constant 0 : index
    %get3A_7 = arith.constant 0 : index
    %get3A_8 = vector.load %arg1[%get3A_6, %get3A_7] : memref<1024x80xf32, #tpu.memory_space<vmem>>, vector<1024x80xf32>
    %mul3A = vector.broadcast %div3A_5 : vector<1024x1xf32> to vector<1024x80xf32>
    %mul3A_9 = arith.mulf %get3A_8, %mul3A : vector<1024x80xf32>
    %get3A_10 = arith.constant 0 : index
    %get3A_11 = arith.constant 0 : index
    %get3A_12 = vector.load %arg5[%get3A_10, %get3A_11] : memref<80x256xf32, #tpu.memory_space<vmem>>, vector<80x256xf32>
    %dot_general3A = arith.constant dense<0.000000e+00> : vector<1024x256xf32>
    %dot_general3A_13 = tpu.matmul %mul3A_9, %get3A_12, %dot_general3A {dimension_numbers = #tpu.dot_dimension_numbers<[1], [0], [0], [1], [0, 0, 1, 1], [], []>, transpose_lhs_hint = false} : vector<1024x80xf32>, vector<80x256xf32>, vector<1024x256xf32> -> vector<1024x256xf32>
    %get3A_14 = arith.constant 0 : index
    %get3A_15 = arith.constant 0 : index
    %get3A_16 = vector.load %arg2[%get3A_14, %get3A_15] : memref<1024x80xf32, #tpu.memory_space<vmem>>, vector<1024x80xf32>
    %mul3A_17 = vector.broadcast %div3A_5 : vector<1024x1xf32> to vector<1024x80xf32>
    %mul3A_18 = arith.mulf %get3A_16, %mul3A_17 : vector<1024x80xf32>
    %get3A_19 = arith.constant 0 : index
    %get3A_20 = arith.constant 0 : index
    %get3A_21 = vector.load %arg6[%get3A_19, %get3A_20] : memref<80x256xf32, #tpu.memory_space<vmem>>, vector<80x256xf32>
    %dot_general3A_22 = arith.constant dense<0.000000e+00> : vector<1024x256xf32>
    %dot_general3A_23 = tpu.matmul %mul3A_18, %get3A_21, %dot_general3A_22 {dimension_numbers = #tpu.dot_dimension_numbers<[1], [0], [0], [1], [0, 0, 1, 1], [], []>, transpose_lhs_hint = false} : vector<1024x80xf32>, vector<80x256xf32>, vector<1024x256xf32> -> vector<1024x256xf32>
    %add3A = arith.addf %dot_general3A_13, %dot_general3A_23 : vector<1024x256xf32>
    %get3A_24 = arith.constant 0 : index
    %get3A_25 = arith.constant 0 : index
    %get3A_26 = vector.load %arg4[%get3A_24, %get3A_25] : memref<1024x128xf32, #tpu.memory_space<vmem>>, vector<1024x128xf32>
    %get3A_27 = arith.constant 0 : index
    %get3A_28 = arith.constant 0 : index
    %get3A_29 = vector.load %arg7[%get3A_27, %get3A_28] : memref<128x256xf32, #tpu.memory_space<vmem>>, vector<128x256xf32>
    %dot_general3A_30 = arith.constant dense<0.000000e+00> : vector<1024x256xf32>
    %dot_general3A_31 = tpu.matmul %get3A_26, %get3A_29, %dot_general3A_30 {dimension_numbers = #tpu.dot_dimension_numbers<[1], [0], [0], [1], [0, 0, 1, 1], [], []>, transpose_lhs_hint = false} : vector<1024x128xf32>, vector<128x256xf32>, vector<1024x256xf32> -> vector<1024x256xf32>
    %add3A_32 = arith.addf %add3A, %dot_general3A_31 : vector<1024x256xf32>
    %get3A_33 = arith.constant 0 : index
    %get3A_34 = arith.constant 0 : index
    %get3A_35 = vector.load %arg8[%get3A_33, %get3A_34] : memref<1x256xf32, #tpu.memory_space<vmem>>, vector<1x256xf32>
    %add3A_36 = vector.broadcast %get3A_35 : vector<1x256xf32> to vector<1024x256xf32>
    %add3A_37 = arith.addf %add3A_32, %add3A_36 : vector<1024x256xf32>
    %mul3A_38 = arith.constant 1024 : i32
    %mul3A_39 = arith.muli %arg0, %mul3A_38 : i32
    %iota3A = tpu.iota {dimensions = array<i32: 0>} : vector<1024x1xi32>
    %add3A_40 = vector.broadcast %mul3A_39 : i32 to vector<1024x1xi32>
    %add3A_41 = arith.addi %add3A_40, %iota3A : vector<1024x1xi32>
    %lt3A = arith.constant 10000 : i32
    %lt3A_42 = vector.broadcast %lt3A : i32 to vector<1024x1xi32>
    %lt3A_43 = arith.cmpi slt, %add3A_41, %lt3A_42 : vector<1024x1xi32>
    %jit3A = arith.constant 0.000000e+00 : f32
    %broadcast_in_dim3A = vector.shape_cast %lt3A_43 : vector<1024x1xi1> to vector<1024x1xi1>
    %broadcast_in_dim3A_44 = vector.broadcast %broadcast_in_dim3A : vector<1024x1xi1> to vector<1024x256xi1>
    %broadcast_in_dim3A_45 = vector.broadcast %jit3A : f32 to vector<1024x256xf32>
    %select_n3A = arith.select %broadcast_in_dim3A_44, %add3A_37, %broadcast_in_dim3A_45 : vector<1024x256xi1>, vector<1024x256xf32>
    %swap3A = arith.constant 0 : index
    %swap3A_46 = arith.constant 0 : index
    %swap3A_47 = vector.load %arg9[%swap3A, %swap3A_46] : memref<1024x256xf32, #tpu.memory_space<vmem>>, vector<1024x256xf32>
    tpu.vector_store %arg9[%swap3A, %swap3A_46], %select_n3A {strides = array<i32>} : memref<1024x256xf32, #tpu.memory_space<vmem>>, vector<1024x256xf32>,
    %eq3A = arith.constant 0 : i32
    %eq3A_48 = arith.cmpi eq, %arg0, %eq3A : i32
    %convert_element_type3A = arith.extui %eq3A_48 : i1 to i32
    %cond3A = arith.constant 0 : i32
    %cond3A_49 = arith.cmpi ne, %convert_element_type3A, %cond3A : i32
    scf.if %cond3A_49 {
      %broadcast_in_dim3A_70 = arith.constant 0.000000e+00 : f32
      %broadcast_in_dim3A_71 = vector.broadcast %broadcast_in_dim3A_70 : f32 to vector<1x256xf32>
      %swap3A_72 = arith.constant 0 : index
      %swap3A_73 = arith.constant 0 : index
      %swap3A_74 = vector.load %arg10[%swap3A_72, %swap3A_73] : memref<1x256xf32, #tpu.memory_space<vmem>>, vector<1x256xf32>
      tpu.vector_store %arg10[%swap3A_72, %swap3A_73], %broadcast_in_dim3A_71 {strides = array<i32>} : memref<1x256xf32, #tpu.memory_space<vmem>>, vector<1x256xf32>,
      %broadcast_in_dim3A_75 = arith.constant 0.000000e+00 : f32
      %broadcast_in_dim3A_76 = vector.broadcast %broadcast_in_dim3A_75 : f32 to vector<1x256xf32>
      %swap3A_77 = arith.constant 0 : index
      %swap3A_78 = arith.constant 0 : index
      %swap3A_79 = vector.load %arg11[%swap3A_77, %swap3A_78] : memref<1x256xf32, #tpu.memory_space<vmem>>, vector<1x256xf32>
      tpu.vector_store %arg11[%swap3A_77, %swap3A_78], %broadcast_in_dim3A_76 {strides = array<i32>} : memref<1x256xf32, #tpu.memory_space<vmem>>, vector<1x256xf32>,
    } else {
    }
    %get3A_50 = arith.constant 0 : index
    %get3A_51 = arith.constant 0 : index
    %get3A_52 = vector.load %arg10[%get3A_50, %get3A_51] : memref<1x256xf32, #tpu.memory_space<vmem>>, vector<1x256xf32>
    %reduce_sum3A = arith.constant dense<0.000000e+00> : vector<256xf32>
    %reduce_sum3A_53 = vector.multi_reduction <add>, %select_n3A, %reduce_sum3A [0] : vector<1024x256xf32> to vector<256xf32>
    %broadcast_in_dim3A_54 = vector.shape_cast %reduce_sum3A_53 : vector<256xf32> to vector<1x256xf32>
    %add3A_55 = arith.addf %get3A_52, %broadcast_in_dim3A_54 : vector<1x256xf32>
    %swap3A_56 = arith.constant 0 : index
    %swap3A_57 = arith.constant 0 : index
    %swap3A_58 = vector.load %arg10[%swap3A_56, %swap3A_57] : memref<1x256xf32, #tpu.memory_space<vmem>>, vector<1x256xf32>
    tpu.vector_store %arg10[%swap3A_56, %swap3A_57], %add3A_55 {strides = array<i32>} : memref<1x256xf32, #tpu.memory_space<vmem>>, vector<1x256xf32>,
    %get3A_59 = arith.constant 0 : index
    %get3A_60 = arith.constant 0 : index
    %get3A_61 = vector.load %arg11[%get3A_59, %get3A_60] : memref<1x256xf32, #tpu.memory_space<vmem>>, vector<1x256xf32>
    %mul3A_62 = arith.mulf %select_n3A, %select_n3A : vector<1024x256xf32>
    %reduce_sum3A_63 = arith.constant dense<0.000000e+00> : vector<256xf32>
    %reduce_sum3A_64 = vector.multi_reduction <add>, %mul3A_62, %reduce_sum3A_63 [0] : vector<1024x256xf32> to vector<256xf32>
    %broadcast_in_dim3A_65 = vector.shape_cast %reduce_sum3A_64 : vector<256xf32> to vector<1x256xf32>
    %add3A_66 = arith.addf %get3A_61, %broadcast_in_dim3A_65 : vector<1x256xf32>
    %swap3A_67 = arith.constant 0 : index
    %swap3A_68 = arith.constant 0 : index
    %swap3A_69 = vector.load %arg11[%swap3A_67, %swap3A_68] : memref<1x256xf32, #tpu.memory_space<vmem>>, vector<1x256xf32>
    tpu.vector_store %arg11[%swap3A_67, %swap3A_68], %add3A_66 {strides = array<i32>} : memref<1x256xf32, #tpu.memory_space<vmem>>, vector<1x256xf32>,
    return
  }
  func.func @transform_0(%arg0: i32) -> (i32, i32) {
    %c0_i32 = arith.constant 0 : i32
    %c0_i32_0 = arith.constant 0 : i32
    return %arg0, %c0_i32 : i32, i32
  }
  func.func @transform_1(%arg0: i32) -> (i32, i32) {
    %add3A = arith.constant 10 : i32
    %add3A_0 = arith.addi %arg0, %add3A : i32
    %c0_i32 = arith.constant 0 : i32
    %c0_i32_1 = arith.constant 0 : i32
    return %add3A_0, %c0_i32 : i32, i32
  }
  func.func @transform_2(%arg0: i32) -> (i32, i32) {
    %c0_i32 = arith.constant 0 : i32
    %c0_i32_0 = arith.constant 0 : i32
    return %arg0, %c0_i32 : i32, i32
  }
  func.func @transform_3(%arg0: i32) -> (i32, i32) {
    %c0_i32 = arith.constant 0 : i32
    %c0_i32_0 = arith.constant 0 : i32
    return %arg0, %c0_i32 : i32, i32
  }
  func.func @transform_4(%arg0: i32) -> (i32, i32) {
    %c0_i32 = arith.constant 0 : i32
    %c0_i32_0 = arith.constant 0 : i32
    %c0_i32_1 = arith.constant 0 : i32
    return %c0_i32, %c0_i32_0 : i32, i32
  }
  func.func @transform_5(%arg0: i32) -> (i32, i32) {
    %c0_i32 = arith.constant 0 : i32
    %c0_i32_0 = arith.constant 0 : i32
    %c0_i32_1 = arith.constant 0 : i32
    return %c0_i32, %c0_i32_0 : i32, i32
  }
  func.func @transform_6(%arg0: i32) -> (i32, i32) {
    %c0_i32 = arith.constant 0 : i32
    %c0_i32_0 = arith.constant 0 : i32
    %c0_i32_1 = arith.constant 0 : i32
    return %c0_i32, %c0_i32_0 : i32, i32
  }
  func.func @transform_7(%arg0: i32) -> (i32, i32) {
    %c0_i32 = arith.constant 0 : i32
    %c0_i32_0 = arith.constant 0 : i32
    %c0_i32_1 = arith.constant 0 : i32
    return %c0_i32, %c0_i32_0 : i32, i32
  }
  func.func @transform_8(%arg0: i32) -> (i32, i32) {
    %c0_i32 = arith.constant 0 : i32
    %c0_i32_0 = arith.constant 0 : i32
    return %arg0, %c0_i32 : i32, i32
  }
  func.func @transform_9(%arg0: i32) -> (i32, i32) {
    %c0_i32 = arith.constant 0 : i32
    %c0_i32_0 = arith.constant 0 : i32
    %c0_i32_1 = arith.constant 0 : i32
    return %c0_i32, %c0_i32_0 : i32, i32
  }
  func.func @transform_10(%arg0: i32) -> (i32, i32) {
    %c0_i32 = arith.constant 0 : i32
    %c0_i32_0 = arith.constant 0 : i32
    %c0_i32_1 = arith.constant 0 : i32
    return %c0_i32, %c0_i32_0 : i32, i32
  }
}

module attributes {stable_mosaic.version = 14 : i64} {
  func.func @body(%arg0: i32, %arg1: memref<1024x256xf32, #tpu.memory_space<vmem>>, %arg2: memref<1x256xf32, #tpu.memory_space<vmem>>, %arg3: memref<1x256xf32, #tpu.memory_space<vmem>>, %arg4: memref<1x256xf32, #tpu.memory_space<vmem>>, %arg5: memref<1x256xf32, #tpu.memory_space<vmem>>, %arg6: memref<1024x256xf32, #tpu.memory_space<vmem>>) attributes {dimension_semantics = [#tpu.dimension_semantics<arbitrary>], iteration_bounds = array<i64: 10>, scalar_prefetch = 0 : i64, scratch_operands = 0 : i64, tpu.core_type = #tpu.core_type<tc>, window_params = [{transform_indices = @transform_0, window_bounds = array<i64: 1024, 256>}, {pipeline_mode = #tpu.pipeline_mode<synchronous>, transform_indices = @transform_1, window_bounds = array<i64: 1, 256>}, {pipeline_mode = #tpu.pipeline_mode<synchronous>, transform_indices = @transform_2, window_bounds = array<i64: 1, 256>}, {pipeline_mode = #tpu.pipeline_mode<synchronous>, transform_indices = @transform_3, window_bounds = array<i64: 1, 256>}, {pipeline_mode = #tpu.pipeline_mode<synchronous>, transform_indices = @transform_4, window_bounds = array<i64: 1, 256>}, {transform_indices = @transform_5, window_bounds = array<i64: 1024, 256>}]} {
    %get3A = arith.constant 0 : index
    %get3A_0 = arith.constant 0 : index
    %get3A_1 = vector.load %arg2[%get3A, %get3A_0] : memref<1x256xf32, #tpu.memory_space<vmem>>, vector<1x256xf32>
    %div3A = arith.constant 1.000000e+04 : f32
    %div3A_2 = vector.broadcast %div3A : f32 to vector<1x256xf32>
    %div3A_3 = arith.divf %get3A_1, %div3A_2 : vector<1x256xf32>
    %get3A_4 = arith.constant 0 : index
    %get3A_5 = arith.constant 0 : index
    %get3A_6 = vector.load %arg3[%get3A_4, %get3A_5] : memref<1x256xf32, #tpu.memory_space<vmem>>, vector<1x256xf32>
    %div3A_7 = arith.constant 1.000000e+04 : f32
    %div3A_8 = vector.broadcast %div3A_7 : f32 to vector<1x256xf32>
    %div3A_9 = arith.divf %get3A_6, %div3A_8 : vector<1x256xf32>
    %mul3A = arith.mulf %div3A_3, %div3A_3 : vector<1x256xf32>
    %sub3A = arith.subf %div3A_9, %mul3A : vector<1x256xf32>
    %get3A_10 = arith.constant 0 : index
    %get3A_11 = arith.constant 0 : index
    %get3A_12 = vector.load %arg1[%get3A_10, %get3A_11] : memref<1024x256xf32, #tpu.memory_space<vmem>>, vector<1024x256xf32>
    %sub3A_13 = vector.broadcast %div3A_3 : vector<1x256xf32> to vector<1024x256xf32>
    %sub3A_14 = arith.subf %get3A_12, %sub3A_13 : vector<1024x256xf32>
    %add3A = arith.constant 9.99999974E-6 : f32
    %add3A_15 = vector.broadcast %add3A : f32 to vector<1x256xf32>
    %add3A_16 = arith.addf %sub3A, %add3A_15 : vector<1x256xf32>
    %rsqrt3A = math.rsqrt %add3A_16 : vector<1x256xf32>
    %mul3A_17 = vector.broadcast %rsqrt3A : vector<1x256xf32> to vector<1024x256xf32>
    %mul3A_18 = arith.mulf %sub3A_14, %mul3A_17 : vector<1024x256xf32>
    %get3A_19 = arith.constant 0 : index
    %get3A_20 = arith.constant 0 : index
    %get3A_21 = vector.load %arg4[%get3A_19, %get3A_20] : memref<1x256xf32, #tpu.memory_space<vmem>>, vector<1x256xf32>
    %mul3A_22 = vector.broadcast %get3A_21 : vector<1x256xf32> to vector<1024x256xf32>
    %mul3A_23 = arith.mulf %mul3A_18, %mul3A_22 : vector<1024x256xf32>
    %get3A_24 = arith.constant 0 : index
    %get3A_25 = arith.constant 0 : index
    %get3A_26 = vector.load %arg5[%get3A_24, %get3A_25] : memref<1x256xf32, #tpu.memory_space<vmem>>, vector<1x256xf32>
    %add3A_27 = vector.broadcast %get3A_26 : vector<1x256xf32> to vector<1024x256xf32>
    %add3A_28 = arith.addf %mul3A_23, %add3A_27 : vector<1024x256xf32>
    %max3A = arith.constant 0.000000e+00 : f32
    %max3A_29 = vector.broadcast %max3A : f32 to vector<1024x256xf32>
    %max3A_30 = arith.maximumf %add3A_28, %max3A_29 : vector<1024x256xf32>
    %swap3A = arith.constant 0 : index
    %swap3A_31 = arith.constant 0 : index
    %swap3A_32 = vector.load %arg6[%swap3A, %swap3A_31] : memref<1024x256xf32, #tpu.memory_space<vmem>>, vector<1024x256xf32>
    tpu.vector_store %arg6[%swap3A, %swap3A_31], %max3A_30 {strides = array<i32>} : memref<1024x256xf32, #tpu.memory_space<vmem>>, vector<1024x256xf32>,
    return
  }
  func.func @transform_0(%arg0: i32) -> (i32, i32) {
    %c0_i32 = arith.constant 0 : i32
    %c0_i32_0 = arith.constant 0 : i32
    return %arg0, %c0_i32 : i32, i32
  }
  func.func @transform_1(%arg0: i32) -> (i32, i32) {
    %c0_i32 = arith.constant 0 : i32
    %c0_i32_0 = arith.constant 0 : i32
    %c0_i32_1 = arith.constant 0 : i32
    return %c0_i32, %c0_i32_0 : i32, i32
  }
  func.func @transform_2(%arg0: i32) -> (i32, i32) {
    %c0_i32 = arith.constant 0 : i32
    %c0_i32_0 = arith.constant 0 : i32
    %c0_i32_1 = arith.constant 0 : i32
    return %c0_i32, %c0_i32_0 : i32, i32
  }
  func.func @transform_3(%arg0: i32) -> (i32, i32) {
    %c0_i32 = arith.constant 0 : i32
    %c0_i32_0 = arith.constant 0 : i32
    %c0_i32_1 = arith.constant 0 : i32
    return %c0_i32, %c0_i32_0 : i32, i32
  }
  func.func @transform_4(%arg0: i32) -> (i32, i32) {
    %c0_i32 = arith.constant 0 : i32
    %c0_i32_0 = arith.constant 0 : i32
    %c0_i32_1 = arith.constant 0 : i32
    return %c0_i32, %c0_i32_0 : i32, i32
  }
  func.func @transform_5(%arg0: i32) -> (i32, i32) {
    %c0_i32 = arith.constant 0 : i32
    %c0_i32_0 = arith.constant 0 : i32
    return %arg0, %c0_i32 : i32, i32
  }
}

module attributes {stable_mosaic.version = 14 : i64} {
  func.func @body(%arg0: i32, %arg1: memref<1024x128xf32, #tpu.memory_space<vmem>>, %arg2: memref<1024x128xf32, #tpu.memory_space<vmem>>, %arg3: memref<1024x80xf32, #tpu.memory_space<vmem>>, %arg4: memref<1024x256xf32, #tpu.memory_space<vmem>>, %arg5: memref<128x256xf32, #tpu.memory_space<vmem>>, %arg6: memref<128x256xf32, #tpu.memory_space<vmem>>, %arg7: memref<256x256xf32, #tpu.memory_space<vmem>>, %arg8: memref<1x256xf32, #tpu.memory_space<vmem>>, %arg9: memref<1024x256xf32, #tpu.memory_space<vmem>>, %arg10: memref<1x256xf32, #tpu.memory_space<vmem>>, %arg11: memref<1x256xf32, #tpu.memory_space<vmem>>) attributes {dimension_semantics = [#tpu.dimension_semantics<arbitrary>], iteration_bounds = array<i64: 10>, scalar_prefetch = 0 : i64, scratch_operands = 0 : i64, tpu.core_type = #tpu.core_type<tc>, window_params = [{transform_indices = @transform_0, window_bounds = array<i64: 1024, 128>}, {transform_indices = @transform_1, window_bounds = array<i64: 1024, 128>}, {transform_indices = @transform_2, window_bounds = array<i64: 1024, 80>}, {transform_indices = @transform_3, window_bounds = array<i64: 1024, 256>}, {pipeline_mode = #tpu.pipeline_mode<synchronous>, transform_indices = @transform_4, window_bounds = array<i64: 128, 256>}, {pipeline_mode = #tpu.pipeline_mode<synchronous>, transform_indices = @transform_5, window_bounds = array<i64: 128, 256>}, {pipeline_mode = #tpu.pipeline_mode<synchronous>, transform_indices = @transform_6, window_bounds = array<i64: 256, 256>}, {pipeline_mode = #tpu.pipeline_mode<synchronous>, transform_indices = @transform_7, window_bounds = array<i64: 1, 256>}, {transform_indices = @transform_8, window_bounds = array<i64: 1024, 256>}, {pipeline_mode = #tpu.pipeline_mode<synchronous>, transform_indices = @transform_9, window_bounds = array<i64: 1, 256>}, {pipeline_mode = #tpu.pipeline_mode<synchronous>, transform_indices = @transform_10, window_bounds = array<i64: 1, 256>}]} {
    %get3A = arith.constant 0 : index
    %get3A_0 = arith.constant 64 : index
    %get3A_1 = vector.load %arg3[%get3A, %get3A_0] : memref<1024x80xf32, #tpu.memory_space<vmem>>, vector<1024x1xf32>
    %max3A = arith.constant 1.000000e+00 : f32
    %max3A_2 = vector.broadcast %max3A : f32 to vector<1024x1xf32>
    %max3A_3 = arith.maximumf %get3A_1, %max3A_2 : vector<1024x1xf32>
    %div3A = arith.constant 1.000000e+00 : f32
    %div3A_4 = vector.broadcast %div3A : f32 to vector<1024x1xf32>
    %div3A_5 = arith.divf %div3A_4, %max3A_3 : vector<1024x1xf32>
    %get3A_6 = arith.constant 0 : index
    %get3A_7 = arith.constant 0 : index
    %get3A_8 = vector.load %arg1[%get3A_6, %get3A_7] : memref<1024x128xf32, #tpu.memory_space<vmem>>, vector<1024x128xf32>
    %mul3A = vector.broadcast %div3A_5 : vector<1024x1xf32> to vector<1024x128xf32>
    %mul3A_9 = arith.mulf %get3A_8, %mul3A : vector<1024x128xf32>
    %get3A_10 = arith.constant 0 : index
    %get3A_11 = arith.constant 0 : index
    %get3A_12 = vector.load %arg5[%get3A_10, %get3A_11] : memref<128x256xf32, #tpu.memory_space<vmem>>, vector<128x256xf32>
    %dot_general3A = arith.constant dense<0.000000e+00> : vector<1024x256xf32>
    %dot_general3A_13 = tpu.matmul %mul3A_9, %get3A_12, %dot_general3A {dimension_numbers = #tpu.dot_dimension_numbers<[1], [0], [0], [1], [0, 0, 1, 1], [], []>, transpose_lhs_hint = false} : vector<1024x128xf32>, vector<128x256xf32>, vector<1024x256xf32> -> vector<1024x256xf32>
    %get3A_14 = arith.constant 0 : index
    %get3A_15 = arith.constant 0 : index
    %get3A_16 = vector.load %arg2[%get3A_14, %get3A_15] : memref<1024x128xf32, #tpu.memory_space<vmem>>, vector<1024x128xf32>
    %mul3A_17 = vector.broadcast %div3A_5 : vector<1024x1xf32> to vector<1024x128xf32>
    %mul3A_18 = arith.mulf %get3A_16, %mul3A_17 : vector<1024x128xf32>
    %get3A_19 = arith.constant 0 : index
    %get3A_20 = arith.constant 0 : index
    %get3A_21 = vector.load %arg6[%get3A_19, %get3A_20] : memref<128x256xf32, #tpu.memory_space<vmem>>, vector<128x256xf32>
    %dot_general3A_22 = arith.constant dense<0.000000e+00> : vector<1024x256xf32>
    %dot_general3A_23 = tpu.matmul %mul3A_18, %get3A_21, %dot_general3A_22 {dimension_numbers = #tpu.dot_dimension_numbers<[1], [0], [0], [1], [0, 0, 1, 1], [], []>, transpose_lhs_hint = false} : vector<1024x128xf32>, vector<128x256xf32>, vector<1024x256xf32> -> vector<1024x256xf32>
    %add3A = arith.addf %dot_general3A_13, %dot_general3A_23 : vector<1024x256xf32>
    %get3A_24 = arith.constant 0 : index
    %get3A_25 = arith.constant 0 : index
    %get3A_26 = vector.load %arg4[%get3A_24, %get3A_25] : memref<1024x256xf32, #tpu.memory_space<vmem>>, vector<1024x256xf32>
    %get3A_27 = arith.constant 0 : index
    %get3A_28 = arith.constant 0 : index
    %get3A_29 = vector.load %arg7[%get3A_27, %get3A_28] : memref<256x256xf32, #tpu.memory_space<vmem>>, vector<256x256xf32>
    %dot_general3A_30 = arith.constant dense<0.000000e+00> : vector<1024x256xf32>
    %dot_general3A_31 = tpu.matmul %get3A_26, %get3A_29, %dot_general3A_30 {dimension_numbers = #tpu.dot_dimension_numbers<[1], [0], [0], [1], [0, 0, 1, 1], [], []>, transpose_lhs_hint = false} : vector<1024x256xf32>, vector<256x256xf32>, vector<1024x256xf32> -> vector<1024x256xf32>
    %add3A_32 = arith.addf %add3A, %dot_general3A_31 : vector<1024x256xf32>
    %get3A_33 = arith.constant 0 : index
    %get3A_34 = arith.constant 0 : index
    %get3A_35 = vector.load %arg8[%get3A_33, %get3A_34] : memref<1x256xf32, #tpu.memory_space<vmem>>, vector<1x256xf32>
    %add3A_36 = vector.broadcast %get3A_35 : vector<1x256xf32> to vector<1024x256xf32>
    %add3A_37 = arith.addf %add3A_32, %add3A_36 : vector<1024x256xf32>
    %mul3A_38 = arith.constant 1024 : i32
    %mul3A_39 = arith.muli %arg0, %mul3A_38 : i32
    %iota3A = tpu.iota {dimensions = array<i32: 0>} : vector<1024x1xi32>
    %add3A_40 = vector.broadcast %mul3A_39 : i32 to vector<1024x1xi32>
    %add3A_41 = arith.addi %add3A_40, %iota3A : vector<1024x1xi32>
    %lt3A = arith.constant 10000 : i32
    %lt3A_42 = vector.broadcast %lt3A : i32 to vector<1024x1xi32>
    %lt3A_43 = arith.cmpi slt, %add3A_41, %lt3A_42 : vector<1024x1xi32>
    %jit3A = arith.constant 0.000000e+00 : f32
    %broadcast_in_dim3A = vector.shape_cast %lt3A_43 : vector<1024x1xi1> to vector<1024x1xi1>
    %broadcast_in_dim3A_44 = vector.broadcast %broadcast_in_dim3A : vector<1024x1xi1> to vector<1024x256xi1>
    %broadcast_in_dim3A_45 = vector.broadcast %jit3A : f32 to vector<1024x256xf32>
    %select_n3A = arith.select %broadcast_in_dim3A_44, %add3A_37, %broadcast_in_dim3A_45 : vector<1024x256xi1>, vector<1024x256xf32>
    %swap3A = arith.constant 0 : index
    %swap3A_46 = arith.constant 0 : index
    %swap3A_47 = vector.load %arg9[%swap3A, %swap3A_46] : memref<1024x256xf32, #tpu.memory_space<vmem>>, vector<1024x256xf32>
    tpu.vector_store %arg9[%swap3A, %swap3A_46], %select_n3A {strides = array<i32>} : memref<1024x256xf32, #tpu.memory_space<vmem>>, vector<1024x256xf32>,
    %eq3A = arith.constant 0 : i32
    %eq3A_48 = arith.cmpi eq, %arg0, %eq3A : i32
    %convert_element_type3A = arith.extui %eq3A_48 : i1 to i32
    %cond3A = arith.constant 0 : i32
    %cond3A_49 = arith.cmpi ne, %convert_element_type3A, %cond3A : i32
    scf.if %cond3A_49 {
      %broadcast_in_dim3A_70 = arith.constant 0.000000e+00 : f32
      %broadcast_in_dim3A_71 = vector.broadcast %broadcast_in_dim3A_70 : f32 to vector<1x256xf32>
      %swap3A_72 = arith.constant 0 : index
      %swap3A_73 = arith.constant 0 : index
      %swap3A_74 = vector.load %arg10[%swap3A_72, %swap3A_73] : memref<1x256xf32, #tpu.memory_space<vmem>>, vector<1x256xf32>
      tpu.vector_store %arg10[%swap3A_72, %swap3A_73], %broadcast_in_dim3A_71 {strides = array<i32>} : memref<1x256xf32, #tpu.memory_space<vmem>>, vector<1x256xf32>,
      %broadcast_in_dim3A_75 = arith.constant 0.000000e+00 : f32
      %broadcast_in_dim3A_76 = vector.broadcast %broadcast_in_dim3A_75 : f32 to vector<1x256xf32>
      %swap3A_77 = arith.constant 0 : index
      %swap3A_78 = arith.constant 0 : index
      %swap3A_79 = vector.load %arg11[%swap3A_77, %swap3A_78] : memref<1x256xf32, #tpu.memory_space<vmem>>, vector<1x256xf32>
      tpu.vector_store %arg11[%swap3A_77, %swap3A_78], %broadcast_in_dim3A_76 {strides = array<i32>} : memref<1x256xf32, #tpu.memory_space<vmem>>, vector<1x256xf32>,
    } else {
    }
    %get3A_50 = arith.constant 0 : index
    %get3A_51 = arith.constant 0 : index
    %get3A_52 = vector.load %arg10[%get3A_50, %get3A_51] : memref<1x256xf32, #tpu.memory_space<vmem>>, vector<1x256xf32>
    %reduce_sum3A = arith.constant dense<0.000000e+00> : vector<256xf32>
    %reduce_sum3A_53 = vector.multi_reduction <add>, %select_n3A, %reduce_sum3A [0] : vector<1024x256xf32> to vector<256xf32>
    %broadcast_in_dim3A_54 = vector.shape_cast %reduce_sum3A_53 : vector<256xf32> to vector<1x256xf32>
    %add3A_55 = arith.addf %get3A_52, %broadcast_in_dim3A_54 : vector<1x256xf32>
    %swap3A_56 = arith.constant 0 : index
    %swap3A_57 = arith.constant 0 : index
    %swap3A_58 = vector.load %arg10[%swap3A_56, %swap3A_57] : memref<1x256xf32, #tpu.memory_space<vmem>>, vector<1x256xf32>
    tpu.vector_store %arg10[%swap3A_56, %swap3A_57], %add3A_55 {strides = array<i32>} : memref<1x256xf32, #tpu.memory_space<vmem>>, vector<1x256xf32>,
    %get3A_59 = arith.constant 0 : index
    %get3A_60 = arith.constant 0 : index
    %get3A_61 = vector.load %arg11[%get3A_59, %get3A_60] : memref<1x256xf32, #tpu.memory_space<vmem>>, vector<1x256xf32>
    %mul3A_62 = arith.mulf %select_n3A, %select_n3A : vector<1024x256xf32>
    %reduce_sum3A_63 = arith.constant dense<0.000000e+00> : vector<256xf32>
    %reduce_sum3A_64 = vector.multi_reduction <add>, %mul3A_62, %reduce_sum3A_63 [0] : vector<1024x256xf32> to vector<256xf32>
    %broadcast_in_dim3A_65 = vector.shape_cast %reduce_sum3A_64 : vector<256xf32> to vector<1x256xf32>
    %add3A_66 = arith.addf %get3A_61, %broadcast_in_dim3A_65 : vector<1x256xf32>
    %swap3A_67 = arith.constant 0 : index
    %swap3A_68 = arith.constant 0 : index
    %swap3A_69 = vector.load %arg11[%swap3A_67, %swap3A_68] : memref<1x256xf32, #tpu.memory_space<vmem>>, vector<1x256xf32>
    tpu.vector_store %arg11[%swap3A_67, %swap3A_68], %add3A_66 {strides = array<i32>} : memref<1x256xf32, #tpu.memory_space<vmem>>, vector<1x256xf32>,
    return
  }
  func.func @transform_0(%arg0: i32) -> (i32, i32) {
    %c0_i32 = arith.constant 0 : i32
    %c0_i32_0 = arith.constant 0 : i32
    return %arg0, %c0_i32 : i32, i32
  }
  func.func @transform_1(%arg0: i32) -> (i32, i32) {
    %add3A = arith.constant 10 : i32
    %add3A_0 = arith.addi %arg0, %add3A : i32
    %c0_i32 = arith.constant 0 : i32
    %c0_i32_1 = arith.constant 0 : i32
    return %add3A_0, %c0_i32 : i32, i32
  }
  func.func @transform_2(%arg0: i32) -> (i32, i32) {
    %c0_i32 = arith.constant 0 : i32
    %c0_i32_0 = arith.constant 0 : i32
    return %arg0, %c0_i32 : i32, i32
  }
  func.func @transform_3(%arg0: i32) -> (i32, i32) {
    %c0_i32 = arith.constant 0 : i32
    %c0_i32_0 = arith.constant 0 : i32
    return %arg0, %c0_i32 : i32, i32
  }
  func.func @transform_4(%arg0: i32) -> (i32, i32) {
    %c0_i32 = arith.constant 0 : i32
    %c0_i32_0 = arith.constant 0 : i32
    %c0_i32_1 = arith.constant 0 : i32
    return %c0_i32, %c0_i32_0 : i32, i32
  }
  func.func @transform_5(%arg0: i32) -> (i32, i32) {
    %c0_i32 = arith.constant 0 : i32
    %c0_i32_0 = arith.constant 0 : i32
    %c0_i32_1 = arith.constant 0 : i32
    return %c0_i32, %c0_i32_0 : i32, i32
  }
  func.func @transform_6(%arg0: i32) -> (i32, i32) {
    %c0_i32 = arith.constant 0 : i32
    %c0_i32_0 = arith.constant 0 : i32
    %c0_i32_1 = arith.constant 0 : i32
    return %c0_i32, %c0_i32_0 : i32, i32
  }
  func.func @transform_7(%arg0: i32) -> (i32, i32) {
    %c0_i32 = arith.constant 0 : i32
    %c0_i32_0 = arith.constant 0 : i32
    %c0_i32_1 = arith.constant 0 : i32
    return %c0_i32, %c0_i32_0 : i32, i32
  }
  func.func @transform_8(%arg0: i32) -> (i32, i32) {
    %c0_i32 = arith.constant 0 : i32
    %c0_i32_0 = arith.constant 0 : i32
    return %arg0, %c0_i32 : i32, i32
  }
  func.func @transform_9(%arg0: i32) -> (i32, i32) {
    %c0_i32 = arith.constant 0 : i32
    %c0_i32_0 = arith.constant 0 : i32
    %c0_i32_1 = arith.constant 0 : i32
    return %c0_i32, %c0_i32_0 : i32, i32
  }
  func.func @transform_10(%arg0: i32) -> (i32, i32) {
    %c0_i32 = arith.constant 0 : i32
    %c0_i32_0 = arith.constant 0 : i32
    %c0_i32_1 = arith.constant 0 : i32
    return %c0_i32, %c0_i32_0 : i32, i32
  }
}

module attributes {stable_mosaic.version = 14 : i64} {
  func.func @body(%arg0: i32, %arg1: memref<1024x128xf32, #tpu.memory_space<vmem>>, %arg2: memref<1024x128xf32, #tpu.memory_space<vmem>>, %arg3: memref<1024x80xf32, #tpu.memory_space<vmem>>, %arg4: memref<1024x256xf32, #tpu.memory_space<vmem>>, %arg5: memref<128x64xf32, #tpu.memory_space<vmem>>, %arg6: memref<128x64xf32, #tpu.memory_space<vmem>>, %arg7: memref<256x64xf32, #tpu.memory_space<vmem>>, %arg8: memref<1x64xf32, #tpu.memory_space<vmem>>, %arg9: memref<1024x64xf32, #tpu.memory_space<vmem>>) attributes {dimension_semantics = [#tpu.dimension_semantics<arbitrary>], iteration_bounds = array<i64: 10>, scalar_prefetch = 0 : i64, scratch_operands = 0 : i64, tpu.core_type = #tpu.core_type<tc>, window_params = [{transform_indices = @transform_0, window_bounds = array<i64: 1024, 128>}, {transform_indices = @transform_1, window_bounds = array<i64: 1024, 128>}, {transform_indices = @transform_2, window_bounds = array<i64: 1024, 80>}, {transform_indices = @transform_3, window_bounds = array<i64: 1024, 256>}, {pipeline_mode = #tpu.pipeline_mode<synchronous>, transform_indices = @transform_4, window_bounds = array<i64: 128, 64>}, {pipeline_mode = #tpu.pipeline_mode<synchronous>, transform_indices = @transform_5, window_bounds = array<i64: 128, 64>}, {pipeline_mode = #tpu.pipeline_mode<synchronous>, transform_indices = @transform_6, window_bounds = array<i64: 256, 64>}, {pipeline_mode = #tpu.pipeline_mode<synchronous>, transform_indices = @transform_7, window_bounds = array<i64: 1, 64>}, {transform_indices = @transform_8, window_bounds = array<i64: 1024, 64>}]} {
    %get3A = arith.constant 0 : index
    %get3A_0 = arith.constant 64 : index
    %get3A_1 = vector.load %arg3[%get3A, %get3A_0] : memref<1024x80xf32, #tpu.memory_space<vmem>>, vector<1024x1xf32>
    %max3A = arith.constant 1.000000e+00 : f32
    %max3A_2 = vector.broadcast %max3A : f32 to vector<1024x1xf32>
    %max3A_3 = arith.maximumf %get3A_1, %max3A_2 : vector<1024x1xf32>
    %div3A = arith.constant 1.000000e+00 : f32
    %div3A_4 = vector.broadcast %div3A : f32 to vector<1024x1xf32>
    %div3A_5 = arith.divf %div3A_4, %max3A_3 : vector<1024x1xf32>
    %get3A_6 = arith.constant 0 : index
    %get3A_7 = arith.constant 0 : index
    %get3A_8 = vector.load %arg1[%get3A_6, %get3A_7] : memref<1024x128xf32, #tpu.memory_space<vmem>>, vector<1024x128xf32>
    %mul3A = vector.broadcast %div3A_5 : vector<1024x1xf32> to vector<1024x128xf32>
    %mul3A_9 = arith.mulf %get3A_8, %mul3A : vector<1024x128xf32>
    %get3A_10 = arith.constant 0 : index
    %get3A_11 = arith.constant 0 : index
    %get3A_12 = vector.load %arg5[%get3A_10, %get3A_11] : memref<128x64xf32, #tpu.memory_space<vmem>>, vector<128x64xf32>
    %dot_general3A = arith.constant dense<0.000000e+00> : vector<1024x64xf32>
    %dot_general3A_13 = tpu.matmul %mul3A_9, %get3A_12, %dot_general3A {dimension_numbers = #tpu.dot_dimension_numbers<[1], [0], [0], [1], [0, 0, 1, 1], [], []>, transpose_lhs_hint = false} : vector<1024x128xf32>, vector<128x64xf32>, vector<1024x64xf32> -> vector<1024x64xf32>
    %get3A_14 = arith.constant 0 : index
    %get3A_15 = arith.constant 0 : index
    %get3A_16 = vector.load %arg2[%get3A_14, %get3A_15] : memref<1024x128xf32, #tpu.memory_space<vmem>>, vector<1024x128xf32>
    %mul3A_17 = vector.broadcast %div3A_5 : vector<1024x1xf32> to vector<1024x128xf32>
    %mul3A_18 = arith.mulf %get3A_16, %mul3A_17 : vector<1024x128xf32>
    %get3A_19 = arith.constant 0 : index
    %get3A_20 = arith.constant 0 : index
    %get3A_21 = vector.load %arg6[%get3A_19, %get3A_20] : memref<128x64xf32, #tpu.memory_space<vmem>>, vector<128x64xf32>
    %dot_general3A_22 = arith.constant dense<0.000000e+00> : vector<1024x64xf32>
    %dot_general3A_23 = tpu.matmul %mul3A_18, %get3A_21, %dot_general3A_22 {dimension_numbers = #tpu.dot_dimension_numbers<[1], [0], [0], [1], [0, 0, 1, 1], [], []>, transpose_lhs_hint = false} : vector<1024x128xf32>, vector<128x64xf32>, vector<1024x64xf32> -> vector<1024x64xf32>
    %add3A = arith.addf %dot_general3A_13, %dot_general3A_23 : vector<1024x64xf32>
    %get3A_24 = arith.constant 0 : index
    %get3A_25 = arith.constant 0 : index
    %get3A_26 = vector.load %arg4[%get3A_24, %get3A_25] : memref<1024x256xf32, #tpu.memory_space<vmem>>, vector<1024x256xf32>
    %get3A_27 = arith.constant 0 : index
    %get3A_28 = arith.constant 0 : index
    %get3A_29 = vector.load %arg7[%get3A_27, %get3A_28] : memref<256x64xf32, #tpu.memory_space<vmem>>, vector<256x64xf32>
    %dot_general3A_30 = arith.constant dense<0.000000e+00> : vector<1024x64xf32>
    %dot_general3A_31 = tpu.matmul %get3A_26, %get3A_29, %dot_general3A_30 {dimension_numbers = #tpu.dot_dimension_numbers<[1], [0], [0], [1], [0, 0, 1, 1], [], []>, transpose_lhs_hint = false} : vector<1024x256xf32>, vector<256x64xf32>, vector<1024x64xf32> -> vector<1024x64xf32>
    %add3A_32 = arith.addf %add3A, %dot_general3A_31 : vector<1024x64xf32>
    %get3A_33 = arith.constant 0 : index
    %get3A_34 = arith.constant 0 : index
    %get3A_35 = vector.load %arg8[%get3A_33, %get3A_34] : memref<1x64xf32, #tpu.memory_space<vmem>>, vector<1x64xf32>
    %add3A_36 = vector.broadcast %get3A_35 : vector<1x64xf32> to vector<1024x64xf32>
    %add3A_37 = arith.addf %add3A_32, %add3A_36 : vector<1024x64xf32>
    %mul3A_38 = arith.constant 1024 : i32
    %mul3A_39 = arith.muli %arg0, %mul3A_38 : i32
    %iota3A = tpu.iota {dimensions = array<i32: 0>} : vector<1024x1xi32>
    %add3A_40 = vector.broadcast %mul3A_39 : i32 to vector<1024x1xi32>
    %add3A_41 = arith.addi %add3A_40, %iota3A : vector<1024x1xi32>
    %lt3A = arith.constant 10000 : i32
    %lt3A_42 = vector.broadcast %lt3A : i32 to vector<1024x1xi32>
    %lt3A_43 = arith.cmpi slt, %add3A_41, %lt3A_42 : vector<1024x1xi32>
    %jit3A = arith.constant 0.000000e+00 : f32
    %broadcast_in_dim3A = vector.shape_cast %lt3A_43 : vector<1024x1xi1> to vector<1024x1xi1>
    %broadcast_in_dim3A_44 = vector.broadcast %broadcast_in_dim3A : vector<1024x1xi1> to vector<1024x64xi1>
    %broadcast_in_dim3A_45 = vector.broadcast %jit3A : f32 to vector<1024x64xf32>
    %select_n3A = arith.select %broadcast_in_dim3A_44, %add3A_37, %broadcast_in_dim3A_45 : vector<1024x64xi1>, vector<1024x64xf32>
    %swap3A = arith.constant 0 : index
    %swap3A_46 = arith.constant 0 : index
    %swap3A_47 = vector.load %arg9[%swap3A, %swap3A_46] : memref<1024x64xf32, #tpu.memory_space<vmem>>, vector<1024x64xf32>
    tpu.vector_store %arg9[%swap3A, %swap3A_46], %select_n3A {strides = array<i32>} : memref<1024x64xf32, #tpu.memory_space<vmem>>, vector<1024x64xf32>,
    return
  }
  func.func @transform_0(%arg0: i32) -> (i32, i32) {
    %c0_i32 = arith.constant 0 : i32
    %c0_i32_0 = arith.constant 0 : i32
    return %arg0, %c0_i32 : i32, i32
  }
  func.func @transform_1(%arg0: i32) -> (i32, i32) {
    %add3A = arith.constant 10 : i32
    %add3A_0 = arith.addi %arg0, %add3A : i32
    %c0_i32 = arith.constant 0 : i32
    %c0_i32_1 = arith.constant 0 : i32
    return %add3A_0, %c0_i32 : i32, i32
  }
  func.func @transform_2(%arg0: i32) -> (i32, i32) {
    %c0_i32 = arith.constant 0 : i32
    %c0_i32_0 = arith.constant 0 : i32
    return %arg0, %c0_i32 : i32, i32
  }
  func.func @transform_3(%arg0: i32) -> (i32, i32) {
    %c0_i32 = arith.constant 0 : i32
    %c0_i32_0 = arith.constant 0 : i32
    return %arg0, %c0_i32 : i32, i32
  }
  func.func @transform_4(%arg0: i32) -> (i32, i32) {
    %c0_i32 = arith.constant 0 : i32
    %c0_i32_0 = arith.constant 0 : i32
    %c0_i32_1 = arith.constant 0 : i32
    return %c0_i32, %c0_i32_0 : i32, i32
  }
  func.func @transform_5(%arg0: i32) -> (i32, i32) {
    %c0_i32 = arith.constant 0 : i32
    %c0_i32_0 = arith.constant 0 : i32
    %c0_i32_1 = arith.constant 0 : i32
    return %c0_i32, %c0_i32_0 : i32, i32
  }
  func.func @transform_6(%arg0: i32) -> (i32, i32) {
    %c0_i32 = arith.constant 0 : i32
    %c0_i32_0 = arith.constant 0 : i32
    %c0_i32_1 = arith.constant 0 : i32
    return %c0_i32, %c0_i32_0 : i32, i32
  }
  func.func @transform_7(%arg0: i32) -> (i32, i32) {
    %c0_i32 = arith.constant 0 : i32
    %c0_i32_0 = arith.constant 0 : i32
    %c0_i32_1 = arith.constant 0 : i32
    return %c0_i32, %c0_i32_0 : i32, i32
  }
  func.func @transform_8(%arg0: i32) -> (i32, i32) {
    %c0_i32 = arith.constant 0 : i32
    %c0_i32_0 = arith.constant 0 : i32
    return %arg0, %c0_i32 : i32, i32
  }
}

</mosaic_0001>

<sc_bundles>
// kernel: kernel.10.cloned.1.call-start
scs
__scs_entry_jumppad:
0x0: {  	(pc) =	sbr.rel $0x88, $3  }
0x1: {  	(tag) =	ssettag $0x0;
	lr =	simm.s32 $0x1  }
0x2: {  	[smem:$0x3F92] =	sst lr;
	_ =	strace $0xD0000000  }
0x3: {  	_ = 	snop  }
0x4: {  	_ = 	snop  }
0x5: {  	_ = 	snop  }
0x6: {  	_ = 	snop  }
0x7: {  	_ = 	snop  }
__scs_overlays_trampoline_lowered:
0x8: {  	[smem:$0x3FA1] =	sst s0  }
0x9: {  	[smem:$0x3FA2] =	sst s1  }
0xa: {  	[smem:$0x3FA3] =	sst s2  }
0xb: {  	[smem:$0x3FA4] =	sst s3  }
0xc: {  	[smem:$0x3FA5] =	sst s4  }
0xd: {  	[smem:$0x3FA6] =	sst s5  }
0xe: {  	[smem:$0x3FA7] =	sst s6  }
0xf: {  	[smem:$0x3FA8] =	sst s7  }
0x10: {  	[smem:$0x3FA9] =	sst s8  }
0x11: {  	[smem:$0x3FAA] =	sst s9;
	s0 =	simm.s32 @!p0 $0x0  }
0x12: {  	s1 =	sld [smem:$0x3F90];
	s0 =	simm.s32 @p0 $0x1  }
0x13: {  	[smem:$0x3FAB] =	sst s0;
	s0 =	simm.s32 @!p1 $0x0  }
0x14: {  	s2 =	sld [smem:$0x3F8F];
	s0 =	simm.s32 @p1 $0x1  }
0x15: {  	[smem:$0x3FAC] =	sst s0;
	s0 =	simm.s32 @!p2 $0x0  }
0x16: {  	s3 =	sld [smem:$0x3FDB];
	s0 =	simm.s32 @p2 $0x1  }
0x17: {  	s4 =	simm.s32 $0x1BF5;
	[smem:$0x3FAE] =	sst s0  }
0x18: {  	s0 =	sld [smem:$0x3F91];
	_ =	swait.ge [sflag:s4], $0x0  }
0x19: {  	s7 =	sld [smem:$0x3F92]  }
0x1a: {  	s8 =	sadd.s32 $0xFFFFE003, lr  }
0x1b: {  	s9 =	sadd.s32 $0xFFFFFEF7, lr;
	s5 =	simm.s32 $0xFFFFFFFF;
	p2 =	slt.u32 s8, $0xFFFFF086  }
0x1c: {  	p1 =	slt.u32 s9, $0xF7A;
	s5 =	simm.s32 @!p2 $0x0  }
0x1d: {  	s5 =	simm.s32 @p1 $0x1;
	p0 =	seq.s32 s7, s2  }
0x1e: {  	s7 =	smul.u32 @!p0 $0xF7A, s2;
	p2 =	seq.s32 @!p0 s5, $0x0  }
0x1f: {  	s9 =	smul.u32 $0xF7A, s1;
	s8 =	simm.s32 @!p0 $0x1BF5;
	p2 =	por !p2, p0  }
0x20: {  	[sflag:s8] =	ssyncset.s32 @!p0 $0xFFFFF086;
	s6 =	sadd.s32 @!p0 s3, s7;
	s7 =	simm.s32 @!p0 $0x108  }
0x21: {  	s3 =	sadd.s32 s3, s9;
	s6 =	sadd.s32 @!p0 $0x88, s6;
	s7 =	simm.s32 @p2 $0x1082  }
0x22: {  	[simem:s7], [sflag:s8] =	dma.local @!p0 [hbm:s6], $0xF7A  }
0x23: {  	s9 =	sor.u32 $0xD0000000, s2;
	s6 =	simm.s32 $0x108;
	_ =	swait.ge @!p0 [sflag:s8], $0x0  }
0x24: {  	s3 =	sadd.s32 $0x88, s3;
	s6 =	simm.s32 @!p1 $0x1082;
	[sflag:s4] =	ssyncset.s32 $0xFFFFF086  }
0x25: {  	[simem:s6], [sflag:s4] =	dma.local [hbm:s3], $0xF7A  }
0x26: {  	[smem:$0x3F92] =	sst s1;
	(tag) =	ssettag s2;
	_ =	strace s9  }
0x27: {  	s1 =	sld [smem:$0x3FA2]  }
0x28: {  	s2 =	sld [smem:$0x3FA3]  }
0x29: {  	s4 =	sld [smem:$0x3FA5]  }
0x2a: {  	p0 =	seq.s32 s5, $0x0;
	s5 =	sld [smem:$0x3FA6]  }
0x2b: {  	s6 =	sld [smem:$0x3FA7]  }
0x2c: {  	s7 =	sld [smem:$0x3FA8]  }
0x2d: {  	s3 =	simm.s32 $0x108;
	s8 =	sld [smem:$0x3FA9]  }
0x2e: {  	s3 =	simm.s32 @!p0 $0x1082;
	s9 =	sld [smem:$0x3FAA]  }
0x2f: {  	lr =	sadd.s32 s0, s3;
	s0 =	sld [smem:$0x3FA1]  }
0x30: {  	s3 =	sld [smem:$0x3FA4]  }
0x31: {  	[smem:$0x3FAD] =	sst s10  }
0x32: {  	s10 =	sld [smem:$0x3FAB];
	_ =	sdelay $0x3  }
0x33: {  	p0 =	seq.s32 s10, $0x1;
	s10 =	sld [smem:$0x3FAD];
	_ =	sdelay $0x3  }
0x34: {  	[smem:$0x3FAD] =	sst s10  }
0x35: {  	s10 =	sld [smem:$0x3FAC];
	_ =	sdelay $0x3  }
0x36: {  	p1 =	seq.s32 s10, $0x1;
	s10 =	sld [smem:$0x3FAD];
	_ =	sdelay $0x3  }
0x37: {  	[smem:$0x3FAD] =	sst s10  }
0x38: {  	s10 =	sld [smem:$0x3FAE]  }
0x39: {  	_ = 	snop;
	(pc) =	sbr.ind lr, $3  }
0x3a: {  	_ = 	snop  }
0x3b: {  	_ = 	snop  }
0x3c: {  	p2 =	seq.s32 s10, $0x1;
	s10 =	sld [smem:$0x3FAD]  }
0x3d: {  	_ =	shalt  }
0x3e: {  	_ =	shalt  }
0x3f: {  	_ =	shalt  }
0x40: {  	_ =	shalt  }
0x41: {  	_ =	shalt  }
0x42: {  	_ =	shalt  }
0x43: {  	_ =	shalt  }
0x44: {  	_ =	shalt  }
0x45: {  	_ =	shalt  }
0x46: {  	_ =	shalt  }
0x47: {  	_ =	shalt  }
0x48: {  	_ =	shalt  }
0x49: {  	_ =	shalt  }
0x4a: {  	_ =	shalt  }
0x4b: {  	_ =	shalt  }
0x4c: {  	_ =	shalt  }
0x4d: {  	_ =	shalt  }
0x4e: {  	_ =	shalt  }
0x4f: {  	_ =	shalt  }
0x50: {  	_ =	shalt  }
0x51: {  	_ =	shalt  }
0x52: {  	_ =	shalt  }
0x53: {  	_ =	shalt  }
0x54: {  	_ =	shalt  }
0x55: {  	_ =	shalt  }
0x56: {  	_ =	shalt  }
0x57: {  	_ =	shalt  }
0x58: {  	_ =	shalt  }
0x59: {  	_ =	shalt  }
0x5a: {  	_ =	shalt  }
0x5b: {  	_ =	shalt  }
0x5c: {  	_ =	shalt  }
0x5d: {  	_ =	shalt  }
0x5e: {  	_ =	shalt  }
0x5f: {  	_ =	shalt  }
0x60: {  	_ =	shalt  }
0x61: {  	_ =	shalt  }
0x62: {  	_ =	shalt  }
0x63: {  	_ =	shalt  }
0x64: {  	_ =	shalt  }
0x65: {  	_ =	shalt  }
0x66: {  	_ =	shalt  }
0x67: {  	_ =	shalt  }
0x68: {  	_ =	shalt  }
0x69: {  	_ =	shalt  }
0x6a: {  	_ =	shalt  }
0x6b: {  	_ =	shalt  }
0x6c: {  	_ =	shalt  }
0x6d: {  	_ =	shalt  }
0x6e: {  	_ =	shalt  }
0x6f: {  	_ =	shalt  }
0x70: {  	_ =	shalt  }
0x71: {  	_ =	shalt  }
0x72: {  	_ =	shalt  }
0x73: {  	_ =	shalt  }
0x74: {  	_ =	shalt  }
0x75: {  	_ =	shalt  }
0x76: {  	_ =	shalt  }
0x77: {  	_ =	shalt  }
0x78: {  	_ =	shalt  }
0x79: {  	_ =	shalt  }
0x7a: {  	_ =	shalt  }
0x7b: {  	_ =	shalt  }
0x7c: {  	_ =	shalt  }
0x7d: {  	_ =	shalt  }
0x7e: {  	_ =	shalt  }
0x7f: {  	_ =	shalt  }
0x80: {  	_ =	shalt  }
0x81: {  	_ =	shalt  }
0x82: {  	_ =	shalt  }
0x83: {  	_ =	shalt  }
0x84: {  	_ =	shalt  }
0x85: {  	_ =	shalt  }
0x86: {  	_ =	shalt  }
0x87: {  	_ =	shalt  }
.Lfunc_end0:
.L_simem_size_0:
called_computation_lowered:
.L_overlay_start_0:
0x88: {  	s2 =	sld [smem:$0x3FD9]  }
0x89: {  	s3 =	sld [smem:$0x3FFE];
	_ =	sdelay $0x1  }
0x8a: {  	s1 =	srdreg.scid  }
0x8b: {  	s0 =	sand.u32 $0x1, s1  }
0x8c: {  	s17 =	sshll.u32 s0, $0xA;
	s2 =	sadd.s32 s3, s2  }
0x8d: {  	s2 =	sadd.s32 s2, s17  }
0x8e: {  	[smem:$0x3FB9] =	sst s2  }
0x8f: {  	_ = 	snop  }
0x90: {  	s2 =	sld [smem:$0x3FD0];
	(tm) =	ssettm $0x1  }
0x91: {  	s18 =	sld [smem:$0x3FFB];
	_ =	sdelay $0x3  }
0x92: {  	_ =	strace s18  }
0x93: {  	s3 =	sld [smem:$0x3FFC];
	_ =	sdelay $0x3  }
0x94: {  	_ =	strace s3  }
0x95: {  	s3 =	sld [smem:$0x3FFD];
	_ =	sdelay $0x3  }
0x96: {  	_ =	strace s3  }
0x97: {  	_ =	strace $0x8FFFFFFF  }
0x98: {  	s19 =	sld [smem:$0x3FDB];
	_ =	sdelay $0x1  }
0x99: {  	s4 =	simm.s32 $_scs_section_size  }
0x9a: {  	s5 =	simm.s32 $_size__tile_overlayer_lowered;
	s6 =	simm.s32 $_tile_overlayer_lowered  }
0x9b: {  	s22 =	simm.s32 $0x1BFF;
	s21 =	sshll.u32 s6, $0x1;
	s3 =	sadd.s32 s4, s19  }
0x9c: {  	s7 =	simm.s32 $0x0;
	s20 =	sshll.u32 s5, $0x1;
	s5 =	sadd.s32 s21, s3  }
0x9d: {  	[timem:s7], [sflag:s22] =	dma.local [hbm:s5], s20  }
0x9e: {  	_ =	swait.ge [sflag:s22], s20  }
0x9f: {  	s4 =	ssub.s32 $0x0, s20;
	[sflag:s22] =	ssyncset.done $0x0  }
0xa0: {  	[sflag:s22] =	ssyncadd.s32 s4;
	_ =	sdelay $0x1  }
0xa1: {  	s23 =	simm.s32 $0x1B8B  }
0xa2: {  	_ =	swait.ge [sflag:s23], $0x1  }
0xa3: {  	[sflag:s23] =	ssyncset.done $0x0  }
0xa4: {  	s25 =	simm.s32 $0x1B8E;
	s24 =	sld [smem:$0x3FFE];
	[sflag:s23] =	ssyncadd.s32 $0xFFFFFFFF  }
0xa5: {  	s26 =	simm.s32 $execute0_lowered;
	[smem:$0x3FD2] =	sst s25  }
0xa6: {  	s5 =	sshll.u32 s26, $0x1;
	_ =	strace $0x80000046;
	[dreg:$0x1] =	wrdreg $0xFFFFFFFF  }
0xa7: {  	s28 =	simm.s32 $_size_execute0_lowered;
	s3 =	sadd.s32 s3, s5;
	[dreg:$0x0] =	wrdreg $0x0  }
0xa8: {  	s5 =	sshll.u32 s28, $0x1;
	[dreg:$0x2] =	wrdreg s3  }
0xa9: {  	[dreg:$0x3] =	wrdreg s5  }
0xaa: {  	[dreg:$0x4] =	wrdreg $0xC0  }
0xab: {  	_ =	task [dreg:s7], $0x5FFFF  }
0xac: {  	[dreg:$0x1] =	wrdreg $0xFFFFFFFF  }
0xad: {  	[dreg:$0x0] =	wrdreg $0x60  }
0xae: {  	[dreg:$0x2] =	wrdreg s24  }
0xaf: {  	[dreg:$0x3] =	wrdreg s2  }
0xb0: {  	[dreg:$0x4] =	wrdreg $0x72000  }
0xb1: {  	[dreg:$0x5] =	wrdreg $0x9  }
0xb2: {  	_ =	task.clear_ibuf [dreg:s7], $0x6FFFF;
	_ =	strace $0x90000046  }
0xb3: {  	s29 =	simm.s32 $0x9;
	_ =	strace $0x80000048  }
0xb4: {  	_ =	swait.ge [sflag:s29], $0x1  }
0xb5: {  	[sflag:s29] =	ssyncadd.s32 $0xFFFFFFFF  }
0xb6: {  	_ =	strace $0x90000048  }
0xb7: {  	_ =	sfence  }
0xb8: {  	s30 =	sld [smem:$0x0];
	_ =	sdelay $0x2  }
0xb9: {  	s31 =	sshll.u32 s1, $0xD;
	s1 =	sshrl.u32 s1, $0x2  }
0xba: {  	s3 =	sand.u32 $0x4000, s31;
	s1 =	sadd.s32 s1, s30  }
0xbb: {  	s0 =	sor.u32 s3, s0;
	s1 =	sshll.u32 s1, $0x11  }
0xbc: {  	s0 =	sor.u32 s1, s0  }
0xbd: {  	s0 =	sadd.s32 $0x8F2B, s0  }
0xbe: {  	[sflag:s0] =	ssyncadd.remote.s32 $0x1  }
0xbf: {  	_ =	sfence.sel $0xFFFF  }
0xc0: {  	[dreg:$0x0] =	wrdreg $0xFFFFFFFF;
	(pc) =	sbr.abs _section_cstart, $3  }
0xc1: {  	[dreg:$0x1] =	wrdreg $0xFFFFFFFF  }
0xc2: {  	_ =	task.clear_ibuf [dreg:s7], $0x2FFFF;
	_ =	strace $0x9FFFFFFF  }
0xc3: {  	(tm) =	ssettm $0x7FFFFFFF  }
tec
execute0_lowered:
.L_overlay_start_1:
0x0: {  	(tag) =	ssettag $0x1  }
0x1: {  	s1 =	srdreg.scid;
	s7 =	rddreg [dreg:$0x0]  }
0x2: {  	s0 =	stileid.u32;
	s2 =	rddreg [dreg:$0x1]  }
0x3: {  	s3 =	rddreg [dreg:$0x2];
	s4 =	simm.s32 $0x0;
	s19 =	simm.s32 $0x2200  }
0x4: {  	s20 =	simm.s32 $0x5;
	s24 =	simm.s32 $0x3;
	s5 =	smul.u32 $0x280, s0  }
0x5: {  	s25 =	simm.s32 $0x4;
	s23 =	sand.u32 $0x1, s1;
	s9 =	smul.u32 $0x9C, s0  }
0x6: {  	[smem:$0x7FF] =	sst s4;
	s10 =	smax.u32 s0, $0xC;
	s13 =	smul.u32 $0x32000, s0  }
0x7: {  	p0 =	sgt.u32 s0, $0xB;
	s15 =	smul.u32 $0x9D, s0;
	s16 =	smin.u32 s0, $0xC  }
0x8: {  	s6 =	smul.u32 $0x2800, s23;
	_ =	strace $0x80000047;
	s12 =	ssub.s32 $0x2, s23  }
0x9: {  	v0 =	vmov s23;
	s23 =	simm.s32 $0x2000;
	s28 =	sadd.s32 s9, s10;
	s29 =	sshrl.u32 s12, $0x1  }
0xa: {  	s31 =	sshrl.u32 s13, $0x2;
	s17 =	ssub.s32 s15, s16;
	s5 =	sadd.s32 s5, s6  }
0xb: {  	s6 =	sadd.s32 $0x4600, s7;
	s14 =	ssub.s32 s12, s29;
	s12 =	sadd.s32 s31, s3  }
0xc: {  	s18 =	sshll.u32 s17, $0x7;
	s8 =	smul.u32 $0xA, s5;
	s5 =	sadd.s32 $0x5E400, s7  }
.Ltmp0:
0xd: {  	s13 =	smax.u32 s14, $0x1;
	s14 =	sadd.s32 $0x2800, s12;
	(pc) =	sbr.rel .LBB2_1-.Ltmp0, $4  }
0xe: {  	s15 =	sadd.s32 $0x5000, s12;
	s16 =	sadd.s32 $0x7800, s12;
	s17 =	sadd.s32 $0xA000, s12  }
0xf: {  	s11 =	sadd.s32 s8, s7;
	s7 =	sadd.s32 $0xFFFFFFF4, s28;
	s8 =	simm.s32 $0x9D  }
0x10: {  	s18 =	sadd.s32 $0x80, s18;
	s30 =	sshll.u32 s7, $0x4;
	s8 =	simm.s32 @!p0 $0x9C  }
0x11: {  	v1 =	vimm.f32 $0.0e+00;
	s11 =	sadd.s32 $0xE400, s11;
	s9 =	sadd.s32 s6, s30;
	s10 =	sadd.s32 s2, s30  }
.LBB2_7:
0x12: {  	_ =	swait.ge [sflag:s24], $0x2800  }
0x13: {  	[sflag:s24] =	ssyncset.done $0x0  }
0x14: {  	[sflag:s24] =	ssyncadd.s32 $0xFFFFD800  }
0x15: {  	_ =	swait.ge [sflag:s25], $0x2800  }
0x16: {  	s1 =	sshll.u32 s0, $0x6;
	s4 =	sadd.s32 $0x1, s4;
	[sflag:s25] =	ssyncset.done $0x0  }
0x17: {  	s21 =	sshrl.u32 s12, $0x3;
	p0 =	sne.s32 s4, s13;
	[sflag:s25] =	ssyncadd.s32 $0xFFFFD800  }
.Ltmp1:
0x18: {  	s1 =	sor.u32 $0x1C05, s1;
	[bflag:$0x0] =	sbarrier.arrive $0xFFFF;
	(pc) =	sbr.rel @!p0 .LBB2_8-.Ltmp1, $4  }
0x19: {  	[hbm:s11], [sflag:s1] =	dma.local [spmem:s21], $0x1900  }
0x1a: {  	_ =	swait.ge [sflag:s20], $0x1900  }
0x1b: {  	[sflag:s20] =	ssyncset.done $0x0  }
0x1c: {  	[sflag:s20] =	ssyncadd.s32 $0xFFFFE700  }
.LBB2_1:
0x1d: {  	s28 =	simm.s32 $0x140;
	s26 =	simm.s32 $0x0  }
.LBB2_2:
0x1e: {  	p0 =	sne.s32 s28, $0x9EC0;
	[tilespmem:s26+$0x2240] =	vst v1;
	s29 =	smov.u32 s28;
	s28 =	sadd.s32 $0x140, s28  }
.Ltmp2:
0x1f: {  	[tilespmem:s26+$0x2230] =	vst v1;
	(pc) =	sbr.rel @p0 .LBB2_2-.Ltmp2, $4  }
0x20: {  	[tilespmem:s26+$0x2220] =	vst v1  }
0x21: {  	[tilespmem:s26+$0x2200] =	vst v1  }
0x22: {  	[tilespmem:s26+$0x2210] =	vst v1  }
0x23: {  	s26 =	sshra.s32 s29, $0x2  }
0x24: {  	[tilespmem:s26+$0x2240] =	vst v1  }
0x25: {  	[tilespmem:s26+$0x2230] =	vst v1  }
0x26: {  	[tilespmem:s26+$0x2220] =	vst v1  }
0x27: {  	[tilespmem:s26+$0x2200] =	vst v1  }
0x28: {  	[tilespmem:s26+$0x2210] =	vst v1  }
0x29: {  	[spmem:s12] =	stream.linear.scatter [tilespmem:s19], [sflag:$0x5], $0x2800, $0x38;
	[tilespmem:$0x13A00] =	vst v63  }
0x2a: {  	_ =	swait.ge [sflag:s20], $0x2800  }
0x2b: {  	[sflag:s20] =	ssyncset.done $0x0  }
0x2c: {  	[sflag:s20] =	ssyncadd.s32 $0xFFFFD800  }
0x2d: {  	[spmem:s14] =	stream.linear.scatter [tilespmem:s19], [sflag:$0x5], $0x2800, $0x38;
	[tilespmem:$0x13A00] =	vst v63  }
0x2e: {  	_ =	swait.ge [sflag:s20], $0x2800  }
0x2f: {  	[sflag:s20] =	ssyncset.done $0x0  }
0x30: {  	[sflag:s20] =	ssyncadd.s32 $0xFFFFD800  }
0x31: {  	[spmem:s15] =	stream.linear.scatter [tilespmem:s19], [sflag:$0x5], $0x2800, $0x38;
	[tilespmem:$0x13A00] =	vst v63  }
0x32: {  	_ =	swait.ge [sflag:s20], $0x2800  }
0x33: {  	[sflag:s20] =	ssyncset.done $0x0  }
0x34: {  	[sflag:s20] =	ssyncadd.s32 $0xFFFFD800  }
0x35: {  	[spmem:s16] =	stream.linear.scatter [tilespmem:s19], [sflag:$0x5], $0x2800, $0x38;
	[tilespmem:$0x13A00] =	vst v63  }
0x36: {  	_ =	swait.ge [sflag:s20], $0x2800  }
0x37: {  	[sflag:s20] =	ssyncset.done $0x0  }
0x38: {  	[sflag:s20] =	ssyncadd.s32 $0xFFFFD800  }
0x39: {  	[spmem:s17] =	stream.linear.scatter [tilespmem:s19], [sflag:$0x5], $0x2800, $0x38;
	[tilespmem:$0x13A00] =	vst v63  }
0x3a: {  	_ =	swait.ge [sflag:s20], $0x2800  }
0x3b: {  	[sflag:s20] =	ssyncset.done $0x0  }
0x3c: {  	s30 =	simm.s32 $0x0;
	[sflag:s20] =	ssyncadd.s32 $0xFFFFD800  }
0x3d: {  	[tilespmem:s30], [sflag:$0x5] =	stream.linear.gather [hbm4b:s9+s30], $0x1000, $0x38;
	[tilespmem:$0x13A00] =	vst v63  }
0x3e: {  	_ =	swait.ge [sflag:s20], $0x1000  }
0x3f: {  	[sflag:s20] =	ssyncset.done $0x0  }
0x40: {  	s1 =	simm.s32 $0x1000;
	[sflag:s20] =	ssyncadd.s32 $0xFFFFF000  }
0x41: {  	[tilespmem:s1], [sflag:$0x5] =	stream.linear.gather [hbm4b:s10+s30], $0x1000, $0x38;
	[tilespmem:$0x13A00] =	vst v63  }
0x42: {  	_ =	swait.ge [sflag:s20], $0x1000  }
0x43: {  	[sflag:s20] =	ssyncset.done $0x0  }
0x44: {  	[sflag:s20] =	ssyncadd.s32 $0xFFFFF000  }
0x45: {  	[bflag:$0x0] =	sbarrier.arrive $0xFFFF  }
0x46: {  	v2 =	vld [tilespmem:$0x0];
	_ =	sdelay $0x1  }
0x47: {  	v3 =	vld [tilespmem:$0x10]  }
0x48: {  	v4 =	vld [tilespmem:$0x1000]  }
0x49: {  	v5 =	vld [tilespmem:$0x20]  }
0x4a: {  	v6 =	vld [tilespmem:$0x1010];
	v2 =	vshll.u32 v2, $0x1  }
0x4b: {  	v7 =	vld [tilespmem:$0x30];
	v2 =	vor.u32 v0, v2  }
0x4c: {  	[tilespmem:$0x2000] =	vst v2;
	v2 =	vshll.u32 v3, $0x1;
	v3 =	vld [tilespmem:$0x1020]  }
0x4d: {  	v57 =	vld [tilespmem:$0x40];
	[tilespmem:$0x2100] =	vst v4;
	v2 =	vor.u32 v0, v2  }
0x4e: {  	v58 =	vld [tilespmem:$0x1030];
	[tilespmem:$0x2010] =	vst v2;
	v2 =	vshll.u32 v5, $0x1  }
0x4f: {  	v59 =	vld [tilespmem:$0x50];
	[tilespmem:$0x2110] =	vst v6;
	v2 =	vor.u32 v0, v2  }
0x50: {  	v60 =	vld [tilespmem:$0x1040];
	[tilespmem:$0x2020] =	vst v2;
	v2 =	vshll.u32 v7, $0x1  }
0x51: {  	[tilespmem:$0x2120] =	vst v3;
	v2 =	vor.u32 v0, v2;
	v3 =	vld [tilespmem:$0x60]  }
0x52: {  	v61 =	vld [tilespmem:$0x1050];
	[tilespmem:$0x2030] =	vst v2;
	v2 =	vshll.u32 v57, $0x1  }
0x53: {  	v62 =	vld [tilespmem:$0x70];
	[tilespmem:$0x2130] =	vst v58;
	v2 =	vor.u32 v0, v2  }
0x54: {  	v63 =	vld [tilespmem:$0x1060];
	[tilespmem:$0x2040] =	vst v2;
	v2 =	vshll.u32 v59, $0x1  }
0x55: {  	[tilespmem:$0x2140] =	vst v60;
	v2 =	vor.u32 v0, v2  }
0x56: {  	[tilespmem:$0x2050] =	vst v2;
	v2 =	vshll.u32 v3, $0x1;
	v3 =	vld [tilespmem:$0x1070]  }
0x57: {  	[tilespmem:$0x2150] =	vst v61;
	v2 =	vor.u32 v0, v2  }
.Ltmp3:
0x58: {  	[tilespmem:$0x2060] =	vst v2;
	v2 =	vshll.u32 v62, $0x1;
	(pc) =	sbr.rel .LBB2_4-.Ltmp3, $4  }
0x59: {  	[tilespmem:$0x2160] =	vst v63;
	v2 =	vor.u32 v0, v2  }
0x5a: {  	[tilespmem:$0x2070] =	vst v2  }
0x5b: {  	s31 =	simm.s32 $0x80;
	s26 =	smov.u32 s18;
	[tilespmem:$0x2170] =	vst v3  }
0x5c: {  	[tilespmem:s19], [sflag:$0x1] =	stream.indirect.gather [hbm4b:s5+s31], $0x50, s23, s31, $0xb8;
	[tilespmem:$0x13A00] =	vst v63  }
.LBB2_6:
0x5d: {  	p2 =	seq.s32 s31, $0x1  }
0x5e: {  	p1 =	por !p2, p1  }
0x5f: {  	s1 =	sand.u32 @!p1 $0x1FFFFE0, s28  }
0x60: {  	s21 =	simm.s32 @!p1 $0x3;
	s1 =	sadd.s32 @!p1 s7, s1  }
0x61: {  	_ =	swait.ge @!p1 [sflag:s21], $0x2800;
	s1 =	sshll.u32 @!p1 s1, $0x7  }
0x62: {  	s22 =	sshll.u32 @!p1 s29, $0x7;
	[sflag:s21] =	ssyncset.done @!p1 $0x0;
	s1 =	smax.u32 @!p1 s1, $0x4D200  }
0x63: {  	[sflag:s21] =	ssyncadd.s32 @!p1 $0xFFFFD800;
	s1 =	sadd.s32 @!p1 s22, s1  }
0x64: {  	v2 =	vld @!p1 [tilespmem:s1+$0xFFFB2E00];
	_ =	sdelay $0x4  }
0x65: {  	v2 =	vshll.u32 @!p1 v2, $0x1  }
0x66: {  	v2 =	vor.u32 @!p1 v0, v2  }
0x67: {  	s1 =	sadd.s32 @!p1 $0xFFFB2E00, s1;
	[tilespmem:$0x2000] =	vst @!p1 v2  }
0x68: {  	v2 =	vld @!p1 [tilespmem:s1+$0x1000];
	_ =	sdelay $0x4  }
0x69: {  	[tilespmem:$0x2100] =	vst @!p1 v2  }
0x6a: {  	v2 =	vld @!p1 [tilespmem:s1+$0x10];
	_ =	sdelay $0x4  }
0x6b: {  	v2 =	vshll.u32 @!p1 v2, $0x1  }
0x6c: {  	v2 =	vor.u32 @!p1 v0, v2  }
0x6d: {  	[tilespmem:$0x2010] =	vst @!p1 v2  }
0x6e: {  	v2 =	vld @!p1 [tilespmem:s1+$0x1010];
	_ =	sdelay $0x4  }
0x6f: {  	[tilespmem:$0x2110] =	vst @!p1 v2  }
0x70: {  	v2 =	vld @!p1 [tilespmem:s1+$0x20];
	_ =	sdelay $0x4  }
0x71: {  	v2 =	vshll.u32 @!p1 v2, $0x1  }
0x72: {  	v2 =	vor.u32 @!p1 v0, v2  }
0x73: {  	[tilespmem:$0x2020] =	vst @!p1 v2  }
0x74: {  	v2 =	vld @!p1 [tilespmem:s1+$0x1020];
	_ =	sdelay $0x4  }
0x75: {  	[tilespmem:$0x2120] =	vst @!p1 v2  }
0x76: {  	v2 =	vld @!p1 [tilespmem:s1+$0x30];
	_ =	sdelay $0x4  }
0x77: {  	v2 =	vshll.u32 @!p1 v2, $0x1  }
0x78: {  	v2 =	vor.u32 @!p1 v0, v2  }
0x79: {  	[tilespmem:$0x2030] =	vst @!p1 v2  }
0x7a: {  	v2 =	vld @!p1 [tilespmem:s1+$0x1030];
	_ =	sdelay $0x4  }
0x7b: {  	[tilespmem:$0x2130] =	vst @!p1 v2  }
0x7c: {  	v2 =	vld @!p1 [tilespmem:s1+$0x40];
	_ =	sdelay $0x4  }
0x7d: {  	v2 =	vshll.u32 @!p1 v2, $0x1  }
0x7e: {  	v2 =	vor.u32 @!p1 v0, v2  }
0x7f: {  	[tilespmem:$0x2040] =	vst @!p1 v2  }
0x80: {  	v2 =	vld @!p1 [tilespmem:s1+$0x1040];
	_ =	sdelay $0x4  }
0x81: {  	[tilespmem:$0x2140] =	vst @!p1 v2  }
0x82: {  	v2 =	vld @!p1 [tilespmem:s1+$0x50];
	_ =	sdelay $0x4  }
0x83: {  	v2 =	vshll.u32 @!p1 v2, $0x1  }
0x84: {  	v2 =	vor.u32 @!p1 v0, v2  }
0x85: {  	[tilespmem:$0x2050] =	vst @!p1 v2  }
0x86: {  	v2 =	vld @!p1 [tilespmem:s1+$0x1050];
	_ =	sdelay $0x4  }
0x87: {  	[tilespmem:$0x2150] =	vst @!p1 v2  }
0x88: {  	v2 =	vld @!p1 [tilespmem:s1+$0x60];
	_ =	sdelay $0x4  }
0x89: {  	v2 =	vshll.u32 @!p1 v2, $0x1  }
0x8a: {  	v2 =	vor.u32 @!p1 v0, v2  }
0x8b: {  	[tilespmem:$0x2060] =	vst @!p1 v2  }
0x8c: {  	v2 =	vld @!p1 [tilespmem:s1+$0x1060];
	_ =	sdelay $0x4  }
0x8d: {  	[tilespmem:$0x2160] =	vst @!p1 v2  }
0x8e: {  	v2 =	vld @!p1 [tilespmem:s1+$0x70];
	_ =	sdelay $0x4  }
0x8f: {  	v2 =	vshll.u32 @!p1 v2, $0x1  }
0x90: {  	v2 =	vor.u32 @!p1 v0, v2  }
0x91: {  	[tilespmem:$0x2070] =	vst @!p1 v2  }
0x92: {  	v2 =	vld @!p1 [tilespmem:s1+$0x1070];
	_ =	sdelay $0x4  }
0x93: {  	s21 =	simm.s32 @!p1 $0x2000;
	s22 =	simm.s32 @!p1 $0x2200;
	s1 =	simm.s32 @!p1 $0x80;
	[tilespmem:$0x2170] =	vst @!p1 v2  }
0x94: {  	[tilespmem:s22], [sflag:$0x1] =	stream.indirect.gather @!p1 [hbm4b:s5+s1], $0x50, s21, s1, $0xb8;
	[tilespmem:$0x13A00] =	vst v63  }
0x95: {  	s1 =	simm.s32 @!p0 $0x1  }
0x96: {  	_ =	swait.ge @!p0 [sflag:s1], $0x2800  }
0x97: {  	s21 =	simm.s32 @!p0 $0x2100;
	[sflag:s1] =	ssyncset.done @!p0 $0x0  }
0x98: {  	s22 =	simm.s32 @!p0 $0x2200;
	[sflag:s1] =	ssyncadd.s32 @!p0 $0xFFFFD800;
	s1 =	simm.s32 @!p0 $0x80  }
0x99: {  	[spmem:s3] =	stream.indirect.scatter.add.f32 @!p0 [tilespmem:s22], [sflag:$0x3], $0x50, s21, s1, $0xb8;
	[tilespmem:$0x13A00] =	vst v63  }
0x9a: {  	p0 =	sne.s32 s8, s28  }
.Ltmp4:
0x9b: {  	s1 =	simm.s32 @p2 $0x2;
	(pc) =	sbr.rel @!p0 .LBB2_7-.Ltmp4, $4  }
0x9c: {  	s26 =	sadd.s32 $0x80, s26;
	_ =	swait.ge @p2 [sflag:s1], $0x2800  }
0x9d: {  	s30 =	smov.u32 s28;
	s21 =	simm.s32 @p2 $0x2180;
	[sflag:s1] =	ssyncset.done @p2 $0x0  }
0x9e: {  	s22 =	simm.s32 @p2 $0x4A00;
	[sflag:s1] =	ssyncadd.s32 @p2 $0xFFFFD800;
	s1 =	simm.s32 @p2 $0x80  }
0x9f: {  	[spmem:s3] =	stream.indirect.scatter.add.f32 @p2 [tilespmem:s22], [sflag:$0x4], $0x50, s21, s1, $0xb8;
	[tilespmem:$0x13A00] =	vst v63  }
.LBB2_4:
0xa0: {  	s28 =	sadd.s32 $0x1, s30  }
0xa1: {  	s29 =	sand.u32 $0x1F, s28;
	p1 =	sge.u32 s28, s8  }
0xa2: {  	p0 =	sne.s32 @!p1 s29, $0x0  }
0xa3: {  	p2 =	por p0, p1  }
0xa4: {  	p3 =	slt.s32 @!p2 s26, $0x4D200  }
0xa5: {  	p0 =	por @!p1 !p3, p0  }
0xa6: {  	s31 =	smov.u32 s26;
	p0 =	por !p0, p1  }
0xa7: {  	s31 =	simm.s32 @!p0 $0x4D200  }
0xa8: {  	s31 =	sshrl.u32 @!p2 s31, $0x3  }
0xa9: {  	s21 =	simm.s32 @!p2 $0x0;
	s1 =	sadd.s32 @!p2 s6, s31  }
0xaa: {  	[tilespmem:s21], [sflag:$0x5] =	stream.linear.gather @!p2 [hbm4b:s1+s21], $0x1000, $0x38;
	[tilespmem:$0x13A00] =	vst v63  }
0xab: {  	s1 =	simm.s32 @!p2 $0x5  }
0xac: {  	_ =	swait.ge @!p2 [sflag:s1], $0x1000  }
0xad: {  	[sflag:s1] =	ssyncset.done @!p2 $0x0  }
0xae: {  	s22 =	simm.s32 @!p2 $0x1000;
	s31 =	sadd.s32 @!p2 s2, s31;
	[sflag:s1] =	ssyncadd.s32 @!p2 $0xFFFFF000  }
0xaf: {  	[tilespmem:s22], [sflag:$0x5] =	stream.linear.gather @!p2 [hbm4b:s31+s21], $0x1000, $0x38;
	[tilespmem:$0x13A00] =	vst v63  }
0xb0: {  	s31 =	sand.u32 $0x1, s30  }
0xb1: {  	p0 =	sne.s32 s31, $0x0  }
.Ltmp5:
0xb2: {  	_ = 	snop;
	(pc) =	sbr.rel @p0 .LBB2_6-.Ltmp5, $4  }
0xb3: {  	_ = 	snop  }
0xb4: {  	_ =	swait.ge @!p2 [sflag:s1], $0x1000  }
0xb5: {  	[sflag:s1] =	ssyncset.done @!p2 $0x0  }
0xb6: {  	[sflag:s1] =	ssyncadd.s32 @!p2 $0xFFFFF000  }
0xb7: {  	p2 =	seq.s32 @!p1 s30, $0x0  }
0xb8: {  	s1 =	sand.u32 @!p1 $0x1FFFFE0, s28;
	p2 =	por p2, p1  }
0xb9: {  	s1 =	sadd.s32 @!p1 s7, s1;
	s21 =	simm.s32 @!p2 $0x4  }
0xba: {  	s1 =	sshll.u32 @!p1 s1, $0x7;
	_ =	swait.ge @!p2 [sflag:s21], $0x2800  }
0xbb: {  	s22 =	sshll.u32 @!p1 s29, $0x7;
	s1 =	smax.u32 @!p1 s1, $0x4D200;
	[sflag:s21] =	ssyncset.done @!p2 $0x0  }
0xbc: {  	s1 =	sadd.s32 @!p1 s22, s1;
	[sflag:s21] =	ssyncadd.s32 @!p2 $0xFFFFD800  }
0xbd: {  	v2 =	vld @!p1 [tilespmem:s1+$0xFFFB2E00];
	_ =	sdelay $0x4  }
0xbe: {  	v2 =	vshll.u32 @!p1 v2, $0x1  }
0xbf: {  	v2 =	vor.u32 @!p1 v0, v2  }
0xc0: {  	s1 =	sadd.s32 @!p1 $0xFFFB2E00, s1;
	[tilespmem:$0x2080] =	vst @!p1 v2  }
0xc1: {  	v2 =	vld @!p1 [tilespmem:s1+$0x1000];
	_ =	sdelay $0x4  }
0xc2: {  	[tilespmem:$0x2180] =	vst @!p1 v2  }
0xc3: {  	v2 =	vld @!p1 [tilespmem:s1+$0x10];
	_ =	sdelay $0x4  }
0xc4: {  	v2 =	vshll.u32 @!p1 v2, $0x1  }
0xc5: {  	v2 =	vor.u32 @!p1 v0, v2  }
0xc6: {  	[tilespmem:$0x2090] =	vst @!p1 v2  }
0xc7: {  	v2 =	vld @!p1 [tilespmem:s1+$0x1010];
	_ =	sdelay $0x4  }
0xc8: {  	[tilespmem:$0x2190] =	vst @!p1 v2  }
0xc9: {  	v2 =	vld @!p1 [tilespmem:s1+$0x20];
	_ =	sdelay $0x4  }
0xca: {  	v2 =	vshll.u32 @!p1 v2, $0x1  }
0xcb: {  	v2 =	vor.u32 @!p1 v0, v2  }
0xcc: {  	[tilespmem:$0x20A0] =	vst @!p1 v2  }
0xcd: {  	v2 =	vld @!p1 [tilespmem:s1+$0x1020];
	_ =	sdelay $0x4  }
0xce: {  	[tilespmem:$0x21A0] =	vst @!p1 v2  }
0xcf: {  	v2 =	vld @!p1 [tilespmem:s1+$0x30];
	_ =	sdelay $0x4  }
0xd0: {  	v2 =	vshll.u32 @!p1 v2, $0x1  }
0xd1: {  	v2 =	vor.u32 @!p1 v0, v2  }
0xd2: {  	[tilespmem:$0x20B0] =	vst @!p1 v2  }
0xd3: {  	v2 =	vld @!p1 [tilespmem:s1+$0x1030];
	_ =	sdelay $0x4  }
0xd4: {  	[tilespmem:$0x21B0] =	vst @!p1 v2  }
0xd5: {  	v2 =	vld @!p1 [tilespmem:s1+$0x40];
	_ =	sdelay $0x4  }
0xd6: {  	v2 =	vshll.u32 @!p1 v2, $0x1  }
0xd7: {  	v2 =	vor.u32 @!p1 v0, v2  }
0xd8: {  	[tilespmem:$0x20C0] =	vst @!p1 v2  }
0xd9: {  	v2 =	vld @!p1 [tilespmem:s1+$0x1040];
	_ =	sdelay $0x4  }
0xda: {  	[tilespmem:$0x21C0] =	vst @!p1 v2  }
0xdb: {  	v2 =	vld @!p1 [tilespmem:s1+$0x50];
	_ =	sdelay $0x4  }
0xdc: {  	v2 =	vshll.u32 @!p1 v2, $0x1  }
0xdd: {  	v2 =	vor.u32 @!p1 v0, v2  }
0xde: {  	[tilespmem:$0x20D0] =	vst @!p1 v2  }
0xdf: {  	v2 =	vld @!p1 [tilespmem:s1+$0x1050];
	_ =	sdelay $0x4  }
0xe0: {  	[tilespmem:$0x21D0] =	vst @!p1 v2  }
0xe1: {  	v2 =	vld @!p1 [tilespmem:s1+$0x60];
	_ =	sdelay $0x4  }
0xe2: {  	v2 =	vshll.u32 @!p1 v2, $0x1  }
0xe3: {  	v2 =	vor.u32 @!p1 v0, v2  }
0xe4: {  	[tilespmem:$0x20E0] =	vst @!p1 v2  }
0xe5: {  	v2 =	vld @!p1 [tilespmem:s1+$0x1060];
	_ =	sdelay $0x4  }
0xe6: {  	[tilespmem:$0x21E0] =	vst @!p1 v2  }
0xe7: {  	v2 =	vld @!p1 [tilespmem:s1+$0x70];
	_ =	sdelay $0x4  }
0xe8: {  	v2 =	vshll.u32 @!p1 v2, $0x1  }
0xe9: {  	v2 =	vor.u32 @!p1 v0, v2  }
0xea: {  	[tilespmem:$0x20F0] =	vst @!p1 v2  }
0xeb: {  	v2 =	vld @!p1 [tilespmem:s1+$0x1070];
	_ =	sdelay $0x1  }
.Ltmp6:
0xec: {  	_ = 	snop;
	(pc) =	sbr.rel .LBB2_6-.Ltmp6, $3  }
0xed: {  	_ =	sdelay $0x1  }
0xee: {  	s22 =	simm.s32 @!p1 $0x4A00;
	s21 =	simm.s32 @!p1 $0x2080;
	s1 =	simm.s32 @!p1 $0x80;
	[tilespmem:$0x21F0] =	vst @!p1 v2  }
0xef: {  	[tilespmem:s22], [sflag:$0x2] =	stream.indirect.gather @!p1 [hbm4b:s5+s1], $0x50, s21, s1, $0xb8;
	[tilespmem:$0x13A00] =	vst v63  }
.LBB2_8:
0xf0: {  	_ =	sfence.sel $0x180000  }
0xf1: {  	[bflag:$0x0] =	sbarrier.arrive $0xFFFF  }
0xf2: {  	_ =	strace $0x90000047  }
0xf3: {  	[bflag:$0x2] =	sbarrier.arrive $0xFFFF  }
0xf4: {  	p0 =	sne.s32 s0, $0x0;
	s0 =	rddreg [dreg:$0x3]  }
0xf5: {  	s0 =	sadd.s32 @!p0 $0x100000, s0  }
0xf6: {  	[sflag:s0] =	ssyncadd.tile.s32 @!p0 $0x1;
	_ =	shalt  }
.Lfunc_end2:
_tile_overlayer_lowered:
.L_overlay_start_2:
0xf7: {  	(tag) =	ssettag $0x2  }
0xf8: {  	s0 =	rddreg [dreg:$0x0];
	s2 =	stileid.u32  }
0xf9: {  	s1 =	rddreg [dreg:$0x1];
	p0 =	sne.s32 s2, $0x0  }
0xfa: {  	s3 =	rddreg [dreg:$0x2];
	[bflag:$0x3] =	sbarrier.arrive $0xFFFF;
	s2 =	simm.s32 @!p0 $0x1C05  }
0xfb: {  	[timem:s3], [sflag:s2] =	dma.local @!p0 [hbm:s0], s1  }
0xfc: {  	s0 =	simm.s32 @!p0 $0x5  }
0xfd: {  	_ =	swait.ge @!p0 [sflag:s0], s1  }
0xfe: {  	s1 =	ssub.s32 @!p0 $0x0, s1;
	[sflag:s0] =	ssyncset.done @!p0 $0x0  }
0xff: {  	[sflag:s0] =	ssyncadd.s32 @!p0 s1  }
0x100: {  	[bflag:$0x3] =	sbarrier.arrive $0xFFFF  }
0x101: {  	_ =	shalt  }

// kernel: kernel.13.cloned.1.call-start
scs
__scs_entry_jumppad:
0x0: {  	(pc) =	sbr.rel $0x88, $3  }
0x1: {  	(tag) =	ssettag $0x0;
	lr =	simm.s32 $0x1  }
0x2: {  	[smem:$0x3F92] =	sst lr;
	_ =	strace $0xD0000000  }
0x3: {  	_ = 	snop  }
0x4: {  	_ = 	snop  }
0x5: {  	_ = 	snop  }
0x6: {  	_ = 	snop  }
0x7: {  	_ = 	snop  }
__scs_overlays_trampoline_lowered:
0x8: {  	[smem:$0x3FA1] =	sst s0  }
0x9: {  	[smem:$0x3FA2] =	sst s1  }
0xa: {  	[smem:$0x3FA3] =	sst s2  }
0xb: {  	[smem:$0x3FA4] =	sst s3  }
0xc: {  	[smem:$0x3FA5] =	sst s4  }
0xd: {  	[smem:$0x3FA6] =	sst s5  }
0xe: {  	[smem:$0x3FA7] =	sst s6  }
0xf: {  	[smem:$0x3FA8] =	sst s7  }
0x10: {  	[smem:$0x3FA9] =	sst s8  }
0x11: {  	[smem:$0x3FAA] =	sst s9;
	s0 =	simm.s32 @!p0 $0x0  }
0x12: {  	s1 =	sld [smem:$0x3F90];
	s0 =	simm.s32 @p0 $0x1  }
0x13: {  	[smem:$0x3FAB] =	sst s0;
	s0 =	simm.s32 @!p1 $0x0  }
0x14: {  	s2 =	sld [smem:$0x3F8F];
	s0 =	simm.s32 @p1 $0x1  }
0x15: {  	[smem:$0x3FAC] =	sst s0;
	s0 =	simm.s32 @!p2 $0x0  }
0x16: {  	s3 =	sld [smem:$0x3FDB];
	s0 =	simm.s32 @p2 $0x1  }
0x17: {  	s4 =	simm.s32 $0x1BF5;
	[smem:$0x3FAE] =	sst s0  }
0x18: {  	s0 =	sld [smem:$0x3F91];
	_ =	swait.ge [sflag:s4], $0x0  }
0x19: {  	s7 =	sld [smem:$0x3F92]  }
0x1a: {  	s8 =	sadd.s32 $0xFFFFE003, lr  }
0x1b: {  	s9 =	sadd.s32 $0xFFFFFEF7, lr;
	s5 =	simm.s32 $0xFFFFFFFF;
	p2 =	slt.u32 s8, $0xFFFFF086  }
0x1c: {  	p1 =	slt.u32 s9, $0xF7A;
	s5 =	simm.s32 @!p2 $0x0  }
0x1d: {  	s5 =	simm.s32 @p1 $0x1;
	p0 =	seq.s32 s7, s2  }
0x1e: {  	s7 =	smul.u32 @!p0 $0xF7A, s2;
	p2 =	seq.s32 @!p0 s5, $0x0  }
0x1f: {  	s9 =	smul.u32 $0xF7A, s1;
	s8 =	simm.s32 @!p0 $0x1BF5;
	p2 =	por !p2, p0  }
0x20: {  	[sflag:s8] =	ssyncset.s32 @!p0 $0xFFFFF086;
	s6 =	sadd.s32 @!p0 s3, s7;
	s7 =	simm.s32 @!p0 $0x108  }
0x21: {  	s3 =	sadd.s32 s3, s9;
	s6 =	sadd.s32 @!p0 $0x88, s6;
	s7 =	simm.s32 @p2 $0x1082  }
0x22: {  	[simem:s7], [sflag:s8] =	dma.local @!p0 [hbm:s6], $0xF7A  }
0x23: {  	s9 =	sor.u32 $0xD0000000, s2;
	s6 =	simm.s32 $0x108;
	_ =	swait.ge @!p0 [sflag:s8], $0x0  }
0x24: {  	s3 =	sadd.s32 $0x88, s3;
	s6 =	simm.s32 @!p1 $0x1082;
	[sflag:s4] =	ssyncset.s32 $0xFFFFF086  }
0x25: {  	[simem:s6], [sflag:s4] =	dma.local [hbm:s3], $0xF7A  }
0x26: {  	[smem:$0x3F92] =	sst s1;
	(tag) =	ssettag s2;
	_ =	strace s9  }
0x27: {  	s1 =	sld [smem:$0x3FA2]  }
0x28: {  	s2 =	sld [smem:$0x3FA3]  }
0x29: {  	s4 =	sld [smem:$0x3FA5]  }
0x2a: {  	p0 =	seq.s32 s5, $0x0;
	s5 =	sld [smem:$0x3FA6]  }
0x2b: {  	s6 =	sld [smem:$0x3FA7]  }
0x2c: {  	s7 =	sld [smem:$0x3FA8]  }
0x2d: {  	s3 =	simm.s32 $0x108;
	s8 =	sld [smem:$0x3FA9]  }
0x2e: {  	s3 =	simm.s32 @!p0 $0x1082;
	s9 =	sld [smem:$0x3FAA]  }
0x2f: {  	lr =	sadd.s32 s0, s3;
	s0 =	sld [smem:$0x3FA1]  }
0x30: {  	s3 =	sld [smem:$0x3FA4]  }
0x31: {  	[smem:$0x3FAD] =	sst s10  }
0x32: {  	s10 =	sld [smem:$0x3FAB];
	_ =	sdelay $0x3  }
0x33: {  	p0 =	seq.s32 s10, $0x1;
	s10 =	sld [smem:$0x3FAD];
	_ =	sdelay $0x3  }
0x34: {  	[smem:$0x3FAD] =	sst s10  }
0x35: {  	s10 =	sld [smem:$0x3FAC];
	_ =	sdelay $0x3  }
0x36: {  	p1 =	seq.s32 s10, $0x1;
	s10 =	sld [smem:$0x3FAD];
	_ =	sdelay $0x3  }
0x37: {  	[smem:$0x3FAD] =	sst s10  }
0x38: {  	s10 =	sld [smem:$0x3FAE]  }
0x39: {  	_ = 	snop;
	(pc) =	sbr.ind lr, $3  }
0x3a: {  	_ = 	snop  }
0x3b: {  	_ = 	snop  }
0x3c: {  	p2 =	seq.s32 s10, $0x1;
	s10 =	sld [smem:$0x3FAD]  }
0x3d: {  	_ =	shalt  }
0x3e: {  	_ =	shalt  }
0x3f: {  	_ =	shalt  }
0x40: {  	_ =	shalt  }
0x41: {  	_ =	shalt  }
0x42: {  	_ =	shalt  }
0x43: {  	_ =	shalt  }
0x44: {  	_ =	shalt  }
0x45: {  	_ =	shalt  }
0x46: {  	_ =	shalt  }
0x47: {  	_ =	shalt  }
0x48: {  	_ =	shalt  }
0x49: {  	_ =	shalt  }
0x4a: {  	_ =	shalt  }
0x4b: {  	_ =	shalt  }
0x4c: {  	_ =	shalt  }
0x4d: {  	_ =	shalt  }
0x4e: {  	_ =	shalt  }
0x4f: {  	_ =	shalt  }
0x50: {  	_ =	shalt  }
0x51: {  	_ =	shalt  }
0x52: {  	_ =	shalt  }
0x53: {  	_ =	shalt  }
0x54: {  	_ =	shalt  }
0x55: {  	_ =	shalt  }
0x56: {  	_ =	shalt  }
0x57: {  	_ =	shalt  }
0x58: {  	_ =	shalt  }
0x59: {  	_ =	shalt  }
0x5a: {  	_ =	shalt  }
0x5b: {  	_ =	shalt  }
0x5c: {  	_ =	shalt  }
0x5d: {  	_ =	shalt  }
0x5e: {  	_ =	shalt  }
0x5f: {  	_ =	shalt  }
0x60: {  	_ =	shalt  }
0x61: {  	_ =	shalt  }
0x62: {  	_ =	shalt  }
0x63: {  	_ =	shalt  }
0x64: {  	_ =	shalt  }
0x65: {  	_ =	shalt  }
0x66: {  	_ =	shalt  }
0x67: {  	_ =	shalt  }
0x68: {  	_ =	shalt  }
0x69: {  	_ =	shalt  }
0x6a: {  	_ =	shalt  }
0x6b: {  	_ =	shalt  }
0x6c: {  	_ =	shalt  }
0x6d: {  	_ =	shalt  }
0x6e: {  	_ =	shalt  }
0x6f: {  	_ =	shalt  }
0x70: {  	_ =	shalt  }
0x71: {  	_ =	shalt  }
0x72: {  	_ =	shalt  }
0x73: {  	_ =	shalt  }
0x74: {  	_ =	shalt  }
0x75: {  	_ =	shalt  }
0x76: {  	_ =	shalt  }
0x77: {  	_ =	shalt  }
0x78: {  	_ =	shalt  }
0x79: {  	_ =	shalt  }
0x7a: {  	_ =	shalt  }
0x7b: {  	_ =	shalt  }
0x7c: {  	_ =	shalt  }
0x7d: {  	_ =	shalt  }
0x7e: {  	_ =	shalt  }
0x7f: {  	_ =	shalt  }
0x80: {  	_ =	shalt  }
0x81: {  	_ =	shalt  }
0x82: {  	_ =	shalt  }
0x83: {  	_ =	shalt  }
0x84: {  	_ =	shalt  }
0x85: {  	_ =	shalt  }
0x86: {  	_ =	shalt  }
0x87: {  	_ =	shalt  }
.Lfunc_end0:
.L_simem_size_0:
called_computation.1_lowered:
.L_overlay_start_0:
0x88: {  	s2 =	sld [smem:$0x3FD9]  }
0x89: {  	s3 =	sld [smem:$0x3FFE];
	_ =	sdelay $0x1  }
0x8a: {  	s1 =	srdreg.scid  }
0x8b: {  	s0 =	sand.u32 $0x1, s1  }
0x8c: {  	s17 =	sshll.u32 s0, $0xA;
	s2 =	sadd.s32 s3, s2  }
0x8d: {  	s2 =	sadd.s32 s2, s17  }
0x8e: {  	[smem:$0x3FB9] =	sst s2  }
0x8f: {  	_ = 	snop  }
0x90: {  	s2 =	sld [smem:$0x3FD0];
	(tm) =	ssettm $0x1  }
0x91: {  	s18 =	sld [smem:$0x3FFB];
	_ =	sdelay $0x3  }
0x92: {  	_ =	strace s18  }
0x93: {  	s3 =	sld [smem:$0x3FFC];
	_ =	sdelay $0x3  }
0x94: {  	_ =	strace s3  }
0x95: {  	s3 =	sld [smem:$0x3FFD];
	_ =	sdelay $0x3  }
0x96: {  	_ =	strace s3  }
0x97: {  	_ =	strace $0x8FFFFFFF  }
0x98: {  	s19 =	sld [smem:$0x3FDB];
	_ =	sdelay $0x1  }
0x99: {  	s4 =	simm.s32 $_scs_section_size  }
0x9a: {  	s5 =	simm.s32 $_size__tile_overlayer_lowered;
	s6 =	simm.s32 $_tile_overlayer_lowered  }
0x9b: {  	s22 =	simm.s32 $0x1BFF;
	s21 =	sshll.u32 s6, $0x1;
	s3 =	sadd.s32 s4, s19  }
0x9c: {  	s7 =	simm.s32 $0x0;
	s20 =	sshll.u32 s5, $0x1;
	s5 =	sadd.s32 s21, s3  }
0x9d: {  	[timem:s7], [sflag:s22] =	dma.local [hbm:s5], s20  }
0x9e: {  	_ =	swait.ge [sflag:s22], s20  }
0x9f: {  	s4 =	ssub.s32 $0x0, s20;
	[sflag:s22] =	ssyncset.done $0x0  }
0xa0: {  	[sflag:s22] =	ssyncadd.s32 s4;
	_ =	sdelay $0x1  }
0xa1: {  	s23 =	simm.s32 $0x1B8B  }
0xa2: {  	_ =	swait.ge [sflag:s23], $0x1  }
0xa3: {  	[sflag:s23] =	ssyncset.done $0x0  }
0xa4: {  	s25 =	simm.s32 $0x1B8E;
	s24 =	sld [smem:$0x3FFE];
	[sflag:s23] =	ssyncadd.s32 $0xFFFFFFFF  }
0xa5: {  	s26 =	simm.s32 $execute0_lowered;
	[smem:$0x3FD2] =	sst s25  }
0xa6: {  	s5 =	sshll.u32 s26, $0x1;
	_ =	strace $0x80000049;
	[dreg:$0x1] =	wrdreg $0xFFFFFFFF  }
0xa7: {  	s28 =	simm.s32 $_size_execute0_lowered;
	s3 =	sadd.s32 s3, s5;
	[dreg:$0x0] =	wrdreg $0x0  }
0xa8: {  	s5 =	sshll.u32 s28, $0x1;
	[dreg:$0x2] =	wrdreg s3  }
0xa9: {  	[dreg:$0x3] =	wrdreg s5  }
0xaa: {  	[dreg:$0x4] =	wrdreg $0xC0  }
0xab: {  	_ =	task [dreg:s7], $0x5FFFF  }
0xac: {  	[dreg:$0x1] =	wrdreg $0xFFFFFFFF  }
0xad: {  	[dreg:$0x0] =	wrdreg $0x60  }
0xae: {  	[dreg:$0x2] =	wrdreg s24  }
0xaf: {  	[dreg:$0x3] =	wrdreg s2  }
0xb0: {  	[dreg:$0x4] =	wrdreg $0xA2000  }
0xb1: {  	[dreg:$0x5] =	wrdreg $0x9  }
0xb2: {  	_ =	task.clear_ibuf [dreg:s7], $0x6FFFF;
	_ =	strace $0x90000049  }
0xb3: {  	s29 =	simm.s32 $0x9;
	_ =	strace $0x8000004B  }
0xb4: {  	_ =	swait.ge [sflag:s29], $0x1  }
0xb5: {  	[sflag:s29] =	ssyncadd.s32 $0xFFFFFFFF  }
0xb6: {  	_ =	strace $0x9000004B  }
0xb7: {  	_ =	sfence  }
0xb8: {  	s30 =	sld [smem:$0x0];
	_ =	sdelay $0x2  }
0xb9: {  	s31 =	sshll.u32 s1, $0xD;
	s1 =	sshrl.u32 s1, $0x2  }
0xba: {  	s3 =	sand.u32 $0x4000, s31;
	s1 =	sadd.s32 s1, s30  }
0xbb: {  	s0 =	sor.u32 s3, s0;
	s1 =	sshll.u32 s1, $0x11  }
0xbc: {  	s0 =	sor.u32 s1, s0  }
0xbd: {  	s0 =	sadd.s32 $0x8F2B, s0  }
0xbe: {  	[sflag:s0] =	ssyncadd.remote.s32 $0x1  }
0xbf: {  	_ =	sfence.sel $0xFFFF  }
0xc0: {  	[dreg:$0x0] =	wrdreg $0xFFFFFFFF;
	(pc) =	sbr.abs _section_cstart, $3  }
0xc1: {  	[dreg:$0x1] =	wrdreg $0xFFFFFFFF  }
0xc2: {  	_ =	task.clear_ibuf [dreg:s7], $0x2FFFF;
	_ =	strace $0x9FFFFFFF  }
0xc3: {  	(tm) =	ssettm $0x7FFFFFFF  }
tec
execute0_lowered:
.L_overlay_start_1:
0x0: {  	(tag) =	ssettag $0x1  }
0x1: {  	s7 =	rddreg [dreg:$0x0]  }
0x2: {  	s2 =	rddreg [dreg:$0x1]  }
0x3: {  	s3 =	rddreg [dreg:$0x2]  }
0x4: {  	s5 =	srdreg.scid;
	s1 =	stileid.u32;
	s4 =	simm.s32 $0x0  }
0x5: {  	s19 =	simm.s32 $0x2200;
	s20 =	simm.s32 $0x5;
	s24 =	simm.s32 $0x3  }
0x6: {  	s25 =	simm.s32 $0x4;
	s23 =	sand.u32 $0x1, s5;
	s8 =	smul.u32 $0x2800, s1  }
0x7: {  	[smem:$0x7FF] =	sst s4;
	s5 =	sadd.s32 $0xE0400, s7;
	s10 =	smul.u32 $0x50000, s1  }
0x8: {  	s6 =	sadd.s32 $0x4600, s7;
	s28 =	smul.u32 $0x9C, s1;
	s30 =	smax.u32 s1, $0xC  }
0x9: {  	p0 =	sgt.u32 s1, $0xB;
	s15 =	smul.u32 $0x9D, s1;
	s16 =	smin.u32 s1, $0xC  }
0xa: {  	s9 =	smul.u32 $0x28000, s23;
	_ =	strace $0x8000004A;
	s29 =	ssub.s32 $0x2, s23  }
0xb: {  	v0 =	vmov s23;
	s23 =	simm.s32 $0x2000;
	s11 =	sshrl.u32 s29, $0x1;
	s10 =	sshrl.u32 s10, $0x2  }
0xc: {  	s17 =	ssub.s32 s15, s16;
	s8 =	sadd.s32 s8, s9;
	s13 =	ssub.s32 s29, s11  }
0xd: {  	s9 =	simm.s32 $0x9D;
	s18 =	sshll.u32 s17, $0x7;
	s12 =	sadd.s32 s8, s7  }
.Ltmp0:
0xe: {  	s8 =	sadd.s32 s28, s30;
	s7 =	sadd.s32 s10, s3;
	(pc) =	sbr.rel .LBB2_1-.Ltmp0, $4  }
0xf: {  	s9 =	simm.s32 @!p0 $0x9C;
	s13 =	smax.u32 s13, $0x1;
	s18 =	sadd.s32 $0x80, s18  }
0x10: {  	s8 =	sadd.s32 $0xFFFFFFF4, s8;
	s12 =	sadd.s32 $0x130400, s12;
	s14 =	sadd.s32 $0x4000, s7  }
0x11: {  	s15 =	sadd.s32 $0x8000, s7;
	s16 =	sadd.s32 $0xC000, s7;
	s31 =	sshll.u32 s8, $0x4  }
0x12: {  	v1 =	vimm.f32 $0.0e+00;
	s17 =	sadd.s32 $0x10000, s7;
	s10 =	sadd.s32 s6, s31;
	s11 =	sadd.s32 s2, s31  }
.LBB2_7:
0x13: {  	_ =	swait.ge [sflag:s24], $0x4000  }
0x14: {  	[sflag:s24] =	ssyncset.done $0x0  }
0x15: {  	[sflag:s24] =	ssyncadd.s32 $0xFFFFC000  }
0x16: {  	_ =	swait.ge [sflag:s25], $0x4000  }
0x17: {  	s0 =	sshll.u32 s1, $0x6;
	s4 =	sadd.s32 $0x1, s4;
	[sflag:s25] =	ssyncset.done $0x0  }
0x18: {  	s21 =	sshrl.u32 s7, $0x3;
	p0 =	sne.s32 s4, s13;
	[sflag:s25] =	ssyncadd.s32 $0xFFFFC000  }
.Ltmp1:
0x19: {  	s0 =	sor.u32 $0x1C05, s0;
	[bflag:$0x0] =	sbarrier.arrive $0xFFFF;
	(pc) =	sbr.rel @!p0 .LBB2_8-.Ltmp1, $4  }
0x1a: {  	[hbm:s12], [sflag:s0] =	dma.local [spmem:s21], $0x2800  }
0x1b: {  	_ =	swait.ge [sflag:s20], $0x2800  }
0x1c: {  	[sflag:s20] =	ssyncset.done $0x0  }
0x1d: {  	[sflag:s20] =	ssyncadd.s32 $0xFFFFD800  }
.LBB2_1:
0x1e: {  	s26 =	simm.s32 $0x0;
	s28 =	simm.s32 $0x200  }
.LBB2_2:
0x1f: {  	p0 =	sne.s32 s28, $0xFE00;
	[tilespmem:s26+$0x2270] =	vst v1  }
0x20: {  	[tilespmem:s26+$0x2200] =	vst v1  }
0x21: {  	[tilespmem:s26+$0x2210] =	vst v1  }
.Ltmp2:
0x22: {  	[tilespmem:s26+$0x2220] =	vst v1;
	(pc) =	sbr.rel @p0 .LBB2_2-.Ltmp2, $4  }
0x23: {  	[tilespmem:s26+$0x2230] =	vst v1  }
0x24: {  	[tilespmem:s26+$0x2240] =	vst v1  }
0x25: {  	[tilespmem:s26+$0x2250] =	vst v1  }
0x26: {  	[tilespmem:s26+$0x2260] =	vst v1;
	s26 =	sshra.s32 s28, $0x2;
	s28 =	sadd.s32 $0x200, s28  }
0x27: {  	[tilespmem:s26+$0x2270] =	vst v1  }
0x28: {  	[tilespmem:s26+$0x2200] =	vst v1  }
0x29: {  	[tilespmem:s26+$0x2210] =	vst v1  }
0x2a: {  	[tilespmem:s26+$0x2220] =	vst v1  }
0x2b: {  	[tilespmem:s26+$0x2230] =	vst v1  }
0x2c: {  	[tilespmem:s26+$0x2240] =	vst v1  }
0x2d: {  	[tilespmem:s26+$0x2250] =	vst v1  }
0x2e: {  	[tilespmem:s26+$0x2260] =	vst v1  }
0x2f: {  	[spmem:s7] =	stream.linear.scatter [tilespmem:s19], [sflag:$0x5], $0x4000, $0x38;
	[tilespmem:$0x1E200] =	vst v63  }
0x30: {  	_ =	swait.ge [sflag:s20], $0x4000  }
0x31: {  	[sflag:s20] =	ssyncset.done $0x0  }
0x32: {  	[sflag:s20] =	ssyncadd.s32 $0xFFFFC000  }
0x33: {  	[spmem:s14] =	stream.linear.scatter [tilespmem:s19], [sflag:$0x5], $0x4000, $0x38;
	[tilespmem:$0x1E200] =	vst v63  }
0x34: {  	_ =	swait.ge [sflag:s20], $0x4000  }
0x35: {  	[sflag:s20] =	ssyncset.done $0x0  }
0x36: {  	[sflag:s20] =	ssyncadd.s32 $0xFFFFC000  }
0x37: {  	[spmem:s15] =	stream.linear.scatter [tilespmem:s19], [sflag:$0x5], $0x4000, $0x38;
	[tilespmem:$0x1E200] =	vst v63  }
0x38: {  	_ =	swait.ge [sflag:s20], $0x4000  }
0x39: {  	[sflag:s20] =	ssyncset.done $0x0  }
0x3a: {  	[sflag:s20] =	ssyncadd.s32 $0xFFFFC000  }
0x3b: {  	[spmem:s16] =	stream.linear.scatter [tilespmem:s19], [sflag:$0x5], $0x4000, $0x38;
	[tilespmem:$0x1E200] =	vst v63  }
0x3c: {  	_ =	swait.ge [sflag:s20], $0x4000  }
0x3d: {  	[sflag:s20] =	ssyncset.done $0x0  }
0x3e: {  	[sflag:s20] =	ssyncadd.s32 $0xFFFFC000  }
0x3f: {  	[spmem:s17] =	stream.linear.scatter [tilespmem:s19], [sflag:$0x5], $0x4000, $0x38;
	[tilespmem:$0x1E200] =	vst v63  }
0x40: {  	_ =	swait.ge [sflag:s20], $0x4000  }
0x41: {  	[sflag:s20] =	ssyncset.done $0x0  }
0x42: {  	s30 =	simm.s32 $0x0;
	[sflag:s20] =	ssyncadd.s32 $0xFFFFC000  }
0x43: {  	[tilespmem:s30], [sflag:$0x5] =	stream.linear.gather [hbm4b:s10+s30], $0x1000, $0x38;
	[tilespmem:$0x1E200] =	vst v63  }
0x44: {  	_ =	swait.ge [sflag:s20], $0x1000  }
0x45: {  	[sflag:s20] =	ssyncset.done $0x0  }
0x46: {  	s0 =	simm.s32 $0x1000;
	[sflag:s20] =	ssyncadd.s32 $0xFFFFF000  }
0x47: {  	[tilespmem:s0], [sflag:$0x5] =	stream.linear.gather [hbm4b:s11+s30], $0x1000, $0x38;
	[tilespmem:$0x1E200] =	vst v63  }
0x48: {  	_ =	swait.ge [sflag:s20], $0x1000  }
0x49: {  	[sflag:s20] =	ssyncset.done $0x0  }
0x4a: {  	[sflag:s20] =	ssyncadd.s32 $0xFFFFF000  }
0x4b: {  	[bflag:$0x0] =	sbarrier.arrive $0xFFFF  }
0x4c: {  	v2 =	vld [tilespmem:$0x0];
	_ =	sdelay $0x1  }
0x4d: {  	v3 =	vld [tilespmem:$0x10]  }
0x4e: {  	v4 =	vld [tilespmem:$0x1000]  }
0x4f: {  	v5 =	vld [tilespmem:$0x20]  }
0x50: {  	v6 =	vld [tilespmem:$0x1010];
	v2 =	vshll.u32 v2, $0x1  }
0x51: {  	v7 =	vld [tilespmem:$0x30];
	v2 =	vor.u32 v0, v2  }
0x52: {  	[tilespmem:$0x2000] =	vst v2;
	v2 =	vshll.u32 v3, $0x1;
	v3 =	vld [tilespmem:$0x1020]  }
0x53: {  	v57 =	vld [tilespmem:$0x40];
	[tilespmem:$0x2100] =	vst v4;
	v2 =	vor.u32 v0, v2  }
0x54: {  	v58 =	vld [tilespmem:$0x1030];
	[tilespmem:$0x2010] =	vst v2;
	v2 =	vshll.u32 v5, $0x1  }
0x55: {  	v59 =	vld [tilespmem:$0x50];
	[tilespmem:$0x2110] =	vst v6;
	v2 =	vor.u32 v0, v2  }
0x56: {  	v60 =	vld [tilespmem:$0x1040];
	[tilespmem:$0x2020] =	vst v2;
	v2 =	vshll.u32 v7, $0x1  }
0x57: {  	[tilespmem:$0x2120] =	vst v3;
	v2 =	vor.u32 v0, v2;
	v3 =	vld [tilespmem:$0x60]  }
0x58: {  	v61 =	vld [tilespmem:$0x1050];
	[tilespmem:$0x2030] =	vst v2;
	v2 =	vshll.u32 v57, $0x1  }
0x59: {  	v62 =	vld [tilespmem:$0x70];
	[tilespmem:$0x2130] =	vst v58;
	v2 =	vor.u32 v0, v2  }
0x5a: {  	v63 =	vld [tilespmem:$0x1060];
	[tilespmem:$0x2040] =	vst v2;
	v2 =	vshll.u32 v59, $0x1  }
0x5b: {  	[tilespmem:$0x2140] =	vst v60;
	v2 =	vor.u32 v0, v2  }
0x5c: {  	[tilespmem:$0x2050] =	vst v2;
	v2 =	vshll.u32 v3, $0x1;
	v3 =	vld [tilespmem:$0x1070]  }
0x5d: {  	[tilespmem:$0x2150] =	vst v61;
	v2 =	vor.u32 v0, v2  }
.Ltmp3:
0x5e: {  	[tilespmem:$0x2060] =	vst v2;
	v2 =	vshll.u32 v62, $0x1;
	(pc) =	sbr.rel .LBB2_4-.Ltmp3, $4  }
0x5f: {  	[tilespmem:$0x2160] =	vst v63;
	v2 =	vor.u32 v0, v2  }
0x60: {  	[tilespmem:$0x2070] =	vst v2  }
0x61: {  	s31 =	simm.s32 $0x80;
	s26 =	smov.u32 s18;
	[tilespmem:$0x2170] =	vst v3  }
0x62: {  	[tilespmem:s19], [sflag:$0x1] =	stream.indirect.gather [hbm4b:s5+s31], $0x80, s23, s31, $0xb8;
	[tilespmem:$0x1E200] =	vst v63  }
.LBB2_6:
0x63: {  	p2 =	seq.s32 s31, $0x1  }
0x64: {  	p1 =	por !p2, p1  }
0x65: {  	s0 =	sand.u32 @!p1 $0x1FFFFE0, s28  }
0x66: {  	s21 =	simm.s32 @!p1 $0x3;
	s0 =	sadd.s32 @!p1 s8, s0  }
0x67: {  	_ =	swait.ge @!p1 [sflag:s21], $0x4000;
	s0 =	sshll.u32 @!p1 s0, $0x7  }
0x68: {  	s22 =	sshll.u32 @!p1 s29, $0x7;
	[sflag:s21] =	ssyncset.done @!p1 $0x0;
	s0 =	smax.u32 @!p1 s0, $0x4D200  }
0x69: {  	[sflag:s21] =	ssyncadd.s32 @!p1 $0xFFFFC000;
	s0 =	sadd.s32 @!p1 s22, s0  }
0x6a: {  	v2 =	vld @!p1 [tilespmem:s0+$0xFFFB2E00];
	_ =	sdelay $0x4  }
0x6b: {  	v2 =	vshll.u32 @!p1 v2, $0x1  }
0x6c: {  	v2 =	vor.u32 @!p1 v0, v2  }
0x6d: {  	s0 =	sadd.s32 @!p1 $0xFFFB2E00, s0;
	[tilespmem:$0x2000] =	vst @!p1 v2  }
0x6e: {  	v2 =	vld @!p1 [tilespmem:s0+$0x1000];
	_ =	sdelay $0x4  }
0x6f: {  	[tilespmem:$0x2100] =	vst @!p1 v2  }
0x70: {  	v2 =	vld @!p1 [tilespmem:s0+$0x10];
	_ =	sdelay $0x4  }
0x71: {  	v2 =	vshll.u32 @!p1 v2, $0x1  }
0x72: {  	v2 =	vor.u32 @!p1 v0, v2  }
0x73: {  	[tilespmem:$0x2010] =	vst @!p1 v2  }
0x74: {  	v2 =	vld @!p1 [tilespmem:s0+$0x1010];
	_ =	sdelay $0x4  }
0x75: {  	[tilespmem:$0x2110] =	vst @!p1 v2  }
0x76: {  	v2 =	vld @!p1 [tilespmem:s0+$0x20];
	_ =	sdelay $0x4  }
0x77: {  	v2 =	vshll.u32 @!p1 v2, $0x1  }
0x78: {  	v2 =	vor.u32 @!p1 v0, v2  }
0x79: {  	[tilespmem:$0x2020] =	vst @!p1 v2  }
0x7a: {  	v2 =	vld @!p1 [tilespmem:s0+$0x1020];
	_ =	sdelay $0x4  }
0x7b: {  	[tilespmem:$0x2120] =	vst @!p1 v2  }
0x7c: {  	v2 =	vld @!p1 [tilespmem:s0+$0x30];
	_ =	sdelay $0x4  }
0x7d: {  	v2 =	vshll.u32 @!p1 v2, $0x1  }
0x7e: {  	v2 =	vor.u32 @!p1 v0, v2  }
0x7f: {  	[tilespmem:$0x2030] =	vst @!p1 v2  }
0x80: {  	v2 =	vld @!p1 [tilespmem:s0+$0x1030];
	_ =	sdelay $0x4  }
0x81: {  	[tilespmem:$0x2130] =	vst @!p1 v2  }
0x82: {  	v2 =	vld @!p1 [tilespmem:s0+$0x40];
	_ =	sdelay $0x4  }
0x83: {  	v2 =	vshll.u32 @!p1 v2, $0x1  }
0x84: {  	v2 =	vor.u32 @!p1 v0, v2  }
0x85: {  	[tilespmem:$0x2040] =	vst @!p1 v2  }
0x86: {  	v2 =	vld @!p1 [tilespmem:s0+$0x1040];
	_ =	sdelay $0x4  }
0x87: {  	[tilespmem:$0x2140] =	vst @!p1 v2  }
0x88: {  	v2 =	vld @!p1 [tilespmem:s0+$0x50];
	_ =	sdelay $0x4  }
0x89: {  	v2 =	vshll.u32 @!p1 v2, $0x1  }
0x8a: {  	v2 =	vor.u32 @!p1 v0, v2  }
0x8b: {  	[tilespmem:$0x2050] =	vst @!p1 v2  }
0x8c: {  	v2 =	vld @!p1 [tilespmem:s0+$0x1050];
	_ =	sdelay $0x4  }
0x8d: {  	[tilespmem:$0x2150] =	vst @!p1 v2  }
0x8e: {  	v2 =	vld @!p1 [tilespmem:s0+$0x60];
	_ =	sdelay $0x4  }
0x8f: {  	v2 =	vshll.u32 @!p1 v2, $0x1  }
0x90: {  	v2 =	vor.u32 @!p1 v0, v2  }
0x91: {  	[tilespmem:$0x2060] =	vst @!p1 v2  }
0x92: {  	v2 =	vld @!p1 [tilespmem:s0+$0x1060];
	_ =	sdelay $0x4  }
0x93: {  	[tilespmem:$0x2160] =	vst @!p1 v2  }
0x94: {  	v2 =	vld @!p1 [tilespmem:s0+$0x70];
	_ =	sdelay $0x4  }
0x95: {  	v2 =	vshll.u32 @!p1 v2, $0x1  }
0x96: {  	v2 =	vor.u32 @!p1 v0, v2  }
0x97: {  	[tilespmem:$0x2070] =	vst @!p1 v2  }
0x98: {  	v2 =	vld @!p1 [tilespmem:s0+$0x1070];
	_ =	sdelay $0x4  }
0x99: {  	s21 =	simm.s32 @!p1 $0x2000;
	s22 =	simm.s32 @!p1 $0x2200;
	s0 =	simm.s32 @!p1 $0x80;
	[tilespmem:$0x2170] =	vst @!p1 v2  }
0x9a: {  	[tilespmem:s22], [sflag:$0x1] =	stream.indirect.gather @!p1 [hbm4b:s5+s0], $0x80, s21, s0, $0xb8;
	[tilespmem:$0x1E200] =	vst v63  }
0x9b: {  	s0 =	simm.s32 @!p0 $0x1  }
0x9c: {  	_ =	swait.ge @!p0 [sflag:s0], $0x4000  }
0x9d: {  	s21 =	simm.s32 @!p0 $0x2100;
	[sflag:s0] =	ssyncset.done @!p0 $0x0  }
0x9e: {  	s22 =	simm.s32 @!p0 $0x2200;
	[sflag:s0] =	ssyncadd.s32 @!p0 $0xFFFFC000;
	s0 =	simm.s32 @!p0 $0x80  }
0x9f: {  	[spmem:s3] =	stream.indirect.scatter.add.f32 @!p0 [tilespmem:s22], [sflag:$0x3], $0x80, s21, s0, $0xb8;
	[tilespmem:$0x1E200] =	vst v63  }
0xa0: {  	p0 =	sne.s32 s9, s28  }
.Ltmp4:
0xa1: {  	s0 =	simm.s32 @p2 $0x2;
	(pc) =	sbr.rel @!p0 .LBB2_7-.Ltmp4, $4  }
0xa2: {  	s26 =	sadd.s32 $0x80, s26;
	_ =	swait.ge @p2 [sflag:s0], $0x4000  }
0xa3: {  	s30 =	smov.u32 s28;
	s21 =	simm.s32 @p2 $0x2180;
	[sflag:s0] =	ssyncset.done @p2 $0x0  }
0xa4: {  	s22 =	simm.s32 @p2 $0x6200;
	[sflag:s0] =	ssyncadd.s32 @p2 $0xFFFFC000;
	s0 =	simm.s32 @p2 $0x80  }
0xa5: {  	[spmem:s3] =	stream.indirect.scatter.add.f32 @p2 [tilespmem:s22], [sflag:$0x4], $0x80, s21, s0, $0xb8;
	[tilespmem:$0x1E200] =	vst v63  }
.LBB2_4:
0xa6: {  	s28 =	sadd.s32 $0x1, s30  }
0xa7: {  	s29 =	sand.u32 $0x1F, s28;
	p1 =	sge.u32 s28, s9  }
0xa8: {  	p0 =	sne.s32 @!p1 s29, $0x0  }
0xa9: {  	p2 =	por p0, p1  }
0xaa: {  	p3 =	slt.s32 @!p2 s26, $0x4D200  }
0xab: {  	p0 =	por @!p1 !p3, p0  }
0xac: {  	s31 =	smov.u32 s26;
	p0 =	por !p0, p1  }
0xad: {  	s31 =	simm.s32 @!p0 $0x4D200  }
0xae: {  	s31 =	sshrl.u32 @!p2 s31, $0x3  }
0xaf: {  	s21 =	simm.s32 @!p2 $0x0;
	s0 =	sadd.s32 @!p2 s6, s31  }
0xb0: {  	[tilespmem:s21], [sflag:$0x5] =	stream.linear.gather @!p2 [hbm4b:s0+s21], $0x1000, $0x38;
	[tilespmem:$0x1E200] =	vst v63  }
0xb1: {  	s0 =	simm.s32 @!p2 $0x5  }
0xb2: {  	_ =	swait.ge @!p2 [sflag:s0], $0x1000  }
0xb3: {  	[sflag:s0] =	ssyncset.done @!p2 $0x0  }
0xb4: {  	s22 =	simm.s32 @!p2 $0x1000;
	s31 =	sadd.s32 @!p2 s2, s31;
	[sflag:s0] =	ssyncadd.s32 @!p2 $0xFFFFF000  }
0xb5: {  	[tilespmem:s22], [sflag:$0x5] =	stream.linear.gather @!p2 [hbm4b:s31+s21], $0x1000, $0x38;
	[tilespmem:$0x1E200] =	vst v63  }
0xb6: {  	s31 =	sand.u32 $0x1, s30  }
0xb7: {  	p0 =	sne.s32 s31, $0x0  }
.Ltmp5:
0xb8: {  	_ = 	snop;
	(pc) =	sbr.rel @p0 .LBB2_6-.Ltmp5, $4  }
0xb9: {  	_ = 	snop  }
0xba: {  	_ =	swait.ge @!p2 [sflag:s0], $0x1000  }
0xbb: {  	[sflag:s0] =	ssyncset.done @!p2 $0x0  }
0xbc: {  	[sflag:s0] =	ssyncadd.s32 @!p2 $0xFFFFF000  }
0xbd: {  	p2 =	seq.s32 @!p1 s30, $0x0  }
0xbe: {  	s0 =	sand.u32 @!p1 $0x1FFFFE0, s28;
	p2 =	por p2, p1  }
0xbf: {  	s0 =	sadd.s32 @!p1 s8, s0;
	s21 =	simm.s32 @!p2 $0x4  }
0xc0: {  	s0 =	sshll.u32 @!p1 s0, $0x7;
	_ =	swait.ge @!p2 [sflag:s21], $0x4000  }
0xc1: {  	s22 =	sshll.u32 @!p1 s29, $0x7;
	s0 =	smax.u32 @!p1 s0, $0x4D200;
	[sflag:s21] =	ssyncset.done @!p2 $0x0  }
0xc2: {  	s0 =	sadd.s32 @!p1 s22, s0;
	[sflag:s21] =	ssyncadd.s32 @!p2 $0xFFFFC000  }
0xc3: {  	v2 =	vld @!p1 [tilespmem:s0+$0xFFFB2E00];
	_ =	sdelay $0x4  }
0xc4: {  	v2 =	vshll.u32 @!p1 v2, $0x1  }
0xc5: {  	v2 =	vor.u32 @!p1 v0, v2  }
0xc6: {  	s0 =	sadd.s32 @!p1 $0xFFFB2E00, s0;
	[tilespmem:$0x2080] =	vst @!p1 v2  }
0xc7: {  	v2 =	vld @!p1 [tilespmem:s0+$0x1000];
	_ =	sdelay $0x4  }
0xc8: {  	[tilespmem:$0x2180] =	vst @!p1 v2  }
0xc9: {  	v2 =	vld @!p1 [tilespmem:s0+$0x10];
	_ =	sdelay $0x4  }
0xca: {  	v2 =	vshll.u32 @!p1 v2, $0x1  }
0xcb: {  	v2 =	vor.u32 @!p1 v0, v2  }
0xcc: {  	[tilespmem:$0x2090] =	vst @!p1 v2  }
0xcd: {  	v2 =	vld @!p1 [tilespmem:s0+$0x1010];
	_ =	sdelay $0x4  }
0xce: {  	[tilespmem:$0x2190] =	vst @!p1 v2  }
0xcf: {  	v2 =	vld @!p1 [tilespmem:s0+$0x20];
	_ =	sdelay $0x4  }
0xd0: {  	v2 =	vshll.u32 @!p1 v2, $0x1  }
0xd1: {  	v2 =	vor.u32 @!p1 v0, v2  }
0xd2: {  	[tilespmem:$0x20A0] =	vst @!p1 v2  }
0xd3: {  	v2 =	vld @!p1 [tilespmem:s0+$0x1020];
	_ =	sdelay $0x4  }
0xd4: {  	[tilespmem:$0x21A0] =	vst @!p1 v2  }
0xd5: {  	v2 =	vld @!p1 [tilespmem:s0+$0x30];
	_ =	sdelay $0x4  }
0xd6: {  	v2 =	vshll.u32 @!p1 v2, $0x1  }
0xd7: {  	v2 =	vor.u32 @!p1 v0, v2  }
0xd8: {  	[tilespmem:$0x20B0] =	vst @!p1 v2  }
0xd9: {  	v2 =	vld @!p1 [tilespmem:s0+$0x1030];
	_ =	sdelay $0x4  }
0xda: {  	[tilespmem:$0x21B0] =	vst @!p1 v2  }
0xdb: {  	v2 =	vld @!p1 [tilespmem:s0+$0x40];
	_ =	sdelay $0x4  }
0xdc: {  	v2 =	vshll.u32 @!p1 v2, $0x1  }
0xdd: {  	v2 =	vor.u32 @!p1 v0, v2  }
0xde: {  	[tilespmem:$0x20C0] =	vst @!p1 v2  }
0xdf: {  	v2 =	vld @!p1 [tilespmem:s0+$0x1040];
	_ =	sdelay $0x4  }
0xe0: {  	[tilespmem:$0x21C0] =	vst @!p1 v2  }
0xe1: {  	v2 =	vld @!p1 [tilespmem:s0+$0x50];
	_ =	sdelay $0x4  }
0xe2: {  	v2 =	vshll.u32 @!p1 v2, $0x1  }
0xe3: {  	v2 =	vor.u32 @!p1 v0, v2  }
0xe4: {  	[tilespmem:$0x20D0] =	vst @!p1 v2  }
0xe5: {  	v2 =	vld @!p1 [tilespmem:s0+$0x1050];
	_ =	sdelay $0x4  }
0xe6: {  	[tilespmem:$0x21D0] =	vst @!p1 v2  }
0xe7: {  	v2 =	vld @!p1 [tilespmem:s0+$0x60];
	_ =	sdelay $0x4  }
0xe8: {  	v2 =	vshll.u32 @!p1 v2, $0x1  }
0xe9: {  	v2 =	vor.u32 @!p1 v0, v2  }
0xea: {  	[tilespmem:$0x20E0] =	vst @!p1 v2  }
0xeb: {  	v2 =	vld @!p1 [tilespmem:s0+$0x1060];
	_ =	sdelay $0x4  }
0xec: {  	[tilespmem:$0x21E0] =	vst @!p1 v2  }
0xed: {  	v2 =	vld @!p1 [tilespmem:s0+$0x70];
	_ =	sdelay $0x4  }
0xee: {  	v2 =	vshll.u32 @!p1 v2, $0x1  }
0xef: {  	v2 =	vor.u32 @!p1 v0, v2  }
0xf0: {  	[tilespmem:$0x20F0] =	vst @!p1 v2  }
0xf1: {  	v2 =	vld @!p1 [tilespmem:s0+$0x1070];
	_ =	sdelay $0x1  }
.Ltmp6:
0xf2: {  	_ = 	snop;
	(pc) =	sbr.rel .LBB2_6-.Ltmp6, $3  }
0xf3: {  	_ =	sdelay $0x1  }
0xf4: {  	s22 =	simm.s32 @!p1 $0x6200;
	s21 =	simm.s32 @!p1 $0x2080;
	s0 =	simm.s32 @!p1 $0x80;
	[tilespmem:$0x21F0] =	vst @!p1 v2  }
0xf5: {  	[tilespmem:s22], [sflag:$0x2] =	stream.indirect.gather @!p1 [hbm4b:s5+s0], $0x80, s21, s0, $0xb8;
	[tilespmem:$0x1E200] =	vst v63  }
.LBB2_8:
0xf6: {  	_ =	sfence.sel $0x180000  }
0xf7: {  	[bflag:$0x0] =	sbarrier.arrive $0xFFFF  }
0xf8: {  	_ =	strace $0x9000004A  }
0xf9: {  	[bflag:$0x2] =	sbarrier.arrive $0xFFFF  }
0xfa: {  	p0 =	sne.s32 s1, $0x0;
	s0 =	rddreg [dreg:$0x3]  }
0xfb: {  	s0 =	sadd.s32 @!p0 $0x100000, s0  }
0xfc: {  	[sflag:s0] =	ssyncadd.tile.s32 @!p0 $0x1;
	_ =	shalt  }
.Lfunc_end2:
_tile_overlayer_lowered:
.L_overlay_start_2:
0xfd: {  	(tag) =	ssettag $0x2  }
0xfe: {  	s0 =	rddreg [dreg:$0x0];
	s2 =	stileid.u32  }
0xff: {  	s1 =	rddreg [dreg:$0x1];
	p0 =	sne.s32 s2, $0x0  }
0x100: {  	s3 =	rddreg [dreg:$0x2];
	[bflag:$0x3] =	sbarrier.arrive $0xFFFF;
	s2 =	simm.s32 @!p0 $0x1C05  }
0x101: {  	[timem:s3], [sflag:s2] =	dma.local @!p0 [hbm:s0], s1  }
0x102: {  	s0 =	simm.s32 @!p0 $0x5  }
0x103: {  	_ =	swait.ge @!p0 [sflag:s0], s1  }
0x104: {  	s1 =	ssub.s32 @!p0 $0x0, s1;
	[sflag:s0] =	ssyncset.done @!p0 $0x0  }
0x105: {  	[sflag:s0] =	ssyncadd.s32 @!p0 s1  }
0x106: {  	[bflag:$0x3] =	sbarrier.arrive $0xFFFF  }
0x107: {  	_ =	shalt  }

// kernel: kernel.16.cloned.1.call-start
scs
__scs_entry_jumppad:
0x0: {  	(pc) =	sbr.rel $0x88, $3  }
0x1: {  	(tag) =	ssettag $0x0;
	lr =	simm.s32 $0x1  }
0x2: {  	[smem:$0x3F92] =	sst lr;
	_ =	strace $0xD0000000  }
0x3: {  	_ = 	snop  }
0x4: {  	_ = 	snop  }
0x5: {  	_ = 	snop  }
0x6: {  	_ = 	snop  }
0x7: {  	_ = 	snop  }
__scs_overlays_trampoline_lowered:
0x8: {  	[smem:$0x3FA1] =	sst s0  }
0x9: {  	[smem:$0x3FA2] =	sst s1  }
0xa: {  	[smem:$0x3FA3] =	sst s2  }
0xb: {  	[smem:$0x3FA4] =	sst s3  }
0xc: {  	[smem:$0x3FA5] =	sst s4  }
0xd: {  	[smem:$0x3FA6] =	sst s5  }
0xe: {  	[smem:$0x3FA7] =	sst s6  }
0xf: {  	[smem:$0x3FA8] =	sst s7  }
0x10: {  	[smem:$0x3FA9] =	sst s8  }
0x11: {  	[smem:$0x3FAA] =	sst s9;
	s0 =	simm.s32 @!p0 $0x0  }
0x12: {  	s1 =	sld [smem:$0x3F90];
	s0 =	simm.s32 @p0 $0x1  }
0x13: {  	[smem:$0x3FAB] =	sst s0;
	s0 =	simm.s32 @!p1 $0x0  }
0x14: {  	s2 =	sld [smem:$0x3F8F];
	s0 =	simm.s32 @p1 $0x1  }
0x15: {  	[smem:$0x3FAC] =	sst s0;
	s0 =	simm.s32 @!p2 $0x0  }
0x16: {  	s3 =	sld [smem:$0x3FDB];
	s0 =	simm.s32 @p2 $0x1  }
0x17: {  	s4 =	simm.s32 $0x1BF5;
	[smem:$0x3FAE] =	sst s0  }
0x18: {  	s0 =	sld [smem:$0x3F91];
	_ =	swait.ge [sflag:s4], $0x0  }
0x19: {  	s7 =	sld [smem:$0x3F92]  }
0x1a: {  	s8 =	sadd.s32 $0xFFFFE003, lr  }
0x1b: {  	s9 =	sadd.s32 $0xFFFFFEF7, lr;
	s5 =	simm.s32 $0xFFFFFFFF;
	p2 =	slt.u32 s8, $0xFFFFF086  }
0x1c: {  	p1 =	slt.u32 s9, $0xF7A;
	s5 =	simm.s32 @!p2 $0x0  }
0x1d: {  	s5 =	simm.s32 @p1 $0x1;
	p0 =	seq.s32 s7, s2  }
0x1e: {  	s7 =	smul.u32 @!p0 $0xF7A, s2;
	p2 =	seq.s32 @!p0 s5, $0x0  }
0x1f: {  	s9 =	smul.u32 $0xF7A, s1;
	s8 =	simm.s32 @!p0 $0x1BF5;
	p2 =	por !p2, p0  }
0x20: {  	[sflag:s8] =	ssyncset.s32 @!p0 $0xFFFFF086;
	s6 =	sadd.s32 @!p0 s3, s7;
	s7 =	simm.s32 @!p0 $0x108  }
0x21: {  	s3 =	sadd.s32 s3, s9;
	s6 =	sadd.s32 @!p0 $0x88, s6;
	s7 =	simm.s32 @p2 $0x1082  }
0x22: {  	[simem:s7], [sflag:s8] =	dma.local @!p0 [hbm:s6], $0xF7A  }
0x23: {  	s9 =	sor.u32 $0xD0000000, s2;
	s6 =	simm.s32 $0x108;
	_ =	swait.ge @!p0 [sflag:s8], $0x0  }
0x24: {  	s3 =	sadd.s32 $0x88, s3;
	s6 =	simm.s32 @!p1 $0x1082;
	[sflag:s4] =	ssyncset.s32 $0xFFFFF086  }
0x25: {  	[simem:s6], [sflag:s4] =	dma.local [hbm:s3], $0xF7A  }
0x26: {  	[smem:$0x3F92] =	sst s1;
	(tag) =	ssettag s2;
	_ =	strace s9  }
0x27: {  	s1 =	sld [smem:$0x3FA2]  }
0x28: {  	s2 =	sld [smem:$0x3FA3]  }
0x29: {  	s4 =	sld [smem:$0x3FA5]  }
0x2a: {  	p0 =	seq.s32 s5, $0x0;
	s5 =	sld [smem:$0x3FA6]  }
0x2b: {  	s6 =	sld [smem:$0x3FA7]  }
0x2c: {  	s7 =	sld [smem:$0x3FA8]  }
0x2d: {  	s3 =	simm.s32 $0x108;
	s8 =	sld [smem:$0x3FA9]  }
0x2e: {  	s3 =	simm.s32 @!p0 $0x1082;
	s9 =	sld [smem:$0x3FAA]  }
0x2f: {  	lr =	sadd.s32 s0, s3;
	s0 =	sld [smem:$0x3FA1]  }
0x30: {  	s3 =	sld [smem:$0x3FA4]  }
0x31: {  	[smem:$0x3FAD] =	sst s10  }
0x32: {  	s10 =	sld [smem:$0x3FAB];
	_ =	sdelay $0x3  }
0x33: {  	p0 =	seq.s32 s10, $0x1;
	s10 =	sld [smem:$0x3FAD];
	_ =	sdelay $0x3  }
0x34: {  	[smem:$0x3FAD] =	sst s10  }
0x35: {  	s10 =	sld [smem:$0x3FAC];
	_ =	sdelay $0x3  }
0x36: {  	p1 =	seq.s32 s10, $0x1;
	s10 =	sld [smem:$0x3FAD];
	_ =	sdelay $0x3  }
0x37: {  	[smem:$0x3FAD] =	sst s10  }
0x38: {  	s10 =	sld [smem:$0x3FAE]  }
0x39: {  	_ = 	snop;
	(pc) =	sbr.ind lr, $3  }
0x3a: {  	_ = 	snop  }
0x3b: {  	_ = 	snop  }
0x3c: {  	p2 =	seq.s32 s10, $0x1;
	s10 =	sld [smem:$0x3FAD]  }
0x3d: {  	_ =	shalt  }
0x3e: {  	_ =	shalt  }
0x3f: {  	_ =	shalt  }
0x40: {  	_ =	shalt  }
0x41: {  	_ =	shalt  }
0x42: {  	_ =	shalt  }
0x43: {  	_ =	shalt  }
0x44: {  	_ =	shalt  }
0x45: {  	_ =	shalt  }
0x46: {  	_ =	shalt  }
0x47: {  	_ =	shalt  }
0x48: {  	_ =	shalt  }
0x49: {  	_ =	shalt  }
0x4a: {  	_ =	shalt  }
0x4b: {  	_ =	shalt  }
0x4c: {  	_ =	shalt  }
0x4d: {  	_ =	shalt  }
0x4e: {  	_ =	shalt  }
0x4f: {  	_ =	shalt  }
0x50: {  	_ =	shalt  }
0x51: {  	_ =	shalt  }
0x52: {  	_ =	shalt  }
0x53: {  	_ =	shalt  }
0x54: {  	_ =	shalt  }
0x55: {  	_ =	shalt  }
0x56: {  	_ =	shalt  }
0x57: {  	_ =	shalt  }
0x58: {  	_ =	shalt  }
0x59: {  	_ =	shalt  }
0x5a: {  	_ =	shalt  }
0x5b: {  	_ =	shalt  }
0x5c: {  	_ =	shalt  }
0x5d: {  	_ =	shalt  }
0x5e: {  	_ =	shalt  }
0x5f: {  	_ =	shalt  }
0x60: {  	_ =	shalt  }
0x61: {  	_ =	shalt  }
0x62: {  	_ =	shalt  }
0x63: {  	_ =	shalt  }
0x64: {  	_ =	shalt  }
0x65: {  	_ =	shalt  }
0x66: {  	_ =	shalt  }
0x67: {  	_ =	shalt  }
0x68: {  	_ =	shalt  }
0x69: {  	_ =	shalt  }
0x6a: {  	_ =	shalt  }
0x6b: {  	_ =	shalt  }
0x6c: {  	_ =	shalt  }
0x6d: {  	_ =	shalt  }
0x6e: {  	_ =	shalt  }
0x6f: {  	_ =	shalt  }
0x70: {  	_ =	shalt  }
0x71: {  	_ =	shalt  }
0x72: {  	_ =	shalt  }
0x73: {  	_ =	shalt  }
0x74: {  	_ =	shalt  }
0x75: {  	_ =	shalt  }
0x76: {  	_ =	shalt  }
0x77: {  	_ =	shalt  }
0x78: {  	_ =	shalt  }
0x79: {  	_ =	shalt  }
0x7a: {  	_ =	shalt  }
0x7b: {  	_ =	shalt  }
0x7c: {  	_ =	shalt  }
0x7d: {  	_ =	shalt  }
0x7e: {  	_ =	shalt  }
0x7f: {  	_ =	shalt  }
0x80: {  	_ =	shalt  }
0x81: {  	_ =	shalt  }
0x82: {  	_ =	shalt  }
0x83: {  	_ =	shalt  }
0x84: {  	_ =	shalt  }
0x85: {  	_ =	shalt  }
0x86: {  	_ =	shalt  }
0x87: {  	_ =	shalt  }
.Lfunc_end0:
.L_simem_size_0:
called_computation.2_lowered:
.L_overlay_start_0:
0x88: {  	s2 =	sld [smem:$0x3FD9]  }
0x89: {  	s3 =	sld [smem:$0x3FFE];
	_ =	sdelay $0x1  }
0x8a: {  	s1 =	srdreg.scid  }
0x8b: {  	s0 =	sand.u32 $0x1, s1  }
0x8c: {  	s17 =	sshll.u32 s0, $0xA;
	s2 =	sadd.s32 s3, s2  }
0x8d: {  	s2 =	sadd.s32 s2, s17  }
0x8e: {  	[smem:$0x3FB9] =	sst s2  }
0x8f: {  	_ = 	snop  }
0x90: {  	s2 =	sld [smem:$0x3FD0];
	(tm) =	ssettm $0x1  }
0x91: {  	s18 =	sld [smem:$0x3FFB];
	_ =	sdelay $0x3  }
0x92: {  	_ =	strace s18  }
0x93: {  	s3 =	sld [smem:$0x3FFC];
	_ =	sdelay $0x3  }
0x94: {  	_ =	strace s3  }
0x95: {  	s3 =	sld [smem:$0x3FFD];
	_ =	sdelay $0x3  }
0x96: {  	_ =	strace s3  }
0x97: {  	_ =	strace $0x8FFFFFFF  }
0x98: {  	s19 =	sld [smem:$0x3FDB];
	_ =	sdelay $0x1  }
0x99: {  	s4 =	simm.s32 $_scs_section_size  }
0x9a: {  	s5 =	simm.s32 $_size__tile_overlayer_lowered;
	s6 =	simm.s32 $_tile_overlayer_lowered  }
0x9b: {  	s22 =	simm.s32 $0x1BFF;
	s21 =	sshll.u32 s6, $0x1;
	s3 =	sadd.s32 s4, s19  }
0x9c: {  	s7 =	simm.s32 $0x0;
	s20 =	sshll.u32 s5, $0x1;
	s5 =	sadd.s32 s21, s3  }
0x9d: {  	[timem:s7], [sflag:s22] =	dma.local [hbm:s5], s20  }
0x9e: {  	_ =	swait.ge [sflag:s22], s20  }
0x9f: {  	s4 =	ssub.s32 $0x0, s20;
	[sflag:s22] =	ssyncset.done $0x0  }
0xa0: {  	[sflag:s22] =	ssyncadd.s32 s4;
	_ =	sdelay $0x1  }
0xa1: {  	s23 =	simm.s32 $0x1B8B  }
0xa2: {  	_ =	swait.ge [sflag:s23], $0x1  }
0xa3: {  	[sflag:s23] =	ssyncset.done $0x0  }
0xa4: {  	s25 =	simm.s32 $0x1B8E;
	s24 =	sld [smem:$0x3FFE];
	[sflag:s23] =	ssyncadd.s32 $0xFFFFFFFF  }
0xa5: {  	s26 =	simm.s32 $execute0_lowered;
	[smem:$0x3FD2] =	sst s25  }
0xa6: {  	s5 =	sshll.u32 s26, $0x1;
	_ =	strace $0x8000004C;
	[dreg:$0x1] =	wrdreg $0xFFFFFFFF  }
0xa7: {  	s28 =	simm.s32 $_size_execute0_lowered;
	s3 =	sadd.s32 s3, s5;
	[dreg:$0x0] =	wrdreg $0x0  }
0xa8: {  	s5 =	sshll.u32 s28, $0x1;
	[dreg:$0x2] =	wrdreg s3  }
0xa9: {  	[dreg:$0x3] =	wrdreg s5  }
0xaa: {  	[dreg:$0x4] =	wrdreg $0xC0  }
0xab: {  	_ =	task [dreg:s7], $0x5FFFF  }
0xac: {  	[dreg:$0x1] =	wrdreg $0xFFFFFFFF  }
0xad: {  	[dreg:$0x0] =	wrdreg $0x60  }
0xae: {  	[dreg:$0x2] =	wrdreg s24  }
0xaf: {  	[dreg:$0x3] =	wrdreg s2  }
0xb0: {  	[dreg:$0x4] =	wrdreg $0xA2000  }
0xb1: {  	[dreg:$0x5] =	wrdreg $0x9  }
0xb2: {  	_ =	task.clear_ibuf [dreg:s7], $0x6FFFF;
	_ =	strace $0x9000004C  }
0xb3: {  	s29 =	simm.s32 $0x9;
	_ =	strace $0x8000004E  }
0xb4: {  	_ =	swait.ge [sflag:s29], $0x1  }
0xb5: {  	[sflag:s29] =	ssyncadd.s32 $0xFFFFFFFF  }
0xb6: {  	_ =	strace $0x9000004E  }
0xb7: {  	_ =	sfence  }
0xb8: {  	s30 =	sld [smem:$0x0];
	_ =	sdelay $0x2  }
0xb9: {  	s31 =	sshll.u32 s1, $0xD;
	s1 =	sshrl.u32 s1, $0x2  }
0xba: {  	s3 =	sand.u32 $0x4000, s31;
	s1 =	sadd.s32 s1, s30  }
0xbb: {  	s0 =	sor.u32 s3, s0;
	s1 =	sshll.u32 s1, $0x11  }
0xbc: {  	s0 =	sor.u32 s1, s0  }
0xbd: {  	s0 =	sadd.s32 $0x8F2B, s0  }
0xbe: {  	[sflag:s0] =	ssyncadd.remote.s32 $0x1  }
0xbf: {  	_ =	sfence.sel $0xFFFF  }
0xc0: {  	[dreg:$0x0] =	wrdreg $0xFFFFFFFF;
	(pc) =	sbr.abs _section_cstart, $3  }
0xc1: {  	[dreg:$0x1] =	wrdreg $0xFFFFFFFF  }
0xc2: {  	_ =	task.clear_ibuf [dreg:s7], $0x2FFFF;
	_ =	strace $0x9FFFFFFF  }
0xc3: {  	(tm) =	ssettm $0x7FFFFFFF  }
tec
execute0_lowered:
.L_overlay_start_1:
0x0: {  	(tag) =	ssettag $0x1  }
0x1: {  	s7 =	rddreg [dreg:$0x0]  }
0x2: {  	s2 =	rddreg [dreg:$0x1]  }
0x3: {  	s3 =	rddreg [dreg:$0x2]  }
0x4: {  	s5 =	srdreg.scid;
	s1 =	stileid.u32;
	s4 =	simm.s32 $0x0  }
0x5: {  	s19 =	simm.s32 $0x2200;
	s20 =	simm.s32 $0x5;
	s24 =	simm.s32 $0x3  }
0x6: {  	s25 =	simm.s32 $0x4;
	s23 =	sand.u32 $0x1, s5;
	s8 =	smul.u32 $0x2800, s1  }
0x7: {  	[smem:$0x7FF] =	sst s4;
	s5 =	sadd.s32 $0xE0400, s7;
	s10 =	smul.u32 $0x50000, s1  }
0x8: {  	s6 =	sadd.s32 $0x4600, s7;
	s28 =	smul.u32 $0x9C, s1;
	s30 =	smax.u32 s1, $0xC  }
0x9: {  	p0 =	sgt.u32 s1, $0xB;
	s15 =	smul.u32 $0x9D, s1;
	s16 =	smin.u32 s1, $0xC  }
0xa: {  	s9 =	smul.u32 $0x28000, s23;
	_ =	strace $0x8000004D;
	s29 =	ssub.s32 $0x2, s23  }
0xb: {  	v0 =	vmov s23;
	s23 =	simm.s32 $0x2000;
	s11 =	sshrl.u32 s29, $0x1;
	s10 =	sshrl.u32 s10, $0x2  }
0xc: {  	s17 =	ssub.s32 s15, s16;
	s8 =	sadd.s32 s8, s9;
	s13 =	ssub.s32 s29, s11  }
0xd: {  	s9 =	simm.s32 $0x9D;
	s18 =	sshll.u32 s17, $0x7;
	s12 =	sadd.s32 s8, s7  }
.Ltmp0:
0xe: {  	s8 =	sadd.s32 s28, s30;
	s7 =	sadd.s32 s10, s3;
	(pc) =	sbr.rel .LBB2_1-.Ltmp0, $4  }
0xf: {  	s9 =	simm.s32 @!p0 $0x9C;
	s13 =	smax.u32 s13, $0x1;
	s18 =	sadd.s32 $0x80, s18  }
0x10: {  	s8 =	sadd.s32 $0xFFFFFFF4, s8;
	s12 =	sadd.s32 $0x130400, s12;
	s14 =	sadd.s32 $0x4000, s7  }
0x11: {  	s15 =	sadd.s32 $0x8000, s7;
	s16 =	sadd.s32 $0xC000, s7;
	s31 =	sshll.u32 s8, $0x4  }
0x12: {  	v1 =	vimm.f32 $0.0e+00;
	s17 =	sadd.s32 $0x10000, s7;
	s10 =	sadd.s32 s6, s31;
	s11 =	sadd.s32 s2, s31  }
.LBB2_7:
0x13: {  	_ =	swait.ge [sflag:s24], $0x4000  }
0x14: {  	[sflag:s24] =	ssyncset.done $0x0  }
0x15: {  	[sflag:s24] =	ssyncadd.s32 $0xFFFFC000  }
0x16: {  	_ =	swait.ge [sflag:s25], $0x4000  }
0x17: {  	s0 =	sshll.u32 s1, $0x6;
	s4 =	sadd.s32 $0x1, s4;
	[sflag:s25] =	ssyncset.done $0x0  }
0x18: {  	s21 =	sshrl.u32 s7, $0x3;
	p0 =	sne.s32 s4, s13;
	[sflag:s25] =	ssyncadd.s32 $0xFFFFC000  }
.Ltmp1:
0x19: {  	s0 =	sor.u32 $0x1C05, s0;
	[bflag:$0x0] =	sbarrier.arrive $0xFFFF;
	(pc) =	sbr.rel @!p0 .LBB2_8-.Ltmp1, $4  }
0x1a: {  	[hbm:s12], [sflag:s0] =	dma.local [spmem:s21], $0x2800  }
0x1b: {  	_ =	swait.ge [sflag:s20], $0x2800  }
0x1c: {  	[sflag:s20] =	ssyncset.done $0x0  }
0x1d: {  	[sflag:s20] =	ssyncadd.s32 $0xFFFFD800  }
.LBB2_1:
0x1e: {  	s26 =	simm.s32 $0x0;
	s28 =	simm.s32 $0x200  }
.LBB2_2:
0x1f: {  	p0 =	sne.s32 s28, $0xFE00;
	[tilespmem:s26+$0x2270] =	vst v1  }
0x20: {  	[tilespmem:s26+$0x2200] =	vst v1  }
0x21: {  	[tilespmem:s26+$0x2210] =	vst v1  }
.Ltmp2:
0x22: {  	[tilespmem:s26+$0x2220] =	vst v1;
	(pc) =	sbr.rel @p0 .LBB2_2-.Ltmp2, $4  }
0x23: {  	[tilespmem:s26+$0x2230] =	vst v1  }
0x24: {  	[tilespmem:s26+$0x2240] =	vst v1  }
0x25: {  	[tilespmem:s26+$0x2250] =	vst v1  }
0x26: {  	[tilespmem:s26+$0x2260] =	vst v1;
	s26 =	sshra.s32 s28, $0x2;
	s28 =	sadd.s32 $0x200, s28  }
0x27: {  	[tilespmem:s26+$0x2270] =	vst v1  }
0x28: {  	[tilespmem:s26+$0x2200] =	vst v1  }
0x29: {  	[tilespmem:s26+$0x2210] =	vst v1  }
0x2a: {  	[tilespmem:s26+$0x2220] =	vst v1  }
0x2b: {  	[tilespmem:s26+$0x2230] =	vst v1  }
0x2c: {  	[tilespmem:s26+$0x2240] =	vst v1  }
0x2d: {  	[tilespmem:s26+$0x2250] =	vst v1  }
0x2e: {  	[tilespmem:s26+$0x2260] =	vst v1  }
0x2f: {  	[spmem:s7] =	stream.linear.scatter [tilespmem:s19], [sflag:$0x5], $0x4000, $0x38;
	[tilespmem:$0x1E200] =	vst v63  }
0x30: {  	_ =	swait.ge [sflag:s20], $0x4000  }
0x31: {  	[sflag:s20] =	ssyncset.done $0x0  }
0x32: {  	[sflag:s20] =	ssyncadd.s32 $0xFFFFC000  }
0x33: {  	[spmem:s14] =	stream.linear.scatter [tilespmem:s19], [sflag:$0x5], $0x4000, $0x38;
	[tilespmem:$0x1E200] =	vst v63  }
0x34: {  	_ =	swait.ge [sflag:s20], $0x4000  }
0x35: {  	[sflag:s20] =	ssyncset.done $0x0  }
0x36: {  	[sflag:s20] =	ssyncadd.s32 $0xFFFFC000  }
0x37: {  	[spmem:s15] =	stream.linear.scatter [tilespmem:s19], [sflag:$0x5], $0x4000, $0x38;
	[tilespmem:$0x1E200] =	vst v63  }
0x38: {  	_ =	swait.ge [sflag:s20], $0x4000  }
0x39: {  	[sflag:s20] =	ssyncset.done $0x0  }
0x3a: {  	[sflag:s20] =	ssyncadd.s32 $0xFFFFC000  }
0x3b: {  	[spmem:s16] =	stream.linear.scatter [tilespmem:s19], [sflag:$0x5], $0x4000, $0x38;
	[tilespmem:$0x1E200] =	vst v63  }
0x3c: {  	_ =	swait.ge [sflag:s20], $0x4000  }
0x3d: {  	[sflag:s20] =	ssyncset.done $0x0  }
0x3e: {  	[sflag:s20] =	ssyncadd.s32 $0xFFFFC000  }
0x3f: {  	[spmem:s17] =	stream.linear.scatter [tilespmem:s19], [sflag:$0x5], $0x4000, $0x38;
	[tilespmem:$0x1E200] =	vst v63  }
0x40: {  	_ =	swait.ge [sflag:s20], $0x4000  }
0x41: {  	[sflag:s20] =	ssyncset.done $0x0  }
0x42: {  	s30 =	simm.s32 $0x0;
	[sflag:s20] =	ssyncadd.s32 $0xFFFFC000  }
0x43: {  	[tilespmem:s30], [sflag:$0x5] =	stream.linear.gather [hbm4b:s10+s30], $0x1000, $0x38;
	[tilespmem:$0x1E200] =	vst v63  }
0x44: {  	_ =	swait.ge [sflag:s20], $0x1000  }
0x45: {  	[sflag:s20] =	ssyncset.done $0x0  }
0x46: {  	s0 =	simm.s32 $0x1000;
	[sflag:s20] =	ssyncadd.s32 $0xFFFFF000  }
0x47: {  	[tilespmem:s0], [sflag:$0x5] =	stream.linear.gather [hbm4b:s11+s30], $0x1000, $0x38;
	[tilespmem:$0x1E200] =	vst v63  }
0x48: {  	_ =	swait.ge [sflag:s20], $0x1000  }
0x49: {  	[sflag:s20] =	ssyncset.done $0x0  }
0x4a: {  	[sflag:s20] =	ssyncadd.s32 $0xFFFFF000  }
0x4b: {  	[bflag:$0x0] =	sbarrier.arrive $0xFFFF  }
0x4c: {  	v2 =	vld [tilespmem:$0x0];
	_ =	sdelay $0x1  }
0x4d: {  	v3 =	vld [tilespmem:$0x10]  }
0x4e: {  	v4 =	vld [tilespmem:$0x1000]  }
0x4f: {  	v5 =	vld [tilespmem:$0x20]  }
0x50: {  	v6 =	vld [tilespmem:$0x1010];
	v2 =	vshll.u32 v2, $0x1  }
0x51: {  	v7 =	vld [tilespmem:$0x30];
	v2 =	vor.u32 v0, v2  }
0x52: {  	[tilespmem:$0x2000] =	vst v2;
	v2 =	vshll.u32 v3, $0x1;
	v3 =	vld [tilespmem:$0x1020]  }
0x53: {  	v57 =	vld [tilespmem:$0x40];
	[tilespmem:$0x2100] =	vst v4;
	v2 =	vor.u32 v0, v2  }
0x54: {  	v58 =	vld [tilespmem:$0x1030];
	[tilespmem:$0x2010] =	vst v2;
	v2 =	vshll.u32 v5, $0x1  }
0x55: {  	v59 =	vld [tilespmem:$0x50];
	[tilespmem:$0x2110] =	vst v6;
	v2 =	vor.u32 v0, v2  }
0x56: {  	v60 =	vld [tilespmem:$0x1040];
	[tilespmem:$0x2020] =	vst v2;
	v2 =	vshll.u32 v7, $0x1  }
0x57: {  	[tilespmem:$0x2120] =	vst v3;
	v2 =	vor.u32 v0, v2;
	v3 =	vld [tilespmem:$0x60]  }
0x58: {  	v61 =	vld [tilespmem:$0x1050];
	[tilespmem:$0x2030] =	vst v2;
	v2 =	vshll.u32 v57, $0x1  }
0x59: {  	v62 =	vld [tilespmem:$0x70];
	[tilespmem:$0x2130] =	vst v58;
	v2 =	vor.u32 v0, v2  }
0x5a: {  	v63 =	vld [tilespmem:$0x1060];
	[tilespmem:$0x2040] =	vst v2;
	v2 =	vshll.u32 v59, $0x1  }
0x5b: {  	[tilespmem:$0x2140] =	vst v60;
	v2 =	vor.u32 v0, v2  }
0x5c: {  	[tilespmem:$0x2050] =	vst v2;
	v2 =	vshll.u32 v3, $0x1;
	v3 =	vld [tilespmem:$0x1070]  }
0x5d: {  	[tilespmem:$0x2150] =	vst v61;
	v2 =	vor.u32 v0, v2  }
.Ltmp3:
0x5e: {  	[tilespmem:$0x2060] =	vst v2;
	v2 =	vshll.u32 v62, $0x1;
	(pc) =	sbr.rel .LBB2_4-.Ltmp3, $4  }
0x5f: {  	[tilespmem:$0x2160] =	vst v63;
	v2 =	vor.u32 v0, v2  }
0x60: {  	[tilespmem:$0x2070] =	vst v2  }
0x61: {  	s31 =	simm.s32 $0x80;
	s26 =	smov.u32 s18;
	[tilespmem:$0x2170] =	vst v3  }
0x62: {  	[tilespmem:s19], [sflag:$0x1] =	stream.indirect.gather [hbm4b:s5+s31], $0x80, s23, s31, $0xb8;
	[tilespmem:$0x1E200] =	vst v63  }
.LBB2_6:
0x63: {  	p2 =	seq.s32 s31, $0x1  }
0x64: {  	p1 =	por !p2, p1  }
0x65: {  	s0 =	sand.u32 @!p1 $0x1FFFFE0, s28  }
0x66: {  	s21 =	simm.s32 @!p1 $0x3;
	s0 =	sadd.s32 @!p1 s8, s0  }
0x67: {  	_ =	swait.ge @!p1 [sflag:s21], $0x4000;
	s0 =	sshll.u32 @!p1 s0, $0x7  }
0x68: {  	s22 =	sshll.u32 @!p1 s29, $0x7;
	[sflag:s21] =	ssyncset.done @!p1 $0x0;
	s0 =	smax.u32 @!p1 s0, $0x4D200  }
0x69: {  	[sflag:s21] =	ssyncadd.s32 @!p1 $0xFFFFC000;
	s0 =	sadd.s32 @!p1 s22, s0  }
0x6a: {  	v2 =	vld @!p1 [tilespmem:s0+$0xFFFB2E00];
	_ =	sdelay $0x4  }
0x6b: {  	v2 =	vshll.u32 @!p1 v2, $0x1  }
0x6c: {  	v2 =	vor.u32 @!p1 v0, v2  }
0x6d: {  	s0 =	sadd.s32 @!p1 $0xFFFB2E00, s0;
	[tilespmem:$0x2000] =	vst @!p1 v2  }
0x6e: {  	v2 =	vld @!p1 [tilespmem:s0+$0x1000];
	_ =	sdelay $0x4  }
0x6f: {  	[tilespmem:$0x2100] =	vst @!p1 v2  }
0x70: {  	v2 =	vld @!p1 [tilespmem:s0+$0x10];
	_ =	sdelay $0x4  }
0x71: {  	v2 =	vshll.u32 @!p1 v2, $0x1  }
0x72: {  	v2 =	vor.u32 @!p1 v0, v2  }
0x73: {  	[tilespmem:$0x2010] =	vst @!p1 v2  }
0x74: {  	v2 =	vld @!p1 [tilespmem:s0+$0x1010];
	_ =	sdelay $0x4  }
0x75: {  	[tilespmem:$0x2110] =	vst @!p1 v2  }
0x76: {  	v2 =	vld @!p1 [tilespmem:s0+$0x20];
	_ =	sdelay $0x4  }
0x77: {  	v2 =	vshll.u32 @!p1 v2, $0x1  }
0x78: {  	v2 =	vor.u32 @!p1 v0, v2  }
0x79: {  	[tilespmem:$0x2020] =	vst @!p1 v2  }
0x7a: {  	v2 =	vld @!p1 [tilespmem:s0+$0x1020];
	_ =	sdelay $0x4  }
0x7b: {  	[tilespmem:$0x2120] =	vst @!p1 v2  }
0x7c: {  	v2 =	vld @!p1 [tilespmem:s0+$0x30];
	_ =	sdelay $0x4  }
0x7d: {  	v2 =	vshll.u32 @!p1 v2, $0x1  }
0x7e: {  	v2 =	vor.u32 @!p1 v0, v2  }
0x7f: {  	[tilespmem:$0x2030] =	vst @!p1 v2  }
0x80: {  	v2 =	vld @!p1 [tilespmem:s0+$0x1030];
	_ =	sdelay $0x4  }
0x81: {  	[tilespmem:$0x2130] =	vst @!p1 v2  }
0x82: {  	v2 =	vld @!p1 [tilespmem:s0+$0x40];
	_ =	sdelay $0x4  }
0x83: {  	v2 =	vshll.u32 @!p1 v2, $0x1  }
0x84: {  	v2 =	vor.u32 @!p1 v0, v2  }
0x85: {  	[tilespmem:$0x2040] =	vst @!p1 v2  }
0x86: {  	v2 =	vld @!p1 [tilespmem:s0+$0x1040];
	_ =	sdelay $0x4  }
0x87: {  	[tilespmem:$0x2140] =	vst @!p1 v2  }
0x88: {  	v2 =	vld @!p1 [tilespmem:s0+$0x50];
	_ =	sdelay $0x4  }
0x89: {  	v2 =	vshll.u32 @!p1 v2, $0x1  }
0x8a: {  	v2 =	vor.u32 @!p1 v0, v2  }
0x8b: {  	[tilespmem:$0x2050] =	vst @!p1 v2  }
0x8c: {  	v2 =	vld @!p1 [tilespmem:s0+$0x1050];
	_ =	sdelay $0x4  }
0x8d: {  	[tilespmem:$0x2150] =	vst @!p1 v2  }
0x8e: {  	v2 =	vld @!p1 [tilespmem:s0+$0x60];
	_ =	sdelay $0x4  }
0x8f: {  	v2 =	vshll.u32 @!p1 v2, $0x1  }
0x90: {  	v2 =	vor.u32 @!p1 v0, v2  }
0x91: {  	[tilespmem:$0x2060] =	vst @!p1 v2  }
0x92: {  	v2 =	vld @!p1 [tilespmem:s0+$0x1060];
	_ =	sdelay $0x4  }
0x93: {  	[tilespmem:$0x2160] =	vst @!p1 v2  }
0x94: {  	v2 =	vld @!p1 [tilespmem:s0+$0x70];
	_ =	sdelay $0x4  }
0x95: {  	v2 =	vshll.u32 @!p1 v2, $0x1  }
0x96: {  	v2 =	vor.u32 @!p1 v0, v2  }
0x97: {  	[tilespmem:$0x2070] =	vst @!p1 v2  }
0x98: {  	v2 =	vld @!p1 [tilespmem:s0+$0x1070];
	_ =	sdelay $0x4  }
0x99: {  	s21 =	simm.s32 @!p1 $0x2000;
	s22 =	simm.s32 @!p1 $0x2200;
	s0 =	simm.s32 @!p1 $0x80;
	[tilespmem:$0x2170] =	vst @!p1 v2  }
0x9a: {  	[tilespmem:s22], [sflag:$0x1] =	stream.indirect.gather @!p1 [hbm4b:s5+s0], $0x80, s21, s0, $0xb8;
	[tilespmem:$0x1E200] =	vst v63  }
0x9b: {  	s0 =	simm.s32 @!p0 $0x1  }
0x9c: {  	_ =	swait.ge @!p0 [sflag:s0], $0x4000  }
0x9d: {  	s21 =	simm.s32 @!p0 $0x2100;
	[sflag:s0] =	ssyncset.done @!p0 $0x0  }
0x9e: {  	s22 =	simm.s32 @!p0 $0x2200;
	[sflag:s0] =	ssyncadd.s32 @!p0 $0xFFFFC000;
	s0 =	simm.s32 @!p0 $0x80  }
0x9f: {  	[spmem:s3] =	stream.indirect.scatter.add.f32 @!p0 [tilespmem:s22], [sflag:$0x3], $0x80, s21, s0, $0xb8;
	[tilespmem:$0x1E200] =	vst v63  }
0xa0: {  	p0 =	sne.s32 s9, s28  }
.Ltmp4:
0xa1: {  	s0 =	simm.s32 @p2 $0x2;
	(pc) =	sbr.rel @!p0 .LBB2_7-.Ltmp4, $4  }
0xa2: {  	s26 =	sadd.s32 $0x80, s26;
	_ =	swait.ge @p2 [sflag:s0], $0x4000  }
0xa3: {  	s30 =	smov.u32 s28;
	s21 =	simm.s32 @p2 $0x2180;
	[sflag:s0] =	ssyncset.done @p2 $0x0  }
0xa4: {  	s22 =	simm.s32 @p2 $0x6200;
	[sflag:s0] =	ssyncadd.s32 @p2 $0xFFFFC000;
	s0 =	simm.s32 @p2 $0x80  }
0xa5: {  	[spmem:s3] =	stream.indirect.scatter.add.f32 @p2 [tilespmem:s22], [sflag:$0x4], $0x80, s21, s0, $0xb8;
	[tilespmem:$0x1E200] =	vst v63  }
.LBB2_4:
0xa6: {  	s28 =	sadd.s32 $0x1, s30  }
0xa7: {  	s29 =	sand.u32 $0x1F, s28;
	p1 =	sge.u32 s28, s9  }
0xa8: {  	p0 =	sne.s32 @!p1 s29, $0x0  }
0xa9: {  	p2 =	por p0, p1  }
0xaa: {  	p3 =	slt.s32 @!p2 s26, $0x4D200  }
0xab: {  	p0 =	por @!p1 !p3, p0  }
0xac: {  	s31 =	smov.u32 s26;
	p0 =	por !p0, p1  }
0xad: {  	s31 =	simm.s32 @!p0 $0x4D200  }
0xae: {  	s31 =	sshrl.u32 @!p2 s31, $0x3  }
0xaf: {  	s21 =	simm.s32 @!p2 $0x0;
	s0 =	sadd.s32 @!p2 s6, s31  }
0xb0: {  	[tilespmem:s21], [sflag:$0x5] =	stream.linear.gather @!p2 [hbm4b:s0+s21], $0x1000, $0x38;
	[tilespmem:$0x1E200] =	vst v63  }
0xb1: {  	s0 =	simm.s32 @!p2 $0x5  }
0xb2: {  	_ =	swait.ge @!p2 [sflag:s0], $0x1000  }
0xb3: {  	[sflag:s0] =	ssyncset.done @!p2 $0x0  }
0xb4: {  	s22 =	simm.s32 @!p2 $0x1000;
	s31 =	sadd.s32 @!p2 s2, s31;
	[sflag:s0] =	ssyncadd.s32 @!p2 $0xFFFFF000  }
0xb5: {  	[tilespmem:s22], [sflag:$0x5] =	stream.linear.gather @!p2 [hbm4b:s31+s21], $0x1000, $0x38;
	[tilespmem:$0x1E200] =	vst v63  }
0xb6: {  	s31 =	sand.u32 $0x1, s30  }
0xb7: {  	p0 =	sne.s32 s31, $0x0  }
.Ltmp5:
0xb8: {  	_ = 	snop;
	(pc) =	sbr.rel @p0 .LBB2_6-.Ltmp5, $4  }
0xb9: {  	_ = 	snop  }
0xba: {  	_ =	swait.ge @!p2 [sflag:s0], $0x1000  }
0xbb: {  	[sflag:s0] =	ssyncset.done @!p2 $0x0  }
0xbc: {  	[sflag:s0] =	ssyncadd.s32 @!p2 $0xFFFFF000  }
0xbd: {  	p2 =	seq.s32 @!p1 s30, $0x0  }
0xbe: {  	s0 =	sand.u32 @!p1 $0x1FFFFE0, s28;
	p2 =	por p2, p1  }
0xbf: {  	s0 =	sadd.s32 @!p1 s8, s0;
	s21 =	simm.s32 @!p2 $0x4  }
0xc0: {  	s0 =	sshll.u32 @!p1 s0, $0x7;
	_ =	swait.ge @!p2 [sflag:s21], $0x4000  }
0xc1: {  	s22 =	sshll.u32 @!p1 s29, $0x7;
	s0 =	smax.u32 @!p1 s0, $0x4D200;
	[sflag:s21] =	ssyncset.done @!p2 $0x0  }
0xc2: {  	s0 =	sadd.s32 @!p1 s22, s0;
	[sflag:s21] =	ssyncadd.s32 @!p2 $0xFFFFC000  }
0xc3: {  	v2 =	vld @!p1 [tilespmem:s0+$0xFFFB2E00];
	_ =	sdelay $0x4  }
0xc4: {  	v2 =	vshll.u32 @!p1 v2, $0x1  }
0xc5: {  	v2 =	vor.u32 @!p1 v0, v2  }
0xc6: {  	s0 =	sadd.s32 @!p1 $0xFFFB2E00, s0;
	[tilespmem:$0x2080] =	vst @!p1 v2  }
0xc7: {  	v2 =	vld @!p1 [tilespmem:s0+$0x1000];
	_ =	sdelay $0x4  }
0xc8: {  	[tilespmem:$0x2180] =	vst @!p1 v2  }
0xc9: {  	v2 =	vld @!p1 [tilespmem:s0+$0x10];
	_ =	sdelay $0x4  }
0xca: {  	v2 =	vshll.u32 @!p1 v2, $0x1  }
0xcb: {  	v2 =	vor.u32 @!p1 v0, v2  }
0xcc: {  	[tilespmem:$0x2090] =	vst @!p1 v2  }
0xcd: {  	v2 =	vld @!p1 [tilespmem:s0+$0x1010];
	_ =	sdelay $0x4  }
0xce: {  	[tilespmem:$0x2190] =	vst @!p1 v2  }
0xcf: {  	v2 =	vld @!p1 [tilespmem:s0+$0x20];
	_ =	sdelay $0x4  }
0xd0: {  	v2 =	vshll.u32 @!p1 v2, $0x1  }
0xd1: {  	v2 =	vor.u32 @!p1 v0, v2  }
0xd2: {  	[tilespmem:$0x20A0] =	vst @!p1 v2  }
0xd3: {  	v2 =	vld @!p1 [tilespmem:s0+$0x1020];
	_ =	sdelay $0x4  }
0xd4: {  	[tilespmem:$0x21A0] =	vst @!p1 v2  }
0xd5: {  	v2 =	vld @!p1 [tilespmem:s0+$0x30];
	_ =	sdelay $0x4  }
0xd6: {  	v2 =	vshll.u32 @!p1 v2, $0x1  }
0xd7: {  	v2 =	vor.u32 @!p1 v0, v2  }
0xd8: {  	[tilespmem:$0x20B0] =	vst @!p1 v2  }
0xd9: {  	v2 =	vld @!p1 [tilespmem:s0+$0x1030];
	_ =	sdelay $0x4  }
0xda: {  	[tilespmem:$0x21B0] =	vst @!p1 v2  }
0xdb: {  	v2 =	vld @!p1 [tilespmem:s0+$0x40];
	_ =	sdelay $0x4  }
0xdc: {  	v2 =	vshll.u32 @!p1 v2, $0x1  }
0xdd: {  	v2 =	vor.u32 @!p1 v0, v2  }
0xde: {  	[tilespmem:$0x20C0] =	vst @!p1 v2  }
0xdf: {  	v2 =	vld @!p1 [tilespmem:s0+$0x1040];
	_ =	sdelay $0x4  }
0xe0: {  	[tilespmem:$0x21C0] =	vst @!p1 v2  }
0xe1: {  	v2 =	vld @!p1 [tilespmem:s0+$0x50];
	_ =	sdelay $0x4  }
0xe2: {  	v2 =	vshll.u32 @!p1 v2, $0x1  }
0xe3: {  	v2 =	vor.u32 @!p1 v0, v2  }
0xe4: {  	[tilespmem:$0x20D0] =	vst @!p1 v2  }
0xe5: {  	v2 =	vld @!p1 [tilespmem:s0+$0x1050];
	_ =	sdelay $0x4  }
0xe6: {  	[tilespmem:$0x21D0] =	vst @!p1 v2  }
0xe7: {  	v2 =	vld @!p1 [tilespmem:s0+$0x60];
	_ =	sdelay $0x4  }
0xe8: {  	v2 =	vshll.u32 @!p1 v2, $0x1  }
0xe9: {  	v2 =	vor.u32 @!p1 v0, v2  }
0xea: {  	[tilespmem:$0x20E0] =	vst @!p1 v2  }
0xeb: {  	v2 =	vld @!p1 [tilespmem:s0+$0x1060];
	_ =	sdelay $0x4  }
0xec: {  	[tilespmem:$0x21E0] =	vst @!p1 v2  }
0xed: {  	v2 =	vld @!p1 [tilespmem:s0+$0x70];
	_ =	sdelay $0x4  }
0xee: {  	v2 =	vshll.u32 @!p1 v2, $0x1  }
0xef: {  	v2 =	vor.u32 @!p1 v0, v2  }
0xf0: {  	[tilespmem:$0x20F0] =	vst @!p1 v2  }
0xf1: {  	v2 =	vld @!p1 [tilespmem:s0+$0x1070];
	_ =	sdelay $0x1  }
.Ltmp6:
0xf2: {  	_ = 	snop;
	(pc) =	sbr.rel .LBB2_6-.Ltmp6, $3  }
0xf3: {  	_ =	sdelay $0x1  }
0xf4: {  	s22 =	simm.s32 @!p1 $0x6200;
	s21 =	simm.s32 @!p1 $0x2080;
	s0 =	simm.s32 @!p1 $0x80;
	[tilespmem:$0x21F0] =	vst @!p1 v2  }
0xf5: {  	[tilespmem:s22], [sflag:$0x2] =	stream.indirect.gather @!p1 [hbm4b:s5+s0], $0x80, s21, s0, $0xb8;
	[tilespmem:$0x1E200] =	vst v63  }
.LBB2_8:
0xf6: {  	_ =	sfence.sel $0x180000  }
0xf7: {  	[bflag:$0x0] =	sbarrier.arrive $0xFFFF  }
0xf8: {  	_ =	strace $0x9000004D  }
0xf9: {  	[bflag:$0x2] =	sbarrier.arrive $0xFFFF  }
0xfa: {  	p0 =	sne.s32 s1, $0x0;
	s0 =	rddreg [dreg:$0x3]  }
0xfb: {  	s0 =	sadd.s32 @!p0 $0x100000, s0  }
0xfc: {  	[sflag:s0] =	ssyncadd.tile.s32 @!p0 $0x1;
	_ =	shalt  }
.Lfunc_end2:
_tile_overlayer_lowered:
.L_overlay_start_2:
0xfd: {  	(tag) =	ssettag $0x2  }
0xfe: {  	s0 =	rddreg [dreg:$0x0];
	s2 =	stileid.u32  }
0xff: {  	s1 =	rddreg [dreg:$0x1];
	p0 =	sne.s32 s2, $0x0  }
0x100: {  	s3 =	rddreg [dreg:$0x2];
	[bflag:$0x3] =	sbarrier.arrive $0xFFFF;
	s2 =	simm.s32 @!p0 $0x1C05  }
0x101: {  	[timem:s3], [sflag:s2] =	dma.local @!p0 [hbm:s0], s1  }
0x102: {  	s0 =	simm.s32 @!p0 $0x5  }
0x103: {  	_ =	swait.ge @!p0 [sflag:s0], s1  }
0x104: {  	s1 =	ssub.s32 @!p0 $0x0, s1;
	[sflag:s0] =	ssyncset.done @!p0 $0x0  }
0x105: {  	[sflag:s0] =	ssyncadd.s32 @!p0 s1  }
0x106: {  	[bflag:$0x3] =	sbarrier.arrive $0xFFFF  }
0x107: {  	_ =	shalt  }

</sc_bundles>
